<compile_context>
chip_gen: v7x
topology: tpu7x:2x2x1
jax: 0.10.2.dev20260603
libtpu: 0.0.44.dev20260713+nightly
codegen_flags: <defaults>
</compile_context>

<pallas_src>
import functools

import jax
import jax.numpy as jnp
from jax import lax
from jax.experimental import pallas as pl
from jax.experimental.pallas import tpu as pltpu
from jax.experimental.pallas import tpu_sc as plsc

NC = 2
NS = 16
NW = NC * NS
CH = 128
BLK = 1024
RPT = 632
ACC_ROWS = RPT + 8
TRASH = ACC_ROWS - 1
NUM_GRAPHS = 64


def _sc_mesh():
    return plsc.VectorSubcoreMesh(
        core_axis_name="c", subcore_axis_name="s",
        num_cores=NC, num_subcores=NS)


def _make_partition_kernel(e_half, n_pad, cap):
    n_blk = e_half // BLK

    @functools.partial(
        pl.kernel,
        out_type=[
            jax.ShapeDtypeStruct((NW * cap,), jnp.int32),
            jax.ShapeDtypeStruct((NW * cap,), jnp.int32),
            jax.ShapeDtypeStruct((NW * 16,), jnp.int32),
            jax.ShapeDtypeStruct((NC * n_pad,), jnp.float32),
        ],
        mesh=_sc_mesh(),
        scratch_types=[
            pltpu.VMEM((BLK,), jnp.int32),
            pltpu.VMEM((BLK,), jnp.int32),
            pltpu.VMEM((160,), jnp.int32),
            pltpu.VMEM((160,), jnp.int32),
            pltpu.VMEM((ACC_ROWS,), jnp.float32),
        ],
        compiler_params=pltpu.CompilerParams(needs_layout_passes=False),
    )
    def part_kernel(src_hbm, dst_hbm, zeros_hbm, ssrc_hbm, sdl_hbm, cnt_hbm,
                    deg_hbm, sblk_v, dblk_v, psrc_v, pdl_v, hist_v):
        c = lax.axis_index("c")
        s = lax.axis_index("s")
        tile = c * NS + s
        lo = s * RPT
        sel_base = tile * cap
        n_sentinel = n_pad - 1
        pltpu.sync_copy(zeros_hbm.at[pl.ds(0, ACC_ROWS)], hist_v)
        ones = jnp.ones((16,), jnp.float32)

        def blk(b, carry):
            cnt, wr = carry
            base = c * e_half + b * BLK
            pltpu.sync_copy(src_hbm.at[pl.ds(base, BLK)], sblk_v)
            pltpu.sync_copy(dst_hbm.at[pl.ds(base, BLK)], dblk_v)

            def step(i, carry2):
                cnt2, wr2 = carry2
                d16 = dblk_v[pl.ds(i * 16, 16)]
                s16 = sblk_v[pl.ds(i * 16, 16)]
                dl16 = d16 - lo
                mask = (d16 >= lo) & (d16 < lo + RPT)
                dl16c = jnp.where(mask, dl16, RPT)
                plsc.addupdate_scatter(hist_v, [dl16c], ones, mask=mask)
                plsc.store_compressed(psrc_v.at[pl.ds(cnt2, 16)], s16,
                                      mask=mask)
                plsc.store_compressed(pdl_v.at[pl.ds(cnt2, 16)], dl16,
                                      mask=mask)
                cnt2 = cnt2 + jnp.sum(mask.astype(jnp.int32))

                def flush():
                    off = sel_base + wr2 * CH
                    pltpu.sync_copy(psrc_v.at[pl.ds(0, CH)],
                                    ssrc_hbm.at[pl.ds(off, CH)])
                    pltpu.sync_copy(pdl_v.at[pl.ds(0, CH)],
                                    sdl_hbm.at[pl.ds(off, CH)])
                    psrc_v[pl.ds(0, 16)] = psrc_v[pl.ds(CH, 16)]
                    pdl_v[pl.ds(0, 16)] = pdl_v[pl.ds(CH, 16)]
                do = cnt2 >= CH
                lax.cond(do, flush, lambda: None)
                return (jnp.where(do, cnt2 - CH, cnt2),
                        jnp.where(do, wr2 + 1, wr2))

            return lax.fori_loop(0, BLK // 16, step, (cnt, wr))

        cnt, wr = lax.fori_loop(0, n_blk, blk, (jnp.int32(0), jnp.int32(0)))

        spread = (lax.iota(jnp.int32, 16) * 577 + s * 37) & 8191

        def padloop(i, carry):
            keep = lax.iota(jnp.int32, 16) + i * 16 < cnt
            psrc_v[pl.ds(i * 16, 16)] = jnp.where(
                keep, psrc_v[pl.ds(i * 16, 16)], spread + i)
            pdl_v[pl.ds(i * 16, 16)] = jnp.where(
                keep, pdl_v[pl.ds(i * 16, 16)],
                jnp.full((16,), TRASH, jnp.int32))
            return carry
        lax.fori_loop(0, CH // 16, padloop, 0)

        pltpu.sync_copy(psrc_v.at[pl.ds(0, CH)],
                        ssrc_hbm.at[pl.ds(sel_base + wr * CH, CH)])
        pltpu.sync_copy(pdl_v.at[pl.ds(0, CH)],
                        sdl_hbm.at[pl.ds(sel_base + wr * CH, CH)])

        def padloop2(i, carry):
            psrc_v[pl.ds(i * 16, 16)] = spread + i * 3
            pdl_v[pl.ds(i * 16, 16)] = jnp.full((16,), TRASH, jnp.int32)
            return carry
        lax.fori_loop(0, CH // 16, padloop2, 0)
        pltpu.sync_copy(psrc_v.at[pl.ds(0, CH)],
                        ssrc_hbm.at[pl.ds(sel_base + (wr + 1) * CH, CH)])
        pltpu.sync_copy(pdl_v.at[pl.ds(0, CH)],
                        sdl_hbm.at[pl.ds(sel_base + (wr + 1) * CH, CH)])
        nch = wr + jnp.where(cnt > 0, 1, 0)
        nch = nch + (nch & 1)
        psrc_v[pl.ds(0, 16)] = jnp.full((16,), nch, jnp.int32)
        pltpu.sync_copy(psrc_v.at[pl.ds(0, 16)], cnt_hbm.at[pl.ds(tile * 16, 16)])
        pltpu.sync_copy(hist_v.at[pl.ds(0, RPT)],
                        deg_hbm.at[pl.ds(c * n_pad + lo, RPT)])

    return part_kernel


def _make_agg_kernel(n_pad, cap):
    @functools.partial(
        pl.kernel,
        out_type=jax.ShapeDtypeStruct((NC * n_pad, 64), jnp.float32),
        mesh=_sc_mesh(),
        scratch_types=[
            pltpu.VMEM((CH,), jnp.int32),
            pltpu.VMEM((CH,), jnp.int32),
            pltpu.VMEM((CH, 128), jnp.float32),
            pltpu.VMEM((16,), jnp.int32),
            pltpu.VMEM((ACC_ROWS, 64), jnp.float32),
            pltpu.SemaphoreType.DMA,
        ],
        compiler_params=pltpu.CompilerParams(needs_layout_passes=False),
    )
    def agg_kernel(tab_hbm, ssrc_hbm, sdl_hbm, cnt_hbm, zeros_hbm, out_hbm,
                   src_v, dl_v, msg_v, cnt_v, acc_v, sem):
        c = lax.axis_index("c")
        s = lax.axis_index("s")
        tile = c * NS + s
        sel_base = tile * cap
        pltpu.sync_copy(zeros_hbm, acc_v)
        pltpu.sync_copy(cnt_hbm.at[pl.ds(tile * 16, 16)], cnt_v)
        nch = cnt_v[pl.ds(0, 16)][0]
        lane = lax.iota(jnp.int32, 16)

        def chunk(i, carry):
            off = sel_base + i * CH
            pltpu.sync_copy(ssrc_hbm.at[pl.ds(off, CH)], src_v)
            pltpu.sync_copy(sdl_hbm.at[pl.ds(off, CH)], dl_v)
            pltpu.async_copy(tab_hbm.at[src_v], msg_v, sem).wait()

            def group(gi, carry2):
                rows = gi * 16 + lane
                dls = dl_v[pl.ds(gi * 16, 16)]
                for t in range(64):
                    cols = (lane + t) & 63
                    vals = plsc.load_gather(msg_v, [rows, cols])
                    plsc.addupdate_scatter(acc_v, [dls, cols], vals)
                return carry2
            lax.fori_loop(0, CH // 16, group, 0)
            return carry
        lax.fori_loop(0, nch, chunk, 0)
        pltpu.sync_copy(acc_v.at[pl.ds(0, RPT)],
                        out_hbm.at[pl.ds(c * n_pad + s * RPT, RPT)])

    return agg_kernel


def _tc_prologue(x, W1, d0, d1, bn):
    n, d_in = x.shape
    d_h = W1.shape[1]

    def body(x_ref, w_ref, d0_ref, d1_ref, h_ref, g_ref, dv_ref):
        deg = d0_ref[...] + d1_ref[...] + 1.0
        dinv = lax.rsqrt(deg)
        h = jnp.dot(x_ref[...], w_ref[...], preferred_element_type=jnp.float32)
        h_ref[...] = h
        g_ref[:, 0:d_h] = h * dinv
        g_ref[:, d_h:2 * d_h] = jnp.zeros((bn, d_h), jnp.float32)
        dv_ref[...] = dinv

    return pl.pallas_call(
        body,
        grid=(n // bn,),
        in_specs=[
            pl.BlockSpec((bn, d_in), lambda i: (i, 0)),
            pl.BlockSpec((d_in, d_h), lambda i: (0, 0)),
            pl.BlockSpec((bn, 1), lambda i: (i, 0)),
            pl.BlockSpec((bn, 1), lambda i: (i, 0)),
        ],
        out_specs=[
            pl.BlockSpec((bn, d_h), lambda i: (i, 0)),
            pl.BlockSpec((bn, 2 * d_h), lambda i: (i, 0)),
            pl.BlockSpec((bn, 1), lambda i: (i, 0)),
        ],
        out_shape=[
            jax.ShapeDtypeStruct((n, d_h), jnp.float32),
            jax.ShapeDtypeStruct((n, 2 * d_h), jnp.float32),
            jax.ShapeDtypeStruct((n, 1), jnp.float32),
        ],
    )(x, W1, d0, d1)


def _tc_mid(a0, a1, h1, dinv, b1, W2, bn):
    n, d_h = h1.shape

    def body(a0_ref, a1_ref, h1_ref, dv_ref, b_ref, w_ref, h2_ref, g2_ref):
        dv = dv_ref[...]
        z = dv * (a0_ref[...] + a1_ref[...]) + (dv * dv) * h1_ref[...] + b_ref[...]
        h1p = jnp.maximum(z, 0.0)
        h2 = jnp.dot(h1p, w_ref[...], preferred_element_type=jnp.float32)
        h2_ref[...] = h2
        g2_ref[:, 0:d_h] = h2 * dv
        g2_ref[:, d_h:2 * d_h] = jnp.zeros((bn, d_h), jnp.float32)

    return pl.pallas_call(
        body,
        grid=(n // bn,),
        in_specs=[
            pl.BlockSpec((bn, d_h), lambda i: (i, 0)),
            pl.BlockSpec((bn, d_h), lambda i: (i, 0)),
            pl.BlockSpec((bn, d_h), lambda i: (i, 0)),
            pl.BlockSpec((bn, 1), lambda i: (i, 0)),
            pl.BlockSpec((1, d_h), lambda i: (0, 0)),
            pl.BlockSpec((d_h, d_h), lambda i: (0, 0)),
        ],
        out_specs=[
            pl.BlockSpec((bn, d_h), lambda i: (i, 0)),
            pl.BlockSpec((bn, 2 * d_h), lambda i: (i, 0)),
        ],
        out_shape=[
            jax.ShapeDtypeStruct((n, d_h), jnp.float32),
            jax.ShapeDtypeStruct((n, 2 * d_h), jnp.float32),
        ],
    )(a0, a1, h1, dinv, b1, W2)


def _tc_final(a0, a1, h2, dinv, b2, batch_row, Wfc, bfc):
    n, d_h = h2.shape
    ncls = Wfc.shape[1]
    g = NUM_GRAPHS

    def body(a0_ref, a1_ref, h2_ref, dv_ref, b_ref, bt_ref, wfc_ref, bfc_ref,
             o_ref):
        dv = dv_ref[...]
        z = dv * (a0_ref[...] + a1_ref[...]) + (dv * dv) * h2_ref[...] + b_ref[...]
        hp = jnp.maximum(z, 0.0)
        gids = lax.broadcasted_iota(jnp.int32, (g, n), 0)
        m_t = (bt_ref[...] == gids).astype(jnp.float32)
        sums = jnp.dot(m_t, hp, preferred_element_type=jnp.float32)
        cnt = jnp.dot(m_t, jnp.ones((n, 1), jnp.float32),
                      preferred_element_type=jnp.float32)
        pooled = sums / jnp.maximum(cnt, 1.0)
        o_ref[...] = (jnp.dot(pooled, wfc_ref[...],
                              preferred_element_type=jnp.float32)
                      + bfc_ref[...])

    return pl.pallas_call(
        body,
        out_shape=jax.ShapeDtypeStruct((g, ncls), jnp.float32),
    )(a0, a1, h2, dinv, b2, batch_row, Wfc, bfc)


def kernel(x, edge_index, batch, W1, b1, W2, b2, Wfc, bfc):
    n, d_in = x.shape
    e = edge_index.shape[1]
    d_h = W1.shape[1]

    n_pad = NS * RPT
    e_half = -(-e // (NC * BLK)) * BLK
    e_pad = NC * e_half
    cap = e_half + 2 * CH
    bn = n_pad // 4
    while bn % 8 != 0 or n_pad % bn != 0:
        bn //= 2

    epad = e_pad - e
    src = jnp.concatenate(
        [edge_index[0], jnp.arange(epad, dtype=jnp.int32) & 8191])
    dst = jnp.concatenate([edge_index[1], jnp.full((epad,), n, jnp.int32)])
    x_p = jnp.concatenate([x, jnp.zeros((n_pad - n, d_in), jnp.float32)])
    batch_row = jnp.concatenate(
        [batch, jnp.full((n_pad - n,), NUM_GRAPHS, jnp.int32)]).reshape(1, n_pad)
    zeros_hist = jnp.zeros((ACC_ROWS,), jnp.float32)
    zeros_acc = jnp.zeros((ACC_ROWS, 64), jnp.float32)

    ssrc, sdl, cnts, deg = _make_partition_kernel(e_half, n_pad, cap)(
        src, dst, zeros_hist)
    deg2 = deg.reshape(NC, n_pad)
    d0 = deg2[0].reshape(n_pad, 1)
    d1 = deg2[1].reshape(n_pad, 1)

    h1, g1, dinv = _tc_prologue(x_p, W1, d0, d1, bn)

    agg_call = _make_agg_kernel(n_pad, cap)
    agg1 = agg_call(g1, ssrc, sdl, cnts, zeros_acc).reshape(NC, n_pad, d_h)
    h2, g2 = _tc_mid(agg1[0], agg1[1], h1, dinv, b1.reshape(1, -1), W2, bn)
    agg2 = agg_call(g2, ssrc, sdl, cnts, zeros_acc).reshape(NC, n_pad, d_h)

    return _tc_final(agg2[0], agg2[1], h2, dinv, b2.reshape(1, -1), batch_row,
                     Wfc, bfc.reshape(1, -1))

# --- scband reference (transcript-rebuilt; emitter-appended) ---
"""Pipeline reference for scband-tiny-theta-gnn-47244640256095 (READ-ONLY COPY).

The authoritative reference and input builder live on the scoring server;
editing this copy changes nothing except your own understanding.
"""

import jax, jax.numpy as jnp
import numpy as np

N = 10000
E = 320000
D_IN = 128
D_H = 64
N_CLASSES = 2
G = 64


def setup_inputs(seed: int = 0) -> dict:
    key = jax.random.key(seed)
    ks = jax.random.split(key, 9)
    x = jax.random.normal(ks[0], (N, D_IN), dtype=jnp.float32)
    edge_index = jax.random.randint(ks[1], (2, E), 0, N, dtype=jnp.int32)
    batch = jnp.sort(jax.random.randint(ks[2], (N,), 0, G, dtype=jnp.int32))
    W1 = jax.random.normal(ks[3], (D_IN, D_H), dtype=jnp.float32) * (1.0 / np.sqrt(D_IN))
    b1 = jnp.zeros((D_H,), dtype=jnp.float32)
    W2 = jax.random.normal(ks[4], (D_H, D_H), dtype=jnp.float32) * (1.0 / np.sqrt(D_H))
    b2 = jnp.zeros((D_H,), dtype=jnp.float32)
    Wfc = jax.random.normal(ks[5], (D_H, N_CLASSES), dtype=jnp.float32) * (1.0 / np.sqrt(D_H))
    bfc = jnp.zeros((N_CLASSES,), dtype=jnp.float32)
    return {"x": x, "edge_index": edge_index, "batch": batch,
            "W1": W1, "b1": b1, "W2": W2, "b2": b2, "Wfc": Wfc, "bfc": bfc}


def _gcn_conv(x, edge_index, W, b):
    # PyG-style GCNConv: add self loops, symmetric normalization, sum aggregation at dst
    n = x.shape[0]
    src = edge_index[0]
    dst = edge_index[1]
    loop = jnp.arange(n, dtype=src.dtype)
    src = jnp.concatenate([src, loop])
    dst = jnp.concatenate([dst, loop])
    deg = jnp.zeros((n,), dtype=x.dtype).at[dst].add(1.0)
    dinv = jnp.where(deg > 0, jax.lax.rsqrt(jnp.maximum(deg, 1e-12)), 0.0)
    norm = dinv[src] * dinv[dst]
    h = x @ W
    msg = h[src] * norm[:, None]
    out = jnp.zeros((n, W.shape[1]), dtype=x.dtype).at[dst].add(msg)
    return out + b


def _global_mean_pool(x, batch, num_graphs):
    sums = jax.ops.segment_sum(x, batch, num_segments=num_graphs)
    cnt = jax.ops.segment_sum(jnp.ones((x.shape[0],), dtype=x.dtype), batch, num_segments=num_graphs)
    return sums / jnp.maximum(cnt, 1.0)[:, None]


def reference(x, edge_index, batch, W1, b1, W2, b2, Wfc, bfc):
    h = jax.nn.relu(_gcn_conv(x, edge_index, W1, b1))
    h = jax.nn.relu(_gcn_conv(h, edge_index, W2, b2))
    pooled = _global_mean_pool(h, batch, G)
    out = pooled @ Wfc + bfc
    return out

if __name__ == "__main__":
    import jax
    _d = setup_inputs()
    print(jax.jit(kernel)(*tuple(_d.values())))

</pallas_src>

<mosaic_0001>
#map = affine_map<(d0, d1) -> (0)>
module attributes {stable_mosaic.version = 14 : i64} {
  func.func @part_kernel(%arg0: i32, %arg1: i32, %arg2: memref<321536xi32, #tpu.memory_space<hbm>>, %arg3: memref<321536xi32, #tpu.memory_space<hbm>>, %arg4: memref<640xf32, #tpu.memory_space<hbm>>, %arg5: memref<5152768xi32, #tpu.memory_space<hbm>>, %arg6: memref<5152768xi32, #tpu.memory_space<hbm>>, %arg7: memref<512xi32, #tpu.memory_space<hbm>>, %arg8: memref<20224xf32, #tpu.memory_space<hbm>>, %arg9: memref<1024xi32, #tpu.memory_space<vmem>>, %arg10: memref<1024xi32, #tpu.memory_space<vmem>>, %arg11: memref<160xi32, #tpu.memory_space<vmem>>, %arg12: memref<160xi32, #tpu.memory_space<vmem>>, %arg13: memref<640xf32, #tpu.memory_space<vmem>>) attributes {dimension_semantics = [#tpu.dimension_semantics<core_parallel>, #tpu.dimension_semantics<subcore_parallel>], iteration_bounds = array<i64: 2, 16>, scalar_prefetch = 0 : i64, scratch_operands = 5 : i64, tpu.core_type = #tpu.core_type<sc_vector_subcore>, window_params = [{transform_indices = #map}, {transform_indices = #map}, {transform_indices = #map}, {transform_indices = #map}, {transform_indices = #map}, {transform_indices = #map}, {transform_indices = #map}]} {
    %mul3A = arith.constant 16 : i32
    %mul3A_0 = arith.muli %arg0, %mul3A : i32
    %add3A = arith.addi %mul3A_0, %arg1 : i32
    %mul3A_1 = arith.constant 632 : i32
    %mul3A_2 = arith.muli %arg1, %mul3A_1 : i32
    %mul3A_3 = arith.constant 161024 : i32
    %mul3A_4 = arith.muli %add3A, %mul3A_3 : i32
    "tpu.region"() ({
      %run_scoped3A = tpu.sem_alloc : memref<!tpu.dma_semaphore, #tpu.memory_space<semaphore_mem>>
      %dma_start3A = arith.constant 0 : i32
      %dma_start3A_63 = tpu.memref_slice %arg4[%dma_start3A] : memref<640xf32, #tpu.memory_space<hbm>> -> memref<640xf32, #tpu.memory_space<hbm>>
      %dma_start3A_64 = arith.constant 0 : i32
      %dma_start3A_65 = tpu.memref_slice %arg4[%dma_start3A_64] : memref<640xf32, #tpu.memory_space<hbm>> -> memref<640xf32, #tpu.memory_space<hbm>>
      tpu.enqueue_dma source(%dma_start3A_65 : memref<640xf32, #tpu.memory_space<hbm>>) target(%arg13 : memref<640xf32, #tpu.memory_space<vmem>>) target_semaphore(%run_scoped3A : memref<!tpu.dma_semaphore, #tpu.memory_space<semaphore_mem>>)
      %dma_wait3A = arith.constant 0 : i32
      %dma_wait3A_66 = tpu.memref_slice %arg4[%dma_wait3A] : memref<640xf32, #tpu.memory_space<hbm>> -> memref<640xf32, #tpu.memory_space<hbm>>
      %dma_wait3A_67 = arith.constant 0 : i32
      %dma_wait3A_68 = tpu.memref_slice %arg4[%dma_wait3A_67] : memref<640xf32, #tpu.memory_space<hbm>> -> memref<640xf32, #tpu.memory_space<hbm>>
      tpu.wait_dma2 semaphore(%run_scoped3A : memref<!tpu.dma_semaphore, #tpu.memory_space<semaphore_mem>>) src(%dma_wait3A_68 : memref<640xf32, #tpu.memory_space<hbm>>) dst(%arg13 : memref<640xf32, #tpu.memory_space<vmem>>)
      tpu.yield
    }) : () -> ()
    %broadcast_in_dim3A = arith.constant 1.000000e+00 : f32
    %broadcast_in_dim3A_5 = vector.broadcast %broadcast_in_dim3A : f32 to vector<16xf32>
    %scan3A = arith.constant 0 : i32
    %scan3A_6 = arith.constant 0 : i32
    %scan3A_7 = arith.constant 0 : i32
    %scan3A_8 = arith.constant 157 : i32
    %scan3A_9 = arith.addi %scan3A_7, %scan3A_8 : i32
    %scan3A_10 = arith.constant 1 : i32
    %scan3A_11:2 = scf.for %scan3A_63 = %scan3A_7 to %scan3A_9 step %scan3A_10 iter_args(%scan3A_64 = %scan3A, %scan3A_65 = %scan3A_6) -> (i32, i32)  : i32 {
      %mul3A_66 = arith.constant 160768 : i32
      %mul3A_67 = arith.muli %arg0, %mul3A_66 : i32
      %mul3A_68 = arith.constant 1024 : i32
      %mul3A_69 = arith.muli %scan3A_63, %mul3A_68 : i32
      %add3A_70 = arith.addi %mul3A_67, %mul3A_69 : i32
      "tpu.region"() ({
        %run_scoped3A = tpu.sem_alloc : memref<!tpu.dma_semaphore, #tpu.memory_space<semaphore_mem>>
        %dma_start3A = tpu.memref_slice %arg2[%add3A_70] : memref<321536xi32, #tpu.memory_space<hbm>> -> memref<1024xi32, #tpu.memory_space<hbm>>
        %dma_start3A_77 = tpu.memref_slice %arg2[%add3A_70] : memref<321536xi32, #tpu.memory_space<hbm>> -> memref<1024xi32, #tpu.memory_space<hbm>>
        tpu.enqueue_dma source(%dma_start3A_77 : memref<1024xi32, #tpu.memory_space<hbm>>) target(%arg9 : memref<1024xi32, #tpu.memory_space<vmem>>) target_semaphore(%run_scoped3A : memref<!tpu.dma_semaphore, #tpu.memory_space<semaphore_mem>>)
        %dma_wait3A = tpu.memref_slice %arg2[%add3A_70] : memref<321536xi32, #tpu.memory_space<hbm>> -> memref<1024xi32, #tpu.memory_space<hbm>>
        %dma_wait3A_78 = tpu.memref_slice %arg2[%add3A_70] : memref<321536xi32, #tpu.memory_space<hbm>> -> memref<1024xi32, #tpu.memory_space<hbm>>
        tpu.wait_dma2 semaphore(%run_scoped3A : memref<!tpu.dma_semaphore, #tpu.memory_space<semaphore_mem>>) src(%dma_wait3A_78 : memref<1024xi32, #tpu.memory_space<hbm>>) dst(%arg9 : memref<1024xi32, #tpu.memory_space<vmem>>)
        tpu.yield
      }) : () -> ()
      "tpu.region"() ({
        %run_scoped3A = tpu.sem_alloc : memref<!tpu.dma_semaphore, #tpu.memory_space<semaphore_mem>>
        %dma_start3A = tpu.memref_slice %arg3[%add3A_70] : memref<321536xi32, #tpu.memory_space<hbm>> -> memref<1024xi32, #tpu.memory_space<hbm>>
        %dma_start3A_77 = tpu.memref_slice %arg3[%add3A_70] : memref<321536xi32, #tpu.memory_space<hbm>> -> memref<1024xi32, #tpu.memory_space<hbm>>
        tpu.enqueue_dma source(%dma_start3A_77 : memref<1024xi32, #tpu.memory_space<hbm>>) target(%arg10 : memref<1024xi32, #tpu.memory_space<vmem>>) target_semaphore(%run_scoped3A : memref<!tpu.dma_semaphore, #tpu.memory_space<semaphore_mem>>)
        %dma_wait3A = tpu.memref_slice %arg3[%add3A_70] : memref<321536xi32, #tpu.memory_space<hbm>> -> memref<1024xi32, #tpu.memory_space<hbm>>
        %dma_wait3A_78 = tpu.memref_slice %arg3[%add3A_70] : memref<321536xi32, #tpu.memory_space<hbm>> -> memref<1024xi32, #tpu.memory_space<hbm>>
        tpu.wait_dma2 semaphore(%run_scoped3A : memref<!tpu.dma_semaphore, #tpu.memory_space<semaphore_mem>>) src(%dma_wait3A_78 : memref<1024xi32, #tpu.memory_space<hbm>>) dst(%arg10 : memref<1024xi32, #tpu.memory_space<vmem>>)
        tpu.yield
      }) : () -> ()
      %scan3A_71 = arith.constant 0 : i32
      %scan3A_72 = arith.constant 64 : i32
      %scan3A_73 = arith.addi %scan3A_71, %scan3A_72 : i32
      %scan3A_74 = arith.constant 1 : i32
      %scan3A_75:2 = scf.for %scan3A_77 = %scan3A_71 to %scan3A_73 step %scan3A_74 iter_args(%scan3A_78 = %scan3A_64, %scan3A_79 = %scan3A_65) -> (i32, i32)  : i32 {
        %mul3A_80 = arith.constant 16 : i32
        %mul3A_81 = arith.muli %scan3A_77, %mul3A_80 : i32
        %get3A = arith.index_cast %mul3A_81 : i32 to index
        %get3A_82 = tpu.vector_load %arg10[%get3A] {strides = array<i32>} : memref<1024xi32, #tpu.memory_space<vmem>>, vector<16xi32>,
        %mul3A_83 = arith.constant 16 : i32
        %mul3A_84 = arith.muli %scan3A_77, %mul3A_83 : i32
        %get3A_85 = arith.index_cast %mul3A_84 : i32 to index
        %get3A_86 = tpu.vector_load %arg9[%get3A_85] {strides = array<i32>} : memref<1024xi32, #tpu.memory_space<vmem>>, vector<16xi32>,
        %sub3A = vector.broadcast %mul3A_2 : i32 to vector<16xi32>
        %sub3A_87 = arith.subi %get3A_82, %sub3A : vector<16xi32>
        %ge3A = vector.broadcast %mul3A_2 : i32 to vector<16xi32>
        %ge3A_88 = arith.cmpi sge, %get3A_82, %ge3A : vector<16xi32>
        %add3A_89 = arith.constant 632 : i32
        %add3A_90 = arith.addi %mul3A_2, %add3A_89 : i32
        %lt3A = vector.broadcast %add3A_90 : i32 to vector<16xi32>
        %lt3A_91 = arith.cmpi slt, %get3A_82, %lt3A : vector<16xi32>
        %and3A_92 = arith.andi %ge3A_88, %lt3A_91 : vector<16xi1>
        %jit3A_93 = arith.constant 632 : i32
        %broadcast_in_dim3A_94 = vector.broadcast %jit3A_93 : i32 to vector<16xi32>
        %select_n3A_95 = arith.select %and3A_92, %sub3A_87, %broadcast_in_dim3A_94 : vector<16xi1>, vector<16xi32>
        tpu.vector_store_idx %arg13[%select_n3A_95], %broadcast_in_dim3A_5 masked %and3A_92 {add = true} : memref<640xf32, #tpu.memory_space<vmem>>[vector<16xi32>], vector<16xf32>, vector<16xi1>
        %swap3A_96 = arith.index_cast %scan3A_78 : i32 to index
        %swap3A_97 = tpu.vector_load %arg11[%swap3A_96] masked %and3A_92 {strides = array<i32>} : memref<160xi32, #tpu.memory_space<vmem>>, vector<16xi32>, vector<16xi1>
        tpu.vector_store %arg11[%swap3A_96], %get3A_86 masked %and3A_92 {strides = array<i32>} : memref<160xi32, #tpu.memory_space<vmem>>, vector<16xi32>, vector<16xi1>
        %swap3A_98 = arith.index_cast %scan3A_78 : i32 to index
        %swap3A_99 = tpu.vector_load %arg12[%swap3A_98] masked %and3A_92 {strides = array<i32>} : memref<160xi32, #tpu.memory_space<vmem>>, vector<16xi32>, vector<16xi1>
        tpu.vector_store %arg12[%swap3A_98], %sub3A_87 masked %and3A_92 {strides = array<i32>} : memref<160xi32, #tpu.memory_space<vmem>>, vector<16xi32>, vector<16xi1>
        %convert_element_type3A = arith.extui %and3A_92 : vector<16xi1> to vector<16xi32>
        %reduce_sum3A = arith.constant true
        %reduce_sum3A_100 = vector.broadcast %reduce_sum3A : i1 to vector<16xi1>
        %reduce_sum3A_101 = tpu.scan <sum>, %convert_element_type3A masked %reduce_sum3A_100 : vector<16xi32>, vector<16xi1> -> vector<16xi32>
        %reduce_sum3A_102 = vector.extract %reduce_sum3A_101[15] : i32 from vector<16xi32>
        %add3A_103 = arith.addi %scan3A_78, %reduce_sum3A_102 : i32
        %ge3A_104 = arith.constant 128 : i32
        %ge3A_105 = arith.cmpi sge, %add3A_103, %ge3A_104 : i32
        %convert_element_type3A_106 = arith.extui %ge3A_105 : i1 to i32
        %cond3A = arith.constant 0 : i32
        %cond3A_107 = arith.cmpi ne, %convert_element_type3A_106, %cond3A : i32
        scf.if %cond3A_107 {
          %mul3A_114 = arith.constant 128 : i32
          %mul3A_115 = arith.muli %scan3A_79, %mul3A_114 : i32
          %add3A_116 = arith.addi %mul3A_4, %mul3A_115 : i32
          "tpu.region"() ({
            %run_scoped3A = tpu.sem_alloc : memref<!tpu.dma_semaphore, #tpu.memory_space<semaphore_mem>>
            %dma_start3A = arith.constant 0 : i32
            %dma_start3A_125 = tpu.memref_slice %arg11[%dma_start3A] : memref<160xi32, #tpu.memory_space<vmem>> -> memref<128xi32, #tpu.memory_space<vmem>>
            %dma_start3A_126 = tpu.memref_slice %arg5[%add3A_116] : memref<5152768xi32, #tpu.memory_space<hbm>> -> memref<128xi32, #tpu.memory_space<hbm>>
            %dma_start3A_127 = tpu.memref_slice %arg5[%add3A_116] : memref<5152768xi32, #tpu.memory_space<hbm>> -> memref<128xi32, #tpu.memory_space<hbm>>
            %dma_start3A_128 = arith.constant 0 : i32
            %dma_start3A_129 = tpu.memref_slice %arg11[%dma_start3A_128] : memref<160xi32, #tpu.memory_space<vmem>> -> memref<128xi32, #tpu.memory_space<vmem>>
            tpu.enqueue_dma source(%dma_start3A_129 : memref<128xi32, #tpu.memory_space<vmem>>) target(%dma_start3A_127 : memref<128xi32, #tpu.memory_space<hbm>>) target_semaphore(%run_scoped3A : memref<!tpu.dma_semaphore, #tpu.memory_space<semaphore_mem>>)
            %dma_wait3A = arith.constant 0 : i32
            %dma_wait3A_130 = tpu.memref_slice %arg11[%dma_wait3A] : memref<160xi32, #tpu.memory_space<vmem>> -> memref<128xi32, #tpu.memory_space<vmem>>
            %dma_wait3A_131 = tpu.memref_slice %arg5[%add3A_116] : memref<5152768xi32, #tpu.memory_space<hbm>> -> memref<128xi32, #tpu.memory_space<hbm>>
            %dma_wait3A_132 = tpu.memref_slice %arg5[%add3A_116] : memref<5152768xi32, #tpu.memory_space<hbm>> -> memref<128xi32, #tpu.memory_space<hbm>>
            %dma_wait3A_133 = arith.constant 0 : i32
            %dma_wait3A_134 = tpu.memref_slice %arg11[%dma_wait3A_133] : memref<160xi32, #tpu.memory_space<vmem>> -> memref<128xi32, #tpu.memory_space<vmem>>
            tpu.wait_dma2 semaphore(%run_scoped3A : memref<!tpu.dma_semaphore, #tpu.memory_space<semaphore_mem>>) src(%dma_wait3A_134 : memref<128xi32, #tpu.memory_space<vmem>>) dst(%dma_wait3A_132 : memref<128xi32, #tpu.memory_space<hbm>>)
            tpu.yield
          }) : () -> ()
          "tpu.region"() ({
            %run_scoped3A = tpu.sem_alloc : memref<!tpu.dma_semaphore, #tpu.memory_space<semaphore_mem>>
            %dma_start3A = arith.constant 0 : i32
            %dma_start3A_125 = tpu.memref_slice %arg12[%dma_start3A] : memref<160xi32, #tpu.memory_space<vmem>> -> memref<128xi32, #tpu.memory_space<vmem>>
            %dma_start3A_126 = tpu.memref_slice %arg6[%add3A_116] : memref<5152768xi32, #tpu.memory_space<hbm>> -> memref<128xi32, #tpu.memory_space<hbm>>
            %dma_start3A_127 = tpu.memref_slice %arg6[%add3A_116] : memref<5152768xi32, #tpu.memory_space<hbm>> -> memref<128xi32, #tpu.memory_space<hbm>>
            %dma_start3A_128 = arith.constant 0 : i32
            %dma_start3A_129 = tpu.memref_slice %arg12[%dma_start3A_128] : memref<160xi32, #tpu.memory_space<vmem>> -> memref<128xi32, #tpu.memory_space<vmem>>
            tpu.enqueue_dma source(%dma_start3A_129 : memref<128xi32, #tpu.memory_space<vmem>>) target(%dma_start3A_127 : memref<128xi32, #tpu.memory_space<hbm>>) target_semaphore(%run_scoped3A : memref<!tpu.dma_semaphore, #tpu.memory_space<semaphore_mem>>)
            %dma_wait3A = arith.constant 0 : i32
            %dma_wait3A_130 = tpu.memref_slice %arg12[%dma_wait3A] : memref<160xi32, #tpu.memory_space<vmem>> -> memref<128xi32, #tpu.memory_space<vmem>>
            %dma_wait3A_131 = tpu.memref_slice %arg6[%add3A_116] : memref<5152768xi32, #tpu.memory_space<hbm>> -> memref<128xi32, #tpu.memory_space<hbm>>
            %dma_wait3A_132 = tpu.memref_slice %arg6[%add3A_116] : memref<5152768xi32, #tpu.memory_space<hbm>> -> memref<128xi32, #tpu.memory_space<hbm>>
            %dma_wait3A_133 = arith.constant 0 : i32
            %dma_wait3A_134 = tpu.memref_slice %arg12[%dma_wait3A_133] : memref<160xi32, #tpu.memory_space<vmem>> -> memref<128xi32, #tpu.memory_space<vmem>>
            tpu.wait_dma2 semaphore(%run_scoped3A : memref<!tpu.dma_semaphore, #tpu.memory_space<semaphore_mem>>) src(%dma_wait3A_134 : memref<128xi32, #tpu.memory_space<vmem>>) dst(%dma_wait3A_132 : memref<128xi32, #tpu.memory_space<hbm>>)
            tpu.yield
          }) : () -> ()
          %get3A_117 = arith.constant 128 : index
          %get3A_118 = tpu.vector_load %arg11[%get3A_117] {strides = array<i32>} : memref<160xi32, #tpu.memory_space<vmem>>, vector<16xi32>,
          %swap3A_119 = arith.constant 0 : index
          %swap3A_120 = tpu.vector_load %arg11[%swap3A_119] {strides = array<i32>} : memref<160xi32, #tpu.memory_space<vmem>>, vector<16xi32>,
          tpu.vector_store %arg11[%swap3A_119], %get3A_118 {strides = array<i32>} : memref<160xi32, #tpu.memory_space<vmem>>, vector<16xi32>,
          %get3A_121 = arith.constant 128 : index
          %get3A_122 = tpu.vector_load %arg12[%get3A_121] {strides = array<i32>} : memref<160xi32, #tpu.memory_space<vmem>>, vector<16xi32>,
          %swap3A_123 = arith.constant 0 : index
          %swap3A_124 = tpu.vector_load %arg12[%swap3A_123] {strides = array<i32>} : memref<160xi32, #tpu.memory_space<vmem>>, vector<16xi32>,
          tpu.vector_store %arg12[%swap3A_123], %get3A_122 {strides = array<i32>} : memref<160xi32, #tpu.memory_space<vmem>>, vector<16xi32>,
        } else {
        }
        %sub3A_108 = arith.constant 128 : i32
        %sub3A_109 = arith.subi %add3A_103, %sub3A_108 : i32
        %select_n3A_110 = arith.select %ge3A_105, %sub3A_109, %add3A_103 : i32
        %add3A_111 = arith.constant 1 : i32
        %add3A_112 = arith.addi %scan3A_79, %add3A_111 : i32
        %select_n3A_113 = arith.select %ge3A_105, %add3A_112, %scan3A_79 : i32
        scf.yield %select_n3A_110, %select_n3A_113 : i32, i32
      }
      %scan3A_76 = arith.constant 64 : i32
      scf.yield %scan3A_75#0, %scan3A_75#1 : i32, i32
    }
    %scan3A_12 = arith.constant 157 : i32
    %iota3A = tpu.iota {dimensions = array<i32: 0>} : vector<16xi32>
    %mul3A_13 = arith.constant 577 : i32
    %mul3A_14 = vector.broadcast %mul3A_13 : i32 to vector<16xi32>
    %mul3A_15 = arith.muli %iota3A, %mul3A_14 : vector<16xi32>
    %mul3A_16 = arith.constant 37 : i32
    %mul3A_17 = arith.muli %arg1, %mul3A_16 : i32
    %add3A_18 = vector.broadcast %mul3A_17 : i32 to vector<16xi32>
    %add3A_19 = arith.addi %mul3A_15, %add3A_18 : vector<16xi32>
    %and3A = arith.constant 8191 : i32
    %and3A_20 = vector.broadcast %and3A : i32 to vector<16xi32>
    %and3A_21 = arith.andi %add3A_19, %and3A_20 : vector<16xi32>
    %scan3A_22 = arith.constant 0 : i32
    %scan3A_23 = arith.constant 0 : i32
    %scan3A_24 = arith.constant 8 : i32
    %scan3A_25 = arith.addi %scan3A_23, %scan3A_24 : i32
    %scan3A_26 = arith.constant 1 : i32
    scf.for %scan3A_63 = %scan3A_23 to %scan3A_25 step %scan3A_26  : i32 {
      %iota3A_64 = tpu.iota {dimensions = array<i32: 0>} : vector<16xi32>
      %mul3A_65 = arith.constant 16 : i32
      %mul3A_66 = arith.muli %scan3A_63, %mul3A_65 : i32
      %add3A_67 = vector.broadcast %mul3A_66 : i32 to vector<16xi32>
      %add3A_68 = arith.addi %iota3A_64, %add3A_67 : vector<16xi32>
      %lt3A = vector.broadcast %scan3A_11#0 : i32 to vector<16xi32>
      %lt3A_69 = arith.cmpi slt, %add3A_68, %lt3A : vector<16xi32>
      %mul3A_70 = arith.constant 16 : i32
      %mul3A_71 = arith.muli %scan3A_63, %mul3A_70 : i32
      %get3A = arith.index_cast %mul3A_71 : i32 to index
      %get3A_72 = tpu.vector_load %arg11[%get3A] {strides = array<i32>} : memref<160xi32, #tpu.memory_space<vmem>>, vector<16xi32>,
      %add3A_73 = vector.broadcast %scan3A_63 : i32 to vector<16xi32>
      %add3A_74 = arith.addi %and3A_21, %add3A_73 : vector<16xi32>
      %select_n3A_75 = arith.select %lt3A_69, %get3A_72, %add3A_74 : vector<16xi1>, vector<16xi32>
      %mul3A_76 = arith.constant 16 : i32
      %mul3A_77 = arith.muli %scan3A_63, %mul3A_76 : i32
      %swap3A_78 = arith.index_cast %mul3A_77 : i32 to index
      %swap3A_79 = tpu.vector_load %arg11[%swap3A_78] {strides = array<i32>} : memref<160xi32, #tpu.memory_space<vmem>>, vector<16xi32>,
      tpu.vector_store %arg11[%swap3A_78], %select_n3A_75 {strides = array<i32>} : memref<160xi32, #tpu.memory_space<vmem>>, vector<16xi32>,
      %mul3A_80 = arith.constant 16 : i32
      %mul3A_81 = arith.muli %scan3A_63, %mul3A_80 : i32
      %get3A_82 = arith.index_cast %mul3A_81 : i32 to index
      %get3A_83 = tpu.vector_load %arg12[%get3A_82] {strides = array<i32>} : memref<160xi32, #tpu.memory_space<vmem>>, vector<16xi32>,
      %broadcast_in_dim3A_84 = arith.constant 639 : i32
      %broadcast_in_dim3A_85 = vector.broadcast %broadcast_in_dim3A_84 : i32 to vector<16xi32>
      %select_n3A_86 = arith.select %lt3A_69, %get3A_83, %broadcast_in_dim3A_85 : vector<16xi1>, vector<16xi32>
      %mul3A_87 = arith.constant 16 : i32
      %mul3A_88 = arith.muli %scan3A_63, %mul3A_87 : i32
      %swap3A_89 = arith.index_cast %mul3A_88 : i32 to index
      %swap3A_90 = tpu.vector_load %arg12[%swap3A_89] {strides = array<i32>} : memref<160xi32, #tpu.memory_space<vmem>>, vector<16xi32>,
      tpu.vector_store %arg12[%swap3A_89], %select_n3A_86 {strides = array<i32>} : memref<160xi32, #tpu.memory_space<vmem>>, vector<16xi32>,
    }
    %scan3A_27 = arith.constant 8 : i32
    %mul3A_28 = arith.constant 128 : i32
    %mul3A_29 = arith.muli %scan3A_11#1, %mul3A_28 : i32
    %add3A_30 = arith.addi %mul3A_4, %mul3A_29 : i32
    "tpu.region"() ({
      %run_scoped3A = tpu.sem_alloc : memref<!tpu.dma_semaphore, #tpu.memory_space<semaphore_mem>>
      %dma_start3A = arith.constant 0 : i32
      %dma_start3A_63 = tpu.memref_slice %arg11[%dma_start3A] : memref<160xi32, #tpu.memory_space<vmem>> -> memref<128xi32, #tpu.memory_space<vmem>>
      %dma_start3A_64 = tpu.memref_slice %arg5[%add3A_30] : memref<5152768xi32, #tpu.memory_space<hbm>> -> memref<128xi32, #tpu.memory_space<hbm>>
      %dma_start3A_65 = tpu.memref_slice %arg5[%add3A_30] : memref<5152768xi32, #tpu.memory_space<hbm>> -> memref<128xi32, #tpu.memory_space<hbm>>
      %dma_start3A_66 = arith.constant 0 : i32
      %dma_start3A_67 = tpu.memref_slice %arg11[%dma_start3A_66] : memref<160xi32, #tpu.memory_space<vmem>> -> memref<128xi32, #tpu.memory_space<vmem>>
      tpu.enqueue_dma source(%dma_start3A_67 : memref<128xi32, #tpu.memory_space<vmem>>) target(%dma_start3A_65 : memref<128xi32, #tpu.memory_space<hbm>>) target_semaphore(%run_scoped3A : memref<!tpu.dma_semaphore, #tpu.memory_space<semaphore_mem>>)
      %dma_wait3A = arith.constant 0 : i32
      %dma_wait3A_68 = tpu.memref_slice %arg11[%dma_wait3A] : memref<160xi32, #tpu.memory_space<vmem>> -> memref<128xi32, #tpu.memory_space<vmem>>
      %dma_wait3A_69 = tpu.memref_slice %arg5[%add3A_30] : memref<5152768xi32, #tpu.memory_space<hbm>> -> memref<128xi32, #tpu.memory_space<hbm>>
      %dma_wait3A_70 = tpu.memref_slice %arg5[%add3A_30] : memref<5152768xi32, #tpu.memory_space<hbm>> -> memref<128xi32, #tpu.memory_space<hbm>>
      %dma_wait3A_71 = arith.constant 0 : i32
      %dma_wait3A_72 = tpu.memref_slice %arg11[%dma_wait3A_71] : memref<160xi32, #tpu.memory_space<vmem>> -> memref<128xi32, #tpu.memory_space<vmem>>
      tpu.wait_dma2 semaphore(%run_scoped3A : memref<!tpu.dma_semaphore, #tpu.memory_space<semaphore_mem>>) src(%dma_wait3A_72 : memref<128xi32, #tpu.memory_space<vmem>>) dst(%dma_wait3A_70 : memref<128xi32, #tpu.memory_space<hbm>>)
      tpu.yield
    }) : () -> ()
    %mul3A_31 = arith.constant 128 : i32
    %mul3A_32 = arith.muli %scan3A_11#1, %mul3A_31 : i32
    %add3A_33 = arith.addi %mul3A_4, %mul3A_32 : i32
    "tpu.region"() ({
      %run_scoped3A = tpu.sem_alloc : memref<!tpu.dma_semaphore, #tpu.memory_space<semaphore_mem>>
      %dma_start3A = arith.constant 0 : i32
      %dma_start3A_63 = tpu.memref_slice %arg12[%dma_start3A] : memref<160xi32, #tpu.memory_space<vmem>> -> memref<128xi32, #tpu.memory_space<vmem>>
      %dma_start3A_64 = tpu.memref_slice %arg6[%add3A_33] : memref<5152768xi32, #tpu.memory_space<hbm>> -> memref<128xi32, #tpu.memory_space<hbm>>
      %dma_start3A_65 = tpu.memref_slice %arg6[%add3A_33] : memref<5152768xi32, #tpu.memory_space<hbm>> -> memref<128xi32, #tpu.memory_space<hbm>>
      %dma_start3A_66 = arith.constant 0 : i32
      %dma_start3A_67 = tpu.memref_slice %arg12[%dma_start3A_66] : memref<160xi32, #tpu.memory_space<vmem>> -> memref<128xi32, #tpu.memory_space<vmem>>
      tpu.enqueue_dma source(%dma_start3A_67 : memref<128xi32, #tpu.memory_space<vmem>>) target(%dma_start3A_65 : memref<128xi32, #tpu.memory_space<hbm>>) target_semaphore(%run_scoped3A : memref<!tpu.dma_semaphore, #tpu.memory_space<semaphore_mem>>)
      %dma_wait3A = arith.constant 0 : i32
      %dma_wait3A_68 = tpu.memref_slice %arg12[%dma_wait3A] : memref<160xi32, #tpu.memory_space<vmem>> -> memref<128xi32, #tpu.memory_space<vmem>>
      %dma_wait3A_69 = tpu.memref_slice %arg6[%add3A_33] : memref<5152768xi32, #tpu.memory_space<hbm>> -> memref<128xi32, #tpu.memory_space<hbm>>
      %dma_wait3A_70 = tpu.memref_slice %arg6[%add3A_33] : memref<5152768xi32, #tpu.memory_space<hbm>> -> memref<128xi32, #tpu.memory_space<hbm>>
      %dma_wait3A_71 = arith.constant 0 : i32
      %dma_wait3A_72 = tpu.memref_slice %arg12[%dma_wait3A_71] : memref<160xi32, #tpu.memory_space<vmem>> -> memref<128xi32, #tpu.memory_space<vmem>>
      tpu.wait_dma2 semaphore(%run_scoped3A : memref<!tpu.dma_semaphore, #tpu.memory_space<semaphore_mem>>) src(%dma_wait3A_72 : memref<128xi32, #tpu.memory_space<vmem>>) dst(%dma_wait3A_70 : memref<128xi32, #tpu.memory_space<hbm>>)
      tpu.yield
    }) : () -> ()
    %scan3A_34 = arith.constant 0 : i32
    %scan3A_35 = arith.constant 0 : i32
    %scan3A_36 = arith.constant 8 : i32
    %scan3A_37 = arith.addi %scan3A_35, %scan3A_36 : i32
    %scan3A_38 = arith.constant 1 : i32
    scf.for %scan3A_63 = %scan3A_35 to %scan3A_37 step %scan3A_38  : i32 {
      %mul3A_64 = arith.constant 3 : i32
      %mul3A_65 = arith.muli %scan3A_63, %mul3A_64 : i32
      %add3A_66 = vector.broadcast %mul3A_65 : i32 to vector<16xi32>
      %add3A_67 = arith.addi %and3A_21, %add3A_66 : vector<16xi32>
      %mul3A_68 = arith.constant 16 : i32
      %mul3A_69 = arith.muli %scan3A_63, %mul3A_68 : i32
      %swap3A_70 = arith.index_cast %mul3A_69 : i32 to index
      %swap3A_71 = tpu.vector_load %arg11[%swap3A_70] {strides = array<i32>} : memref<160xi32, #tpu.memory_space<vmem>>, vector<16xi32>,
      tpu.vector_store %arg11[%swap3A_70], %add3A_67 {strides = array<i32>} : memref<160xi32, #tpu.memory_space<vmem>>, vector<16xi32>,
      %broadcast_in_dim3A_72 = arith.constant 639 : i32
      %broadcast_in_dim3A_73 = vector.broadcast %broadcast_in_dim3A_72 : i32 to vector<16xi32>
      %mul3A_74 = arith.constant 16 : i32
      %mul3A_75 = arith.muli %scan3A_63, %mul3A_74 : i32
      %swap3A_76 = arith.index_cast %mul3A_75 : i32 to index
      %swap3A_77 = tpu.vector_load %arg12[%swap3A_76] {strides = array<i32>} : memref<160xi32, #tpu.memory_space<vmem>>, vector<16xi32>,
      tpu.vector_store %arg12[%swap3A_76], %broadcast_in_dim3A_73 {strides = array<i32>} : memref<160xi32, #tpu.memory_space<vmem>>, vector<16xi32>,
    }
    %scan3A_39 = arith.constant 8 : i32
    %add3A_40 = arith.constant 1 : i32
    %add3A_41 = arith.addi %scan3A_11#1, %add3A_40 : i32
    %mul3A_42 = arith.constant 128 : i32
    %mul3A_43 = arith.muli %add3A_41, %mul3A_42 : i32
    %add3A_44 = arith.addi %mul3A_4, %mul3A_43 : i32
    "tpu.region"() ({
      %run_scoped3A = tpu.sem_alloc : memref<!tpu.dma_semaphore, #tpu.memory_space<semaphore_mem>>
      %dma_start3A = arith.constant 0 : i32
      %dma_start3A_63 = tpu.memref_slice %arg11[%dma_start3A] : memref<160xi32, #tpu.memory_space<vmem>> -> memref<128xi32, #tpu.memory_space<vmem>>
      %dma_start3A_64 = tpu.memref_slice %arg5[%add3A_44] : memref<5152768xi32, #tpu.memory_space<hbm>> -> memref<128xi32, #tpu.memory_space<hbm>>
      %dma_start3A_65 = tpu.memref_slice %arg5[%add3A_44] : memref<5152768xi32, #tpu.memory_space<hbm>> -> memref<128xi32, #tpu.memory_space<hbm>>
      %dma_start3A_66 = arith.constant 0 : i32
      %dma_start3A_67 = tpu.memref_slice %arg11[%dma_start3A_66] : memref<160xi32, #tpu.memory_space<vmem>> -> memref<128xi32, #tpu.memory_space<vmem>>
      tpu.enqueue_dma source(%dma_start3A_67 : memref<128xi32, #tpu.memory_space<vmem>>) target(%dma_start3A_65 : memref<128xi32, #tpu.memory_space<hbm>>) target_semaphore(%run_scoped3A : memref<!tpu.dma_semaphore, #tpu.memory_space<semaphore_mem>>)
      %dma_wait3A = arith.constant 0 : i32
      %dma_wait3A_68 = tpu.memref_slice %arg11[%dma_wait3A] : memref<160xi32, #tpu.memory_space<vmem>> -> memref<128xi32, #tpu.memory_space<vmem>>
      %dma_wait3A_69 = tpu.memref_slice %arg5[%add3A_44] : memref<5152768xi32, #tpu.memory_space<hbm>> -> memref<128xi32, #tpu.memory_space<hbm>>
      %dma_wait3A_70 = tpu.memref_slice %arg5[%add3A_44] : memref<5152768xi32, #tpu.memory_space<hbm>> -> memref<128xi32, #tpu.memory_space<hbm>>
      %dma_wait3A_71 = arith.constant 0 : i32
      %dma_wait3A_72 = tpu.memref_slice %arg11[%dma_wait3A_71] : memref<160xi32, #tpu.memory_space<vmem>> -> memref<128xi32, #tpu.memory_space<vmem>>
      tpu.wait_dma2 semaphore(%run_scoped3A : memref<!tpu.dma_semaphore, #tpu.memory_space<semaphore_mem>>) src(%dma_wait3A_72 : memref<128xi32, #tpu.memory_space<vmem>>) dst(%dma_wait3A_70 : memref<128xi32, #tpu.memory_space<hbm>>)
      tpu.yield
    }) : () -> ()
    %add3A_45 = arith.constant 1 : i32
    %add3A_46 = arith.addi %scan3A_11#1, %add3A_45 : i32
    %mul3A_47 = arith.constant 128 : i32
    %mul3A_48 = arith.muli %add3A_46, %mul3A_47 : i32
    %add3A_49 = arith.addi %mul3A_4, %mul3A_48 : i32
    "tpu.region"() ({
      %run_scoped3A = tpu.sem_alloc : memref<!tpu.dma_semaphore, #tpu.memory_space<semaphore_mem>>
      %dma_start3A = arith.constant 0 : i32
      %dma_start3A_63 = tpu.memref_slice %arg12[%dma_start3A] : memref<160xi32, #tpu.memory_space<vmem>> -> memref<128xi32, #tpu.memory_space<vmem>>
      %dma_start3A_64 = tpu.memref_slice %arg6[%add3A_49] : memref<5152768xi32, #tpu.memory_space<hbm>> -> memref<128xi32, #tpu.memory_space<hbm>>
      %dma_start3A_65 = tpu.memref_slice %arg6[%add3A_49] : memref<5152768xi32, #tpu.memory_space<hbm>> -> memref<128xi32, #tpu.memory_space<hbm>>
      %dma_start3A_66 = arith.constant 0 : i32
      %dma_start3A_67 = tpu.memref_slice %arg12[%dma_start3A_66] : memref<160xi32, #tpu.memory_space<vmem>> -> memref<128xi32, #tpu.memory_space<vmem>>
      tpu.enqueue_dma source(%dma_start3A_67 : memref<128xi32, #tpu.memory_space<vmem>>) target(%dma_start3A_65 : memref<128xi32, #tpu.memory_space<hbm>>) target_semaphore(%run_scoped3A : memref<!tpu.dma_semaphore, #tpu.memory_space<semaphore_mem>>)
      %dma_wait3A = arith.constant 0 : i32
      %dma_wait3A_68 = tpu.memref_slice %arg12[%dma_wait3A] : memref<160xi32, #tpu.memory_space<vmem>> -> memref<128xi32, #tpu.memory_space<vmem>>
      %dma_wait3A_69 = tpu.memref_slice %arg6[%add3A_49] : memref<5152768xi32, #tpu.memory_space<hbm>> -> memref<128xi32, #tpu.memory_space<hbm>>
      %dma_wait3A_70 = tpu.memref_slice %arg6[%add3A_49] : memref<5152768xi32, #tpu.memory_space<hbm>> -> memref<128xi32, #tpu.memory_space<hbm>>
      %dma_wait3A_71 = arith.constant 0 : i32
      %dma_wait3A_72 = tpu.memref_slice %arg12[%dma_wait3A_71] : memref<160xi32, #tpu.memory_space<vmem>> -> memref<128xi32, #tpu.memory_space<vmem>>
      tpu.wait_dma2 semaphore(%run_scoped3A : memref<!tpu.dma_semaphore, #tpu.memory_space<semaphore_mem>>) src(%dma_wait3A_72 : memref<128xi32, #tpu.memory_space<vmem>>) dst(%dma_wait3A_70 : memref<128xi32, #tpu.memory_space<hbm>>)
      tpu.yield
    }) : () -> ()
    %gt3A = arith.constant 0 : i32
    %gt3A_50 = arith.cmpi sgt, %scan3A_11#0, %gt3A : i32
    %jit3A = arith.constant 1 : i32
    %jit3A_51 = arith.constant 0 : i32
    %select_n3A = arith.select %gt3A_50, %jit3A, %jit3A_51 : i32
    %add3A_52 = arith.addi %scan3A_11#1, %select_n3A : i32
    %and3A_53 = arith.constant 1 : i32
    %and3A_54 = arith.andi %add3A_52, %and3A_53 : i32
    %add3A_55 = arith.addi %add3A_52, %and3A_54 : i32
    %broadcast_in_dim3A_56 = vector.broadcast %add3A_55 : i32 to vector<16xi32>
    %swap3A = arith.constant 0 : index
    %swap3A_57 = tpu.vector_load %arg11[%swap3A] {strides = array<i32>} : memref<160xi32, #tpu.memory_space<vmem>>, vector<16xi32>,
    tpu.vector_store %arg11[%swap3A], %broadcast_in_dim3A_56 {strides = array<i32>} : memref<160xi32, #tpu.memory_space<vmem>>, vector<16xi32>,
    %mul3A_58 = arith.constant 16 : i32
    %mul3A_59 = arith.muli %add3A, %mul3A_58 : i32
    "tpu.region"() ({
      %run_scoped3A = tpu.sem_alloc : memref<!tpu.dma_semaphore, #tpu.memory_space<semaphore_mem>>
      %dma_start3A = arith.constant 0 : i32
      %dma_start3A_63 = tpu.memref_slice %arg11[%dma_start3A] : memref<160xi32, #tpu.memory_space<vmem>> -> memref<16xi32, #tpu.memory_space<vmem>>
      %dma_start3A_64 = tpu.memref_slice %arg7[%mul3A_59] : memref<512xi32, #tpu.memory_space<hbm>> -> memref<16xi32, #tpu.memory_space<hbm>>
      %dma_start3A_65 = tpu.memref_slice %arg7[%mul3A_59] : memref<512xi32, #tpu.memory_space<hbm>> -> memref<16xi32, #tpu.memory_space<hbm>>
      %dma_start3A_66 = arith.constant 0 : i32
      %dma_start3A_67 = tpu.memref_slice %arg11[%dma_start3A_66] : memref<160xi32, #tpu.memory_space<vmem>> -> memref<16xi32, #tpu.memory_space<vmem>>
      tpu.enqueue_dma source(%dma_start3A_67 : memref<16xi32, #tpu.memory_space<vmem>>) target(%dma_start3A_65 : memref<16xi32, #tpu.memory_space<hbm>>) target_semaphore(%run_scoped3A : memref<!tpu.dma_semaphore, #tpu.memory_space<semaphore_mem>>)
      %dma_wait3A = arith.constant 0 : i32
      %dma_wait3A_68 = tpu.memref_slice %arg11[%dma_wait3A] : memref<160xi32, #tpu.memory_space<vmem>> -> memref<16xi32, #tpu.memory_space<vmem>>
      %dma_wait3A_69 = tpu.memref_slice %arg7[%mul3A_59] : memref<512xi32, #tpu.memory_space<hbm>> -> memref<16xi32, #tpu.memory_space<hbm>>
      %dma_wait3A_70 = tpu.memref_slice %arg7[%mul3A_59] : memref<512xi32, #tpu.memory_space<hbm>> -> memref<16xi32, #tpu.memory_space<hbm>>
      %dma_wait3A_71 = arith.constant 0 : i32
      %dma_wait3A_72 = tpu.memref_slice %arg11[%dma_wait3A_71] : memref<160xi32, #tpu.memory_space<vmem>> -> memref<16xi32, #tpu.memory_space<vmem>>
      tpu.wait_dma2 semaphore(%run_scoped3A : memref<!tpu.dma_semaphore, #tpu.memory_space<semaphore_mem>>) src(%dma_wait3A_72 : memref<16xi32, #tpu.memory_space<vmem>>) dst(%dma_wait3A_70 : memref<16xi32, #tpu.memory_space<hbm>>)
      tpu.yield
    }) : () -> ()
    %mul3A_60 = arith.constant 10112 : i32
    %mul3A_61 = arith.muli %arg0, %mul3A_60 : i32
    %add3A_62 = arith.addi %mul3A_61, %mul3A_2 : i32
    "tpu.region"() ({
      %run_scoped3A = tpu.sem_alloc : memref<!tpu.dma_semaphore, #tpu.memory_space<semaphore_mem>>
      %dma_start3A = arith.constant 0 : i32
      %dma_start3A_63 = tpu.memref_slice %arg13[%dma_start3A] : memref<640xf32, #tpu.memory_space<vmem>> -> memref<632xf32, #tpu.memory_space<vmem>>
      %dma_start3A_64 = tpu.memref_slice %arg8[%add3A_62] : memref<20224xf32, #tpu.memory_space<hbm>> -> memref<632xf32, #tpu.memory_space<hbm>>
      %dma_start3A_65 = tpu.memref_slice %arg8[%add3A_62] : memref<20224xf32, #tpu.memory_space<hbm>> -> memref<632xf32, #tpu.memory_space<hbm>>
      %dma_start3A_66 = arith.constant 0 : i32
      %dma_start3A_67 = tpu.memref_slice %arg13[%dma_start3A_66] : memref<640xf32, #tpu.memory_space<vmem>> -> memref<632xf32, #tpu.memory_space<vmem>>
      tpu.enqueue_dma source(%dma_start3A_67 : memref<632xf32, #tpu.memory_space<vmem>>) target(%dma_start3A_65 : memref<632xf32, #tpu.memory_space<hbm>>) target_semaphore(%run_scoped3A : memref<!tpu.dma_semaphore, #tpu.memory_space<semaphore_mem>>)
      %dma_wait3A = arith.constant 0 : i32
      %dma_wait3A_68 = tpu.memref_slice %arg13[%dma_wait3A] : memref<640xf32, #tpu.memory_space<vmem>> -> memref<632xf32, #tpu.memory_space<vmem>>
      %dma_wait3A_69 = tpu.memref_slice %arg8[%add3A_62] : memref<20224xf32, #tpu.memory_space<hbm>> -> memref<632xf32, #tpu.memory_space<hbm>>
      %dma_wait3A_70 = tpu.memref_slice %arg8[%add3A_62] : memref<20224xf32, #tpu.memory_space<hbm>> -> memref<632xf32, #tpu.memory_space<hbm>>
      %dma_wait3A_71 = arith.constant 0 : i32
      %dma_wait3A_72 = tpu.memref_slice %arg13[%dma_wait3A_71] : memref<640xf32, #tpu.memory_space<vmem>> -> memref<632xf32, #tpu.memory_space<vmem>>
      tpu.wait_dma2 semaphore(%run_scoped3A : memref<!tpu.dma_semaphore, #tpu.memory_space<semaphore_mem>>) src(%dma_wait3A_72 : memref<632xf32, #tpu.memory_space<vmem>>) dst(%dma_wait3A_70 : memref<632xf32, #tpu.memory_space<hbm>>)
      tpu.yield
    }) : () -> ()
    return
  }
}

#map = affine_map<(d0, d1) -> (0, 0)>
#map1 = affine_map<(d0, d1) -> (0)>
module attributes {stable_mosaic.version = 14 : i64} {
  func.func @agg_kernel(%arg0: i32, %arg1: i32, %arg2: memref<10112x128xf32, #tpu.memory_space<hbm>>, %arg3: memref<5152768xi32, #tpu.memory_space<hbm>>, %arg4: memref<5152768xi32, #tpu.memory_space<hbm>>, %arg5: memref<512xi32, #tpu.memory_space<hbm>>, %arg6: memref<640x64xf32, #tpu.memory_space<hbm>>, %arg7: memref<20224x64xf32, #tpu.memory_space<hbm>>, %arg8: memref<128xi32, #tpu.memory_space<vmem>>, %arg9: memref<128xi32, #tpu.memory_space<vmem>>, %arg10: memref<128x128xf32, #tpu.memory_space<vmem>>, %arg11: memref<16xi32, #tpu.memory_space<vmem>>, %arg12: memref<640x64xf32, #tpu.memory_space<vmem>>, %arg13: memref<!tpu.dma_semaphore, #tpu.memory_space<semaphore_mem>>) attributes {dimension_semantics = [#tpu.dimension_semantics<core_parallel>, #tpu.dimension_semantics<subcore_parallel>], iteration_bounds = array<i64: 2, 16>, scalar_prefetch = 0 : i64, scratch_operands = 6 : i64, tpu.core_type = #tpu.core_type<sc_vector_subcore>, window_params = [{transform_indices = #map}, {transform_indices = #map1}, {transform_indices = #map1}, {transform_indices = #map1}, {transform_indices = #map}, {transform_indices = #map}]} {
    %mul3A = arith.constant 16 : i32
    %mul3A_0 = arith.muli %arg0, %mul3A : i32
    %add3A = arith.addi %mul3A_0, %arg1 : i32
    %mul3A_1 = arith.constant 161024 : i32
    %mul3A_2 = arith.muli %add3A, %mul3A_1 : i32
    "tpu.region"() ({
      %run_scoped3A = tpu.sem_alloc : memref<!tpu.dma_semaphore, #tpu.memory_space<semaphore_mem>>
      tpu.enqueue_dma source(%arg6 : memref<640x64xf32, #tpu.memory_space<hbm>>) target(%arg12 : memref<640x64xf32, #tpu.memory_space<vmem>>) target_semaphore(%run_scoped3A : memref<!tpu.dma_semaphore, #tpu.memory_space<semaphore_mem>>)
      tpu.wait_dma2 semaphore(%run_scoped3A : memref<!tpu.dma_semaphore, #tpu.memory_space<semaphore_mem>>) src(%arg6 : memref<640x64xf32, #tpu.memory_space<hbm>>) dst(%arg12 : memref<640x64xf32, #tpu.memory_space<vmem>>)
      tpu.yield
    }) : () -> ()
    %mul3A_3 = arith.constant 16 : i32
    %mul3A_4 = arith.muli %add3A, %mul3A_3 : i32
    "tpu.region"() ({
      %run_scoped3A = tpu.sem_alloc : memref<!tpu.dma_semaphore, #tpu.memory_space<semaphore_mem>>
      %dma_start3A = tpu.memref_slice %arg5[%mul3A_4] : memref<512xi32, #tpu.memory_space<hbm>> -> memref<16xi32, #tpu.memory_space<hbm>>
      %dma_start3A_20 = tpu.memref_slice %arg5[%mul3A_4] : memref<512xi32, #tpu.memory_space<hbm>> -> memref<16xi32, #tpu.memory_space<hbm>>
      tpu.enqueue_dma source(%dma_start3A_20 : memref<16xi32, #tpu.memory_space<hbm>>) target(%arg11 : memref<16xi32, #tpu.memory_space<vmem>>) target_semaphore(%run_scoped3A : memref<!tpu.dma_semaphore, #tpu.memory_space<semaphore_mem>>)
      %dma_wait3A = tpu.memref_slice %arg5[%mul3A_4] : memref<512xi32, #tpu.memory_space<hbm>> -> memref<16xi32, #tpu.memory_space<hbm>>
      %dma_wait3A_21 = tpu.memref_slice %arg5[%mul3A_4] : memref<512xi32, #tpu.memory_space<hbm>> -> memref<16xi32, #tpu.memory_space<hbm>>
      tpu.wait_dma2 semaphore(%run_scoped3A : memref<!tpu.dma_semaphore, #tpu.memory_space<semaphore_mem>>) src(%dma_wait3A_21 : memref<16xi32, #tpu.memory_space<hbm>>) dst(%arg11 : memref<16xi32, #tpu.memory_space<vmem>>)
      tpu.yield
    }) : () -> ()
    %get3A = arith.constant 0 : index
    %get3A_5 = tpu.vector_load %arg11[%get3A] {strides = array<i32>} : memref<16xi32, #tpu.memory_space<vmem>>, vector<16xi32>,
    %slice3A = vector.extract_strided_slice %get3A_5 {offsets = [0], sizes = [1], strides = [1]} : vector<16xi32> to vector<1xi32>
    %squeeze3A = vector.extract %slice3A[0] : i32 from vector<1xi32>
    %iota3A = tpu.iota {dimensions = array<i32: 0>} : vector<16xi32>
    %while3A = arith.constant 0 : i32
    %while3A_6 = arith.constant 0 : i32
    %while3A_7 = arith.subi %squeeze3A, %while3A_6 : i32
    %while3A_8 = arith.addi %while3A_6, %while3A_7 : i32
    %while3A_9 = arith.constant 1 : i32
    %while3A_10 = arith.divsi %while3A_7, %while3A_9 : i32
    %while3A_11 = arith.muli %while3A_10, %while3A_9 : i32
    %while3A_12 = arith.addi %while3A_6, %while3A_11 : i32
    %while3A_13 = arith.constant 1 : i32
    scf.for %while3A_20 = %while3A_6 to %while3A_12 step %while3A_13  : i32 {
      %mul3A_21 = arith.constant 128 : i32
      %mul3A_22 = arith.muli %while3A_20, %mul3A_21 : i32
      %add3A_23 = arith.addi %mul3A_2, %mul3A_22 : i32
      "tpu.region"() ({
        %run_scoped3A = tpu.sem_alloc : memref<!tpu.dma_semaphore, #tpu.memory_space<semaphore_mem>>
        %dma_start3A_33 = tpu.memref_slice %arg3[%add3A_23] : memref<5152768xi32, #tpu.memory_space<hbm>> -> memref<128xi32, #tpu.memory_space<hbm>>
        %dma_start3A_34 = tpu.memref_slice %arg3[%add3A_23] : memref<5152768xi32, #tpu.memory_space<hbm>> -> memref<128xi32, #tpu.memory_space<hbm>>
        tpu.enqueue_dma source(%dma_start3A_34 : memref<128xi32, #tpu.memory_space<hbm>>) target(%arg8 : memref<128xi32, #tpu.memory_space<vmem>>) target_semaphore(%run_scoped3A : memref<!tpu.dma_semaphore, #tpu.memory_space<semaphore_mem>>)
        %dma_wait3A_35 = tpu.memref_slice %arg3[%add3A_23] : memref<5152768xi32, #tpu.memory_space<hbm>> -> memref<128xi32, #tpu.memory_space<hbm>>
        %dma_wait3A_36 = tpu.memref_slice %arg3[%add3A_23] : memref<5152768xi32, #tpu.memory_space<hbm>> -> memref<128xi32, #tpu.memory_space<hbm>>
        tpu.wait_dma2 semaphore(%run_scoped3A : memref<!tpu.dma_semaphore, #tpu.memory_space<semaphore_mem>>) src(%dma_wait3A_36 : memref<128xi32, #tpu.memory_space<hbm>>) dst(%arg8 : memref<128xi32, #tpu.memory_space<vmem>>)
        tpu.yield
      }) : () -> ()
      "tpu.region"() ({
        %run_scoped3A = tpu.sem_alloc : memref<!tpu.dma_semaphore, #tpu.memory_space<semaphore_mem>>
        %dma_start3A_33 = tpu.memref_slice %arg4[%add3A_23] : memref<5152768xi32, #tpu.memory_space<hbm>> -> memref<128xi32, #tpu.memory_space<hbm>>
        %dma_start3A_34 = tpu.memref_slice %arg4[%add3A_23] : memref<5152768xi32, #tpu.memory_space<hbm>> -> memref<128xi32, #tpu.memory_space<hbm>>
        tpu.enqueue_dma source(%dma_start3A_34 : memref<128xi32, #tpu.memory_space<hbm>>) target(%arg9 : memref<128xi32, #tpu.memory_space<vmem>>) target_semaphore(%run_scoped3A : memref<!tpu.dma_semaphore, #tpu.memory_space<semaphore_mem>>)
        %dma_wait3A_35 = tpu.memref_slice %arg4[%add3A_23] : memref<5152768xi32, #tpu.memory_space<hbm>> -> memref<128xi32, #tpu.memory_space<hbm>>
        %dma_wait3A_36 = tpu.memref_slice %arg4[%add3A_23] : memref<5152768xi32, #tpu.memory_space<hbm>> -> memref<128xi32, #tpu.memory_space<hbm>>
        tpu.wait_dma2 semaphore(%run_scoped3A : memref<!tpu.dma_semaphore, #tpu.memory_space<semaphore_mem>>) src(%dma_wait3A_36 : memref<128xi32, #tpu.memory_space<hbm>>) dst(%arg9 : memref<128xi32, #tpu.memory_space<vmem>>)
        tpu.yield
      }) : () -> ()
      %dma_start3A = arith.constant 0 : i32
      %dma_start3A_24 = arith.constant 0 : i32
      %dma_start3A_25 = tpu.memref_slice %arg2[%dma_start3A, %dma_start3A_24] : memref<10112x128xf32, #tpu.memory_space<hbm>> -> memref<10112x128xf32, #tpu.memory_space<hbm>>
      tpu.enqueue_indirect_dma source(%dma_start3A_25 : memref<10112x128xf32, #tpu.memory_space<hbm>>) target(%arg10 : memref<128x128xf32, #tpu.memory_space<vmem>>) offsets(%arg8 : memref<128xi32, #tpu.memory_space<vmem>>) semaphore(%arg13 : memref<!tpu.dma_semaphore, #tpu.memory_space<semaphore_mem>>)
      %dma_wait3A = arith.constant 0 : i32
      %dma_wait3A_26 = arith.constant 0 : i32
      %dma_wait3A_27 = tpu.memref_slice %arg2[%dma_wait3A, %dma_wait3A_26] : memref<10112x128xf32, #tpu.memory_space<hbm>> -> memref<10112x128xf32, #tpu.memory_space<hbm>>
      tpu.wait_indirect_dma semaphore(%arg13 : memref<!tpu.dma_semaphore, #tpu.memory_space<semaphore_mem>>) src(%dma_wait3A_27 : memref<10112x128xf32, #tpu.memory_space<hbm>>) dst(%arg10 : memref<128x128xf32, #tpu.memory_space<vmem>>)
      %scan3A = arith.constant 0 : i32
      %scan3A_28 = arith.constant 0 : i32
      %scan3A_29 = arith.constant 8 : i32
      %scan3A_30 = arith.addi %scan3A_28, %scan3A_29 : i32
      %scan3A_31 = arith.constant 1 : i32
      scf.for %scan3A_33 = %scan3A_28 to %scan3A_30 step %scan3A_31  : i32 {
        %mul3A_34 = arith.constant 16 : i32
        %mul3A_35 = arith.muli %scan3A_33, %mul3A_34 : i32
        %add3A_36 = vector.broadcast %mul3A_35 : i32 to vector<16xi32>
        %add3A_37 = arith.addi %add3A_36, %iota3A : vector<16xi32>
        %mul3A_38 = arith.constant 16 : i32
        %mul3A_39 = arith.muli %scan3A_33, %mul3A_38 : i32
        %get3A_40 = arith.index_cast %mul3A_39 : i32 to index
        %get3A_41 = tpu.vector_load %arg9[%get3A_40] {strides = array<i32>} : memref<128xi32, #tpu.memory_space<vmem>>, vector<16xi32>,
        %add3A_42 = arith.constant 0 : i32
        %add3A_43 = vector.broadcast %add3A_42 : i32 to vector<16xi32>
        %add3A_44 = arith.addi %iota3A, %add3A_43 : vector<16xi32>
        %and3A = arith.constant 63 : i32
        %and3A_45 = vector.broadcast %and3A : i32 to vector<16xi32>
        %and3A_46 = arith.andi %add3A_44, %and3A_45 : vector<16xi32>
        %gather3A = tpu.vector_load_idx %arg10[%add3A_37, %and3A_46] : memref<128x128xf32, #tpu.memory_space<vmem>>[vector<16xi32>, vector<16xi32>], vector<16xf32>,
        tpu.vector_store_idx %arg12[%get3A_41, %and3A_46], %gather3A {add = true} : memref<640x64xf32, #tpu.memory_space<vmem>>[vector<16xi32>, vector<16xi32>], vector<16xf32>,
        %add3A_47 = arith.constant 1 : i32
        %add3A_48 = vector.broadcast %add3A_47 : i32 to vector<16xi32>
        %add3A_49 = arith.addi %iota3A, %add3A_48 : vector<16xi32>
        %and3A_50 = arith.constant 63 : i32
        %and3A_51 = vector.broadcast %and3A_50 : i32 to vector<16xi32>
        %and3A_52 = arith.andi %add3A_49, %and3A_51 : vector<16xi32>
        %gather3A_53 = tpu.vector_load_idx %arg10[%add3A_37, %and3A_52] : memref<128x128xf32, #tpu.memory_space<vmem>>[vector<16xi32>, vector<16xi32>], vector<16xf32>,
        tpu.vector_store_idx %arg12[%get3A_41, %and3A_52], %gather3A_53 {add = true} : memref<640x64xf32, #tpu.memory_space<vmem>>[vector<16xi32>, vector<16xi32>], vector<16xf32>,
        %add3A_54 = arith.constant 2 : i32
        %add3A_55 = vector.broadcast %add3A_54 : i32 to vector<16xi32>
        %add3A_56 = arith.addi %iota3A, %add3A_55 : vector<16xi32>
        %and3A_57 = arith.constant 63 : i32
        %and3A_58 = vector.broadcast %and3A_57 : i32 to vector<16xi32>
        %and3A_59 = arith.andi %add3A_56, %and3A_58 : vector<16xi32>
        %gather3A_60 = tpu.vector_load_idx %arg10[%add3A_37, %and3A_59] : memref<128x128xf32, #tpu.memory_space<vmem>>[vector<16xi32>, vector<16xi32>], vector<16xf32>,
        tpu.vector_store_idx %arg12[%get3A_41, %and3A_59], %gather3A_60 {add = true} : memref<640x64xf32, #tpu.memory_space<vmem>>[vector<16xi32>, vector<16xi32>], vector<16xf32>,
        %add3A_61 = arith.constant 3 : i32
        %add3A_62 = vector.broadcast %add3A_61 : i32 to vector<16xi32>
        %add3A_63 = arith.addi %iota3A, %add3A_62 : vector<16xi32>
        %and3A_64 = arith.constant 63 : i32
        %and3A_65 = vector.broadcast %and3A_64 : i32 to vector<16xi32>
        %and3A_66 = arith.andi %add3A_63, %and3A_65 : vector<16xi32>
        %gather3A_67 = tpu.vector_load_idx %arg10[%add3A_37, %and3A_66] : memref<128x128xf32, #tpu.memory_space<vmem>>[vector<16xi32>, vector<16xi32>], vector<16xf32>,
        tpu.vector_store_idx %arg12[%get3A_41, %and3A_66], %gather3A_67 {add = true} : memref<640x64xf32, #tpu.memory_space<vmem>>[vector<16xi32>, vector<16xi32>], vector<16xf32>,
        %add3A_68 = arith.constant 4 : i32
        %add3A_69 = vector.broadcast %add3A_68 : i32 to vector<16xi32>
        %add3A_70 = arith.addi %iota3A, %add3A_69 : vector<16xi32>
        %and3A_71 = arith.constant 63 : i32
        %and3A_72 = vector.broadcast %and3A_71 : i32 to vector<16xi32>
        %and3A_73 = arith.andi %add3A_70, %and3A_72 : vector<16xi32>
        %gather3A_74 = tpu.vector_load_idx %arg10[%add3A_37, %and3A_73] : memref<128x128xf32, #tpu.memory_space<vmem>>[vector<16xi32>, vector<16xi32>], vector<16xf32>,
        tpu.vector_store_idx %arg12[%get3A_41, %and3A_73], %gather3A_74 {add = true} : memref<640x64xf32, #tpu.memory_space<vmem>>[vector<16xi32>, vector<16xi32>], vector<16xf32>,
        %add3A_75 = arith.constant 5 : i32
        %add3A_76 = vector.broadcast %add3A_75 : i32 to vector<16xi32>
        %add3A_77 = arith.addi %iota3A, %add3A_76 : vector<16xi32>
        %and3A_78 = arith.constant 63 : i32
        %and3A_79 = vector.broadcast %and3A_78 : i32 to vector<16xi32>
        %and3A_80 = arith.andi %add3A_77, %and3A_79 : vector<16xi32>
        %gather3A_81 = tpu.vector_load_idx %arg10[%add3A_37, %and3A_80] : memref<128x128xf32, #tpu.memory_space<vmem>>[vector<16xi32>, vector<16xi32>], vector<16xf32>,
        tpu.vector_store_idx %arg12[%get3A_41, %and3A_80], %gather3A_81 {add = true} : memref<640x64xf32, #tpu.memory_space<vmem>>[vector<16xi32>, vector<16xi32>], vector<16xf32>,
        %add3A_82 = arith.constant 6 : i32
        %add3A_83 = vector.broadcast %add3A_82 : i32 to vector<16xi32>
        %add3A_84 = arith.addi %iota3A, %add3A_83 : vector<16xi32>
        %and3A_85 = arith.constant 63 : i32
        %and3A_86 = vector.broadcast %and3A_85 : i32 to vector<16xi32>
        %and3A_87 = arith.andi %add3A_84, %and3A_86 : vector<16xi32>
        %gather3A_88 = tpu.vector_load_idx %arg10[%add3A_37, %and3A_87] : memref<128x128xf32, #tpu.memory_space<vmem>>[vector<16xi32>, vector<16xi32>], vector<16xf32>,
        tpu.vector_store_idx %arg12[%get3A_41, %and3A_87], %gather3A_88 {add = true} : memref<640x64xf32, #tpu.memory_space<vmem>>[vector<16xi32>, vector<16xi32>], vector<16xf32>,
        %add3A_89 = arith.constant 7 : i32
        %add3A_90 = vector.broadcast %add3A_89 : i32 to vector<16xi32>
        %add3A_91 = arith.addi %iota3A, %add3A_90 : vector<16xi32>
        %and3A_92 = arith.constant 63 : i32
        %and3A_93 = vector.broadcast %and3A_92 : i32 to vector<16xi32>
        %and3A_94 = arith.andi %add3A_91, %and3A_93 : vector<16xi32>
        %gather3A_95 = tpu.vector_load_idx %arg10[%add3A_37, %and3A_94] : memref<128x128xf32, #tpu.memory_space<vmem>>[vector<16xi32>, vector<16xi32>], vector<16xf32>,
        tpu.vector_store_idx %arg12[%get3A_41, %and3A_94], %gather3A_95 {add = true} : memref<640x64xf32, #tpu.memory_space<vmem>>[vector<16xi32>, vector<16xi32>], vector<16xf32>,
        %add3A_96 = arith.constant 8 : i32
        %add3A_97 = vector.broadcast %add3A_96 : i32 to vector<16xi32>
        %add3A_98 = arith.addi %iota3A, %add3A_97 : vector<16xi32>
        %and3A_99 = arith.constant 63 : i32
        %and3A_100 = vector.broadcast %and3A_99 : i32 to vector<16xi32>
        %and3A_101 = arith.andi %add3A_98, %and3A_100 : vector<16xi32>
        %gather3A_102 = tpu.vector_load_idx %arg10[%add3A_37, %and3A_101] : memref<128x128xf32, #tpu.memory_space<vmem>>[vector<16xi32>, vector<16xi32>], vector<16xf32>,
        tpu.vector_store_idx %arg12[%get3A_41, %and3A_101], %gather3A_102 {add = true} : memref<640x64xf32, #tpu.memory_space<vmem>>[vector<16xi32>, vector<16xi32>], vector<16xf32>,
        %add3A_103 = arith.constant 9 : i32
        %add3A_104 = vector.broadcast %add3A_103 : i32 to vector<16xi32>
        %add3A_105 = arith.addi %iota3A, %add3A_104 : vector<16xi32>
        %and3A_106 = arith.constant 63 : i32
        %and3A_107 = vector.broadcast %and3A_106 : i32 to vector<16xi32>
        %and3A_108 = arith.andi %add3A_105, %and3A_107 : vector<16xi32>
        %gather3A_109 = tpu.vector_load_idx %arg10[%add3A_37, %and3A_108] : memref<128x128xf32, #tpu.memory_space<vmem>>[vector<16xi32>, vector<16xi32>], vector<16xf32>,
        tpu.vector_store_idx %arg12[%get3A_41, %and3A_108], %gather3A_109 {add = true} : memref<640x64xf32, #tpu.memory_space<vmem>>[vector<16xi32>, vector<16xi32>], vector<16xf32>,
        %add3A_110 = arith.constant 10 : i32
        %add3A_111 = vector.broadcast %add3A_110 : i32 to vector<16xi32>
        %add3A_112 = arith.addi %iota3A, %add3A_111 : vector<16xi32>
        %and3A_113 = arith.constant 63 : i32
        %and3A_114 = vector.broadcast %and3A_113 : i32 to vector<16xi32>
        %and3A_115 = arith.andi %add3A_112, %and3A_114 : vector<16xi32>
        %gather3A_116 = tpu.vector_load_idx %arg10[%add3A_37, %and3A_115] : memref<128x128xf32, #tpu.memory_space<vmem>>[vector<16xi32>, vector<16xi32>], vector<16xf32>,
        tpu.vector_store_idx %arg12[%get3A_41, %and3A_115], %gather3A_116 {add = true} : memref<640x64xf32, #tpu.memory_space<vmem>>[vector<16xi32>, vector<16xi32>], vector<16xf32>,
        %add3A_117 = arith.constant 11 : i32
        %add3A_118 = vector.broadcast %add3A_117 : i32 to vector<16xi32>
        %add3A_119 = arith.addi %iota3A, %add3A_118 : vector<16xi32>
        %and3A_120 = arith.constant 63 : i32
        %and3A_121 = vector.broadcast %and3A_120 : i32 to vector<16xi32>
        %and3A_122 = arith.andi %add3A_119, %and3A_121 : vector<16xi32>
        %gather3A_123 = tpu.vector_load_idx %arg10[%add3A_37, %and3A_122] : memref<128x128xf32, #tpu.memory_space<vmem>>[vector<16xi32>, vector<16xi32>], vector<16xf32>,
        tpu.vector_store_idx %arg12[%get3A_41, %and3A_122], %gather3A_123 {add = true} : memref<640x64xf32, #tpu.memory_space<vmem>>[vector<16xi32>, vector<16xi32>], vector<16xf32>,
        %add3A_124 = arith.constant 12 : i32
        %add3A_125 = vector.broadcast %add3A_124 : i32 to vector<16xi32>
        %add3A_126 = arith.addi %iota3A, %add3A_125 : vector<16xi32>
        %and3A_127 = arith.constant 63 : i32
        %and3A_128 = vector.broadcast %and3A_127 : i32 to vector<16xi32>
        %and3A_129 = arith.andi %add3A_126, %and3A_128 : vector<16xi32>
        %gather3A_130 = tpu.vector_load_idx %arg10[%add3A_37, %and3A_129] : memref<128x128xf32, #tpu.memory_space<vmem>>[vector<16xi32>, vector<16xi32>], vector<16xf32>,
        tpu.vector_store_idx %arg12[%get3A_41, %and3A_129], %gather3A_130 {add = true} : memref<640x64xf32, #tpu.memory_space<vmem>>[vector<16xi32>, vector<16xi32>], vector<16xf32>,
        %add3A_131 = arith.constant 13 : i32
        %add3A_132 = vector.broadcast %add3A_131 : i32 to vector<16xi32>
        %add3A_133 = arith.addi %iota3A, %add3A_132 : vector<16xi32>
        %and3A_134 = arith.constant 63 : i32
        %and3A_135 = vector.broadcast %and3A_134 : i32 to vector<16xi32>
        %and3A_136 = arith.andi %add3A_133, %and3A_135 : vector<16xi32>
        %gather3A_137 = tpu.vector_load_idx %arg10[%add3A_37, %and3A_136] : memref<128x128xf32, #tpu.memory_space<vmem>>[vector<16xi32>, vector<16xi32>], vector<16xf32>,
        tpu.vector_store_idx %arg12[%get3A_41, %and3A_136], %gather3A_137 {add = true} : memref<640x64xf32, #tpu.memory_space<vmem>>[vector<16xi32>, vector<16xi32>], vector<16xf32>,
        %add3A_138 = arith.constant 14 : i32
        %add3A_139 = vector.broadcast %add3A_138 : i32 to vector<16xi32>
        %add3A_140 = arith.addi %iota3A, %add3A_139 : vector<16xi32>
        %and3A_141 = arith.constant 63 : i32
        %and3A_142 = vector.broadcast %and3A_141 : i32 to vector<16xi32>
        %and3A_143 = arith.andi %add3A_140, %and3A_142 : vector<16xi32>
        %gather3A_144 = tpu.vector_load_idx %arg10[%add3A_37, %and3A_143] : memref<128x128xf32, #tpu.memory_space<vmem>>[vector<16xi32>, vector<16xi32>], vector<16xf32>,
        tpu.vector_store_idx %arg12[%get3A_41, %and3A_143], %gather3A_144 {add = true} : memref<640x64xf32, #tpu.memory_space<vmem>>[vector<16xi32>, vector<16xi32>], vector<16xf32>,
        %add3A_145 = arith.constant 15 : i32
        %add3A_146 = vector.broadcast %add3A_145 : i32 to vector<16xi32>
        %add3A_147 = arith.addi %iota3A, %add3A_146 : vector<16xi32>
        %and3A_148 = arith.constant 63 : i32
        %and3A_149 = vector.broadcast %and3A_148 : i32 to vector<16xi32>
        %and3A_150 = arith.andi %add3A_147, %and3A_149 : vector<16xi32>
        %gather3A_151 = tpu.vector_load_idx %arg10[%add3A_37, %and3A_150] : memref<128x128xf32, #tpu.memory_space<vmem>>[vector<16xi32>, vector<16xi32>], vector<16xf32>,
        tpu.vector_store_idx %arg12[%get3A_41, %and3A_150], %gather3A_151 {add = true} : memref<640x64xf32, #tpu.memory_space<vmem>>[vector<16xi32>, vector<16xi32>], vector<16xf32>,
        %add3A_152 = arith.constant 16 : i32
        %add3A_153 = vector.broadcast %add3A_152 : i32 to vector<16xi32>
        %add3A_154 = arith.addi %iota3A, %add3A_153 : vector<16xi32>
        %and3A_155 = arith.constant 63 : i32
        %and3A_156 = vector.broadcast %and3A_155 : i32 to vector<16xi32>
        %and3A_157 = arith.andi %add3A_154, %and3A_156 : vector<16xi32>
        %gather3A_158 = tpu.vector_load_idx %arg10[%add3A_37, %and3A_157] : memref<128x128xf32, #tpu.memory_space<vmem>>[vector<16xi32>, vector<16xi32>], vector<16xf32>,
        tpu.vector_store_idx %arg12[%get3A_41, %and3A_157], %gather3A_158 {add = true} : memref<640x64xf32, #tpu.memory_space<vmem>>[vector<16xi32>, vector<16xi32>], vector<16xf32>,
        %add3A_159 = arith.constant 17 : i32
        %add3A_160 = vector.broadcast %add3A_159 : i32 to vector<16xi32>
        %add3A_161 = arith.addi %iota3A, %add3A_160 : vector<16xi32>
        %and3A_162 = arith.constant 63 : i32
        %and3A_163 = vector.broadcast %and3A_162 : i32 to vector<16xi32>
        %and3A_164 = arith.andi %add3A_161, %and3A_163 : vector<16xi32>
        %gather3A_165 = tpu.vector_load_idx %arg10[%add3A_37, %and3A_164] : memref<128x128xf32, #tpu.memory_space<vmem>>[vector<16xi32>, vector<16xi32>], vector<16xf32>,
        tpu.vector_store_idx %arg12[%get3A_41, %and3A_164], %gather3A_165 {add = true} : memref<640x64xf32, #tpu.memory_space<vmem>>[vector<16xi32>, vector<16xi32>], vector<16xf32>,
        %add3A_166 = arith.constant 18 : i32
        %add3A_167 = vector.broadcast %add3A_166 : i32 to vector<16xi32>
        %add3A_168 = arith.addi %iota3A, %add3A_167 : vector<16xi32>
        %and3A_169 = arith.constant 63 : i32
        %and3A_170 = vector.broadcast %and3A_169 : i32 to vector<16xi32>
        %and3A_171 = arith.andi %add3A_168, %and3A_170 : vector<16xi32>
        %gather3A_172 = tpu.vector_load_idx %arg10[%add3A_37, %and3A_171] : memref<128x128xf32, #tpu.memory_space<vmem>>[vector<16xi32>, vector<16xi32>], vector<16xf32>,
        tpu.vector_store_idx %arg12[%get3A_41, %and3A_171], %gather3A_172 {add = true} : memref<640x64xf32, #tpu.memory_space<vmem>>[vector<16xi32>, vector<16xi32>], vector<16xf32>,
        %add3A_173 = arith.constant 19 : i32
        %add3A_174 = vector.broadcast %add3A_173 : i32 to vector<16xi32>
        %add3A_175 = arith.addi %iota3A, %add3A_174 : vector<16xi32>
        %and3A_176 = arith.constant 63 : i32
        %and3A_177 = vector.broadcast %and3A_176 : i32 to vector<16xi32>
        %and3A_178 = arith.andi %add3A_175, %and3A_177 : vector<16xi32>
        %gather3A_179 = tpu.vector_load_idx %arg10[%add3A_37, %and3A_178] : memref<128x128xf32, #tpu.memory_space<vmem>>[vector<16xi32>, vector<16xi32>], vector<16xf32>,
        tpu.vector_store_idx %arg12[%get3A_41, %and3A_178], %gather3A_179 {add = true} : memref<640x64xf32, #tpu.memory_space<vmem>>[vector<16xi32>, vector<16xi32>], vector<16xf32>,
        %add3A_180 = arith.constant 20 : i32
        %add3A_181 = vector.broadcast %add3A_180 : i32 to vector<16xi32>
        %add3A_182 = arith.addi %iota3A, %add3A_181 : vector<16xi32>
        %and3A_183 = arith.constant 63 : i32
        %and3A_184 = vector.broadcast %and3A_183 : i32 to vector<16xi32>
        %and3A_185 = arith.andi %add3A_182, %and3A_184 : vector<16xi32>
        %gather3A_186 = tpu.vector_load_idx %arg10[%add3A_37, %and3A_185] : memref<128x128xf32, #tpu.memory_space<vmem>>[vector<16xi32>, vector<16xi32>], vector<16xf32>,
        tpu.vector_store_idx %arg12[%get3A_41, %and3A_185], %gather3A_186 {add = true} : memref<640x64xf32, #tpu.memory_space<vmem>>[vector<16xi32>, vector<16xi32>], vector<16xf32>,
        %add3A_187 = arith.constant 21 : i32
        %add3A_188 = vector.broadcast %add3A_187 : i32 to vector<16xi32>
        %add3A_189 = arith.addi %iota3A, %add3A_188 : vector<16xi32>
        %and3A_190 = arith.constant 63 : i32
        %and3A_191 = vector.broadcast %and3A_190 : i32 to vector<16xi32>
        %and3A_192 = arith.andi %add3A_189, %and3A_191 : vector<16xi32>
        %gather3A_193 = tpu.vector_load_idx %arg10[%add3A_37, %and3A_192] : memref<128x128xf32, #tpu.memory_space<vmem>>[vector<16xi32>, vector<16xi32>], vector<16xf32>,
        tpu.vector_store_idx %arg12[%get3A_41, %and3A_192], %gather3A_193 {add = true} : memref<640x64xf32, #tpu.memory_space<vmem>>[vector<16xi32>, vector<16xi32>], vector<16xf32>,
        %add3A_194 = arith.constant 22 : i32
        %add3A_195 = vector.broadcast %add3A_194 : i32 to vector<16xi32>
        %add3A_196 = arith.addi %iota3A, %add3A_195 : vector<16xi32>
        %and3A_197 = arith.constant 63 : i32
        %and3A_198 = vector.broadcast %and3A_197 : i32 to vector<16xi32>
        %and3A_199 = arith.andi %add3A_196, %and3A_198 : vector<16xi32>
        %gather3A_200 = tpu.vector_load_idx %arg10[%add3A_37, %and3A_199] : memref<128x128xf32, #tpu.memory_space<vmem>>[vector<16xi32>, vector<16xi32>], vector<16xf32>,
        tpu.vector_store_idx %arg12[%get3A_41, %and3A_199], %gather3A_200 {add = true} : memref<640x64xf32, #tpu.memory_space<vmem>>[vector<16xi32>, vector<16xi32>], vector<16xf32>,
        %add3A_201 = arith.constant 23 : i32
        %add3A_202 = vector.broadcast %add3A_201 : i32 to vector<16xi32>
        %add3A_203 = arith.addi %iota3A, %add3A_202 : vector<16xi32>
        %and3A_204 = arith.constant 63 : i32
        %and3A_205 = vector.broadcast %and3A_204 : i32 to vector<16xi32>
        %and3A_206 = arith.andi %add3A_203, %and3A_205 : vector<16xi32>
        %gather3A_207 = tpu.vector_load_idx %arg10[%add3A_37, %and3A_206] : memref<128x128xf32, #tpu.memory_space<vmem>>[vector<16xi32>, vector<16xi32>], vector<16xf32>,
        tpu.vector_store_idx %arg12[%get3A_41, %and3A_206], %gather3A_207 {add = true} : memref<640x64xf32, #tpu.memory_space<vmem>>[vector<16xi32>, vector<16xi32>], vector<16xf32>,
        %add3A_208 = arith.constant 24 : i32
        %add3A_209 = vector.broadcast %add3A_208 : i32 to vector<16xi32>
        %add3A_210 = arith.addi %iota3A, %add3A_209 : vector<16xi32>
        %and3A_211 = arith.constant 63 : i32
        %and3A_212 = vector.broadcast %and3A_211 : i32 to vector<16xi32>
        %and3A_213 = arith.andi %add3A_210, %and3A_212 : vector<16xi32>
        %gather3A_214 = tpu.vector_load_idx %arg10[%add3A_37, %and3A_213] : memref<128x128xf32, #tpu.memory_space<vmem>>[vector<16xi32>, vector<16xi32>], vector<16xf32>,
        tpu.vector_store_idx %arg12[%get3A_41, %and3A_213], %gather3A_214 {add = true} : memref<640x64xf32, #tpu.memory_space<vmem>>[vector<16xi32>, vector<16xi32>], vector<16xf32>,
        %add3A_215 = arith.constant 25 : i32
        %add3A_216 = vector.broadcast %add3A_215 : i32 to vector<16xi32>
        %add3A_217 = arith.addi %iota3A, %add3A_216 : vector<16xi32>
        %and3A_218 = arith.constant 63 : i32
        %and3A_219 = vector.broadcast %and3A_218 : i32 to vector<16xi32>
        %and3A_220 = arith.andi %add3A_217, %and3A_219 : vector<16xi32>
        %gather3A_221 = tpu.vector_load_idx %arg10[%add3A_37, %and3A_220] : memref<128x128xf32, #tpu.memory_space<vmem>>[vector<16xi32>, vector<16xi32>], vector<16xf32>,
        tpu.vector_store_idx %arg12[%get3A_41, %and3A_220], %gather3A_221 {add = true} : memref<640x64xf32, #tpu.memory_space<vmem>>[vector<16xi32>, vector<16xi32>], vector<16xf32>,
        %add3A_222 = arith.constant 26 : i32
        %add3A_223 = vector.broadcast %add3A_222 : i32 to vector<16xi32>
        %add3A_224 = arith.addi %iota3A, %add3A_223 : vector<16xi32>
        %and3A_225 = arith.constant 63 : i32
        %and3A_226 = vector.broadcast %and3A_225 : i32 to vector<16xi32>
        %and3A_227 = arith.andi %add3A_224, %and3A_226 : vector<16xi32>
        %gather3A_228 = tpu.vector_load_idx %arg10[%add3A_37, %and3A_227] : memref<128x128xf32, #tpu.memory_space<vmem>>[vector<16xi32>, vector<16xi32>], vector<16xf32>,
        tpu.vector_store_idx %arg12[%get3A_41, %and3A_227], %gather3A_228 {add = true} : memref<640x64xf32, #tpu.memory_space<vmem>>[vector<16xi32>, vector<16xi32>], vector<16xf32>,
        %add3A_229 = arith.constant 27 : i32
        %add3A_230 = vector.broadcast %add3A_229 : i32 to vector<16xi32>
        %add3A_231 = arith.addi %iota3A, %add3A_230 : vector<16xi32>
        %and3A_232 = arith.constant 63 : i32
        %and3A_233 = vector.broadcast %and3A_232 : i32 to vector<16xi32>
        %and3A_234 = arith.andi %add3A_231, %and3A_233 : vector<16xi32>
        %gather3A_235 = tpu.vector_load_idx %arg10[%add3A_37, %and3A_234] : memref<128x128xf32, #tpu.memory_space<vmem>>[vector<16xi32>, vector<16xi32>], vector<16xf32>,
        tpu.vector_store_idx %arg12[%get3A_41, %and3A_234], %gather3A_235 {add = true} : memref<640x64xf32, #tpu.memory_space<vmem>>[vector<16xi32>, vector<16xi32>], vector<16xf32>,
        %add3A_236 = arith.constant 28 : i32
        %add3A_237 = vector.broadcast %add3A_236 : i32 to vector<16xi32>
        %add3A_238 = arith.addi %iota3A, %add3A_237 : vector<16xi32>
        %and3A_239 = arith.constant 63 : i32
        %and3A_240 = vector.broadcast %and3A_239 : i32 to vector<16xi32>
        %and3A_241 = arith.andi %add3A_238, %and3A_240 : vector<16xi32>
        %gather3A_242 = tpu.vector_load_idx %arg10[%add3A_37, %and3A_241] : memref<128x128xf32, #tpu.memory_space<vmem>>[vector<16xi32>, vector<16xi32>], vector<16xf32>,
        tpu.vector_store_idx %arg12[%get3A_41, %and3A_241], %gather3A_242 {add = true} : memref<640x64xf32, #tpu.memory_space<vmem>>[vector<16xi32>, vector<16xi32>], vector<16xf32>,
        %add3A_243 = arith.constant 29 : i32
        %add3A_244 = vector.broadcast %add3A_243 : i32 to vector<16xi32>
        %add3A_245 = arith.addi %iota3A, %add3A_244 : vector<16xi32>
        %and3A_246 = arith.constant 63 : i32
        %and3A_247 = vector.broadcast %and3A_246 : i32 to vector<16xi32>
        %and3A_248 = arith.andi %add3A_245, %and3A_247 : vector<16xi32>
        %gather3A_249 = tpu.vector_load_idx %arg10[%add3A_37, %and3A_248] : memref<128x128xf32, #tpu.memory_space<vmem>>[vector<16xi32>, vector<16xi32>], vector<16xf32>,
        tpu.vector_store_idx %arg12[%get3A_41, %and3A_248], %gather3A_249 {add = true} : memref<640x64xf32, #tpu.memory_space<vmem>>[vector<16xi32>, vector<16xi32>], vector<16xf32>,
        %add3A_250 = arith.constant 30 : i32
        %add3A_251 = vector.broadcast %add3A_250 : i32 to vector<16xi32>
        %add3A_252 = arith.addi %iota3A, %add3A_251 : vector<16xi32>
        %and3A_253 = arith.constant 63 : i32
        %and3A_254 = vector.broadcast %and3A_253 : i32 to vector<16xi32>
        %and3A_255 = arith.andi %add3A_252, %and3A_254 : vector<16xi32>
        %gather3A_256 = tpu.vector_load_idx %arg10[%add3A_37, %and3A_255] : memref<128x128xf32, #tpu.memory_space<vmem>>[vector<16xi32>, vector<16xi32>], vector<16xf32>,
        tpu.vector_store_idx %arg12[%get3A_41, %and3A_255], %gather3A_256 {add = true} : memref<640x64xf32, #tpu.memory_space<vmem>>[vector<16xi32>, vector<16xi32>], vector<16xf32>,
        %add3A_257 = arith.constant 31 : i32
        %add3A_258 = vector.broadcast %add3A_257 : i32 to vector<16xi32>
        %add3A_259 = arith.addi %iota3A, %add3A_258 : vector<16xi32>
        %and3A_260 = arith.constant 63 : i32
        %and3A_261 = vector.broadcast %and3A_260 : i32 to vector<16xi32>
        %and3A_262 = arith.andi %add3A_259, %and3A_261 : vector<16xi32>
        %gather3A_263 = tpu.vector_load_idx %arg10[%add3A_37, %and3A_262] : memref<128x128xf32, #tpu.memory_space<vmem>>[vector<16xi32>, vector<16xi32>], vector<16xf32>,
        tpu.vector_store_idx %arg12[%get3A_41, %and3A_262], %gather3A_263 {add = true} : memref<640x64xf32, #tpu.memory_space<vmem>>[vector<16xi32>, vector<16xi32>], vector<16xf32>,
        %add3A_264 = arith.constant 32 : i32
        %add3A_265 = vector.broadcast %add3A_264 : i32 to vector<16xi32>
        %add3A_266 = arith.addi %iota3A, %add3A_265 : vector<16xi32>
        %and3A_267 = arith.constant 63 : i32
        %and3A_268 = vector.broadcast %and3A_267 : i32 to vector<16xi32>
        %and3A_269 = arith.andi %add3A_266, %and3A_268 : vector<16xi32>
        %gather3A_270 = tpu.vector_load_idx %arg10[%add3A_37, %and3A_269] : memref<128x128xf32, #tpu.memory_space<vmem>>[vector<16xi32>, vector<16xi32>], vector<16xf32>,
        tpu.vector_store_idx %arg12[%get3A_41, %and3A_269], %gather3A_270 {add = true} : memref<640x64xf32, #tpu.memory_space<vmem>>[vector<16xi32>, vector<16xi32>], vector<16xf32>,
        %add3A_271 = arith.constant 33 : i32
        %add3A_272 = vector.broadcast %add3A_271 : i32 to vector<16xi32>
        %add3A_273 = arith.addi %iota3A, %add3A_272 : vector<16xi32>
        %and3A_274 = arith.constant 63 : i32
        %and3A_275 = vector.broadcast %and3A_274 : i32 to vector<16xi32>
        %and3A_276 = arith.andi %add3A_273, %and3A_275 : vector<16xi32>
        %gather3A_277 = tpu.vector_load_idx %arg10[%add3A_37, %and3A_276] : memref<128x128xf32, #tpu.memory_space<vmem>>[vector<16xi32>, vector<16xi32>], vector<16xf32>,
        tpu.vector_store_idx %arg12[%get3A_41, %and3A_276], %gather3A_277 {add = true} : memref<640x64xf32, #tpu.memory_space<vmem>>[vector<16xi32>, vector<16xi32>], vector<16xf32>,
        %add3A_278 = arith.constant 34 : i32
        %add3A_279 = vector.broadcast %add3A_278 : i32 to vector<16xi32>
        %add3A_280 = arith.addi %iota3A, %add3A_279 : vector<16xi32>
        %and3A_281 = arith.constant 63 : i32
        %and3A_282 = vector.broadcast %and3A_281 : i32 to vector<16xi32>
        %and3A_283 = arith.andi %add3A_280, %and3A_282 : vector<16xi32>
        %gather3A_284 = tpu.vector_load_idx %arg10[%add3A_37, %and3A_283] : memref<128x128xf32, #tpu.memory_space<vmem>>[vector<16xi32>, vector<16xi32>], vector<16xf32>,
        tpu.vector_store_idx %arg12[%get3A_41, %and3A_283], %gather3A_284 {add = true} : memref<640x64xf32, #tpu.memory_space<vmem>>[vector<16xi32>, vector<16xi32>], vector<16xf32>,
        %add3A_285 = arith.constant 35 : i32
        %add3A_286 = vector.broadcast %add3A_285 : i32 to vector<16xi32>
        %add3A_287 = arith.addi %iota3A, %add3A_286 : vector<16xi32>
        %and3A_288 = arith.constant 63 : i32
        %and3A_289 = vector.broadcast %and3A_288 : i32 to vector<16xi32>
        %and3A_290 = arith.andi %add3A_287, %and3A_289 : vector<16xi32>
        %gather3A_291 = tpu.vector_load_idx %arg10[%add3A_37, %and3A_290] : memref<128x128xf32, #tpu.memory_space<vmem>>[vector<16xi32>, vector<16xi32>], vector<16xf32>,
        tpu.vector_store_idx %arg12[%get3A_41, %and3A_290], %gather3A_291 {add = true} : memref<640x64xf32, #tpu.memory_space<vmem>>[vector<16xi32>, vector<16xi32>], vector<16xf32>,
        %add3A_292 = arith.constant 36 : i32
        %add3A_293 = vector.broadcast %add3A_292 : i32 to vector<16xi32>
        %add3A_294 = arith.addi %iota3A, %add3A_293 : vector<16xi32>
        %and3A_295 = arith.constant 63 : i32
        %and3A_296 = vector.broadcast %and3A_295 : i32 to vector<16xi32>
        %and3A_297 = arith.andi %add3A_294, %and3A_296 : vector<16xi32>
        %gather3A_298 = tpu.vector_load_idx %arg10[%add3A_37, %and3A_297] : memref<128x128xf32, #tpu.memory_space<vmem>>[vector<16xi32>, vector<16xi32>], vector<16xf32>,
        tpu.vector_store_idx %arg12[%get3A_41, %and3A_297], %gather3A_298 {add = true} : memref<640x64xf32, #tpu.memory_space<vmem>>[vector<16xi32>, vector<16xi32>], vector<16xf32>,
        %add3A_299 = arith.constant 37 : i32
        %add3A_300 = vector.broadcast %add3A_299 : i32 to vector<16xi32>
        %add3A_301 = arith.addi %iota3A, %add3A_300 : vector<16xi32>
        %and3A_302 = arith.constant 63 : i32
        %and3A_303 = vector.broadcast %and3A_302 : i32 to vector<16xi32>
        %and3A_304 = arith.andi %add3A_301, %and3A_303 : vector<16xi32>
        %gather3A_305 = tpu.vector_load_idx %arg10[%add3A_37, %and3A_304] : memref<128x128xf32, #tpu.memory_space<vmem>>[vector<16xi32>, vector<16xi32>], vector<16xf32>,
        tpu.vector_store_idx %arg12[%get3A_41, %and3A_304], %gather3A_305 {add = true} : memref<640x64xf32, #tpu.memory_space<vmem>>[vector<16xi32>, vector<16xi32>], vector<16xf32>,
        %add3A_306 = arith.constant 38 : i32
        %add3A_307 = vector.broadcast %add3A_306 : i32 to vector<16xi32>
        %add3A_308 = arith.addi %iota3A, %add3A_307 : vector<16xi32>
        %and3A_309 = arith.constant 63 : i32
        %and3A_310 = vector.broadcast %and3A_309 : i32 to vector<16xi32>
        %and3A_311 = arith.andi %add3A_308, %and3A_310 : vector<16xi32>
        %gather3A_312 = tpu.vector_load_idx %arg10[%add3A_37, %and3A_311] : memref<128x128xf32, #tpu.memory_space<vmem>>[vector<16xi32>, vector<16xi32>], vector<16xf32>,
        tpu.vector_store_idx %arg12[%get3A_41, %and3A_311], %gather3A_312 {add = true} : memref<640x64xf32, #tpu.memory_space<vmem>>[vector<16xi32>, vector<16xi32>], vector<16xf32>,
        %add3A_313 = arith.constant 39 : i32
        %add3A_314 = vector.broadcast %add3A_313 : i32 to vector<16xi32>
        %add3A_315 = arith.addi %iota3A, %add3A_314 : vector<16xi32>
        %and3A_316 = arith.constant 63 : i32
        %and3A_317 = vector.broadcast %and3A_316 : i32 to vector<16xi32>
        %and3A_318 = arith.andi %add3A_315, %and3A_317 : vector<16xi32>
        %gather3A_319 = tpu.vector_load_idx %arg10[%add3A_37, %and3A_318] : memref<128x128xf32, #tpu.memory_space<vmem>>[vector<16xi32>, vector<16xi32>], vector<16xf32>,
        tpu.vector_store_idx %arg12[%get3A_41, %and3A_318], %gather3A_319 {add = true} : memref<640x64xf32, #tpu.memory_space<vmem>>[vector<16xi32>, vector<16xi32>], vector<16xf32>,
        %add3A_320 = arith.constant 40 : i32
        %add3A_321 = vector.broadcast %add3A_320 : i32 to vector<16xi32>
        %add3A_322 = arith.addi %iota3A, %add3A_321 : vector<16xi32>
        %and3A_323 = arith.constant 63 : i32
        %and3A_324 = vector.broadcast %and3A_323 : i32 to vector<16xi32>
        %and3A_325 = arith.andi %add3A_322, %and3A_324 : vector<16xi32>
        %gather3A_326 = tpu.vector_load_idx %arg10[%add3A_37, %and3A_325] : memref<128x128xf32, #tpu.memory_space<vmem>>[vector<16xi32>, vector<16xi32>], vector<16xf32>,
        tpu.vector_store_idx %arg12[%get3A_41, %and3A_325], %gather3A_326 {add = true} : memref<640x64xf32, #tpu.memory_space<vmem>>[vector<16xi32>, vector<16xi32>], vector<16xf32>,
        %add3A_327 = arith.constant 41 : i32
        %add3A_328 = vector.broadcast %add3A_327 : i32 to vector<16xi32>
        %add3A_329 = arith.addi %iota3A, %add3A_328 : vector<16xi32>
        %and3A_330 = arith.constant 63 : i32
        %and3A_331 = vector.broadcast %and3A_330 : i32 to vector<16xi32>
        %and3A_332 = arith.andi %add3A_329, %and3A_331 : vector<16xi32>
        %gather3A_333 = tpu.vector_load_idx %arg10[%add3A_37, %and3A_332] : memref<128x128xf32, #tpu.memory_space<vmem>>[vector<16xi32>, vector<16xi32>], vector<16xf32>,
        tpu.vector_store_idx %arg12[%get3A_41, %and3A_332], %gather3A_333 {add = true} : memref<640x64xf32, #tpu.memory_space<vmem>>[vector<16xi32>, vector<16xi32>], vector<16xf32>,
        %add3A_334 = arith.constant 42 : i32
        %add3A_335 = vector.broadcast %add3A_334 : i32 to vector<16xi32>
        %add3A_336 = arith.addi %iota3A, %add3A_335 : vector<16xi32>
        %and3A_337 = arith.constant 63 : i32
        %and3A_338 = vector.broadcast %and3A_337 : i32 to vector<16xi32>
        %and3A_339 = arith.andi %add3A_336, %and3A_338 : vector<16xi32>
        %gather3A_340 = tpu.vector_load_idx %arg10[%add3A_37, %and3A_339] : memref<128x128xf32, #tpu.memory_space<vmem>>[vector<16xi32>, vector<16xi32>], vector<16xf32>,
        tpu.vector_store_idx %arg12[%get3A_41, %and3A_339], %gather3A_340 {add = true} : memref<640x64xf32, #tpu.memory_space<vmem>>[vector<16xi32>, vector<16xi32>], vector<16xf32>,
        %add3A_341 = arith.constant 43 : i32
        %add3A_342 = vector.broadcast %add3A_341 : i32 to vector<16xi32>
        %add3A_343 = arith.addi %iota3A, %add3A_342 : vector<16xi32>
        %and3A_344 = arith.constant 63 : i32
        %and3A_345 = vector.broadcast %and3A_344 : i32 to vector<16xi32>
        %and3A_346 = arith.andi %add3A_343, %and3A_345 : vector<16xi32>
        %gather3A_347 = tpu.vector_load_idx %arg10[%add3A_37, %and3A_346] : memref<128x128xf32, #tpu.memory_space<vmem>>[vector<16xi32>, vector<16xi32>], vector<16xf32>,
        tpu.vector_store_idx %arg12[%get3A_41, %and3A_346], %gather3A_347 {add = true} : memref<640x64xf32, #tpu.memory_space<vmem>>[vector<16xi32>, vector<16xi32>], vector<16xf32>,
        %add3A_348 = arith.constant 44 : i32
        %add3A_349 = vector.broadcast %add3A_348 : i32 to vector<16xi32>
        %add3A_350 = arith.addi %iota3A, %add3A_349 : vector<16xi32>
        %and3A_351 = arith.constant 63 : i32
        %and3A_352 = vector.broadcast %and3A_351 : i32 to vector<16xi32>
        %and3A_353 = arith.andi %add3A_350, %and3A_352 : vector<16xi32>
        %gather3A_354 = tpu.vector_load_idx %arg10[%add3A_37, %and3A_353] : memref<128x128xf32, #tpu.memory_space<vmem>>[vector<16xi32>, vector<16xi32>], vector<16xf32>,
        tpu.vector_store_idx %arg12[%get3A_41, %and3A_353], %gather3A_354 {add = true} : memref<640x64xf32, #tpu.memory_space<vmem>>[vector<16xi32>, vector<16xi32>], vector<16xf32>,
        %add3A_355 = arith.constant 45 : i32
        %add3A_356 = vector.broadcast %add3A_355 : i32 to vector<16xi32>
        %add3A_357 = arith.addi %iota3A, %add3A_356 : vector<16xi32>
        %and3A_358 = arith.constant 63 : i32
        %and3A_359 = vector.broadcast %and3A_358 : i32 to vector<16xi32>
        %and3A_360 = arith.andi %add3A_357, %and3A_359 : vector<16xi32>
        %gather3A_361 = tpu.vector_load_idx %arg10[%add3A_37, %and3A_360] : memref<128x128xf32, #tpu.memory_space<vmem>>[vector<16xi32>, vector<16xi32>], vector<16xf32>,
        tpu.vector_store_idx %arg12[%get3A_41, %and3A_360], %gather3A_361 {add = true} : memref<640x64xf32, #tpu.memory_space<vmem>>[vector<16xi32>, vector<16xi32>], vector<16xf32>,
        %add3A_362 = arith.constant 46 : i32
        %add3A_363 = vector.broadcast %add3A_362 : i32 to vector<16xi32>
        %add3A_364 = arith.addi %iota3A, %add3A_363 : vector<16xi32>
        %and3A_365 = arith.constant 63 : i32
        %and3A_366 = vector.broadcast %and3A_365 : i32 to vector<16xi32>
        %and3A_367 = arith.andi %add3A_364, %and3A_366 : vector<16xi32>
        %gather3A_368 = tpu.vector_load_idx %arg10[%add3A_37, %and3A_367] : memref<128x128xf32, #tpu.memory_space<vmem>>[vector<16xi32>, vector<16xi32>], vector<16xf32>,
        tpu.vector_store_idx %arg12[%get3A_41, %and3A_367], %gather3A_368 {add = true} : memref<640x64xf32, #tpu.memory_space<vmem>>[vector<16xi32>, vector<16xi32>], vector<16xf32>,
        %add3A_369 = arith.constant 47 : i32
        %add3A_370 = vector.broadcast %add3A_369 : i32 to vector<16xi32>
        %add3A_371 = arith.addi %iota3A, %add3A_370 : vector<16xi32>
        %and3A_372 = arith.constant 63 : i32
        %and3A_373 = vector.broadcast %and3A_372 : i32 to vector<16xi32>
        %and3A_374 = arith.andi %add3A_371, %and3A_373 : vector<16xi32>
        %gather3A_375 = tpu.vector_load_idx %arg10[%add3A_37, %and3A_374] : memref<128x128xf32, #tpu.memory_space<vmem>>[vector<16xi32>, vector<16xi32>], vector<16xf32>,
        tpu.vector_store_idx %arg12[%get3A_41, %and3A_374], %gather3A_375 {add = true} : memref<640x64xf32, #tpu.memory_space<vmem>>[vector<16xi32>, vector<16xi32>], vector<16xf32>,
        %add3A_376 = arith.constant 48 : i32
        %add3A_377 = vector.broadcast %add3A_376 : i32 to vector<16xi32>
        %add3A_378 = arith.addi %iota3A, %add3A_377 : vector<16xi32>
        %and3A_379 = arith.constant 63 : i32
        %and3A_380 = vector.broadcast %and3A_379 : i32 to vector<16xi32>
        %and3A_381 = arith.andi %add3A_378, %and3A_380 : vector<16xi32>
        %gather3A_382 = tpu.vector_load_idx %arg10[%add3A_37, %and3A_381] : memref<128x128xf32, #tpu.memory_space<vmem>>[vector<16xi32>, vector<16xi32>], vector<16xf32>,
        tpu.vector_store_idx %arg12[%get3A_41, %and3A_381], %gather3A_382 {add = true} : memref<640x64xf32, #tpu.memory_space<vmem>>[vector<16xi32>, vector<16xi32>], vector<16xf32>,
        %add3A_383 = arith.constant 49 : i32
        %add3A_384 = vector.broadcast %add3A_383 : i32 to vector<16xi32>
        %add3A_385 = arith.addi %iota3A, %add3A_384 : vector<16xi32>
        %and3A_386 = arith.constant 63 : i32
        %and3A_387 = vector.broadcast %and3A_386 : i32 to vector<16xi32>
        %and3A_388 = arith.andi %add3A_385, %and3A_387 : vector<16xi32>
        %gather3A_389 = tpu.vector_load_idx %arg10[%add3A_37, %and3A_388] : memref<128x128xf32, #tpu.memory_space<vmem>>[vector<16xi32>, vector<16xi32>], vector<16xf32>,
        tpu.vector_store_idx %arg12[%get3A_41, %and3A_388], %gather3A_389 {add = true} : memref<640x64xf32, #tpu.memory_space<vmem>>[vector<16xi32>, vector<16xi32>], vector<16xf32>,
        %add3A_390 = arith.constant 50 : i32
        %add3A_391 = vector.broadcast %add3A_390 : i32 to vector<16xi32>
        %add3A_392 = arith.addi %iota3A, %add3A_391 : vector<16xi32>
        %and3A_393 = arith.constant 63 : i32
        %and3A_394 = vector.broadcast %and3A_393 : i32 to vector<16xi32>
        %and3A_395 = arith.andi %add3A_392, %and3A_394 : vector<16xi32>
        %gather3A_396 = tpu.vector_load_idx %arg10[%add3A_37, %and3A_395] : memref<128x128xf32, #tpu.memory_space<vmem>>[vector<16xi32>, vector<16xi32>], vector<16xf32>,
        tpu.vector_store_idx %arg12[%get3A_41, %and3A_395], %gather3A_396 {add = true} : memref<640x64xf32, #tpu.memory_space<vmem>>[vector<16xi32>, vector<16xi32>], vector<16xf32>,
        %add3A_397 = arith.constant 51 : i32
        %add3A_398 = vector.broadcast %add3A_397 : i32 to vector<16xi32>
        %add3A_399 = arith.addi %iota3A, %add3A_398 : vector<16xi32>
        %and3A_400 = arith.constant 63 : i32
        %and3A_401 = vector.broadcast %and3A_400 : i32 to vector<16xi32>
        %and3A_402 = arith.andi %add3A_399, %and3A_401 : vector<16xi32>
        %gather3A_403 = tpu.vector_load_idx %arg10[%add3A_37, %and3A_402] : memref<128x128xf32, #tpu.memory_space<vmem>>[vector<16xi32>, vector<16xi32>], vector<16xf32>,
        tpu.vector_store_idx %arg12[%get3A_41, %and3A_402], %gather3A_403 {add = true} : memref<640x64xf32, #tpu.memory_space<vmem>>[vector<16xi32>, vector<16xi32>], vector<16xf32>,
        %add3A_404 = arith.constant 52 : i32
        %add3A_405 = vector.broadcast %add3A_404 : i32 to vector<16xi32>
        %add3A_406 = arith.addi %iota3A, %add3A_405 : vector<16xi32>
        %and3A_407 = arith.constant 63 : i32
        %and3A_408 = vector.broadcast %and3A_407 : i32 to vector<16xi32>
        %and3A_409 = arith.andi %add3A_406, %and3A_408 : vector<16xi32>
        %gather3A_410 = tpu.vector_load_idx %arg10[%add3A_37, %and3A_409] : memref<128x128xf32, #tpu.memory_space<vmem>>[vector<16xi32>, vector<16xi32>], vector<16xf32>,
        tpu.vector_store_idx %arg12[%get3A_41, %and3A_409], %gather3A_410 {add = true} : memref<640x64xf32, #tpu.memory_space<vmem>>[vector<16xi32>, vector<16xi32>], vector<16xf32>,
        %add3A_411 = arith.constant 53 : i32
        %add3A_412 = vector.broadcast %add3A_411 : i32 to vector<16xi32>
        %add3A_413 = arith.addi %iota3A, %add3A_412 : vector<16xi32>
        %and3A_414 = arith.constant 63 : i32
        %and3A_415 = vector.broadcast %and3A_414 : i32 to vector<16xi32>
        %and3A_416 = arith.andi %add3A_413, %and3A_415 : vector<16xi32>
        %gather3A_417 = tpu.vector_load_idx %arg10[%add3A_37, %and3A_416] : memref<128x128xf32, #tpu.memory_space<vmem>>[vector<16xi32>, vector<16xi32>], vector<16xf32>,
        tpu.vector_store_idx %arg12[%get3A_41, %and3A_416], %gather3A_417 {add = true} : memref<640x64xf32, #tpu.memory_space<vmem>>[vector<16xi32>, vector<16xi32>], vector<16xf32>,
        %add3A_418 = arith.constant 54 : i32
        %add3A_419 = vector.broadcast %add3A_418 : i32 to vector<16xi32>
        %add3A_420 = arith.addi %iota3A, %add3A_419 : vector<16xi32>
        %and3A_421 = arith.constant 63 : i32
        %and3A_422 = vector.broadcast %and3A_421 : i32 to vector<16xi32>
        %and3A_423 = arith.andi %add3A_420, %and3A_422 : vector<16xi32>
        %gather3A_424 = tpu.vector_load_idx %arg10[%add3A_37, %and3A_423] : memref<128x128xf32, #tpu.memory_space<vmem>>[vector<16xi32>, vector<16xi32>], vector<16xf32>,
        tpu.vector_store_idx %arg12[%get3A_41, %and3A_423], %gather3A_424 {add = true} : memref<640x64xf32, #tpu.memory_space<vmem>>[vector<16xi32>, vector<16xi32>], vector<16xf32>,
        %add3A_425 = arith.constant 55 : i32
        %add3A_426 = vector.broadcast %add3A_425 : i32 to vector<16xi32>
        %add3A_427 = arith.addi %iota3A, %add3A_426 : vector<16xi32>
        %and3A_428 = arith.constant 63 : i32
        %and3A_429 = vector.broadcast %and3A_428 : i32 to vector<16xi32>
        %and3A_430 = arith.andi %add3A_427, %and3A_429 : vector<16xi32>
        %gather3A_431 = tpu.vector_load_idx %arg10[%add3A_37, %and3A_430] : memref<128x128xf32, #tpu.memory_space<vmem>>[vector<16xi32>, vector<16xi32>], vector<16xf32>,
        tpu.vector_store_idx %arg12[%get3A_41, %and3A_430], %gather3A_431 {add = true} : memref<640x64xf32, #tpu.memory_space<vmem>>[vector<16xi32>, vector<16xi32>], vector<16xf32>,
        %add3A_432 = arith.constant 56 : i32
        %add3A_433 = vector.broadcast %add3A_432 : i32 to vector<16xi32>
        %add3A_434 = arith.addi %iota3A, %add3A_433 : vector<16xi32>
        %and3A_435 = arith.constant 63 : i32
        %and3A_436 = vector.broadcast %and3A_435 : i32 to vector<16xi32>
        %and3A_437 = arith.andi %add3A_434, %and3A_436 : vector<16xi32>
        %gather3A_438 = tpu.vector_load_idx %arg10[%add3A_37, %and3A_437] : memref<128x128xf32, #tpu.memory_space<vmem>>[vector<16xi32>, vector<16xi32>], vector<16xf32>,
        tpu.vector_store_idx %arg12[%get3A_41, %and3A_437], %gather3A_438 {add = true} : memref<640x64xf32, #tpu.memory_space<vmem>>[vector<16xi32>, vector<16xi32>], vector<16xf32>,
        %add3A_439 = arith.constant 57 : i32
        %add3A_440 = vector.broadcast %add3A_439 : i32 to vector<16xi32>
        %add3A_441 = arith.addi %iota3A, %add3A_440 : vector<16xi32>
        %and3A_442 = arith.constant 63 : i32
        %and3A_443 = vector.broadcast %and3A_442 : i32 to vector<16xi32>
        %and3A_444 = arith.andi %add3A_441, %and3A_443 : vector<16xi32>
        %gather3A_445 = tpu.vector_load_idx %arg10[%add3A_37, %and3A_444] : memref<128x128xf32, #tpu.memory_space<vmem>>[vector<16xi32>, vector<16xi32>], vector<16xf32>,
        tpu.vector_store_idx %arg12[%get3A_41, %and3A_444], %gather3A_445 {add = true} : memref<640x64xf32, #tpu.memory_space<vmem>>[vector<16xi32>, vector<16xi32>], vector<16xf32>,
        %add3A_446 = arith.constant 58 : i32
        %add3A_447 = vector.broadcast %add3A_446 : i32 to vector<16xi32>
        %add3A_448 = arith.addi %iota3A, %add3A_447 : vector<16xi32>
        %and3A_449 = arith.constant 63 : i32
        %and3A_450 = vector.broadcast %and3A_449 : i32 to vector<16xi32>
        %and3A_451 = arith.andi %add3A_448, %and3A_450 : vector<16xi32>
        %gather3A_452 = tpu.vector_load_idx %arg10[%add3A_37, %and3A_451] : memref<128x128xf32, #tpu.memory_space<vmem>>[vector<16xi32>, vector<16xi32>], vector<16xf32>,
        tpu.vector_store_idx %arg12[%get3A_41, %and3A_451], %gather3A_452 {add = true} : memref<640x64xf32, #tpu.memory_space<vmem>>[vector<16xi32>, vector<16xi32>], vector<16xf32>,
        %add3A_453 = arith.constant 59 : i32
        %add3A_454 = vector.broadcast %add3A_453 : i32 to vector<16xi32>
        %add3A_455 = arith.addi %iota3A, %add3A_454 : vector<16xi32>
        %and3A_456 = arith.constant 63 : i32
        %and3A_457 = vector.broadcast %and3A_456 : i32 to vector<16xi32>
        %and3A_458 = arith.andi %add3A_455, %and3A_457 : vector<16xi32>
        %gather3A_459 = tpu.vector_load_idx %arg10[%add3A_37, %and3A_458] : memref<128x128xf32, #tpu.memory_space<vmem>>[vector<16xi32>, vector<16xi32>], vector<16xf32>,
        tpu.vector_store_idx %arg12[%get3A_41, %and3A_458], %gather3A_459 {add = true} : memref<640x64xf32, #tpu.memory_space<vmem>>[vector<16xi32>, vector<16xi32>], vector<16xf32>,
        %add3A_460 = arith.constant 60 : i32
        %add3A_461 = vector.broadcast %add3A_460 : i32 to vector<16xi32>
        %add3A_462 = arith.addi %iota3A, %add3A_461 : vector<16xi32>
        %and3A_463 = arith.constant 63 : i32
        %and3A_464 = vector.broadcast %and3A_463 : i32 to vector<16xi32>
        %and3A_465 = arith.andi %add3A_462, %and3A_464 : vector<16xi32>
        %gather3A_466 = tpu.vector_load_idx %arg10[%add3A_37, %and3A_465] : memref<128x128xf32, #tpu.memory_space<vmem>>[vector<16xi32>, vector<16xi32>], vector<16xf32>,
        tpu.vector_store_idx %arg12[%get3A_41, %and3A_465], %gather3A_466 {add = true} : memref<640x64xf32, #tpu.memory_space<vmem>>[vector<16xi32>, vector<16xi32>], vector<16xf32>,
        %add3A_467 = arith.constant 61 : i32
        %add3A_468 = vector.broadcast %add3A_467 : i32 to vector<16xi32>
        %add3A_469 = arith.addi %iota3A, %add3A_468 : vector<16xi32>
        %and3A_470 = arith.constant 63 : i32
        %and3A_471 = vector.broadcast %and3A_470 : i32 to vector<16xi32>
        %and3A_472 = arith.andi %add3A_469, %and3A_471 : vector<16xi32>
        %gather3A_473 = tpu.vector_load_idx %arg10[%add3A_37, %and3A_472] : memref<128x128xf32, #tpu.memory_space<vmem>>[vector<16xi32>, vector<16xi32>], vector<16xf32>,
        tpu.vector_store_idx %arg12[%get3A_41, %and3A_472], %gather3A_473 {add = true} : memref<640x64xf32, #tpu.memory_space<vmem>>[vector<16xi32>, vector<16xi32>], vector<16xf32>,
        %add3A_474 = arith.constant 62 : i32
        %add3A_475 = vector.broadcast %add3A_474 : i32 to vector<16xi32>
        %add3A_476 = arith.addi %iota3A, %add3A_475 : vector<16xi32>
        %and3A_477 = arith.constant 63 : i32
        %and3A_478 = vector.broadcast %and3A_477 : i32 to vector<16xi32>
        %and3A_479 = arith.andi %add3A_476, %and3A_478 : vector<16xi32>
        %gather3A_480 = tpu.vector_load_idx %arg10[%add3A_37, %and3A_479] : memref<128x128xf32, #tpu.memory_space<vmem>>[vector<16xi32>, vector<16xi32>], vector<16xf32>,
        tpu.vector_store_idx %arg12[%get3A_41, %and3A_479], %gather3A_480 {add = true} : memref<640x64xf32, #tpu.memory_space<vmem>>[vector<16xi32>, vector<16xi32>], vector<16xf32>,
        %add3A_481 = arith.constant 63 : i32
        %add3A_482 = vector.broadcast %add3A_481 : i32 to vector<16xi32>
        %add3A_483 = arith.addi %iota3A, %add3A_482 : vector<16xi32>
        %and3A_484 = arith.constant 63 : i32
        %and3A_485 = vector.broadcast %and3A_484 : i32 to vector<16xi32>
        %and3A_486 = arith.andi %add3A_483, %and3A_485 : vector<16xi32>
        %gather3A_487 = tpu.vector_load_idx %arg10[%add3A_37, %and3A_486] : memref<128x128xf32, #tpu.memory_space<vmem>>[vector<16xi32>, vector<16xi32>], vector<16xf32>,
        tpu.vector_store_idx %arg12[%get3A_41, %and3A_486], %gather3A_487 {add = true} : memref<640x64xf32, #tpu.memory_space<vmem>>[vector<16xi32>, vector<16xi32>], vector<16xf32>,
      }
      %scan3A_32 = arith.constant 8 : i32
    }
    %while3A_14 = arith.constant 1 : i32
    scf.for %while3A_20 = %while3A_12 to %while3A_8 step %while3A_14  : i32 {
      %mul3A_21 = arith.constant 128 : i32
      %mul3A_22 = arith.muli %while3A_20, %mul3A_21 : i32
      %add3A_23 = arith.addi %mul3A_2, %mul3A_22 : i32
      "tpu.region"() ({
        %run_scoped3A = tpu.sem_alloc : memref<!tpu.dma_semaphore, #tpu.memory_space<semaphore_mem>>
        %dma_start3A_33 = tpu.memref_slice %arg3[%add3A_23] : memref<5152768xi32, #tpu.memory_space<hbm>> -> memref<128xi32, #tpu.memory_space<hbm>>
        %dma_start3A_34 = tpu.memref_slice %arg3[%add3A_23] : memref<5152768xi32, #tpu.memory_space<hbm>> -> memref<128xi32, #tpu.memory_space<hbm>>
        tpu.enqueue_dma source(%dma_start3A_34 : memref<128xi32, #tpu.memory_space<hbm>>) target(%arg8 : memref<128xi32, #tpu.memory_space<vmem>>) target_semaphore(%run_scoped3A : memref<!tpu.dma_semaphore, #tpu.memory_space<semaphore_mem>>)
        %dma_wait3A_35 = tpu.memref_slice %arg3[%add3A_23] : memref<5152768xi32, #tpu.memory_space<hbm>> -> memref<128xi32, #tpu.memory_space<hbm>>
        %dma_wait3A_36 = tpu.memref_slice %arg3[%add3A_23] : memref<5152768xi32, #tpu.memory_space<hbm>> -> memref<128xi32, #tpu.memory_space<hbm>>
        tpu.wait_dma2 semaphore(%run_scoped3A : memref<!tpu.dma_semaphore, #tpu.memory_space<semaphore_mem>>) src(%dma_wait3A_36 : memref<128xi32, #tpu.memory_space<hbm>>) dst(%arg8 : memref<128xi32, #tpu.memory_space<vmem>>)
        tpu.yield
      }) : () -> ()
      "tpu.region"() ({
        %run_scoped3A = tpu.sem_alloc : memref<!tpu.dma_semaphore, #tpu.memory_space<semaphore_mem>>
        %dma_start3A_33 = tpu.memref_slice %arg4[%add3A_23] : memref<5152768xi32, #tpu.memory_space<hbm>> -> memref<128xi32, #tpu.memory_space<hbm>>
        %dma_start3A_34 = tpu.memref_slice %arg4[%add3A_23] : memref<5152768xi32, #tpu.memory_space<hbm>> -> memref<128xi32, #tpu.memory_space<hbm>>
        tpu.enqueue_dma source(%dma_start3A_34 : memref<128xi32, #tpu.memory_space<hbm>>) target(%arg9 : memref<128xi32, #tpu.memory_space<vmem>>) target_semaphore(%run_scoped3A : memref<!tpu.dma_semaphore, #tpu.memory_space<semaphore_mem>>)
        %dma_wait3A_35 = tpu.memref_slice %arg4[%add3A_23] : memref<5152768xi32, #tpu.memory_space<hbm>> -> memref<128xi32, #tpu.memory_space<hbm>>
        %dma_wait3A_36 = tpu.memref_slice %arg4[%add3A_23] : memref<5152768xi32, #tpu.memory_space<hbm>> -> memref<128xi32, #tpu.memory_space<hbm>>
        tpu.wait_dma2 semaphore(%run_scoped3A : memref<!tpu.dma_semaphore, #tpu.memory_space<semaphore_mem>>) src(%dma_wait3A_36 : memref<128xi32, #tpu.memory_space<hbm>>) dst(%arg9 : memref<128xi32, #tpu.memory_space<vmem>>)
        tpu.yield
      }) : () -> ()
      %dma_start3A = arith.constant 0 : i32
      %dma_start3A_24 = arith.constant 0 : i32
      %dma_start3A_25 = tpu.memref_slice %arg2[%dma_start3A, %dma_start3A_24] : memref<10112x128xf32, #tpu.memory_space<hbm>> -> memref<10112x128xf32, #tpu.memory_space<hbm>>
      tpu.enqueue_indirect_dma source(%dma_start3A_25 : memref<10112x128xf32, #tpu.memory_space<hbm>>) target(%arg10 : memref<128x128xf32, #tpu.memory_space<vmem>>) offsets(%arg8 : memref<128xi32, #tpu.memory_space<vmem>>) semaphore(%arg13 : memref<!tpu.dma_semaphore, #tpu.memory_space<semaphore_mem>>)
      %dma_wait3A = arith.constant 0 : i32
      %dma_wait3A_26 = arith.constant 0 : i32
      %dma_wait3A_27 = tpu.memref_slice %arg2[%dma_wait3A, %dma_wait3A_26] : memref<10112x128xf32, #tpu.memory_space<hbm>> -> memref<10112x128xf32, #tpu.memory_space<hbm>>
      tpu.wait_indirect_dma semaphore(%arg13 : memref<!tpu.dma_semaphore, #tpu.memory_space<semaphore_mem>>) src(%dma_wait3A_27 : memref<10112x128xf32, #tpu.memory_space<hbm>>) dst(%arg10 : memref<128x128xf32, #tpu.memory_space<vmem>>)
      %scan3A = arith.constant 0 : i32
      %scan3A_28 = arith.constant 0 : i32
      %scan3A_29 = arith.constant 8 : i32
      %scan3A_30 = arith.addi %scan3A_28, %scan3A_29 : i32
      %scan3A_31 = arith.constant 1 : i32
      scf.for %scan3A_33 = %scan3A_28 to %scan3A_30 step %scan3A_31  : i32 {
        %mul3A_34 = arith.constant 16 : i32
        %mul3A_35 = arith.muli %scan3A_33, %mul3A_34 : i32
        %add3A_36 = vector.broadcast %mul3A_35 : i32 to vector<16xi32>
        %add3A_37 = arith.addi %add3A_36, %iota3A : vector<16xi32>
        %mul3A_38 = arith.constant 16 : i32
        %mul3A_39 = arith.muli %scan3A_33, %mul3A_38 : i32
        %get3A_40 = arith.index_cast %mul3A_39 : i32 to index
        %get3A_41 = tpu.vector_load %arg9[%get3A_40] {strides = array<i32>} : memref<128xi32, #tpu.memory_space<vmem>>, vector<16xi32>,
        %add3A_42 = arith.constant 0 : i32
        %add3A_43 = vector.broadcast %add3A_42 : i32 to vector<16xi32>
        %add3A_44 = arith.addi %iota3A, %add3A_43 : vector<16xi32>
        %and3A = arith.constant 63 : i32
        %and3A_45 = vector.broadcast %and3A : i32 to vector<16xi32>
        %and3A_46 = arith.andi %add3A_44, %and3A_45 : vector<16xi32>
        %gather3A = tpu.vector_load_idx %arg10[%add3A_37, %and3A_46] : memref<128x128xf32, #tpu.memory_space<vmem>>[vector<16xi32>, vector<16xi32>], vector<16xf32>,
        tpu.vector_store_idx %arg12[%get3A_41, %and3A_46], %gather3A {add = true} : memref<640x64xf32, #tpu.memory_space<vmem>>[vector<16xi32>, vector<16xi32>], vector<16xf32>,
        %add3A_47 = arith.constant 1 : i32
        %add3A_48 = vector.broadcast %add3A_47 : i32 to vector<16xi32>
        %add3A_49 = arith.addi %iota3A, %add3A_48 : vector<16xi32>
        %and3A_50 = arith.constant 63 : i32
        %and3A_51 = vector.broadcast %and3A_50 : i32 to vector<16xi32>
        %and3A_52 = arith.andi %add3A_49, %and3A_51 : vector<16xi32>
        %gather3A_53 = tpu.vector_load_idx %arg10[%add3A_37, %and3A_52] : memref<128x128xf32, #tpu.memory_space<vmem>>[vector<16xi32>, vector<16xi32>], vector<16xf32>,
        tpu.vector_store_idx %arg12[%get3A_41, %and3A_52], %gather3A_53 {add = true} : memref<640x64xf32, #tpu.memory_space<vmem>>[vector<16xi32>, vector<16xi32>], vector<16xf32>,
        %add3A_54 = arith.constant 2 : i32
        %add3A_55 = vector.broadcast %add3A_54 : i32 to vector<16xi32>
        %add3A_56 = arith.addi %iota3A, %add3A_55 : vector<16xi32>
        %and3A_57 = arith.constant 63 : i32
        %and3A_58 = vector.broadcast %and3A_57 : i32 to vector<16xi32>
        %and3A_59 = arith.andi %add3A_56, %and3A_58 : vector<16xi32>
        %gather3A_60 = tpu.vector_load_idx %arg10[%add3A_37, %and3A_59] : memref<128x128xf32, #tpu.memory_space<vmem>>[vector<16xi32>, vector<16xi32>], vector<16xf32>,
        tpu.vector_store_idx %arg12[%get3A_41, %and3A_59], %gather3A_60 {add = true} : memref<640x64xf32, #tpu.memory_space<vmem>>[vector<16xi32>, vector<16xi32>], vector<16xf32>,
        %add3A_61 = arith.constant 3 : i32
        %add3A_62 = vector.broadcast %add3A_61 : i32 to vector<16xi32>
        %add3A_63 = arith.addi %iota3A, %add3A_62 : vector<16xi32>
        %and3A_64 = arith.constant 63 : i32
        %and3A_65 = vector.broadcast %and3A_64 : i32 to vector<16xi32>
        %and3A_66 = arith.andi %add3A_63, %and3A_65 : vector<16xi32>
        %gather3A_67 = tpu.vector_load_idx %arg10[%add3A_37, %and3A_66] : memref<128x128xf32, #tpu.memory_space<vmem>>[vector<16xi32>, vector<16xi32>], vector<16xf32>,
        tpu.vector_store_idx %arg12[%get3A_41, %and3A_66], %gather3A_67 {add = true} : memref<640x64xf32, #tpu.memory_space<vmem>>[vector<16xi32>, vector<16xi32>], vector<16xf32>,
        %add3A_68 = arith.constant 4 : i32
        %add3A_69 = vector.broadcast %add3A_68 : i32 to vector<16xi32>
        %add3A_70 = arith.addi %iota3A, %add3A_69 : vector<16xi32>
        %and3A_71 = arith.constant 63 : i32
        %and3A_72 = vector.broadcast %and3A_71 : i32 to vector<16xi32>
        %and3A_73 = arith.andi %add3A_70, %and3A_72 : vector<16xi32>
        %gather3A_74 = tpu.vector_load_idx %arg10[%add3A_37, %and3A_73] : memref<128x128xf32, #tpu.memory_space<vmem>>[vector<16xi32>, vector<16xi32>], vector<16xf32>,
        tpu.vector_store_idx %arg12[%get3A_41, %and3A_73], %gather3A_74 {add = true} : memref<640x64xf32, #tpu.memory_space<vmem>>[vector<16xi32>, vector<16xi32>], vector<16xf32>,
        %add3A_75 = arith.constant 5 : i32
        %add3A_76 = vector.broadcast %add3A_75 : i32 to vector<16xi32>
        %add3A_77 = arith.addi %iota3A, %add3A_76 : vector<16xi32>
        %and3A_78 = arith.constant 63 : i32
        %and3A_79 = vector.broadcast %and3A_78 : i32 to vector<16xi32>
        %and3A_80 = arith.andi %add3A_77, %and3A_79 : vector<16xi32>
        %gather3A_81 = tpu.vector_load_idx %arg10[%add3A_37, %and3A_80] : memref<128x128xf32, #tpu.memory_space<vmem>>[vector<16xi32>, vector<16xi32>], vector<16xf32>,
        tpu.vector_store_idx %arg12[%get3A_41, %and3A_80], %gather3A_81 {add = true} : memref<640x64xf32, #tpu.memory_space<vmem>>[vector<16xi32>, vector<16xi32>], vector<16xf32>,
        %add3A_82 = arith.constant 6 : i32
        %add3A_83 = vector.broadcast %add3A_82 : i32 to vector<16xi32>
        %add3A_84 = arith.addi %iota3A, %add3A_83 : vector<16xi32>
        %and3A_85 = arith.constant 63 : i32
        %and3A_86 = vector.broadcast %and3A_85 : i32 to vector<16xi32>
        %and3A_87 = arith.andi %add3A_84, %and3A_86 : vector<16xi32>
        %gather3A_88 = tpu.vector_load_idx %arg10[%add3A_37, %and3A_87] : memref<128x128xf32, #tpu.memory_space<vmem>>[vector<16xi32>, vector<16xi32>], vector<16xf32>,
        tpu.vector_store_idx %arg12[%get3A_41, %and3A_87], %gather3A_88 {add = true} : memref<640x64xf32, #tpu.memory_space<vmem>>[vector<16xi32>, vector<16xi32>], vector<16xf32>,
        %add3A_89 = arith.constant 7 : i32
        %add3A_90 = vector.broadcast %add3A_89 : i32 to vector<16xi32>
        %add3A_91 = arith.addi %iota3A, %add3A_90 : vector<16xi32>
        %and3A_92 = arith.constant 63 : i32
        %and3A_93 = vector.broadcast %and3A_92 : i32 to vector<16xi32>
        %and3A_94 = arith.andi %add3A_91, %and3A_93 : vector<16xi32>
        %gather3A_95 = tpu.vector_load_idx %arg10[%add3A_37, %and3A_94] : memref<128x128xf32, #tpu.memory_space<vmem>>[vector<16xi32>, vector<16xi32>], vector<16xf32>,
        tpu.vector_store_idx %arg12[%get3A_41, %and3A_94], %gather3A_95 {add = true} : memref<640x64xf32, #tpu.memory_space<vmem>>[vector<16xi32>, vector<16xi32>], vector<16xf32>,
        %add3A_96 = arith.constant 8 : i32
        %add3A_97 = vector.broadcast %add3A_96 : i32 to vector<16xi32>
        %add3A_98 = arith.addi %iota3A, %add3A_97 : vector<16xi32>
        %and3A_99 = arith.constant 63 : i32
        %and3A_100 = vector.broadcast %and3A_99 : i32 to vector<16xi32>
        %and3A_101 = arith.andi %add3A_98, %and3A_100 : vector<16xi32>
        %gather3A_102 = tpu.vector_load_idx %arg10[%add3A_37, %and3A_101] : memref<128x128xf32, #tpu.memory_space<vmem>>[vector<16xi32>, vector<16xi32>], vector<16xf32>,
        tpu.vector_store_idx %arg12[%get3A_41, %and3A_101], %gather3A_102 {add = true} : memref<640x64xf32, #tpu.memory_space<vmem>>[vector<16xi32>, vector<16xi32>], vector<16xf32>,
        %add3A_103 = arith.constant 9 : i32
        %add3A_104 = vector.broadcast %add3A_103 : i32 to vector<16xi32>
        %add3A_105 = arith.addi %iota3A, %add3A_104 : vector<16xi32>
        %and3A_106 = arith.constant 63 : i32
        %and3A_107 = vector.broadcast %and3A_106 : i32 to vector<16xi32>
        %and3A_108 = arith.andi %add3A_105, %and3A_107 : vector<16xi32>
        %gather3A_109 = tpu.vector_load_idx %arg10[%add3A_37, %and3A_108] : memref<128x128xf32, #tpu.memory_space<vmem>>[vector<16xi32>, vector<16xi32>], vector<16xf32>,
        tpu.vector_store_idx %arg12[%get3A_41, %and3A_108], %gather3A_109 {add = true} : memref<640x64xf32, #tpu.memory_space<vmem>>[vector<16xi32>, vector<16xi32>], vector<16xf32>,
        %add3A_110 = arith.constant 10 : i32
        %add3A_111 = vector.broadcast %add3A_110 : i32 to vector<16xi32>
        %add3A_112 = arith.addi %iota3A, %add3A_111 : vector<16xi32>
        %and3A_113 = arith.constant 63 : i32
        %and3A_114 = vector.broadcast %and3A_113 : i32 to vector<16xi32>
        %and3A_115 = arith.andi %add3A_112, %and3A_114 : vector<16xi32>
        %gather3A_116 = tpu.vector_load_idx %arg10[%add3A_37, %and3A_115] : memref<128x128xf32, #tpu.memory_space<vmem>>[vector<16xi32>, vector<16xi32>], vector<16xf32>,
        tpu.vector_store_idx %arg12[%get3A_41, %and3A_115], %gather3A_116 {add = true} : memref<640x64xf32, #tpu.memory_space<vmem>>[vector<16xi32>, vector<16xi32>], vector<16xf32>,
        %add3A_117 = arith.constant 11 : i32
        %add3A_118 = vector.broadcast %add3A_117 : i32 to vector<16xi32>
        %add3A_119 = arith.addi %iota3A, %add3A_118 : vector<16xi32>
        %and3A_120 = arith.constant 63 : i32
        %and3A_121 = vector.broadcast %and3A_120 : i32 to vector<16xi32>
        %and3A_122 = arith.andi %add3A_119, %and3A_121 : vector<16xi32>
        %gather3A_123 = tpu.vector_load_idx %arg10[%add3A_37, %and3A_122] : memref<128x128xf32, #tpu.memory_space<vmem>>[vector<16xi32>, vector<16xi32>], vector<16xf32>,
        tpu.vector_store_idx %arg12[%get3A_41, %and3A_122], %gather3A_123 {add = true} : memref<640x64xf32, #tpu.memory_space<vmem>>[vector<16xi32>, vector<16xi32>], vector<16xf32>,
        %add3A_124 = arith.constant 12 : i32
        %add3A_125 = vector.broadcast %add3A_124 : i32 to vector<16xi32>
        %add3A_126 = arith.addi %iota3A, %add3A_125 : vector<16xi32>
        %and3A_127 = arith.constant 63 : i32
        %and3A_128 = vector.broadcast %and3A_127 : i32 to vector<16xi32>
        %and3A_129 = arith.andi %add3A_126, %and3A_128 : vector<16xi32>
        %gather3A_130 = tpu.vector_load_idx %arg10[%add3A_37, %and3A_129] : memref<128x128xf32, #tpu.memory_space<vmem>>[vector<16xi32>, vector<16xi32>], vector<16xf32>,
        tpu.vector_store_idx %arg12[%get3A_41, %and3A_129], %gather3A_130 {add = true} : memref<640x64xf32, #tpu.memory_space<vmem>>[vector<16xi32>, vector<16xi32>], vector<16xf32>,
        %add3A_131 = arith.constant 13 : i32
        %add3A_132 = vector.broadcast %add3A_131 : i32 to vector<16xi32>
        %add3A_133 = arith.addi %iota3A, %add3A_132 : vector<16xi32>
        %and3A_134 = arith.constant 63 : i32
        %and3A_135 = vector.broadcast %and3A_134 : i32 to vector<16xi32>
        %and3A_136 = arith.andi %add3A_133, %and3A_135 : vector<16xi32>
        %gather3A_137 = tpu.vector_load_idx %arg10[%add3A_37, %and3A_136] : memref<128x128xf32, #tpu.memory_space<vmem>>[vector<16xi32>, vector<16xi32>], vector<16xf32>,
        tpu.vector_store_idx %arg12[%get3A_41, %and3A_136], %gather3A_137 {add = true} : memref<640x64xf32, #tpu.memory_space<vmem>>[vector<16xi32>, vector<16xi32>], vector<16xf32>,
        %add3A_138 = arith.constant 14 : i32
        %add3A_139 = vector.broadcast %add3A_138 : i32 to vector<16xi32>
        %add3A_140 = arith.addi %iota3A, %add3A_139 : vector<16xi32>
        %and3A_141 = arith.constant 63 : i32
        %and3A_142 = vector.broadcast %and3A_141 : i32 to vector<16xi32>
        %and3A_143 = arith.andi %add3A_140, %and3A_142 : vector<16xi32>
        %gather3A_144 = tpu.vector_load_idx %arg10[%add3A_37, %and3A_143] : memref<128x128xf32, #tpu.memory_space<vmem>>[vector<16xi32>, vector<16xi32>], vector<16xf32>,
        tpu.vector_store_idx %arg12[%get3A_41, %and3A_143], %gather3A_144 {add = true} : memref<640x64xf32, #tpu.memory_space<vmem>>[vector<16xi32>, vector<16xi32>], vector<16xf32>,
        %add3A_145 = arith.constant 15 : i32
        %add3A_146 = vector.broadcast %add3A_145 : i32 to vector<16xi32>
        %add3A_147 = arith.addi %iota3A, %add3A_146 : vector<16xi32>
        %and3A_148 = arith.constant 63 : i32
        %and3A_149 = vector.broadcast %and3A_148 : i32 to vector<16xi32>
        %and3A_150 = arith.andi %add3A_147, %and3A_149 : vector<16xi32>
        %gather3A_151 = tpu.vector_load_idx %arg10[%add3A_37, %and3A_150] : memref<128x128xf32, #tpu.memory_space<vmem>>[vector<16xi32>, vector<16xi32>], vector<16xf32>,
        tpu.vector_store_idx %arg12[%get3A_41, %and3A_150], %gather3A_151 {add = true} : memref<640x64xf32, #tpu.memory_space<vmem>>[vector<16xi32>, vector<16xi32>], vector<16xf32>,
        %add3A_152 = arith.constant 16 : i32
        %add3A_153 = vector.broadcast %add3A_152 : i32 to vector<16xi32>
        %add3A_154 = arith.addi %iota3A, %add3A_153 : vector<16xi32>
        %and3A_155 = arith.constant 63 : i32
        %and3A_156 = vector.broadcast %and3A_155 : i32 to vector<16xi32>
        %and3A_157 = arith.andi %add3A_154, %and3A_156 : vector<16xi32>
        %gather3A_158 = tpu.vector_load_idx %arg10[%add3A_37, %and3A_157] : memref<128x128xf32, #tpu.memory_space<vmem>>[vector<16xi32>, vector<16xi32>], vector<16xf32>,
        tpu.vector_store_idx %arg12[%get3A_41, %and3A_157], %gather3A_158 {add = true} : memref<640x64xf32, #tpu.memory_space<vmem>>[vector<16xi32>, vector<16xi32>], vector<16xf32>,
        %add3A_159 = arith.constant 17 : i32
        %add3A_160 = vector.broadcast %add3A_159 : i32 to vector<16xi32>
        %add3A_161 = arith.addi %iota3A, %add3A_160 : vector<16xi32>
        %and3A_162 = arith.constant 63 : i32
        %and3A_163 = vector.broadcast %and3A_162 : i32 to vector<16xi32>
        %and3A_164 = arith.andi %add3A_161, %and3A_163 : vector<16xi32>
        %gather3A_165 = tpu.vector_load_idx %arg10[%add3A_37, %and3A_164] : memref<128x128xf32, #tpu.memory_space<vmem>>[vector<16xi32>, vector<16xi32>], vector<16xf32>,
        tpu.vector_store_idx %arg12[%get3A_41, %and3A_164], %gather3A_165 {add = true} : memref<640x64xf32, #tpu.memory_space<vmem>>[vector<16xi32>, vector<16xi32>], vector<16xf32>,
        %add3A_166 = arith.constant 18 : i32
        %add3A_167 = vector.broadcast %add3A_166 : i32 to vector<16xi32>
        %add3A_168 = arith.addi %iota3A, %add3A_167 : vector<16xi32>
        %and3A_169 = arith.constant 63 : i32
        %and3A_170 = vector.broadcast %and3A_169 : i32 to vector<16xi32>
        %and3A_171 = arith.andi %add3A_168, %and3A_170 : vector<16xi32>
        %gather3A_172 = tpu.vector_load_idx %arg10[%add3A_37, %and3A_171] : memref<128x128xf32, #tpu.memory_space<vmem>>[vector<16xi32>, vector<16xi32>], vector<16xf32>,
        tpu.vector_store_idx %arg12[%get3A_41, %and3A_171], %gather3A_172 {add = true} : memref<640x64xf32, #tpu.memory_space<vmem>>[vector<16xi32>, vector<16xi32>], vector<16xf32>,
        %add3A_173 = arith.constant 19 : i32
        %add3A_174 = vector.broadcast %add3A_173 : i32 to vector<16xi32>
        %add3A_175 = arith.addi %iota3A, %add3A_174 : vector<16xi32>
        %and3A_176 = arith.constant 63 : i32
        %and3A_177 = vector.broadcast %and3A_176 : i32 to vector<16xi32>
        %and3A_178 = arith.andi %add3A_175, %and3A_177 : vector<16xi32>
        %gather3A_179 = tpu.vector_load_idx %arg10[%add3A_37, %and3A_178] : memref<128x128xf32, #tpu.memory_space<vmem>>[vector<16xi32>, vector<16xi32>], vector<16xf32>,
        tpu.vector_store_idx %arg12[%get3A_41, %and3A_178], %gather3A_179 {add = true} : memref<640x64xf32, #tpu.memory_space<vmem>>[vector<16xi32>, vector<16xi32>], vector<16xf32>,
        %add3A_180 = arith.constant 20 : i32
        %add3A_181 = vector.broadcast %add3A_180 : i32 to vector<16xi32>
        %add3A_182 = arith.addi %iota3A, %add3A_181 : vector<16xi32>
        %and3A_183 = arith.constant 63 : i32
        %and3A_184 = vector.broadcast %and3A_183 : i32 to vector<16xi32>
        %and3A_185 = arith.andi %add3A_182, %and3A_184 : vector<16xi32>
        %gather3A_186 = tpu.vector_load_idx %arg10[%add3A_37, %and3A_185] : memref<128x128xf32, #tpu.memory_space<vmem>>[vector<16xi32>, vector<16xi32>], vector<16xf32>,
        tpu.vector_store_idx %arg12[%get3A_41, %and3A_185], %gather3A_186 {add = true} : memref<640x64xf32, #tpu.memory_space<vmem>>[vector<16xi32>, vector<16xi32>], vector<16xf32>,
        %add3A_187 = arith.constant 21 : i32
        %add3A_188 = vector.broadcast %add3A_187 : i32 to vector<16xi32>
        %add3A_189 = arith.addi %iota3A, %add3A_188 : vector<16xi32>
        %and3A_190 = arith.constant 63 : i32
        %and3A_191 = vector.broadcast %and3A_190 : i32 to vector<16xi32>
        %and3A_192 = arith.andi %add3A_189, %and3A_191 : vector<16xi32>
        %gather3A_193 = tpu.vector_load_idx %arg10[%add3A_37, %and3A_192] : memref<128x128xf32, #tpu.memory_space<vmem>>[vector<16xi32>, vector<16xi32>], vector<16xf32>,
        tpu.vector_store_idx %arg12[%get3A_41, %and3A_192], %gather3A_193 {add = true} : memref<640x64xf32, #tpu.memory_space<vmem>>[vector<16xi32>, vector<16xi32>], vector<16xf32>,
        %add3A_194 = arith.constant 22 : i32
        %add3A_195 = vector.broadcast %add3A_194 : i32 to vector<16xi32>
        %add3A_196 = arith.addi %iota3A, %add3A_195 : vector<16xi32>
        %and3A_197 = arith.constant 63 : i32
        %and3A_198 = vector.broadcast %and3A_197 : i32 to vector<16xi32>
        %and3A_199 = arith.andi %add3A_196, %and3A_198 : vector<16xi32>
        %gather3A_200 = tpu.vector_load_idx %arg10[%add3A_37, %and3A_199] : memref<128x128xf32, #tpu.memory_space<vmem>>[vector<16xi32>, vector<16xi32>], vector<16xf32>,
        tpu.vector_store_idx %arg12[%get3A_41, %and3A_199], %gather3A_200 {add = true} : memref<640x64xf32, #tpu.memory_space<vmem>>[vector<16xi32>, vector<16xi32>], vector<16xf32>,
        %add3A_201 = arith.constant 23 : i32
        %add3A_202 = vector.broadcast %add3A_201 : i32 to vector<16xi32>
        %add3A_203 = arith.addi %iota3A, %add3A_202 : vector<16xi32>
        %and3A_204 = arith.constant 63 : i32
        %and3A_205 = vector.broadcast %and3A_204 : i32 to vector<16xi32>
        %and3A_206 = arith.andi %add3A_203, %and3A_205 : vector<16xi32>
        %gather3A_207 = tpu.vector_load_idx %arg10[%add3A_37, %and3A_206] : memref<128x128xf32, #tpu.memory_space<vmem>>[vector<16xi32>, vector<16xi32>], vector<16xf32>,
        tpu.vector_store_idx %arg12[%get3A_41, %and3A_206], %gather3A_207 {add = true} : memref<640x64xf32, #tpu.memory_space<vmem>>[vector<16xi32>, vector<16xi32>], vector<16xf32>,
        %add3A_208 = arith.constant 24 : i32
        %add3A_209 = vector.broadcast %add3A_208 : i32 to vector<16xi32>
        %add3A_210 = arith.addi %iota3A, %add3A_209 : vector<16xi32>
        %and3A_211 = arith.constant 63 : i32
        %and3A_212 = vector.broadcast %and3A_211 : i32 to vector<16xi32>
        %and3A_213 = arith.andi %add3A_210, %and3A_212 : vector<16xi32>
        %gather3A_214 = tpu.vector_load_idx %arg10[%add3A_37, %and3A_213] : memref<128x128xf32, #tpu.memory_space<vmem>>[vector<16xi32>, vector<16xi32>], vector<16xf32>,
        tpu.vector_store_idx %arg12[%get3A_41, %and3A_213], %gather3A_214 {add = true} : memref<640x64xf32, #tpu.memory_space<vmem>>[vector<16xi32>, vector<16xi32>], vector<16xf32>,
        %add3A_215 = arith.constant 25 : i32
        %add3A_216 = vector.broadcast %add3A_215 : i32 to vector<16xi32>
        %add3A_217 = arith.addi %iota3A, %add3A_216 : vector<16xi32>
        %and3A_218 = arith.constant 63 : i32
        %and3A_219 = vector.broadcast %and3A_218 : i32 to vector<16xi32>
        %and3A_220 = arith.andi %add3A_217, %and3A_219 : vector<16xi32>
        %gather3A_221 = tpu.vector_load_idx %arg10[%add3A_37, %and3A_220] : memref<128x128xf32, #tpu.memory_space<vmem>>[vector<16xi32>, vector<16xi32>], vector<16xf32>,
        tpu.vector_store_idx %arg12[%get3A_41, %and3A_220], %gather3A_221 {add = true} : memref<640x64xf32, #tpu.memory_space<vmem>>[vector<16xi32>, vector<16xi32>], vector<16xf32>,
        %add3A_222 = arith.constant 26 : i32
        %add3A_223 = vector.broadcast %add3A_222 : i32 to vector<16xi32>
        %add3A_224 = arith.addi %iota3A, %add3A_223 : vector<16xi32>
        %and3A_225 = arith.constant 63 : i32
        %and3A_226 = vector.broadcast %and3A_225 : i32 to vector<16xi32>
        %and3A_227 = arith.andi %add3A_224, %and3A_226 : vector<16xi32>
        %gather3A_228 = tpu.vector_load_idx %arg10[%add3A_37, %and3A_227] : memref<128x128xf32, #tpu.memory_space<vmem>>[vector<16xi32>, vector<16xi32>], vector<16xf32>,
        tpu.vector_store_idx %arg12[%get3A_41, %and3A_227], %gather3A_228 {add = true} : memref<640x64xf32, #tpu.memory_space<vmem>>[vector<16xi32>, vector<16xi32>], vector<16xf32>,
        %add3A_229 = arith.constant 27 : i32
        %add3A_230 = vector.broadcast %add3A_229 : i32 to vector<16xi32>
        %add3A_231 = arith.addi %iota3A, %add3A_230 : vector<16xi32>
        %and3A_232 = arith.constant 63 : i32
        %and3A_233 = vector.broadcast %and3A_232 : i32 to vector<16xi32>
        %and3A_234 = arith.andi %add3A_231, %and3A_233 : vector<16xi32>
        %gather3A_235 = tpu.vector_load_idx %arg10[%add3A_37, %and3A_234] : memref<128x128xf32, #tpu.memory_space<vmem>>[vector<16xi32>, vector<16xi32>], vector<16xf32>,
        tpu.vector_store_idx %arg12[%get3A_41, %and3A_234], %gather3A_235 {add = true} : memref<640x64xf32, #tpu.memory_space<vmem>>[vector<16xi32>, vector<16xi32>], vector<16xf32>,
        %add3A_236 = arith.constant 28 : i32
        %add3A_237 = vector.broadcast %add3A_236 : i32 to vector<16xi32>
        %add3A_238 = arith.addi %iota3A, %add3A_237 : vector<16xi32>
        %and3A_239 = arith.constant 63 : i32
        %and3A_240 = vector.broadcast %and3A_239 : i32 to vector<16xi32>
        %and3A_241 = arith.andi %add3A_238, %and3A_240 : vector<16xi32>
        %gather3A_242 = tpu.vector_load_idx %arg10[%add3A_37, %and3A_241] : memref<128x128xf32, #tpu.memory_space<vmem>>[vector<16xi32>, vector<16xi32>], vector<16xf32>,
        tpu.vector_store_idx %arg12[%get3A_41, %and3A_241], %gather3A_242 {add = true} : memref<640x64xf32, #tpu.memory_space<vmem>>[vector<16xi32>, vector<16xi32>], vector<16xf32>,
        %add3A_243 = arith.constant 29 : i32
        %add3A_244 = vector.broadcast %add3A_243 : i32 to vector<16xi32>
        %add3A_245 = arith.addi %iota3A, %add3A_244 : vector<16xi32>
        %and3A_246 = arith.constant 63 : i32
        %and3A_247 = vector.broadcast %and3A_246 : i32 to vector<16xi32>
        %and3A_248 = arith.andi %add3A_245, %and3A_247 : vector<16xi32>
        %gather3A_249 = tpu.vector_load_idx %arg10[%add3A_37, %and3A_248] : memref<128x128xf32, #tpu.memory_space<vmem>>[vector<16xi32>, vector<16xi32>], vector<16xf32>,
        tpu.vector_store_idx %arg12[%get3A_41, %and3A_248], %gather3A_249 {add = true} : memref<640x64xf32, #tpu.memory_space<vmem>>[vector<16xi32>, vector<16xi32>], vector<16xf32>,
        %add3A_250 = arith.constant 30 : i32
        %add3A_251 = vector.broadcast %add3A_250 : i32 to vector<16xi32>
        %add3A_252 = arith.addi %iota3A, %add3A_251 : vector<16xi32>
        %and3A_253 = arith.constant 63 : i32
        %and3A_254 = vector.broadcast %and3A_253 : i32 to vector<16xi32>
        %and3A_255 = arith.andi %add3A_252, %and3A_254 : vector<16xi32>
        %gather3A_256 = tpu.vector_load_idx %arg10[%add3A_37, %and3A_255] : memref<128x128xf32, #tpu.memory_space<vmem>>[vector<16xi32>, vector<16xi32>], vector<16xf32>,
        tpu.vector_store_idx %arg12[%get3A_41, %and3A_255], %gather3A_256 {add = true} : memref<640x64xf32, #tpu.memory_space<vmem>>[vector<16xi32>, vector<16xi32>], vector<16xf32>,
        %add3A_257 = arith.constant 31 : i32
        %add3A_258 = vector.broadcast %add3A_257 : i32 to vector<16xi32>
        %add3A_259 = arith.addi %iota3A, %add3A_258 : vector<16xi32>
        %and3A_260 = arith.constant 63 : i32
        %and3A_261 = vector.broadcast %and3A_260 : i32 to vector<16xi32>
        %and3A_262 = arith.andi %add3A_259, %and3A_261 : vector<16xi32>
        %gather3A_263 = tpu.vector_load_idx %arg10[%add3A_37, %and3A_262] : memref<128x128xf32, #tpu.memory_space<vmem>>[vector<16xi32>, vector<16xi32>], vector<16xf32>,
        tpu.vector_store_idx %arg12[%get3A_41, %and3A_262], %gather3A_263 {add = true} : memref<640x64xf32, #tpu.memory_space<vmem>>[vector<16xi32>, vector<16xi32>], vector<16xf32>,
        %add3A_264 = arith.constant 32 : i32
        %add3A_265 = vector.broadcast %add3A_264 : i32 to vector<16xi32>
        %add3A_266 = arith.addi %iota3A, %add3A_265 : vector<16xi32>
        %and3A_267 = arith.constant 63 : i32
        %and3A_268 = vector.broadcast %and3A_267 : i32 to vector<16xi32>
        %and3A_269 = arith.andi %add3A_266, %and3A_268 : vector<16xi32>
        %gather3A_270 = tpu.vector_load_idx %arg10[%add3A_37, %and3A_269] : memref<128x128xf32, #tpu.memory_space<vmem>>[vector<16xi32>, vector<16xi32>], vector<16xf32>,
        tpu.vector_store_idx %arg12[%get3A_41, %and3A_269], %gather3A_270 {add = true} : memref<640x64xf32, #tpu.memory_space<vmem>>[vector<16xi32>, vector<16xi32>], vector<16xf32>,
        %add3A_271 = arith.constant 33 : i32
        %add3A_272 = vector.broadcast %add3A_271 : i32 to vector<16xi32>
        %add3A_273 = arith.addi %iota3A, %add3A_272 : vector<16xi32>
        %and3A_274 = arith.constant 63 : i32
        %and3A_275 = vector.broadcast %and3A_274 : i32 to vector<16xi32>
        %and3A_276 = arith.andi %add3A_273, %and3A_275 : vector<16xi32>
        %gather3A_277 = tpu.vector_load_idx %arg10[%add3A_37, %and3A_276] : memref<128x128xf32, #tpu.memory_space<vmem>>[vector<16xi32>, vector<16xi32>], vector<16xf32>,
        tpu.vector_store_idx %arg12[%get3A_41, %and3A_276], %gather3A_277 {add = true} : memref<640x64xf32, #tpu.memory_space<vmem>>[vector<16xi32>, vector<16xi32>], vector<16xf32>,
        %add3A_278 = arith.constant 34 : i32
        %add3A_279 = vector.broadcast %add3A_278 : i32 to vector<16xi32>
        %add3A_280 = arith.addi %iota3A, %add3A_279 : vector<16xi32>
        %and3A_281 = arith.constant 63 : i32
        %and3A_282 = vector.broadcast %and3A_281 : i32 to vector<16xi32>
        %and3A_283 = arith.andi %add3A_280, %and3A_282 : vector<16xi32>
        %gather3A_284 = tpu.vector_load_idx %arg10[%add3A_37, %and3A_283] : memref<128x128xf32, #tpu.memory_space<vmem>>[vector<16xi32>, vector<16xi32>], vector<16xf32>,
        tpu.vector_store_idx %arg12[%get3A_41, %and3A_283], %gather3A_284 {add = true} : memref<640x64xf32, #tpu.memory_space<vmem>>[vector<16xi32>, vector<16xi32>], vector<16xf32>,
        %add3A_285 = arith.constant 35 : i32
        %add3A_286 = vector.broadcast %add3A_285 : i32 to vector<16xi32>
        %add3A_287 = arith.addi %iota3A, %add3A_286 : vector<16xi32>
        %and3A_288 = arith.constant 63 : i32
        %and3A_289 = vector.broadcast %and3A_288 : i32 to vector<16xi32>
        %and3A_290 = arith.andi %add3A_287, %and3A_289 : vector<16xi32>
        %gather3A_291 = tpu.vector_load_idx %arg10[%add3A_37, %and3A_290] : memref<128x128xf32, #tpu.memory_space<vmem>>[vector<16xi32>, vector<16xi32>], vector<16xf32>,
        tpu.vector_store_idx %arg12[%get3A_41, %and3A_290], %gather3A_291 {add = true} : memref<640x64xf32, #tpu.memory_space<vmem>>[vector<16xi32>, vector<16xi32>], vector<16xf32>,
        %add3A_292 = arith.constant 36 : i32
        %add3A_293 = vector.broadcast %add3A_292 : i32 to vector<16xi32>
        %add3A_294 = arith.addi %iota3A, %add3A_293 : vector<16xi32>
        %and3A_295 = arith.constant 63 : i32
        %and3A_296 = vector.broadcast %and3A_295 : i32 to vector<16xi32>
        %and3A_297 = arith.andi %add3A_294, %and3A_296 : vector<16xi32>
        %gather3A_298 = tpu.vector_load_idx %arg10[%add3A_37, %and3A_297] : memref<128x128xf32, #tpu.memory_space<vmem>>[vector<16xi32>, vector<16xi32>], vector<16xf32>,
        tpu.vector_store_idx %arg12[%get3A_41, %and3A_297], %gather3A_298 {add = true} : memref<640x64xf32, #tpu.memory_space<vmem>>[vector<16xi32>, vector<16xi32>], vector<16xf32>,
        %add3A_299 = arith.constant 37 : i32
        %add3A_300 = vector.broadcast %add3A_299 : i32 to vector<16xi32>
        %add3A_301 = arith.addi %iota3A, %add3A_300 : vector<16xi32>
        %and3A_302 = arith.constant 63 : i32
        %and3A_303 = vector.broadcast %and3A_302 : i32 to vector<16xi32>
        %and3A_304 = arith.andi %add3A_301, %and3A_303 : vector<16xi32>
        %gather3A_305 = tpu.vector_load_idx %arg10[%add3A_37, %and3A_304] : memref<128x128xf32, #tpu.memory_space<vmem>>[vector<16xi32>, vector<16xi32>], vector<16xf32>,
        tpu.vector_store_idx %arg12[%get3A_41, %and3A_304], %gather3A_305 {add = true} : memref<640x64xf32, #tpu.memory_space<vmem>>[vector<16xi32>, vector<16xi32>], vector<16xf32>,
        %add3A_306 = arith.constant 38 : i32
        %add3A_307 = vector.broadcast %add3A_306 : i32 to vector<16xi32>
        %add3A_308 = arith.addi %iota3A, %add3A_307 : vector<16xi32>
        %and3A_309 = arith.constant 63 : i32
        %and3A_310 = vector.broadcast %and3A_309 : i32 to vector<16xi32>
        %and3A_311 = arith.andi %add3A_308, %and3A_310 : vector<16xi32>
        %gather3A_312 = tpu.vector_load_idx %arg10[%add3A_37, %and3A_311] : memref<128x128xf32, #tpu.memory_space<vmem>>[vector<16xi32>, vector<16xi32>], vector<16xf32>,
        tpu.vector_store_idx %arg12[%get3A_41, %and3A_311], %gather3A_312 {add = true} : memref<640x64xf32, #tpu.memory_space<vmem>>[vector<16xi32>, vector<16xi32>], vector<16xf32>,
        %add3A_313 = arith.constant 39 : i32
        %add3A_314 = vector.broadcast %add3A_313 : i32 to vector<16xi32>
        %add3A_315 = arith.addi %iota3A, %add3A_314 : vector<16xi32>
        %and3A_316 = arith.constant 63 : i32
        %and3A_317 = vector.broadcast %and3A_316 : i32 to vector<16xi32>
        %and3A_318 = arith.andi %add3A_315, %and3A_317 : vector<16xi32>
        %gather3A_319 = tpu.vector_load_idx %arg10[%add3A_37, %and3A_318] : memref<128x128xf32, #tpu.memory_space<vmem>>[vector<16xi32>, vector<16xi32>], vector<16xf32>,
        tpu.vector_store_idx %arg12[%get3A_41, %and3A_318], %gather3A_319 {add = true} : memref<640x64xf32, #tpu.memory_space<vmem>>[vector<16xi32>, vector<16xi32>], vector<16xf32>,
        %add3A_320 = arith.constant 40 : i32
        %add3A_321 = vector.broadcast %add3A_320 : i32 to vector<16xi32>
        %add3A_322 = arith.addi %iota3A, %add3A_321 : vector<16xi32>
        %and3A_323 = arith.constant 63 : i32
        %and3A_324 = vector.broadcast %and3A_323 : i32 to vector<16xi32>
        %and3A_325 = arith.andi %add3A_322, %and3A_324 : vector<16xi32>
        %gather3A_326 = tpu.vector_load_idx %arg10[%add3A_37, %and3A_325] : memref<128x128xf32, #tpu.memory_space<vmem>>[vector<16xi32>, vector<16xi32>], vector<16xf32>,
        tpu.vector_store_idx %arg12[%get3A_41, %and3A_325], %gather3A_326 {add = true} : memref<640x64xf32, #tpu.memory_space<vmem>>[vector<16xi32>, vector<16xi32>], vector<16xf32>,
        %add3A_327 = arith.constant 41 : i32
        %add3A_328 = vector.broadcast %add3A_327 : i32 to vector<16xi32>
        %add3A_329 = arith.addi %iota3A, %add3A_328 : vector<16xi32>
        %and3A_330 = arith.constant 63 : i32
        %and3A_331 = vector.broadcast %and3A_330 : i32 to vector<16xi32>
        %and3A_332 = arith.andi %add3A_329, %and3A_331 : vector<16xi32>
        %gather3A_333 = tpu.vector_load_idx %arg10[%add3A_37, %and3A_332] : memref<128x128xf32, #tpu.memory_space<vmem>>[vector<16xi32>, vector<16xi32>], vector<16xf32>,
        tpu.vector_store_idx %arg12[%get3A_41, %and3A_332], %gather3A_333 {add = true} : memref<640x64xf32, #tpu.memory_space<vmem>>[vector<16xi32>, vector<16xi32>], vector<16xf32>,
        %add3A_334 = arith.constant 42 : i32
        %add3A_335 = vector.broadcast %add3A_334 : i32 to vector<16xi32>
        %add3A_336 = arith.addi %iota3A, %add3A_335 : vector<16xi32>
        %and3A_337 = arith.constant 63 : i32
        %and3A_338 = vector.broadcast %and3A_337 : i32 to vector<16xi32>
        %and3A_339 = arith.andi %add3A_336, %and3A_338 : vector<16xi32>
        %gather3A_340 = tpu.vector_load_idx %arg10[%add3A_37, %and3A_339] : memref<128x128xf32, #tpu.memory_space<vmem>>[vector<16xi32>, vector<16xi32>], vector<16xf32>,
        tpu.vector_store_idx %arg12[%get3A_41, %and3A_339], %gather3A_340 {add = true} : memref<640x64xf32, #tpu.memory_space<vmem>>[vector<16xi32>, vector<16xi32>], vector<16xf32>,
        %add3A_341 = arith.constant 43 : i32
        %add3A_342 = vector.broadcast %add3A_341 : i32 to vector<16xi32>
        %add3A_343 = arith.addi %iota3A, %add3A_342 : vector<16xi32>
        %and3A_344 = arith.constant 63 : i32
        %and3A_345 = vector.broadcast %and3A_344 : i32 to vector<16xi32>
        %and3A_346 = arith.andi %add3A_343, %and3A_345 : vector<16xi32>
        %gather3A_347 = tpu.vector_load_idx %arg10[%add3A_37, %and3A_346] : memref<128x128xf32, #tpu.memory_space<vmem>>[vector<16xi32>, vector<16xi32>], vector<16xf32>,
        tpu.vector_store_idx %arg12[%get3A_41, %and3A_346], %gather3A_347 {add = true} : memref<640x64xf32, #tpu.memory_space<vmem>>[vector<16xi32>, vector<16xi32>], vector<16xf32>,
        %add3A_348 = arith.constant 44 : i32
        %add3A_349 = vector.broadcast %add3A_348 : i32 to vector<16xi32>
        %add3A_350 = arith.addi %iota3A, %add3A_349 : vector<16xi32>
        %and3A_351 = arith.constant 63 : i32
        %and3A_352 = vector.broadcast %and3A_351 : i32 to vector<16xi32>
        %and3A_353 = arith.andi %add3A_350, %and3A_352 : vector<16xi32>
        %gather3A_354 = tpu.vector_load_idx %arg10[%add3A_37, %and3A_353] : memref<128x128xf32, #tpu.memory_space<vmem>>[vector<16xi32>, vector<16xi32>], vector<16xf32>,
        tpu.vector_store_idx %arg12[%get3A_41, %and3A_353], %gather3A_354 {add = true} : memref<640x64xf32, #tpu.memory_space<vmem>>[vector<16xi32>, vector<16xi32>], vector<16xf32>,
        %add3A_355 = arith.constant 45 : i32
        %add3A_356 = vector.broadcast %add3A_355 : i32 to vector<16xi32>
        %add3A_357 = arith.addi %iota3A, %add3A_356 : vector<16xi32>
        %and3A_358 = arith.constant 63 : i32
        %and3A_359 = vector.broadcast %and3A_358 : i32 to vector<16xi32>
        %and3A_360 = arith.andi %add3A_357, %and3A_359 : vector<16xi32>
        %gather3A_361 = tpu.vector_load_idx %arg10[%add3A_37, %and3A_360] : memref<128x128xf32, #tpu.memory_space<vmem>>[vector<16xi32>, vector<16xi32>], vector<16xf32>,
        tpu.vector_store_idx %arg12[%get3A_41, %and3A_360], %gather3A_361 {add = true} : memref<640x64xf32, #tpu.memory_space<vmem>>[vector<16xi32>, vector<16xi32>], vector<16xf32>,
        %add3A_362 = arith.constant 46 : i32
        %add3A_363 = vector.broadcast %add3A_362 : i32 to vector<16xi32>
        %add3A_364 = arith.addi %iota3A, %add3A_363 : vector<16xi32>
        %and3A_365 = arith.constant 63 : i32
        %and3A_366 = vector.broadcast %and3A_365 : i32 to vector<16xi32>
        %and3A_367 = arith.andi %add3A_364, %and3A_366 : vector<16xi32>
        %gather3A_368 = tpu.vector_load_idx %arg10[%add3A_37, %and3A_367] : memref<128x128xf32, #tpu.memory_space<vmem>>[vector<16xi32>, vector<16xi32>], vector<16xf32>,
        tpu.vector_store_idx %arg12[%get3A_41, %and3A_367], %gather3A_368 {add = true} : memref<640x64xf32, #tpu.memory_space<vmem>>[vector<16xi32>, vector<16xi32>], vector<16xf32>,
        %add3A_369 = arith.constant 47 : i32
        %add3A_370 = vector.broadcast %add3A_369 : i32 to vector<16xi32>
        %add3A_371 = arith.addi %iota3A, %add3A_370 : vector<16xi32>
        %and3A_372 = arith.constant 63 : i32
        %and3A_373 = vector.broadcast %and3A_372 : i32 to vector<16xi32>
        %and3A_374 = arith.andi %add3A_371, %and3A_373 : vector<16xi32>
        %gather3A_375 = tpu.vector_load_idx %arg10[%add3A_37, %and3A_374] : memref<128x128xf32, #tpu.memory_space<vmem>>[vector<16xi32>, vector<16xi32>], vector<16xf32>,
        tpu.vector_store_idx %arg12[%get3A_41, %and3A_374], %gather3A_375 {add = true} : memref<640x64xf32, #tpu.memory_space<vmem>>[vector<16xi32>, vector<16xi32>], vector<16xf32>,
        %add3A_376 = arith.constant 48 : i32
        %add3A_377 = vector.broadcast %add3A_376 : i32 to vector<16xi32>
        %add3A_378 = arith.addi %iota3A, %add3A_377 : vector<16xi32>
        %and3A_379 = arith.constant 63 : i32
        %and3A_380 = vector.broadcast %and3A_379 : i32 to vector<16xi32>
        %and3A_381 = arith.andi %add3A_378, %and3A_380 : vector<16xi32>
        %gather3A_382 = tpu.vector_load_idx %arg10[%add3A_37, %and3A_381] : memref<128x128xf32, #tpu.memory_space<vmem>>[vector<16xi32>, vector<16xi32>], vector<16xf32>,
        tpu.vector_store_idx %arg12[%get3A_41, %and3A_381], %gather3A_382 {add = true} : memref<640x64xf32, #tpu.memory_space<vmem>>[vector<16xi32>, vector<16xi32>], vector<16xf32>,
        %add3A_383 = arith.constant 49 : i32
        %add3A_384 = vector.broadcast %add3A_383 : i32 to vector<16xi32>
        %add3A_385 = arith.addi %iota3A, %add3A_384 : vector<16xi32>
        %and3A_386 = arith.constant 63 : i32
        %and3A_387 = vector.broadcast %and3A_386 : i32 to vector<16xi32>
        %and3A_388 = arith.andi %add3A_385, %and3A_387 : vector<16xi32>
        %gather3A_389 = tpu.vector_load_idx %arg10[%add3A_37, %and3A_388] : memref<128x128xf32, #tpu.memory_space<vmem>>[vector<16xi32>, vector<16xi32>], vector<16xf32>,
        tpu.vector_store_idx %arg12[%get3A_41, %and3A_388], %gather3A_389 {add = true} : memref<640x64xf32, #tpu.memory_space<vmem>>[vector<16xi32>, vector<16xi32>], vector<16xf32>,
        %add3A_390 = arith.constant 50 : i32
        %add3A_391 = vector.broadcast %add3A_390 : i32 to vector<16xi32>
        %add3A_392 = arith.addi %iota3A, %add3A_391 : vector<16xi32>
        %and3A_393 = arith.constant 63 : i32
        %and3A_394 = vector.broadcast %and3A_393 : i32 to vector<16xi32>
        %and3A_395 = arith.andi %add3A_392, %and3A_394 : vector<16xi32>
        %gather3A_396 = tpu.vector_load_idx %arg10[%add3A_37, %and3A_395] : memref<128x128xf32, #tpu.memory_space<vmem>>[vector<16xi32>, vector<16xi32>], vector<16xf32>,
        tpu.vector_store_idx %arg12[%get3A_41, %and3A_395], %gather3A_396 {add = true} : memref<640x64xf32, #tpu.memory_space<vmem>>[vector<16xi32>, vector<16xi32>], vector<16xf32>,
        %add3A_397 = arith.constant 51 : i32
        %add3A_398 = vector.broadcast %add3A_397 : i32 to vector<16xi32>
        %add3A_399 = arith.addi %iota3A, %add3A_398 : vector<16xi32>
        %and3A_400 = arith.constant 63 : i32
        %and3A_401 = vector.broadcast %and3A_400 : i32 to vector<16xi32>
        %and3A_402 = arith.andi %add3A_399, %and3A_401 : vector<16xi32>
        %gather3A_403 = tpu.vector_load_idx %arg10[%add3A_37, %and3A_402] : memref<128x128xf32, #tpu.memory_space<vmem>>[vector<16xi32>, vector<16xi32>], vector<16xf32>,
        tpu.vector_store_idx %arg12[%get3A_41, %and3A_402], %gather3A_403 {add = true} : memref<640x64xf32, #tpu.memory_space<vmem>>[vector<16xi32>, vector<16xi32>], vector<16xf32>,
        %add3A_404 = arith.constant 52 : i32
        %add3A_405 = vector.broadcast %add3A_404 : i32 to vector<16xi32>
        %add3A_406 = arith.addi %iota3A, %add3A_405 : vector<16xi32>
        %and3A_407 = arith.constant 63 : i32
        %and3A_408 = vector.broadcast %and3A_407 : i32 to vector<16xi32>
        %and3A_409 = arith.andi %add3A_406, %and3A_408 : vector<16xi32>
        %gather3A_410 = tpu.vector_load_idx %arg10[%add3A_37, %and3A_409] : memref<128x128xf32, #tpu.memory_space<vmem>>[vector<16xi32>, vector<16xi32>], vector<16xf32>,
        tpu.vector_store_idx %arg12[%get3A_41, %and3A_409], %gather3A_410 {add = true} : memref<640x64xf32, #tpu.memory_space<vmem>>[vector<16xi32>, vector<16xi32>], vector<16xf32>,
        %add3A_411 = arith.constant 53 : i32
        %add3A_412 = vector.broadcast %add3A_411 : i32 to vector<16xi32>
        %add3A_413 = arith.addi %iota3A, %add3A_412 : vector<16xi32>
        %and3A_414 = arith.constant 63 : i32
        %and3A_415 = vector.broadcast %and3A_414 : i32 to vector<16xi32>
        %and3A_416 = arith.andi %add3A_413, %and3A_415 : vector<16xi32>
        %gather3A_417 = tpu.vector_load_idx %arg10[%add3A_37, %and3A_416] : memref<128x128xf32, #tpu.memory_space<vmem>>[vector<16xi32>, vector<16xi32>], vector<16xf32>,
        tpu.vector_store_idx %arg12[%get3A_41, %and3A_416], %gather3A_417 {add = true} : memref<640x64xf32, #tpu.memory_space<vmem>>[vector<16xi32>, vector<16xi32>], vector<16xf32>,
        %add3A_418 = arith.constant 54 : i32
        %add3A_419 = vector.broadcast %add3A_418 : i32 to vector<16xi32>
        %add3A_420 = arith.addi %iota3A, %add3A_419 : vector<16xi32>
        %and3A_421 = arith.constant 63 : i32
        %and3A_422 = vector.broadcast %and3A_421 : i32 to vector<16xi32>
        %and3A_423 = arith.andi %add3A_420, %and3A_422 : vector<16xi32>
        %gather3A_424 = tpu.vector_load_idx %arg10[%add3A_37, %and3A_423] : memref<128x128xf32, #tpu.memory_space<vmem>>[vector<16xi32>, vector<16xi32>], vector<16xf32>,
        tpu.vector_store_idx %arg12[%get3A_41, %and3A_423], %gather3A_424 {add = true} : memref<640x64xf32, #tpu.memory_space<vmem>>[vector<16xi32>, vector<16xi32>], vector<16xf32>,
        %add3A_425 = arith.constant 55 : i32
        %add3A_426 = vector.broadcast %add3A_425 : i32 to vector<16xi32>
        %add3A_427 = arith.addi %iota3A, %add3A_426 : vector<16xi32>
        %and3A_428 = arith.constant 63 : i32
        %and3A_429 = vector.broadcast %and3A_428 : i32 to vector<16xi32>
        %and3A_430 = arith.andi %add3A_427, %and3A_429 : vector<16xi32>
        %gather3A_431 = tpu.vector_load_idx %arg10[%add3A_37, %and3A_430] : memref<128x128xf32, #tpu.memory_space<vmem>>[vector<16xi32>, vector<16xi32>], vector<16xf32>,
        tpu.vector_store_idx %arg12[%get3A_41, %and3A_430], %gather3A_431 {add = true} : memref<640x64xf32, #tpu.memory_space<vmem>>[vector<16xi32>, vector<16xi32>], vector<16xf32>,
        %add3A_432 = arith.constant 56 : i32
        %add3A_433 = vector.broadcast %add3A_432 : i32 to vector<16xi32>
        %add3A_434 = arith.addi %iota3A, %add3A_433 : vector<16xi32>
        %and3A_435 = arith.constant 63 : i32
        %and3A_436 = vector.broadcast %and3A_435 : i32 to vector<16xi32>
        %and3A_437 = arith.andi %add3A_434, %and3A_436 : vector<16xi32>
        %gather3A_438 = tpu.vector_load_idx %arg10[%add3A_37, %and3A_437] : memref<128x128xf32, #tpu.memory_space<vmem>>[vector<16xi32>, vector<16xi32>], vector<16xf32>,
        tpu.vector_store_idx %arg12[%get3A_41, %and3A_437], %gather3A_438 {add = true} : memref<640x64xf32, #tpu.memory_space<vmem>>[vector<16xi32>, vector<16xi32>], vector<16xf32>,
        %add3A_439 = arith.constant 57 : i32
        %add3A_440 = vector.broadcast %add3A_439 : i32 to vector<16xi32>
        %add3A_441 = arith.addi %iota3A, %add3A_440 : vector<16xi32>
        %and3A_442 = arith.constant 63 : i32
        %and3A_443 = vector.broadcast %and3A_442 : i32 to vector<16xi32>
        %and3A_444 = arith.andi %add3A_441, %and3A_443 : vector<16xi32>
        %gather3A_445 = tpu.vector_load_idx %arg10[%add3A_37, %and3A_444] : memref<128x128xf32, #tpu.memory_space<vmem>>[vector<16xi32>, vector<16xi32>], vector<16xf32>,
        tpu.vector_store_idx %arg12[%get3A_41, %and3A_444], %gather3A_445 {add = true} : memref<640x64xf32, #tpu.memory_space<vmem>>[vector<16xi32>, vector<16xi32>], vector<16xf32>,
        %add3A_446 = arith.constant 58 : i32
        %add3A_447 = vector.broadcast %add3A_446 : i32 to vector<16xi32>
        %add3A_448 = arith.addi %iota3A, %add3A_447 : vector<16xi32>
        %and3A_449 = arith.constant 63 : i32
        %and3A_450 = vector.broadcast %and3A_449 : i32 to vector<16xi32>
        %and3A_451 = arith.andi %add3A_448, %and3A_450 : vector<16xi32>
        %gather3A_452 = tpu.vector_load_idx %arg10[%add3A_37, %and3A_451] : memref<128x128xf32, #tpu.memory_space<vmem>>[vector<16xi32>, vector<16xi32>], vector<16xf32>,
        tpu.vector_store_idx %arg12[%get3A_41, %and3A_451], %gather3A_452 {add = true} : memref<640x64xf32, #tpu.memory_space<vmem>>[vector<16xi32>, vector<16xi32>], vector<16xf32>,
        %add3A_453 = arith.constant 59 : i32
        %add3A_454 = vector.broadcast %add3A_453 : i32 to vector<16xi32>
        %add3A_455 = arith.addi %iota3A, %add3A_454 : vector<16xi32>
        %and3A_456 = arith.constant 63 : i32
        %and3A_457 = vector.broadcast %and3A_456 : i32 to vector<16xi32>
        %and3A_458 = arith.andi %add3A_455, %and3A_457 : vector<16xi32>
        %gather3A_459 = tpu.vector_load_idx %arg10[%add3A_37, %and3A_458] : memref<128x128xf32, #tpu.memory_space<vmem>>[vector<16xi32>, vector<16xi32>], vector<16xf32>,
        tpu.vector_store_idx %arg12[%get3A_41, %and3A_458], %gather3A_459 {add = true} : memref<640x64xf32, #tpu.memory_space<vmem>>[vector<16xi32>, vector<16xi32>], vector<16xf32>,
        %add3A_460 = arith.constant 60 : i32
        %add3A_461 = vector.broadcast %add3A_460 : i32 to vector<16xi32>
        %add3A_462 = arith.addi %iota3A, %add3A_461 : vector<16xi32>
        %and3A_463 = arith.constant 63 : i32
        %and3A_464 = vector.broadcast %and3A_463 : i32 to vector<16xi32>
        %and3A_465 = arith.andi %add3A_462, %and3A_464 : vector<16xi32>
        %gather3A_466 = tpu.vector_load_idx %arg10[%add3A_37, %and3A_465] : memref<128x128xf32, #tpu.memory_space<vmem>>[vector<16xi32>, vector<16xi32>], vector<16xf32>,
        tpu.vector_store_idx %arg12[%get3A_41, %and3A_465], %gather3A_466 {add = true} : memref<640x64xf32, #tpu.memory_space<vmem>>[vector<16xi32>, vector<16xi32>], vector<16xf32>,
        %add3A_467 = arith.constant 61 : i32
        %add3A_468 = vector.broadcast %add3A_467 : i32 to vector<16xi32>
        %add3A_469 = arith.addi %iota3A, %add3A_468 : vector<16xi32>
        %and3A_470 = arith.constant 63 : i32
        %and3A_471 = vector.broadcast %and3A_470 : i32 to vector<16xi32>
        %and3A_472 = arith.andi %add3A_469, %and3A_471 : vector<16xi32>
        %gather3A_473 = tpu.vector_load_idx %arg10[%add3A_37, %and3A_472] : memref<128x128xf32, #tpu.memory_space<vmem>>[vector<16xi32>, vector<16xi32>], vector<16xf32>,
        tpu.vector_store_idx %arg12[%get3A_41, %and3A_472], %gather3A_473 {add = true} : memref<640x64xf32, #tpu.memory_space<vmem>>[vector<16xi32>, vector<16xi32>], vector<16xf32>,
        %add3A_474 = arith.constant 62 : i32
        %add3A_475 = vector.broadcast %add3A_474 : i32 to vector<16xi32>
        %add3A_476 = arith.addi %iota3A, %add3A_475 : vector<16xi32>
        %and3A_477 = arith.constant 63 : i32
        %and3A_478 = vector.broadcast %and3A_477 : i32 to vector<16xi32>
        %and3A_479 = arith.andi %add3A_476, %and3A_478 : vector<16xi32>
        %gather3A_480 = tpu.vector_load_idx %arg10[%add3A_37, %and3A_479] : memref<128x128xf32, #tpu.memory_space<vmem>>[vector<16xi32>, vector<16xi32>], vector<16xf32>,
        tpu.vector_store_idx %arg12[%get3A_41, %and3A_479], %gather3A_480 {add = true} : memref<640x64xf32, #tpu.memory_space<vmem>>[vector<16xi32>, vector<16xi32>], vector<16xf32>,
        %add3A_481 = arith.constant 63 : i32
        %add3A_482 = vector.broadcast %add3A_481 : i32 to vector<16xi32>
        %add3A_483 = arith.addi %iota3A, %add3A_482 : vector<16xi32>
        %and3A_484 = arith.constant 63 : i32
        %and3A_485 = vector.broadcast %and3A_484 : i32 to vector<16xi32>
        %and3A_486 = arith.andi %add3A_483, %and3A_485 : vector<16xi32>
        %gather3A_487 = tpu.vector_load_idx %arg10[%add3A_37, %and3A_486] : memref<128x128xf32, #tpu.memory_space<vmem>>[vector<16xi32>, vector<16xi32>], vector<16xf32>,
        tpu.vector_store_idx %arg12[%get3A_41, %and3A_486], %gather3A_487 {add = true} : memref<640x64xf32, #tpu.memory_space<vmem>>[vector<16xi32>, vector<16xi32>], vector<16xf32>,
      }
      %scan3A_32 = arith.constant 8 : i32
    }
    %mul3A_15 = arith.constant 10112 : i32
    %mul3A_16 = arith.muli %arg0, %mul3A_15 : i32
    %mul3A_17 = arith.constant 632 : i32
    %mul3A_18 = arith.muli %arg1, %mul3A_17 : i32
    %add3A_19 = arith.addi %mul3A_16, %mul3A_18 : i32
    "tpu.region"() ({
      %run_scoped3A = tpu.sem_alloc : memref<!tpu.dma_semaphore, #tpu.memory_space<semaphore_mem>>
      %dma_start3A = arith.constant 0 : i32
      %dma_start3A_20 = arith.constant 0 : i32
      %dma_start3A_21 = tpu.memref_slice %arg12[%dma_start3A, %dma_start3A_20] : memref<640x64xf32, #tpu.memory_space<vmem>> -> memref<632x64xf32, #tpu.memory_space<vmem>>
      %dma_start3A_22 = arith.constant 0 : i32
      %dma_start3A_23 = tpu.memref_slice %arg7[%add3A_19, %dma_start3A_22] : memref<20224x64xf32, #tpu.memory_space<hbm>> -> memref<632x64xf32, #tpu.memory_space<hbm>>
      %dma_start3A_24 = arith.constant 0 : i32
      %dma_start3A_25 = tpu.memref_slice %arg7[%add3A_19, %dma_start3A_24] : memref<20224x64xf32, #tpu.memory_space<hbm>> -> memref<632x64xf32, #tpu.memory_space<hbm>>
      %dma_start3A_26 = arith.constant 0 : i32
      %dma_start3A_27 = arith.constant 0 : i32
      %dma_start3A_28 = tpu.memref_slice %arg12[%dma_start3A_26, %dma_start3A_27] : memref<640x64xf32, #tpu.memory_space<vmem>> -> memref<632x64xf32, #tpu.memory_space<vmem>>
      tpu.enqueue_dma source(%dma_start3A_28 : memref<632x64xf32, #tpu.memory_space<vmem>>) target(%dma_start3A_25 : memref<632x64xf32, #tpu.memory_space<hbm>>) target_semaphore(%run_scoped3A : memref<!tpu.dma_semaphore, #tpu.memory_space<semaphore_mem>>)
      %dma_wait3A = arith.constant 0 : i32
      %dma_wait3A_29 = arith.constant 0 : i32
      %dma_wait3A_30 = tpu.memref_slice %arg12[%dma_wait3A, %dma_wait3A_29] : memref<640x64xf32, #tpu.memory_space<vmem>> -> memref<632x64xf32, #tpu.memory_space<vmem>>
      %dma_wait3A_31 = arith.constant 0 : i32
      %dma_wait3A_32 = tpu.memref_slice %arg7[%add3A_19, %dma_wait3A_31] : memref<20224x64xf32, #tpu.memory_space<hbm>> -> memref<632x64xf32, #tpu.memory_space<hbm>>
      %dma_wait3A_33 = arith.constant 0 : i32
      %dma_wait3A_34 = tpu.memref_slice %arg7[%add3A_19, %dma_wait3A_33] : memref<20224x64xf32, #tpu.memory_space<hbm>> -> memref<632x64xf32, #tpu.memory_space<hbm>>
      %dma_wait3A_35 = arith.constant 0 : i32
      %dma_wait3A_36 = arith.constant 0 : i32
      %dma_wait3A_37 = tpu.memref_slice %arg12[%dma_wait3A_35, %dma_wait3A_36] : memref<640x64xf32, #tpu.memory_space<vmem>> -> memref<632x64xf32, #tpu.memory_space<vmem>>
      tpu.wait_dma2 semaphore(%run_scoped3A : memref<!tpu.dma_semaphore, #tpu.memory_space<semaphore_mem>>) src(%dma_wait3A_37 : memref<632x64xf32, #tpu.memory_space<vmem>>) dst(%dma_wait3A_34 : memref<632x64xf32, #tpu.memory_space<hbm>>)
      tpu.yield
    }) : () -> ()
    return
  }
}

#map = affine_map<(d0, d1) -> (0, 0)>
#map1 = affine_map<(d0, d1) -> (0)>
module attributes {stable_mosaic.version = 14 : i64} {
  func.func @agg_kernel(%arg0: i32, %arg1: i32, %arg2: memref<10112x128xf32, #tpu.memory_space<hbm>>, %arg3: memref<5152768xi32, #tpu.memory_space<hbm>>, %arg4: memref<5152768xi32, #tpu.memory_space<hbm>>, %arg5: memref<512xi32, #tpu.memory_space<hbm>>, %arg6: memref<640x64xf32, #tpu.memory_space<hbm>>, %arg7: memref<20224x64xf32, #tpu.memory_space<hbm>>, %arg8: memref<128xi32, #tpu.memory_space<vmem>>, %arg9: memref<128xi32, #tpu.memory_space<vmem>>, %arg10: memref<128x128xf32, #tpu.memory_space<vmem>>, %arg11: memref<16xi32, #tpu.memory_space<vmem>>, %arg12: memref<640x64xf32, #tpu.memory_space<vmem>>, %arg13: memref<!tpu.dma_semaphore, #tpu.memory_space<semaphore_mem>>) attributes {dimension_semantics = [#tpu.dimension_semantics<core_parallel>, #tpu.dimension_semantics<subcore_parallel>], iteration_bounds = array<i64: 2, 16>, scalar_prefetch = 0 : i64, scratch_operands = 6 : i64, tpu.core_type = #tpu.core_type<sc_vector_subcore>, window_params = [{transform_indices = #map}, {transform_indices = #map1}, {transform_indices = #map1}, {transform_indices = #map1}, {transform_indices = #map}, {transform_indices = #map}]} {
    %mul3A = arith.constant 16 : i32
    %mul3A_0 = arith.muli %arg0, %mul3A : i32
    %add3A = arith.addi %mul3A_0, %arg1 : i32
    %mul3A_1 = arith.constant 161024 : i32
    %mul3A_2 = arith.muli %add3A, %mul3A_1 : i32
    "tpu.region"() ({
      %run_scoped3A = tpu.sem_alloc : memref<!tpu.dma_semaphore, #tpu.memory_space<semaphore_mem>>
      tpu.enqueue_dma source(%arg6 : memref<640x64xf32, #tpu.memory_space<hbm>>) target(%arg12 : memref<640x64xf32, #tpu.memory_space<vmem>>) target_semaphore(%run_scoped3A : memref<!tpu.dma_semaphore, #tpu.memory_space<semaphore_mem>>)
      tpu.wait_dma2 semaphore(%run_scoped3A : memref<!tpu.dma_semaphore, #tpu.memory_space<semaphore_mem>>) src(%arg6 : memref<640x64xf32, #tpu.memory_space<hbm>>) dst(%arg12 : memref<640x64xf32, #tpu.memory_space<vmem>>)
      tpu.yield
    }) : () -> ()
    %mul3A_3 = arith.constant 16 : i32
    %mul3A_4 = arith.muli %add3A, %mul3A_3 : i32
    "tpu.region"() ({
      %run_scoped3A = tpu.sem_alloc : memref<!tpu.dma_semaphore, #tpu.memory_space<semaphore_mem>>
      %dma_start3A = tpu.memref_slice %arg5[%mul3A_4] : memref<512xi32, #tpu.memory_space<hbm>> -> memref<16xi32, #tpu.memory_space<hbm>>
      %dma_start3A_20 = tpu.memref_slice %arg5[%mul3A_4] : memref<512xi32, #tpu.memory_space<hbm>> -> memref<16xi32, #tpu.memory_space<hbm>>
      tpu.enqueue_dma source(%dma_start3A_20 : memref<16xi32, #tpu.memory_space<hbm>>) target(%arg11 : memref<16xi32, #tpu.memory_space<vmem>>) target_semaphore(%run_scoped3A : memref<!tpu.dma_semaphore, #tpu.memory_space<semaphore_mem>>)
      %dma_wait3A = tpu.memref_slice %arg5[%mul3A_4] : memref<512xi32, #tpu.memory_space<hbm>> -> memref<16xi32, #tpu.memory_space<hbm>>
      %dma_wait3A_21 = tpu.memref_slice %arg5[%mul3A_4] : memref<512xi32, #tpu.memory_space<hbm>> -> memref<16xi32, #tpu.memory_space<hbm>>
      tpu.wait_dma2 semaphore(%run_scoped3A : memref<!tpu.dma_semaphore, #tpu.memory_space<semaphore_mem>>) src(%dma_wait3A_21 : memref<16xi32, #tpu.memory_space<hbm>>) dst(%arg11 : memref<16xi32, #tpu.memory_space<vmem>>)
      tpu.yield
    }) : () -> ()
    %get3A = arith.constant 0 : index
    %get3A_5 = tpu.vector_load %arg11[%get3A] {strides = array<i32>} : memref<16xi32, #tpu.memory_space<vmem>>, vector<16xi32>,
    %slice3A = vector.extract_strided_slice %get3A_5 {offsets = [0], sizes = [1], strides = [1]} : vector<16xi32> to vector<1xi32>
    %squeeze3A = vector.extract %slice3A[0] : i32 from vector<1xi32>
    %iota3A = tpu.iota {dimensions = array<i32: 0>} : vector<16xi32>
    %while3A = arith.constant 0 : i32
    %while3A_6 = arith.constant 0 : i32
    %while3A_7 = arith.subi %squeeze3A, %while3A_6 : i32
    %while3A_8 = arith.addi %while3A_6, %while3A_7 : i32
    %while3A_9 = arith.constant 1 : i32
    %while3A_10 = arith.divsi %while3A_7, %while3A_9 : i32
    %while3A_11 = arith.muli %while3A_10, %while3A_9 : i32
    %while3A_12 = arith.addi %while3A_6, %while3A_11 : i32
    %while3A_13 = arith.constant 1 : i32
    scf.for %while3A_20 = %while3A_6 to %while3A_12 step %while3A_13  : i32 {
      %mul3A_21 = arith.constant 128 : i32
      %mul3A_22 = arith.muli %while3A_20, %mul3A_21 : i32
      %add3A_23 = arith.addi %mul3A_2, %mul3A_22 : i32
      "tpu.region"() ({
        %run_scoped3A = tpu.sem_alloc : memref<!tpu.dma_semaphore, #tpu.memory_space<semaphore_mem>>
        %dma_start3A_33 = tpu.memref_slice %arg3[%add3A_23] : memref<5152768xi32, #tpu.memory_space<hbm>> -> memref<128xi32, #tpu.memory_space<hbm>>
        %dma_start3A_34 = tpu.memref_slice %arg3[%add3A_23] : memref<5152768xi32, #tpu.memory_space<hbm>> -> memref<128xi32, #tpu.memory_space<hbm>>
        tpu.enqueue_dma source(%dma_start3A_34 : memref<128xi32, #tpu.memory_space<hbm>>) target(%arg8 : memref<128xi32, #tpu.memory_space<vmem>>) target_semaphore(%run_scoped3A : memref<!tpu.dma_semaphore, #tpu.memory_space<semaphore_mem>>)
        %dma_wait3A_35 = tpu.memref_slice %arg3[%add3A_23] : memref<5152768xi32, #tpu.memory_space<hbm>> -> memref<128xi32, #tpu.memory_space<hbm>>
        %dma_wait3A_36 = tpu.memref_slice %arg3[%add3A_23] : memref<5152768xi32, #tpu.memory_space<hbm>> -> memref<128xi32, #tpu.memory_space<hbm>>
        tpu.wait_dma2 semaphore(%run_scoped3A : memref<!tpu.dma_semaphore, #tpu.memory_space<semaphore_mem>>) src(%dma_wait3A_36 : memref<128xi32, #tpu.memory_space<hbm>>) dst(%arg8 : memref<128xi32, #tpu.memory_space<vmem>>)
        tpu.yield
      }) : () -> ()
      "tpu.region"() ({
        %run_scoped3A = tpu.sem_alloc : memref<!tpu.dma_semaphore, #tpu.memory_space<semaphore_mem>>
        %dma_start3A_33 = tpu.memref_slice %arg4[%add3A_23] : memref<5152768xi32, #tpu.memory_space<hbm>> -> memref<128xi32, #tpu.memory_space<hbm>>
        %dma_start3A_34 = tpu.memref_slice %arg4[%add3A_23] : memref<5152768xi32, #tpu.memory_space<hbm>> -> memref<128xi32, #tpu.memory_space<hbm>>
        tpu.enqueue_dma source(%dma_start3A_34 : memref<128xi32, #tpu.memory_space<hbm>>) target(%arg9 : memref<128xi32, #tpu.memory_space<vmem>>) target_semaphore(%run_scoped3A : memref<!tpu.dma_semaphore, #tpu.memory_space<semaphore_mem>>)
        %dma_wait3A_35 = tpu.memref_slice %arg4[%add3A_23] : memref<5152768xi32, #tpu.memory_space<hbm>> -> memref<128xi32, #tpu.memory_space<hbm>>
        %dma_wait3A_36 = tpu.memref_slice %arg4[%add3A_23] : memref<5152768xi32, #tpu.memory_space<hbm>> -> memref<128xi32, #tpu.memory_space<hbm>>
        tpu.wait_dma2 semaphore(%run_scoped3A : memref<!tpu.dma_semaphore, #tpu.memory_space<semaphore_mem>>) src(%dma_wait3A_36 : memref<128xi32, #tpu.memory_space<hbm>>) dst(%arg9 : memref<128xi32, #tpu.memory_space<vmem>>)
        tpu.yield
      }) : () -> ()
      %dma_start3A = arith.constant 0 : i32
      %dma_start3A_24 = arith.constant 0 : i32
      %dma_start3A_25 = tpu.memref_slice %arg2[%dma_start3A, %dma_start3A_24] : memref<10112x128xf32, #tpu.memory_space<hbm>> -> memref<10112x128xf32, #tpu.memory_space<hbm>>
      tpu.enqueue_indirect_dma source(%dma_start3A_25 : memref<10112x128xf32, #tpu.memory_space<hbm>>) target(%arg10 : memref<128x128xf32, #tpu.memory_space<vmem>>) offsets(%arg8 : memref<128xi32, #tpu.memory_space<vmem>>) semaphore(%arg13 : memref<!tpu.dma_semaphore, #tpu.memory_space<semaphore_mem>>)
      %dma_wait3A = arith.constant 0 : i32
      %dma_wait3A_26 = arith.constant 0 : i32
      %dma_wait3A_27 = tpu.memref_slice %arg2[%dma_wait3A, %dma_wait3A_26] : memref<10112x128xf32, #tpu.memory_space<hbm>> -> memref<10112x128xf32, #tpu.memory_space<hbm>>
      tpu.wait_indirect_dma semaphore(%arg13 : memref<!tpu.dma_semaphore, #tpu.memory_space<semaphore_mem>>) src(%dma_wait3A_27 : memref<10112x128xf32, #tpu.memory_space<hbm>>) dst(%arg10 : memref<128x128xf32, #tpu.memory_space<vmem>>)
      %scan3A = arith.constant 0 : i32
      %scan3A_28 = arith.constant 0 : i32
      %scan3A_29 = arith.constant 8 : i32
      %scan3A_30 = arith.addi %scan3A_28, %scan3A_29 : i32
      %scan3A_31 = arith.constant 1 : i32
      scf.for %scan3A_33 = %scan3A_28 to %scan3A_30 step %scan3A_31  : i32 {
        %mul3A_34 = arith.constant 16 : i32
        %mul3A_35 = arith.muli %scan3A_33, %mul3A_34 : i32
        %add3A_36 = vector.broadcast %mul3A_35 : i32 to vector<16xi32>
        %add3A_37 = arith.addi %add3A_36, %iota3A : vector<16xi32>
        %mul3A_38 = arith.constant 16 : i32
        %mul3A_39 = arith.muli %scan3A_33, %mul3A_38 : i32
        %get3A_40 = arith.index_cast %mul3A_39 : i32 to index
        %get3A_41 = tpu.vector_load %arg9[%get3A_40] {strides = array<i32>} : memref<128xi32, #tpu.memory_space<vmem>>, vector<16xi32>,
        %add3A_42 = arith.constant 0 : i32
        %add3A_43 = vector.broadcast %add3A_42 : i32 to vector<16xi32>
        %add3A_44 = arith.addi %iota3A, %add3A_43 : vector<16xi32>
        %and3A = arith.constant 63 : i32
        %and3A_45 = vector.broadcast %and3A : i32 to vector<16xi32>
        %and3A_46 = arith.andi %add3A_44, %and3A_45 : vector<16xi32>
        %gather3A = tpu.vector_load_idx %arg10[%add3A_37, %and3A_46] : memref<128x128xf32, #tpu.memory_space<vmem>>[vector<16xi32>, vector<16xi32>], vector<16xf32>,
        tpu.vector_store_idx %arg12[%get3A_41, %and3A_46], %gather3A {add = true} : memref<640x64xf32, #tpu.memory_space<vmem>>[vector<16xi32>, vector<16xi32>], vector<16xf32>,
        %add3A_47 = arith.constant 1 : i32
        %add3A_48 = vector.broadcast %add3A_47 : i32 to vector<16xi32>
        %add3A_49 = arith.addi %iota3A, %add3A_48 : vector<16xi32>
        %and3A_50 = arith.constant 63 : i32
        %and3A_51 = vector.broadcast %and3A_50 : i32 to vector<16xi32>
        %and3A_52 = arith.andi %add3A_49, %and3A_51 : vector<16xi32>
        %gather3A_53 = tpu.vector_load_idx %arg10[%add3A_37, %and3A_52] : memref<128x128xf32, #tpu.memory_space<vmem>>[vector<16xi32>, vector<16xi32>], vector<16xf32>,
        tpu.vector_store_idx %arg12[%get3A_41, %and3A_52], %gather3A_53 {add = true} : memref<640x64xf32, #tpu.memory_space<vmem>>[vector<16xi32>, vector<16xi32>], vector<16xf32>,
        %add3A_54 = arith.constant 2 : i32
        %add3A_55 = vector.broadcast %add3A_54 : i32 to vector<16xi32>
        %add3A_56 = arith.addi %iota3A, %add3A_55 : vector<16xi32>
        %and3A_57 = arith.constant 63 : i32
        %and3A_58 = vector.broadcast %and3A_57 : i32 to vector<16xi32>
        %and3A_59 = arith.andi %add3A_56, %and3A_58 : vector<16xi32>
        %gather3A_60 = tpu.vector_load_idx %arg10[%add3A_37, %and3A_59] : memref<128x128xf32, #tpu.memory_space<vmem>>[vector<16xi32>, vector<16xi32>], vector<16xf32>,
        tpu.vector_store_idx %arg12[%get3A_41, %and3A_59], %gather3A_60 {add = true} : memref<640x64xf32, #tpu.memory_space<vmem>>[vector<16xi32>, vector<16xi32>], vector<16xf32>,
        %add3A_61 = arith.constant 3 : i32
        %add3A_62 = vector.broadcast %add3A_61 : i32 to vector<16xi32>
        %add3A_63 = arith.addi %iota3A, %add3A_62 : vector<16xi32>
        %and3A_64 = arith.constant 63 : i32
        %and3A_65 = vector.broadcast %and3A_64 : i32 to vector<16xi32>
        %and3A_66 = arith.andi %add3A_63, %and3A_65 : vector<16xi32>
        %gather3A_67 = tpu.vector_load_idx %arg10[%add3A_37, %and3A_66] : memref<128x128xf32, #tpu.memory_space<vmem>>[vector<16xi32>, vector<16xi32>], vector<16xf32>,
        tpu.vector_store_idx %arg12[%get3A_41, %and3A_66], %gather3A_67 {add = true} : memref<640x64xf32, #tpu.memory_space<vmem>>[vector<16xi32>, vector<16xi32>], vector<16xf32>,
        %add3A_68 = arith.constant 4 : i32
        %add3A_69 = vector.broadcast %add3A_68 : i32 to vector<16xi32>
        %add3A_70 = arith.addi %iota3A, %add3A_69 : vector<16xi32>
        %and3A_71 = arith.constant 63 : i32
        %and3A_72 = vector.broadcast %and3A_71 : i32 to vector<16xi32>
        %and3A_73 = arith.andi %add3A_70, %and3A_72 : vector<16xi32>
        %gather3A_74 = tpu.vector_load_idx %arg10[%add3A_37, %and3A_73] : memref<128x128xf32, #tpu.memory_space<vmem>>[vector<16xi32>, vector<16xi32>], vector<16xf32>,
        tpu.vector_store_idx %arg12[%get3A_41, %and3A_73], %gather3A_74 {add = true} : memref<640x64xf32, #tpu.memory_space<vmem>>[vector<16xi32>, vector<16xi32>], vector<16xf32>,
        %add3A_75 = arith.constant 5 : i32
        %add3A_76 = vector.broadcast %add3A_75 : i32 to vector<16xi32>
        %add3A_77 = arith.addi %iota3A, %add3A_76 : vector<16xi32>
        %and3A_78 = arith.constant 63 : i32
        %and3A_79 = vector.broadcast %and3A_78 : i32 to vector<16xi32>
        %and3A_80 = arith.andi %add3A_77, %and3A_79 : vector<16xi32>
        %gather3A_81 = tpu.vector_load_idx %arg10[%add3A_37, %and3A_80] : memref<128x128xf32, #tpu.memory_space<vmem>>[vector<16xi32>, vector<16xi32>], vector<16xf32>,
        tpu.vector_store_idx %arg12[%get3A_41, %and3A_80], %gather3A_81 {add = true} : memref<640x64xf32, #tpu.memory_space<vmem>>[vector<16xi32>, vector<16xi32>], vector<16xf32>,
        %add3A_82 = arith.constant 6 : i32
        %add3A_83 = vector.broadcast %add3A_82 : i32 to vector<16xi32>
        %add3A_84 = arith.addi %iota3A, %add3A_83 : vector<16xi32>
        %and3A_85 = arith.constant 63 : i32
        %and3A_86 = vector.broadcast %and3A_85 : i32 to vector<16xi32>
        %and3A_87 = arith.andi %add3A_84, %and3A_86 : vector<16xi32>
        %gather3A_88 = tpu.vector_load_idx %arg10[%add3A_37, %and3A_87] : memref<128x128xf32, #tpu.memory_space<vmem>>[vector<16xi32>, vector<16xi32>], vector<16xf32>,
        tpu.vector_store_idx %arg12[%get3A_41, %and3A_87], %gather3A_88 {add = true} : memref<640x64xf32, #tpu.memory_space<vmem>>[vector<16xi32>, vector<16xi32>], vector<16xf32>,
        %add3A_89 = arith.constant 7 : i32
        %add3A_90 = vector.broadcast %add3A_89 : i32 to vector<16xi32>
        %add3A_91 = arith.addi %iota3A, %add3A_90 : vector<16xi32>
        %and3A_92 = arith.constant 63 : i32
        %and3A_93 = vector.broadcast %and3A_92 : i32 to vector<16xi32>
        %and3A_94 = arith.andi %add3A_91, %and3A_93 : vector<16xi32>
        %gather3A_95 = tpu.vector_load_idx %arg10[%add3A_37, %and3A_94] : memref<128x128xf32, #tpu.memory_space<vmem>>[vector<16xi32>, vector<16xi32>], vector<16xf32>,
        tpu.vector_store_idx %arg12[%get3A_41, %and3A_94], %gather3A_95 {add = true} : memref<640x64xf32, #tpu.memory_space<vmem>>[vector<16xi32>, vector<16xi32>], vector<16xf32>,
        %add3A_96 = arith.constant 8 : i32
        %add3A_97 = vector.broadcast %add3A_96 : i32 to vector<16xi32>
        %add3A_98 = arith.addi %iota3A, %add3A_97 : vector<16xi32>
        %and3A_99 = arith.constant 63 : i32
        %and3A_100 = vector.broadcast %and3A_99 : i32 to vector<16xi32>
        %and3A_101 = arith.andi %add3A_98, %and3A_100 : vector<16xi32>
        %gather3A_102 = tpu.vector_load_idx %arg10[%add3A_37, %and3A_101] : memref<128x128xf32, #tpu.memory_space<vmem>>[vector<16xi32>, vector<16xi32>], vector<16xf32>,
        tpu.vector_store_idx %arg12[%get3A_41, %and3A_101], %gather3A_102 {add = true} : memref<640x64xf32, #tpu.memory_space<vmem>>[vector<16xi32>, vector<16xi32>], vector<16xf32>,
        %add3A_103 = arith.constant 9 : i32
        %add3A_104 = vector.broadcast %add3A_103 : i32 to vector<16xi32>
        %add3A_105 = arith.addi %iota3A, %add3A_104 : vector<16xi32>
        %and3A_106 = arith.constant 63 : i32
        %and3A_107 = vector.broadcast %and3A_106 : i32 to vector<16xi32>
        %and3A_108 = arith.andi %add3A_105, %and3A_107 : vector<16xi32>
        %gather3A_109 = tpu.vector_load_idx %arg10[%add3A_37, %and3A_108] : memref<128x128xf32, #tpu.memory_space<vmem>>[vector<16xi32>, vector<16xi32>], vector<16xf32>,
        tpu.vector_store_idx %arg12[%get3A_41, %and3A_108], %gather3A_109 {add = true} : memref<640x64xf32, #tpu.memory_space<vmem>>[vector<16xi32>, vector<16xi32>], vector<16xf32>,
        %add3A_110 = arith.constant 10 : i32
        %add3A_111 = vector.broadcast %add3A_110 : i32 to vector<16xi32>
        %add3A_112 = arith.addi %iota3A, %add3A_111 : vector<16xi32>
        %and3A_113 = arith.constant 63 : i32
        %and3A_114 = vector.broadcast %and3A_113 : i32 to vector<16xi32>
        %and3A_115 = arith.andi %add3A_112, %and3A_114 : vector<16xi32>
        %gather3A_116 = tpu.vector_load_idx %arg10[%add3A_37, %and3A_115] : memref<128x128xf32, #tpu.memory_space<vmem>>[vector<16xi32>, vector<16xi32>], vector<16xf32>,
        tpu.vector_store_idx %arg12[%get3A_41, %and3A_115], %gather3A_116 {add = true} : memref<640x64xf32, #tpu.memory_space<vmem>>[vector<16xi32>, vector<16xi32>], vector<16xf32>,
        %add3A_117 = arith.constant 11 : i32
        %add3A_118 = vector.broadcast %add3A_117 : i32 to vector<16xi32>
        %add3A_119 = arith.addi %iota3A, %add3A_118 : vector<16xi32>
        %and3A_120 = arith.constant 63 : i32
        %and3A_121 = vector.broadcast %and3A_120 : i32 to vector<16xi32>
        %and3A_122 = arith.andi %add3A_119, %and3A_121 : vector<16xi32>
        %gather3A_123 = tpu.vector_load_idx %arg10[%add3A_37, %and3A_122] : memref<128x128xf32, #tpu.memory_space<vmem>>[vector<16xi32>, vector<16xi32>], vector<16xf32>,
        tpu.vector_store_idx %arg12[%get3A_41, %and3A_122], %gather3A_123 {add = true} : memref<640x64xf32, #tpu.memory_space<vmem>>[vector<16xi32>, vector<16xi32>], vector<16xf32>,
        %add3A_124 = arith.constant 12 : i32
        %add3A_125 = vector.broadcast %add3A_124 : i32 to vector<16xi32>
        %add3A_126 = arith.addi %iota3A, %add3A_125 : vector<16xi32>
        %and3A_127 = arith.constant 63 : i32
        %and3A_128 = vector.broadcast %and3A_127 : i32 to vector<16xi32>
        %and3A_129 = arith.andi %add3A_126, %and3A_128 : vector<16xi32>
        %gather3A_130 = tpu.vector_load_idx %arg10[%add3A_37, %and3A_129] : memref<128x128xf32, #tpu.memory_space<vmem>>[vector<16xi32>, vector<16xi32>], vector<16xf32>,
        tpu.vector_store_idx %arg12[%get3A_41, %and3A_129], %gather3A_130 {add = true} : memref<640x64xf32, #tpu.memory_space<vmem>>[vector<16xi32>, vector<16xi32>], vector<16xf32>,
        %add3A_131 = arith.constant 13 : i32
        %add3A_132 = vector.broadcast %add3A_131 : i32 to vector<16xi32>
        %add3A_133 = arith.addi %iota3A, %add3A_132 : vector<16xi32>
        %and3A_134 = arith.constant 63 : i32
        %and3A_135 = vector.broadcast %and3A_134 : i32 to vector<16xi32>
        %and3A_136 = arith.andi %add3A_133, %and3A_135 : vector<16xi32>
        %gather3A_137 = tpu.vector_load_idx %arg10[%add3A_37, %and3A_136] : memref<128x128xf32, #tpu.memory_space<vmem>>[vector<16xi32>, vector<16xi32>], vector<16xf32>,
        tpu.vector_store_idx %arg12[%get3A_41, %and3A_136], %gather3A_137 {add = true} : memref<640x64xf32, #tpu.memory_space<vmem>>[vector<16xi32>, vector<16xi32>], vector<16xf32>,
        %add3A_138 = arith.constant 14 : i32
        %add3A_139 = vector.broadcast %add3A_138 : i32 to vector<16xi32>
        %add3A_140 = arith.addi %iota3A, %add3A_139 : vector<16xi32>
        %and3A_141 = arith.constant 63 : i32
        %and3A_142 = vector.broadcast %and3A_141 : i32 to vector<16xi32>
        %and3A_143 = arith.andi %add3A_140, %and3A_142 : vector<16xi32>
        %gather3A_144 = tpu.vector_load_idx %arg10[%add3A_37, %and3A_143] : memref<128x128xf32, #tpu.memory_space<vmem>>[vector<16xi32>, vector<16xi32>], vector<16xf32>,
        tpu.vector_store_idx %arg12[%get3A_41, %and3A_143], %gather3A_144 {add = true} : memref<640x64xf32, #tpu.memory_space<vmem>>[vector<16xi32>, vector<16xi32>], vector<16xf32>,
        %add3A_145 = arith.constant 15 : i32
        %add3A_146 = vector.broadcast %add3A_145 : i32 to vector<16xi32>
        %add3A_147 = arith.addi %iota3A, %add3A_146 : vector<16xi32>
        %and3A_148 = arith.constant 63 : i32
        %and3A_149 = vector.broadcast %and3A_148 : i32 to vector<16xi32>
        %and3A_150 = arith.andi %add3A_147, %and3A_149 : vector<16xi32>
        %gather3A_151 = tpu.vector_load_idx %arg10[%add3A_37, %and3A_150] : memref<128x128xf32, #tpu.memory_space<vmem>>[vector<16xi32>, vector<16xi32>], vector<16xf32>,
        tpu.vector_store_idx %arg12[%get3A_41, %and3A_150], %gather3A_151 {add = true} : memref<640x64xf32, #tpu.memory_space<vmem>>[vector<16xi32>, vector<16xi32>], vector<16xf32>,
        %add3A_152 = arith.constant 16 : i32
        %add3A_153 = vector.broadcast %add3A_152 : i32 to vector<16xi32>
        %add3A_154 = arith.addi %iota3A, %add3A_153 : vector<16xi32>
        %and3A_155 = arith.constant 63 : i32
        %and3A_156 = vector.broadcast %and3A_155 : i32 to vector<16xi32>
        %and3A_157 = arith.andi %add3A_154, %and3A_156 : vector<16xi32>
        %gather3A_158 = tpu.vector_load_idx %arg10[%add3A_37, %and3A_157] : memref<128x128xf32, #tpu.memory_space<vmem>>[vector<16xi32>, vector<16xi32>], vector<16xf32>,
        tpu.vector_store_idx %arg12[%get3A_41, %and3A_157], %gather3A_158 {add = true} : memref<640x64xf32, #tpu.memory_space<vmem>>[vector<16xi32>, vector<16xi32>], vector<16xf32>,
        %add3A_159 = arith.constant 17 : i32
        %add3A_160 = vector.broadcast %add3A_159 : i32 to vector<16xi32>
        %add3A_161 = arith.addi %iota3A, %add3A_160 : vector<16xi32>
        %and3A_162 = arith.constant 63 : i32
        %and3A_163 = vector.broadcast %and3A_162 : i32 to vector<16xi32>
        %and3A_164 = arith.andi %add3A_161, %and3A_163 : vector<16xi32>
        %gather3A_165 = tpu.vector_load_idx %arg10[%add3A_37, %and3A_164] : memref<128x128xf32, #tpu.memory_space<vmem>>[vector<16xi32>, vector<16xi32>], vector<16xf32>,
        tpu.vector_store_idx %arg12[%get3A_41, %and3A_164], %gather3A_165 {add = true} : memref<640x64xf32, #tpu.memory_space<vmem>>[vector<16xi32>, vector<16xi32>], vector<16xf32>,
        %add3A_166 = arith.constant 18 : i32
        %add3A_167 = vector.broadcast %add3A_166 : i32 to vector<16xi32>
        %add3A_168 = arith.addi %iota3A, %add3A_167 : vector<16xi32>
        %and3A_169 = arith.constant 63 : i32
        %and3A_170 = vector.broadcast %and3A_169 : i32 to vector<16xi32>
        %and3A_171 = arith.andi %add3A_168, %and3A_170 : vector<16xi32>
        %gather3A_172 = tpu.vector_load_idx %arg10[%add3A_37, %and3A_171] : memref<128x128xf32, #tpu.memory_space<vmem>>[vector<16xi32>, vector<16xi32>], vector<16xf32>,
        tpu.vector_store_idx %arg12[%get3A_41, %and3A_171], %gather3A_172 {add = true} : memref<640x64xf32, #tpu.memory_space<vmem>>[vector<16xi32>, vector<16xi32>], vector<16xf32>,
        %add3A_173 = arith.constant 19 : i32
        %add3A_174 = vector.broadcast %add3A_173 : i32 to vector<16xi32>
        %add3A_175 = arith.addi %iota3A, %add3A_174 : vector<16xi32>
        %and3A_176 = arith.constant 63 : i32
        %and3A_177 = vector.broadcast %and3A_176 : i32 to vector<16xi32>
        %and3A_178 = arith.andi %add3A_175, %and3A_177 : vector<16xi32>
        %gather3A_179 = tpu.vector_load_idx %arg10[%add3A_37, %and3A_178] : memref<128x128xf32, #tpu.memory_space<vmem>>[vector<16xi32>, vector<16xi32>], vector<16xf32>,
        tpu.vector_store_idx %arg12[%get3A_41, %and3A_178], %gather3A_179 {add = true} : memref<640x64xf32, #tpu.memory_space<vmem>>[vector<16xi32>, vector<16xi32>], vector<16xf32>,
        %add3A_180 = arith.constant 20 : i32
        %add3A_181 = vector.broadcast %add3A_180 : i32 to vector<16xi32>
        %add3A_182 = arith.addi %iota3A, %add3A_181 : vector<16xi32>
        %and3A_183 = arith.constant 63 : i32
        %and3A_184 = vector.broadcast %and3A_183 : i32 to vector<16xi32>
        %and3A_185 = arith.andi %add3A_182, %and3A_184 : vector<16xi32>
        %gather3A_186 = tpu.vector_load_idx %arg10[%add3A_37, %and3A_185] : memref<128x128xf32, #tpu.memory_space<vmem>>[vector<16xi32>, vector<16xi32>], vector<16xf32>,
        tpu.vector_store_idx %arg12[%get3A_41, %and3A_185], %gather3A_186 {add = true} : memref<640x64xf32, #tpu.memory_space<vmem>>[vector<16xi32>, vector<16xi32>], vector<16xf32>,
        %add3A_187 = arith.constant 21 : i32
        %add3A_188 = vector.broadcast %add3A_187 : i32 to vector<16xi32>
        %add3A_189 = arith.addi %iota3A, %add3A_188 : vector<16xi32>
        %and3A_190 = arith.constant 63 : i32
        %and3A_191 = vector.broadcast %and3A_190 : i32 to vector<16xi32>
        %and3A_192 = arith.andi %add3A_189, %and3A_191 : vector<16xi32>
        %gather3A_193 = tpu.vector_load_idx %arg10[%add3A_37, %and3A_192] : memref<128x128xf32, #tpu.memory_space<vmem>>[vector<16xi32>, vector<16xi32>], vector<16xf32>,
        tpu.vector_store_idx %arg12[%get3A_41, %and3A_192], %gather3A_193 {add = true} : memref<640x64xf32, #tpu.memory_space<vmem>>[vector<16xi32>, vector<16xi32>], vector<16xf32>,
        %add3A_194 = arith.constant 22 : i32
        %add3A_195 = vector.broadcast %add3A_194 : i32 to vector<16xi32>
        %add3A_196 = arith.addi %iota3A, %add3A_195 : vector<16xi32>
        %and3A_197 = arith.constant 63 : i32
        %and3A_198 = vector.broadcast %and3A_197 : i32 to vector<16xi32>
        %and3A_199 = arith.andi %add3A_196, %and3A_198 : vector<16xi32>
        %gather3A_200 = tpu.vector_load_idx %arg10[%add3A_37, %and3A_199] : memref<128x128xf32, #tpu.memory_space<vmem>>[vector<16xi32>, vector<16xi32>], vector<16xf32>,
        tpu.vector_store_idx %arg12[%get3A_41, %and3A_199], %gather3A_200 {add = true} : memref<640x64xf32, #tpu.memory_space<vmem>>[vector<16xi32>, vector<16xi32>], vector<16xf32>,
        %add3A_201 = arith.constant 23 : i32
        %add3A_202 = vector.broadcast %add3A_201 : i32 to vector<16xi32>
        %add3A_203 = arith.addi %iota3A, %add3A_202 : vector<16xi32>
        %and3A_204 = arith.constant 63 : i32
        %and3A_205 = vector.broadcast %and3A_204 : i32 to vector<16xi32>
        %and3A_206 = arith.andi %add3A_203, %and3A_205 : vector<16xi32>
        %gather3A_207 = tpu.vector_load_idx %arg10[%add3A_37, %and3A_206] : memref<128x128xf32, #tpu.memory_space<vmem>>[vector<16xi32>, vector<16xi32>], vector<16xf32>,
        tpu.vector_store_idx %arg12[%get3A_41, %and3A_206], %gather3A_207 {add = true} : memref<640x64xf32, #tpu.memory_space<vmem>>[vector<16xi32>, vector<16xi32>], vector<16xf32>,
        %add3A_208 = arith.constant 24 : i32
        %add3A_209 = vector.broadcast %add3A_208 : i32 to vector<16xi32>
        %add3A_210 = arith.addi %iota3A, %add3A_209 : vector<16xi32>
        %and3A_211 = arith.constant 63 : i32
        %and3A_212 = vector.broadcast %and3A_211 : i32 to vector<16xi32>
        %and3A_213 = arith.andi %add3A_210, %and3A_212 : vector<16xi32>
        %gather3A_214 = tpu.vector_load_idx %arg10[%add3A_37, %and3A_213] : memref<128x128xf32, #tpu.memory_space<vmem>>[vector<16xi32>, vector<16xi32>], vector<16xf32>,
        tpu.vector_store_idx %arg12[%get3A_41, %and3A_213], %gather3A_214 {add = true} : memref<640x64xf32, #tpu.memory_space<vmem>>[vector<16xi32>, vector<16xi32>], vector<16xf32>,
        %add3A_215 = arith.constant 25 : i32
        %add3A_216 = vector.broadcast %add3A_215 : i32 to vector<16xi32>
        %add3A_217 = arith.addi %iota3A, %add3A_216 : vector<16xi32>
        %and3A_218 = arith.constant 63 : i32
        %and3A_219 = vector.broadcast %and3A_218 : i32 to vector<16xi32>
        %and3A_220 = arith.andi %add3A_217, %and3A_219 : vector<16xi32>
        %gather3A_221 = tpu.vector_load_idx %arg10[%add3A_37, %and3A_220] : memref<128x128xf32, #tpu.memory_space<vmem>>[vector<16xi32>, vector<16xi32>], vector<16xf32>,
        tpu.vector_store_idx %arg12[%get3A_41, %and3A_220], %gather3A_221 {add = true} : memref<640x64xf32, #tpu.memory_space<vmem>>[vector<16xi32>, vector<16xi32>], vector<16xf32>,
        %add3A_222 = arith.constant 26 : i32
        %add3A_223 = vector.broadcast %add3A_222 : i32 to vector<16xi32>
        %add3A_224 = arith.addi %iota3A, %add3A_223 : vector<16xi32>
        %and3A_225 = arith.constant 63 : i32
        %and3A_226 = vector.broadcast %and3A_225 : i32 to vector<16xi32>
        %and3A_227 = arith.andi %add3A_224, %and3A_226 : vector<16xi32>
        %gather3A_228 = tpu.vector_load_idx %arg10[%add3A_37, %and3A_227] : memref<128x128xf32, #tpu.memory_space<vmem>>[vector<16xi32>, vector<16xi32>], vector<16xf32>,
        tpu.vector_store_idx %arg12[%get3A_41, %and3A_227], %gather3A_228 {add = true} : memref<640x64xf32, #tpu.memory_space<vmem>>[vector<16xi32>, vector<16xi32>], vector<16xf32>,
        %add3A_229 = arith.constant 27 : i32
        %add3A_230 = vector.broadcast %add3A_229 : i32 to vector<16xi32>
        %add3A_231 = arith.addi %iota3A, %add3A_230 : vector<16xi32>
        %and3A_232 = arith.constant 63 : i32
        %and3A_233 = vector.broadcast %and3A_232 : i32 to vector<16xi32>
        %and3A_234 = arith.andi %add3A_231, %and3A_233 : vector<16xi32>
        %gather3A_235 = tpu.vector_load_idx %arg10[%add3A_37, %and3A_234] : memref<128x128xf32, #tpu.memory_space<vmem>>[vector<16xi32>, vector<16xi32>], vector<16xf32>,
        tpu.vector_store_idx %arg12[%get3A_41, %and3A_234], %gather3A_235 {add = true} : memref<640x64xf32, #tpu.memory_space<vmem>>[vector<16xi32>, vector<16xi32>], vector<16xf32>,
        %add3A_236 = arith.constant 28 : i32
        %add3A_237 = vector.broadcast %add3A_236 : i32 to vector<16xi32>
        %add3A_238 = arith.addi %iota3A, %add3A_237 : vector<16xi32>
        %and3A_239 = arith.constant 63 : i32
        %and3A_240 = vector.broadcast %and3A_239 : i32 to vector<16xi32>
        %and3A_241 = arith.andi %add3A_238, %and3A_240 : vector<16xi32>
        %gather3A_242 = tpu.vector_load_idx %arg10[%add3A_37, %and3A_241] : memref<128x128xf32, #tpu.memory_space<vmem>>[vector<16xi32>, vector<16xi32>], vector<16xf32>,
        tpu.vector_store_idx %arg12[%get3A_41, %and3A_241], %gather3A_242 {add = true} : memref<640x64xf32, #tpu.memory_space<vmem>>[vector<16xi32>, vector<16xi32>], vector<16xf32>,
        %add3A_243 = arith.constant 29 : i32
        %add3A_244 = vector.broadcast %add3A_243 : i32 to vector<16xi32>
        %add3A_245 = arith.addi %iota3A, %add3A_244 : vector<16xi32>
        %and3A_246 = arith.constant 63 : i32
        %and3A_247 = vector.broadcast %and3A_246 : i32 to vector<16xi32>
        %and3A_248 = arith.andi %add3A_245, %and3A_247 : vector<16xi32>
        %gather3A_249 = tpu.vector_load_idx %arg10[%add3A_37, %and3A_248] : memref<128x128xf32, #tpu.memory_space<vmem>>[vector<16xi32>, vector<16xi32>], vector<16xf32>,
        tpu.vector_store_idx %arg12[%get3A_41, %and3A_248], %gather3A_249 {add = true} : memref<640x64xf32, #tpu.memory_space<vmem>>[vector<16xi32>, vector<16xi32>], vector<16xf32>,
        %add3A_250 = arith.constant 30 : i32
        %add3A_251 = vector.broadcast %add3A_250 : i32 to vector<16xi32>
        %add3A_252 = arith.addi %iota3A, %add3A_251 : vector<16xi32>
        %and3A_253 = arith.constant 63 : i32
        %and3A_254 = vector.broadcast %and3A_253 : i32 to vector<16xi32>
        %and3A_255 = arith.andi %add3A_252, %and3A_254 : vector<16xi32>
        %gather3A_256 = tpu.vector_load_idx %arg10[%add3A_37, %and3A_255] : memref<128x128xf32, #tpu.memory_space<vmem>>[vector<16xi32>, vector<16xi32>], vector<16xf32>,
        tpu.vector_store_idx %arg12[%get3A_41, %and3A_255], %gather3A_256 {add = true} : memref<640x64xf32, #tpu.memory_space<vmem>>[vector<16xi32>, vector<16xi32>], vector<16xf32>,
        %add3A_257 = arith.constant 31 : i32
        %add3A_258 = vector.broadcast %add3A_257 : i32 to vector<16xi32>
        %add3A_259 = arith.addi %iota3A, %add3A_258 : vector<16xi32>
        %and3A_260 = arith.constant 63 : i32
        %and3A_261 = vector.broadcast %and3A_260 : i32 to vector<16xi32>
        %and3A_262 = arith.andi %add3A_259, %and3A_261 : vector<16xi32>
        %gather3A_263 = tpu.vector_load_idx %arg10[%add3A_37, %and3A_262] : memref<128x128xf32, #tpu.memory_space<vmem>>[vector<16xi32>, vector<16xi32>], vector<16xf32>,
        tpu.vector_store_idx %arg12[%get3A_41, %and3A_262], %gather3A_263 {add = true} : memref<640x64xf32, #tpu.memory_space<vmem>>[vector<16xi32>, vector<16xi32>], vector<16xf32>,
        %add3A_264 = arith.constant 32 : i32
        %add3A_265 = vector.broadcast %add3A_264 : i32 to vector<16xi32>
        %add3A_266 = arith.addi %iota3A, %add3A_265 : vector<16xi32>
        %and3A_267 = arith.constant 63 : i32
        %and3A_268 = vector.broadcast %and3A_267 : i32 to vector<16xi32>
        %and3A_269 = arith.andi %add3A_266, %and3A_268 : vector<16xi32>
        %gather3A_270 = tpu.vector_load_idx %arg10[%add3A_37, %and3A_269] : memref<128x128xf32, #tpu.memory_space<vmem>>[vector<16xi32>, vector<16xi32>], vector<16xf32>,
        tpu.vector_store_idx %arg12[%get3A_41, %and3A_269], %gather3A_270 {add = true} : memref<640x64xf32, #tpu.memory_space<vmem>>[vector<16xi32>, vector<16xi32>], vector<16xf32>,
        %add3A_271 = arith.constant 33 : i32
        %add3A_272 = vector.broadcast %add3A_271 : i32 to vector<16xi32>
        %add3A_273 = arith.addi %iota3A, %add3A_272 : vector<16xi32>
        %and3A_274 = arith.constant 63 : i32
        %and3A_275 = vector.broadcast %and3A_274 : i32 to vector<16xi32>
        %and3A_276 = arith.andi %add3A_273, %and3A_275 : vector<16xi32>
        %gather3A_277 = tpu.vector_load_idx %arg10[%add3A_37, %and3A_276] : memref<128x128xf32, #tpu.memory_space<vmem>>[vector<16xi32>, vector<16xi32>], vector<16xf32>,
        tpu.vector_store_idx %arg12[%get3A_41, %and3A_276], %gather3A_277 {add = true} : memref<640x64xf32, #tpu.memory_space<vmem>>[vector<16xi32>, vector<16xi32>], vector<16xf32>,
        %add3A_278 = arith.constant 34 : i32
        %add3A_279 = vector.broadcast %add3A_278 : i32 to vector<16xi32>
        %add3A_280 = arith.addi %iota3A, %add3A_279 : vector<16xi32>
        %and3A_281 = arith.constant 63 : i32
        %and3A_282 = vector.broadcast %and3A_281 : i32 to vector<16xi32>
        %and3A_283 = arith.andi %add3A_280, %and3A_282 : vector<16xi32>
        %gather3A_284 = tpu.vector_load_idx %arg10[%add3A_37, %and3A_283] : memref<128x128xf32, #tpu.memory_space<vmem>>[vector<16xi32>, vector<16xi32>], vector<16xf32>,
        tpu.vector_store_idx %arg12[%get3A_41, %and3A_283], %gather3A_284 {add = true} : memref<640x64xf32, #tpu.memory_space<vmem>>[vector<16xi32>, vector<16xi32>], vector<16xf32>,
        %add3A_285 = arith.constant 35 : i32
        %add3A_286 = vector.broadcast %add3A_285 : i32 to vector<16xi32>
        %add3A_287 = arith.addi %iota3A, %add3A_286 : vector<16xi32>
        %and3A_288 = arith.constant 63 : i32
        %and3A_289 = vector.broadcast %and3A_288 : i32 to vector<16xi32>
        %and3A_290 = arith.andi %add3A_287, %and3A_289 : vector<16xi32>
        %gather3A_291 = tpu.vector_load_idx %arg10[%add3A_37, %and3A_290] : memref<128x128xf32, #tpu.memory_space<vmem>>[vector<16xi32>, vector<16xi32>], vector<16xf32>,
        tpu.vector_store_idx %arg12[%get3A_41, %and3A_290], %gather3A_291 {add = true} : memref<640x64xf32, #tpu.memory_space<vmem>>[vector<16xi32>, vector<16xi32>], vector<16xf32>,
        %add3A_292 = arith.constant 36 : i32
        %add3A_293 = vector.broadcast %add3A_292 : i32 to vector<16xi32>
        %add3A_294 = arith.addi %iota3A, %add3A_293 : vector<16xi32>
        %and3A_295 = arith.constant 63 : i32
        %and3A_296 = vector.broadcast %and3A_295 : i32 to vector<16xi32>
        %and3A_297 = arith.andi %add3A_294, %and3A_296 : vector<16xi32>
        %gather3A_298 = tpu.vector_load_idx %arg10[%add3A_37, %and3A_297] : memref<128x128xf32, #tpu.memory_space<vmem>>[vector<16xi32>, vector<16xi32>], vector<16xf32>,
        tpu.vector_store_idx %arg12[%get3A_41, %and3A_297], %gather3A_298 {add = true} : memref<640x64xf32, #tpu.memory_space<vmem>>[vector<16xi32>, vector<16xi32>], vector<16xf32>,
        %add3A_299 = arith.constant 37 : i32
        %add3A_300 = vector.broadcast %add3A_299 : i32 to vector<16xi32>
        %add3A_301 = arith.addi %iota3A, %add3A_300 : vector<16xi32>
        %and3A_302 = arith.constant 63 : i32
        %and3A_303 = vector.broadcast %and3A_302 : i32 to vector<16xi32>
        %and3A_304 = arith.andi %add3A_301, %and3A_303 : vector<16xi32>
        %gather3A_305 = tpu.vector_load_idx %arg10[%add3A_37, %and3A_304] : memref<128x128xf32, #tpu.memory_space<vmem>>[vector<16xi32>, vector<16xi32>], vector<16xf32>,
        tpu.vector_store_idx %arg12[%get3A_41, %and3A_304], %gather3A_305 {add = true} : memref<640x64xf32, #tpu.memory_space<vmem>>[vector<16xi32>, vector<16xi32>], vector<16xf32>,
        %add3A_306 = arith.constant 38 : i32
        %add3A_307 = vector.broadcast %add3A_306 : i32 to vector<16xi32>
        %add3A_308 = arith.addi %iota3A, %add3A_307 : vector<16xi32>
        %and3A_309 = arith.constant 63 : i32
        %and3A_310 = vector.broadcast %and3A_309 : i32 to vector<16xi32>
        %and3A_311 = arith.andi %add3A_308, %and3A_310 : vector<16xi32>
        %gather3A_312 = tpu.vector_load_idx %arg10[%add3A_37, %and3A_311] : memref<128x128xf32, #tpu.memory_space<vmem>>[vector<16xi32>, vector<16xi32>], vector<16xf32>,
        tpu.vector_store_idx %arg12[%get3A_41, %and3A_311], %gather3A_312 {add = true} : memref<640x64xf32, #tpu.memory_space<vmem>>[vector<16xi32>, vector<16xi32>], vector<16xf32>,
        %add3A_313 = arith.constant 39 : i32
        %add3A_314 = vector.broadcast %add3A_313 : i32 to vector<16xi32>
        %add3A_315 = arith.addi %iota3A, %add3A_314 : vector<16xi32>
        %and3A_316 = arith.constant 63 : i32
        %and3A_317 = vector.broadcast %and3A_316 : i32 to vector<16xi32>
        %and3A_318 = arith.andi %add3A_315, %and3A_317 : vector<16xi32>
        %gather3A_319 = tpu.vector_load_idx %arg10[%add3A_37, %and3A_318] : memref<128x128xf32, #tpu.memory_space<vmem>>[vector<16xi32>, vector<16xi32>], vector<16xf32>,
        tpu.vector_store_idx %arg12[%get3A_41, %and3A_318], %gather3A_319 {add = true} : memref<640x64xf32, #tpu.memory_space<vmem>>[vector<16xi32>, vector<16xi32>], vector<16xf32>,
        %add3A_320 = arith.constant 40 : i32
        %add3A_321 = vector.broadcast %add3A_320 : i32 to vector<16xi32>
        %add3A_322 = arith.addi %iota3A, %add3A_321 : vector<16xi32>
        %and3A_323 = arith.constant 63 : i32
        %and3A_324 = vector.broadcast %and3A_323 : i32 to vector<16xi32>
        %and3A_325 = arith.andi %add3A_322, %and3A_324 : vector<16xi32>
        %gather3A_326 = tpu.vector_load_idx %arg10[%add3A_37, %and3A_325] : memref<128x128xf32, #tpu.memory_space<vmem>>[vector<16xi32>, vector<16xi32>], vector<16xf32>,
        tpu.vector_store_idx %arg12[%get3A_41, %and3A_325], %gather3A_326 {add = true} : memref<640x64xf32, #tpu.memory_space<vmem>>[vector<16xi32>, vector<16xi32>], vector<16xf32>,
        %add3A_327 = arith.constant 41 : i32
        %add3A_328 = vector.broadcast %add3A_327 : i32 to vector<16xi32>
        %add3A_329 = arith.addi %iota3A, %add3A_328 : vector<16xi32>
        %and3A_330 = arith.constant 63 : i32
        %and3A_331 = vector.broadcast %and3A_330 : i32 to vector<16xi32>
        %and3A_332 = arith.andi %add3A_329, %and3A_331 : vector<16xi32>
        %gather3A_333 = tpu.vector_load_idx %arg10[%add3A_37, %and3A_332] : memref<128x128xf32, #tpu.memory_space<vmem>>[vector<16xi32>, vector<16xi32>], vector<16xf32>,
        tpu.vector_store_idx %arg12[%get3A_41, %and3A_332], %gather3A_333 {add = true} : memref<640x64xf32, #tpu.memory_space<vmem>>[vector<16xi32>, vector<16xi32>], vector<16xf32>,
        %add3A_334 = arith.constant 42 : i32
        %add3A_335 = vector.broadcast %add3A_334 : i32 to vector<16xi32>
        %add3A_336 = arith.addi %iota3A, %add3A_335 : vector<16xi32>
        %and3A_337 = arith.constant 63 : i32
        %and3A_338 = vector.broadcast %and3A_337 : i32 to vector<16xi32>
        %and3A_339 = arith.andi %add3A_336, %and3A_338 : vector<16xi32>
        %gather3A_340 = tpu.vector_load_idx %arg10[%add3A_37, %and3A_339] : memref<128x128xf32, #tpu.memory_space<vmem>>[vector<16xi32>, vector<16xi32>], vector<16xf32>,
        tpu.vector_store_idx %arg12[%get3A_41, %and3A_339], %gather3A_340 {add = true} : memref<640x64xf32, #tpu.memory_space<vmem>>[vector<16xi32>, vector<16xi32>], vector<16xf32>,
        %add3A_341 = arith.constant 43 : i32
        %add3A_342 = vector.broadcast %add3A_341 : i32 to vector<16xi32>
        %add3A_343 = arith.addi %iota3A, %add3A_342 : vector<16xi32>
        %and3A_344 = arith.constant 63 : i32
        %and3A_345 = vector.broadcast %and3A_344 : i32 to vector<16xi32>
        %and3A_346 = arith.andi %add3A_343, %and3A_345 : vector<16xi32>
        %gather3A_347 = tpu.vector_load_idx %arg10[%add3A_37, %and3A_346] : memref<128x128xf32, #tpu.memory_space<vmem>>[vector<16xi32>, vector<16xi32>], vector<16xf32>,
        tpu.vector_store_idx %arg12[%get3A_41, %and3A_346], %gather3A_347 {add = true} : memref<640x64xf32, #tpu.memory_space<vmem>>[vector<16xi32>, vector<16xi32>], vector<16xf32>,
        %add3A_348 = arith.constant 44 : i32
        %add3A_349 = vector.broadcast %add3A_348 : i32 to vector<16xi32>
        %add3A_350 = arith.addi %iota3A, %add3A_349 : vector<16xi32>
        %and3A_351 = arith.constant 63 : i32
        %and3A_352 = vector.broadcast %and3A_351 : i32 to vector<16xi32>
        %and3A_353 = arith.andi %add3A_350, %and3A_352 : vector<16xi32>
        %gather3A_354 = tpu.vector_load_idx %arg10[%add3A_37, %and3A_353] : memref<128x128xf32, #tpu.memory_space<vmem>>[vector<16xi32>, vector<16xi32>], vector<16xf32>,
        tpu.vector_store_idx %arg12[%get3A_41, %and3A_353], %gather3A_354 {add = true} : memref<640x64xf32, #tpu.memory_space<vmem>>[vector<16xi32>, vector<16xi32>], vector<16xf32>,
        %add3A_355 = arith.constant 45 : i32
        %add3A_356 = vector.broadcast %add3A_355 : i32 to vector<16xi32>
        %add3A_357 = arith.addi %iota3A, %add3A_356 : vector<16xi32>
        %and3A_358 = arith.constant 63 : i32
        %and3A_359 = vector.broadcast %and3A_358 : i32 to vector<16xi32>
        %and3A_360 = arith.andi %add3A_357, %and3A_359 : vector<16xi32>
        %gather3A_361 = tpu.vector_load_idx %arg10[%add3A_37, %and3A_360] : memref<128x128xf32, #tpu.memory_space<vmem>>[vector<16xi32>, vector<16xi32>], vector<16xf32>,
        tpu.vector_store_idx %arg12[%get3A_41, %and3A_360], %gather3A_361 {add = true} : memref<640x64xf32, #tpu.memory_space<vmem>>[vector<16xi32>, vector<16xi32>], vector<16xf32>,
        %add3A_362 = arith.constant 46 : i32
        %add3A_363 = vector.broadcast %add3A_362 : i32 to vector<16xi32>
        %add3A_364 = arith.addi %iota3A, %add3A_363 : vector<16xi32>
        %and3A_365 = arith.constant 63 : i32
        %and3A_366 = vector.broadcast %and3A_365 : i32 to vector<16xi32>
        %and3A_367 = arith.andi %add3A_364, %and3A_366 : vector<16xi32>
        %gather3A_368 = tpu.vector_load_idx %arg10[%add3A_37, %and3A_367] : memref<128x128xf32, #tpu.memory_space<vmem>>[vector<16xi32>, vector<16xi32>], vector<16xf32>,
        tpu.vector_store_idx %arg12[%get3A_41, %and3A_367], %gather3A_368 {add = true} : memref<640x64xf32, #tpu.memory_space<vmem>>[vector<16xi32>, vector<16xi32>], vector<16xf32>,
        %add3A_369 = arith.constant 47 : i32
        %add3A_370 = vector.broadcast %add3A_369 : i32 to vector<16xi32>
        %add3A_371 = arith.addi %iota3A, %add3A_370 : vector<16xi32>
        %and3A_372 = arith.constant 63 : i32
        %and3A_373 = vector.broadcast %and3A_372 : i32 to vector<16xi32>
        %and3A_374 = arith.andi %add3A_371, %and3A_373 : vector<16xi32>
        %gather3A_375 = tpu.vector_load_idx %arg10[%add3A_37, %and3A_374] : memref<128x128xf32, #tpu.memory_space<vmem>>[vector<16xi32>, vector<16xi32>], vector<16xf32>,
        tpu.vector_store_idx %arg12[%get3A_41, %and3A_374], %gather3A_375 {add = true} : memref<640x64xf32, #tpu.memory_space<vmem>>[vector<16xi32>, vector<16xi32>], vector<16xf32>,
        %add3A_376 = arith.constant 48 : i32
        %add3A_377 = vector.broadcast %add3A_376 : i32 to vector<16xi32>
        %add3A_378 = arith.addi %iota3A, %add3A_377 : vector<16xi32>
        %and3A_379 = arith.constant 63 : i32
        %and3A_380 = vector.broadcast %and3A_379 : i32 to vector<16xi32>
        %and3A_381 = arith.andi %add3A_378, %and3A_380 : vector<16xi32>
        %gather3A_382 = tpu.vector_load_idx %arg10[%add3A_37, %and3A_381] : memref<128x128xf32, #tpu.memory_space<vmem>>[vector<16xi32>, vector<16xi32>], vector<16xf32>,
        tpu.vector_store_idx %arg12[%get3A_41, %and3A_381], %gather3A_382 {add = true} : memref<640x64xf32, #tpu.memory_space<vmem>>[vector<16xi32>, vector<16xi32>], vector<16xf32>,
        %add3A_383 = arith.constant 49 : i32
        %add3A_384 = vector.broadcast %add3A_383 : i32 to vector<16xi32>
        %add3A_385 = arith.addi %iota3A, %add3A_384 : vector<16xi32>
        %and3A_386 = arith.constant 63 : i32
        %and3A_387 = vector.broadcast %and3A_386 : i32 to vector<16xi32>
        %and3A_388 = arith.andi %add3A_385, %and3A_387 : vector<16xi32>
        %gather3A_389 = tpu.vector_load_idx %arg10[%add3A_37, %and3A_388] : memref<128x128xf32, #tpu.memory_space<vmem>>[vector<16xi32>, vector<16xi32>], vector<16xf32>,
        tpu.vector_store_idx %arg12[%get3A_41, %and3A_388], %gather3A_389 {add = true} : memref<640x64xf32, #tpu.memory_space<vmem>>[vector<16xi32>, vector<16xi32>], vector<16xf32>,
        %add3A_390 = arith.constant 50 : i32
        %add3A_391 = vector.broadcast %add3A_390 : i32 to vector<16xi32>
        %add3A_392 = arith.addi %iota3A, %add3A_391 : vector<16xi32>
        %and3A_393 = arith.constant 63 : i32
        %and3A_394 = vector.broadcast %and3A_393 : i32 to vector<16xi32>
        %and3A_395 = arith.andi %add3A_392, %and3A_394 : vector<16xi32>
        %gather3A_396 = tpu.vector_load_idx %arg10[%add3A_37, %and3A_395] : memref<128x128xf32, #tpu.memory_space<vmem>>[vector<16xi32>, vector<16xi32>], vector<16xf32>,
        tpu.vector_store_idx %arg12[%get3A_41, %and3A_395], %gather3A_396 {add = true} : memref<640x64xf32, #tpu.memory_space<vmem>>[vector<16xi32>, vector<16xi32>], vector<16xf32>,
        %add3A_397 = arith.constant 51 : i32
        %add3A_398 = vector.broadcast %add3A_397 : i32 to vector<16xi32>
        %add3A_399 = arith.addi %iota3A, %add3A_398 : vector<16xi32>
        %and3A_400 = arith.constant 63 : i32
        %and3A_401 = vector.broadcast %and3A_400 : i32 to vector<16xi32>
        %and3A_402 = arith.andi %add3A_399, %and3A_401 : vector<16xi32>
        %gather3A_403 = tpu.vector_load_idx %arg10[%add3A_37, %and3A_402] : memref<128x128xf32, #tpu.memory_space<vmem>>[vector<16xi32>, vector<16xi32>], vector<16xf32>,
        tpu.vector_store_idx %arg12[%get3A_41, %and3A_402], %gather3A_403 {add = true} : memref<640x64xf32, #tpu.memory_space<vmem>>[vector<16xi32>, vector<16xi32>], vector<16xf32>,
        %add3A_404 = arith.constant 52 : i32
        %add3A_405 = vector.broadcast %add3A_404 : i32 to vector<16xi32>
        %add3A_406 = arith.addi %iota3A, %add3A_405 : vector<16xi32>
        %and3A_407 = arith.constant 63 : i32
        %and3A_408 = vector.broadcast %and3A_407 : i32 to vector<16xi32>
        %and3A_409 = arith.andi %add3A_406, %and3A_408 : vector<16xi32>
        %gather3A_410 = tpu.vector_load_idx %arg10[%add3A_37, %and3A_409] : memref<128x128xf32, #tpu.memory_space<vmem>>[vector<16xi32>, vector<16xi32>], vector<16xf32>,
        tpu.vector_store_idx %arg12[%get3A_41, %and3A_409], %gather3A_410 {add = true} : memref<640x64xf32, #tpu.memory_space<vmem>>[vector<16xi32>, vector<16xi32>], vector<16xf32>,
        %add3A_411 = arith.constant 53 : i32
        %add3A_412 = vector.broadcast %add3A_411 : i32 to vector<16xi32>
        %add3A_413 = arith.addi %iota3A, %add3A_412 : vector<16xi32>
        %and3A_414 = arith.constant 63 : i32
        %and3A_415 = vector.broadcast %and3A_414 : i32 to vector<16xi32>
        %and3A_416 = arith.andi %add3A_413, %and3A_415 : vector<16xi32>
        %gather3A_417 = tpu.vector_load_idx %arg10[%add3A_37, %and3A_416] : memref<128x128xf32, #tpu.memory_space<vmem>>[vector<16xi32>, vector<16xi32>], vector<16xf32>,
        tpu.vector_store_idx %arg12[%get3A_41, %and3A_416], %gather3A_417 {add = true} : memref<640x64xf32, #tpu.memory_space<vmem>>[vector<16xi32>, vector<16xi32>], vector<16xf32>,
        %add3A_418 = arith.constant 54 : i32
        %add3A_419 = vector.broadcast %add3A_418 : i32 to vector<16xi32>
        %add3A_420 = arith.addi %iota3A, %add3A_419 : vector<16xi32>
        %and3A_421 = arith.constant 63 : i32
        %and3A_422 = vector.broadcast %and3A_421 : i32 to vector<16xi32>
        %and3A_423 = arith.andi %add3A_420, %and3A_422 : vector<16xi32>
        %gather3A_424 = tpu.vector_load_idx %arg10[%add3A_37, %and3A_423] : memref<128x128xf32, #tpu.memory_space<vmem>>[vector<16xi32>, vector<16xi32>], vector<16xf32>,
        tpu.vector_store_idx %arg12[%get3A_41, %and3A_423], %gather3A_424 {add = true} : memref<640x64xf32, #tpu.memory_space<vmem>>[vector<16xi32>, vector<16xi32>], vector<16xf32>,
        %add3A_425 = arith.constant 55 : i32
        %add3A_426 = vector.broadcast %add3A_425 : i32 to vector<16xi32>
        %add3A_427 = arith.addi %iota3A, %add3A_426 : vector<16xi32>
        %and3A_428 = arith.constant 63 : i32
        %and3A_429 = vector.broadcast %and3A_428 : i32 to vector<16xi32>
        %and3A_430 = arith.andi %add3A_427, %and3A_429 : vector<16xi32>
        %gather3A_431 = tpu.vector_load_idx %arg10[%add3A_37, %and3A_430] : memref<128x128xf32, #tpu.memory_space<vmem>>[vector<16xi32>, vector<16xi32>], vector<16xf32>,
        tpu.vector_store_idx %arg12[%get3A_41, %and3A_430], %gather3A_431 {add = true} : memref<640x64xf32, #tpu.memory_space<vmem>>[vector<16xi32>, vector<16xi32>], vector<16xf32>,
        %add3A_432 = arith.constant 56 : i32
        %add3A_433 = vector.broadcast %add3A_432 : i32 to vector<16xi32>
        %add3A_434 = arith.addi %iota3A, %add3A_433 : vector<16xi32>
        %and3A_435 = arith.constant 63 : i32
        %and3A_436 = vector.broadcast %and3A_435 : i32 to vector<16xi32>
        %and3A_437 = arith.andi %add3A_434, %and3A_436 : vector<16xi32>
        %gather3A_438 = tpu.vector_load_idx %arg10[%add3A_37, %and3A_437] : memref<128x128xf32, #tpu.memory_space<vmem>>[vector<16xi32>, vector<16xi32>], vector<16xf32>,
        tpu.vector_store_idx %arg12[%get3A_41, %and3A_437], %gather3A_438 {add = true} : memref<640x64xf32, #tpu.memory_space<vmem>>[vector<16xi32>, vector<16xi32>], vector<16xf32>,
        %add3A_439 = arith.constant 57 : i32
        %add3A_440 = vector.broadcast %add3A_439 : i32 to vector<16xi32>
        %add3A_441 = arith.addi %iota3A, %add3A_440 : vector<16xi32>
        %and3A_442 = arith.constant 63 : i32
        %and3A_443 = vector.broadcast %and3A_442 : i32 to vector<16xi32>
        %and3A_444 = arith.andi %add3A_441, %and3A_443 : vector<16xi32>
        %gather3A_445 = tpu.vector_load_idx %arg10[%add3A_37, %and3A_444] : memref<128x128xf32, #tpu.memory_space<vmem>>[vector<16xi32>, vector<16xi32>], vector<16xf32>,
        tpu.vector_store_idx %arg12[%get3A_41, %and3A_444], %gather3A_445 {add = true} : memref<640x64xf32, #tpu.memory_space<vmem>>[vector<16xi32>, vector<16xi32>], vector<16xf32>,
        %add3A_446 = arith.constant 58 : i32
        %add3A_447 = vector.broadcast %add3A_446 : i32 to vector<16xi32>
        %add3A_448 = arith.addi %iota3A, %add3A_447 : vector<16xi32>
        %and3A_449 = arith.constant 63 : i32
        %and3A_450 = vector.broadcast %and3A_449 : i32 to vector<16xi32>
        %and3A_451 = arith.andi %add3A_448, %and3A_450 : vector<16xi32>
        %gather3A_452 = tpu.vector_load_idx %arg10[%add3A_37, %and3A_451] : memref<128x128xf32, #tpu.memory_space<vmem>>[vector<16xi32>, vector<16xi32>], vector<16xf32>,
        tpu.vector_store_idx %arg12[%get3A_41, %and3A_451], %gather3A_452 {add = true} : memref<640x64xf32, #tpu.memory_space<vmem>>[vector<16xi32>, vector<16xi32>], vector<16xf32>,
        %add3A_453 = arith.constant 59 : i32
        %add3A_454 = vector.broadcast %add3A_453 : i32 to vector<16xi32>
        %add3A_455 = arith.addi %iota3A, %add3A_454 : vector<16xi32>
        %and3A_456 = arith.constant 63 : i32
        %and3A_457 = vector.broadcast %and3A_456 : i32 to vector<16xi32>
        %and3A_458 = arith.andi %add3A_455, %and3A_457 : vector<16xi32>
        %gather3A_459 = tpu.vector_load_idx %arg10[%add3A_37, %and3A_458] : memref<128x128xf32, #tpu.memory_space<vmem>>[vector<16xi32>, vector<16xi32>], vector<16xf32>,
        tpu.vector_store_idx %arg12[%get3A_41, %and3A_458], %gather3A_459 {add = true} : memref<640x64xf32, #tpu.memory_space<vmem>>[vector<16xi32>, vector<16xi32>], vector<16xf32>,
        %add3A_460 = arith.constant 60 : i32
        %add3A_461 = vector.broadcast %add3A_460 : i32 to vector<16xi32>
        %add3A_462 = arith.addi %iota3A, %add3A_461 : vector<16xi32>
        %and3A_463 = arith.constant 63 : i32
        %and3A_464 = vector.broadcast %and3A_463 : i32 to vector<16xi32>
        %and3A_465 = arith.andi %add3A_462, %and3A_464 : vector<16xi32>
        %gather3A_466 = tpu.vector_load_idx %arg10[%add3A_37, %and3A_465] : memref<128x128xf32, #tpu.memory_space<vmem>>[vector<16xi32>, vector<16xi32>], vector<16xf32>,
        tpu.vector_store_idx %arg12[%get3A_41, %and3A_465], %gather3A_466 {add = true} : memref<640x64xf32, #tpu.memory_space<vmem>>[vector<16xi32>, vector<16xi32>], vector<16xf32>,
        %add3A_467 = arith.constant 61 : i32
        %add3A_468 = vector.broadcast %add3A_467 : i32 to vector<16xi32>
        %add3A_469 = arith.addi %iota3A, %add3A_468 : vector<16xi32>
        %and3A_470 = arith.constant 63 : i32
        %and3A_471 = vector.broadcast %and3A_470 : i32 to vector<16xi32>
        %and3A_472 = arith.andi %add3A_469, %and3A_471 : vector<16xi32>
        %gather3A_473 = tpu.vector_load_idx %arg10[%add3A_37, %and3A_472] : memref<128x128xf32, #tpu.memory_space<vmem>>[vector<16xi32>, vector<16xi32>], vector<16xf32>,
        tpu.vector_store_idx %arg12[%get3A_41, %and3A_472], %gather3A_473 {add = true} : memref<640x64xf32, #tpu.memory_space<vmem>>[vector<16xi32>, vector<16xi32>], vector<16xf32>,
        %add3A_474 = arith.constant 62 : i32
        %add3A_475 = vector.broadcast %add3A_474 : i32 to vector<16xi32>
        %add3A_476 = arith.addi %iota3A, %add3A_475 : vector<16xi32>
        %and3A_477 = arith.constant 63 : i32
        %and3A_478 = vector.broadcast %and3A_477 : i32 to vector<16xi32>
        %and3A_479 = arith.andi %add3A_476, %and3A_478 : vector<16xi32>
        %gather3A_480 = tpu.vector_load_idx %arg10[%add3A_37, %and3A_479] : memref<128x128xf32, #tpu.memory_space<vmem>>[vector<16xi32>, vector<16xi32>], vector<16xf32>,
        tpu.vector_store_idx %arg12[%get3A_41, %and3A_479], %gather3A_480 {add = true} : memref<640x64xf32, #tpu.memory_space<vmem>>[vector<16xi32>, vector<16xi32>], vector<16xf32>,
        %add3A_481 = arith.constant 63 : i32
        %add3A_482 = vector.broadcast %add3A_481 : i32 to vector<16xi32>
        %add3A_483 = arith.addi %iota3A, %add3A_482 : vector<16xi32>
        %and3A_484 = arith.constant 63 : i32
        %and3A_485 = vector.broadcast %and3A_484 : i32 to vector<16xi32>
        %and3A_486 = arith.andi %add3A_483, %and3A_485 : vector<16xi32>
        %gather3A_487 = tpu.vector_load_idx %arg10[%add3A_37, %and3A_486] : memref<128x128xf32, #tpu.memory_space<vmem>>[vector<16xi32>, vector<16xi32>], vector<16xf32>,
        tpu.vector_store_idx %arg12[%get3A_41, %and3A_486], %gather3A_487 {add = true} : memref<640x64xf32, #tpu.memory_space<vmem>>[vector<16xi32>, vector<16xi32>], vector<16xf32>,
      }
      %scan3A_32 = arith.constant 8 : i32
    }
    %while3A_14 = arith.constant 1 : i32
    scf.for %while3A_20 = %while3A_12 to %while3A_8 step %while3A_14  : i32 {
      %mul3A_21 = arith.constant 128 : i32
      %mul3A_22 = arith.muli %while3A_20, %mul3A_21 : i32
      %add3A_23 = arith.addi %mul3A_2, %mul3A_22 : i32
      "tpu.region"() ({
        %run_scoped3A = tpu.sem_alloc : memref<!tpu.dma_semaphore, #tpu.memory_space<semaphore_mem>>
        %dma_start3A_33 = tpu.memref_slice %arg3[%add3A_23] : memref<5152768xi32, #tpu.memory_space<hbm>> -> memref<128xi32, #tpu.memory_space<hbm>>
        %dma_start3A_34 = tpu.memref_slice %arg3[%add3A_23] : memref<5152768xi32, #tpu.memory_space<hbm>> -> memref<128xi32, #tpu.memory_space<hbm>>
        tpu.enqueue_dma source(%dma_start3A_34 : memref<128xi32, #tpu.memory_space<hbm>>) target(%arg8 : memref<128xi32, #tpu.memory_space<vmem>>) target_semaphore(%run_scoped3A : memref<!tpu.dma_semaphore, #tpu.memory_space<semaphore_mem>>)
        %dma_wait3A_35 = tpu.memref_slice %arg3[%add3A_23] : memref<5152768xi32, #tpu.memory_space<hbm>> -> memref<128xi32, #tpu.memory_space<hbm>>
        %dma_wait3A_36 = tpu.memref_slice %arg3[%add3A_23] : memref<5152768xi32, #tpu.memory_space<hbm>> -> memref<128xi32, #tpu.memory_space<hbm>>
        tpu.wait_dma2 semaphore(%run_scoped3A : memref<!tpu.dma_semaphore, #tpu.memory_space<semaphore_mem>>) src(%dma_wait3A_36 : memref<128xi32, #tpu.memory_space<hbm>>) dst(%arg8 : memref<128xi32, #tpu.memory_space<vmem>>)
        tpu.yield
      }) : () -> ()
      "tpu.region"() ({
        %run_scoped3A = tpu.sem_alloc : memref<!tpu.dma_semaphore, #tpu.memory_space<semaphore_mem>>
        %dma_start3A_33 = tpu.memref_slice %arg4[%add3A_23] : memref<5152768xi32, #tpu.memory_space<hbm>> -> memref<128xi32, #tpu.memory_space<hbm>>
        %dma_start3A_34 = tpu.memref_slice %arg4[%add3A_23] : memref<5152768xi32, #tpu.memory_space<hbm>> -> memref<128xi32, #tpu.memory_space<hbm>>
        tpu.enqueue_dma source(%dma_start3A_34 : memref<128xi32, #tpu.memory_space<hbm>>) target(%arg9 : memref<128xi32, #tpu.memory_space<vmem>>) target_semaphore(%run_scoped3A : memref<!tpu.dma_semaphore, #tpu.memory_space<semaphore_mem>>)
        %dma_wait3A_35 = tpu.memref_slice %arg4[%add3A_23] : memref<5152768xi32, #tpu.memory_space<hbm>> -> memref<128xi32, #tpu.memory_space<hbm>>
        %dma_wait3A_36 = tpu.memref_slice %arg4[%add3A_23] : memref<5152768xi32, #tpu.memory_space<hbm>> -> memref<128xi32, #tpu.memory_space<hbm>>
        tpu.wait_dma2 semaphore(%run_scoped3A : memref<!tpu.dma_semaphore, #tpu.memory_space<semaphore_mem>>) src(%dma_wait3A_36 : memref<128xi32, #tpu.memory_space<hbm>>) dst(%arg9 : memref<128xi32, #tpu.memory_space<vmem>>)
        tpu.yield
      }) : () -> ()
      %dma_start3A = arith.constant 0 : i32
      %dma_start3A_24 = arith.constant 0 : i32
      %dma_start3A_25 = tpu.memref_slice %arg2[%dma_start3A, %dma_start3A_24] : memref<10112x128xf32, #tpu.memory_space<hbm>> -> memref<10112x128xf32, #tpu.memory_space<hbm>>
      tpu.enqueue_indirect_dma source(%dma_start3A_25 : memref<10112x128xf32, #tpu.memory_space<hbm>>) target(%arg10 : memref<128x128xf32, #tpu.memory_space<vmem>>) offsets(%arg8 : memref<128xi32, #tpu.memory_space<vmem>>) semaphore(%arg13 : memref<!tpu.dma_semaphore, #tpu.memory_space<semaphore_mem>>)
      %dma_wait3A = arith.constant 0 : i32
      %dma_wait3A_26 = arith.constant 0 : i32
      %dma_wait3A_27 = tpu.memref_slice %arg2[%dma_wait3A, %dma_wait3A_26] : memref<10112x128xf32, #tpu.memory_space<hbm>> -> memref<10112x128xf32, #tpu.memory_space<hbm>>
      tpu.wait_indirect_dma semaphore(%arg13 : memref<!tpu.dma_semaphore, #tpu.memory_space<semaphore_mem>>) src(%dma_wait3A_27 : memref<10112x128xf32, #tpu.memory_space<hbm>>) dst(%arg10 : memref<128x128xf32, #tpu.memory_space<vmem>>)
      %scan3A = arith.constant 0 : i32
      %scan3A_28 = arith.constant 0 : i32
      %scan3A_29 = arith.constant 8 : i32
      %scan3A_30 = arith.addi %scan3A_28, %scan3A_29 : i32
      %scan3A_31 = arith.constant 1 : i32
      scf.for %scan3A_33 = %scan3A_28 to %scan3A_30 step %scan3A_31  : i32 {
        %mul3A_34 = arith.constant 16 : i32
        %mul3A_35 = arith.muli %scan3A_33, %mul3A_34 : i32
        %add3A_36 = vector.broadcast %mul3A_35 : i32 to vector<16xi32>
        %add3A_37 = arith.addi %add3A_36, %iota3A : vector<16xi32>
        %mul3A_38 = arith.constant 16 : i32
        %mul3A_39 = arith.muli %scan3A_33, %mul3A_38 : i32
        %get3A_40 = arith.index_cast %mul3A_39 : i32 to index
        %get3A_41 = tpu.vector_load %arg9[%get3A_40] {strides = array<i32>} : memref<128xi32, #tpu.memory_space<vmem>>, vector<16xi32>,
        %add3A_42 = arith.constant 0 : i32
        %add3A_43 = vector.broadcast %add3A_42 : i32 to vector<16xi32>
        %add3A_44 = arith.addi %iota3A, %add3A_43 : vector<16xi32>
        %and3A = arith.constant 63 : i32
        %and3A_45 = vector.broadcast %and3A : i32 to vector<16xi32>
        %and3A_46 = arith.andi %add3A_44, %and3A_45 : vector<16xi32>
        %gather3A = tpu.vector_load_idx %arg10[%add3A_37, %and3A_46] : memref<128x128xf32, #tpu.memory_space<vmem>>[vector<16xi32>, vector<16xi32>], vector<16xf32>,
        tpu.vector_store_idx %arg12[%get3A_41, %and3A_46], %gather3A {add = true} : memref<640x64xf32, #tpu.memory_space<vmem>>[vector<16xi32>, vector<16xi32>], vector<16xf32>,
        %add3A_47 = arith.constant 1 : i32
        %add3A_48 = vector.broadcast %add3A_47 : i32 to vector<16xi32>
        %add3A_49 = arith.addi %iota3A, %add3A_48 : vector<16xi32>
        %and3A_50 = arith.constant 63 : i32
        %and3A_51 = vector.broadcast %and3A_50 : i32 to vector<16xi32>
        %and3A_52 = arith.andi %add3A_49, %and3A_51 : vector<16xi32>
        %gather3A_53 = tpu.vector_load_idx %arg10[%add3A_37, %and3A_52] : memref<128x128xf32, #tpu.memory_space<vmem>>[vector<16xi32>, vector<16xi32>], vector<16xf32>,
        tpu.vector_store_idx %arg12[%get3A_41, %and3A_52], %gather3A_53 {add = true} : memref<640x64xf32, #tpu.memory_space<vmem>>[vector<16xi32>, vector<16xi32>], vector<16xf32>,
        %add3A_54 = arith.constant 2 : i32
        %add3A_55 = vector.broadcast %add3A_54 : i32 to vector<16xi32>
        %add3A_56 = arith.addi %iota3A, %add3A_55 : vector<16xi32>
        %and3A_57 = arith.constant 63 : i32
        %and3A_58 = vector.broadcast %and3A_57 : i32 to vector<16xi32>
        %and3A_59 = arith.andi %add3A_56, %and3A_58 : vector<16xi32>
        %gather3A_60 = tpu.vector_load_idx %arg10[%add3A_37, %and3A_59] : memref<128x128xf32, #tpu.memory_space<vmem>>[vector<16xi32>, vector<16xi32>], vector<16xf32>,
        tpu.vector_store_idx %arg12[%get3A_41, %and3A_59], %gather3A_60 {add = true} : memref<640x64xf32, #tpu.memory_space<vmem>>[vector<16xi32>, vector<16xi32>], vector<16xf32>,
        %add3A_61 = arith.constant 3 : i32
        %add3A_62 = vector.broadcast %add3A_61 : i32 to vector<16xi32>
        %add3A_63 = arith.addi %iota3A, %add3A_62 : vector<16xi32>
        %and3A_64 = arith.constant 63 : i32
        %and3A_65 = vector.broadcast %and3A_64 : i32 to vector<16xi32>
        %and3A_66 = arith.andi %add3A_63, %and3A_65 : vector<16xi32>
        %gather3A_67 = tpu.vector_load_idx %arg10[%add3A_37, %and3A_66] : memref<128x128xf32, #tpu.memory_space<vmem>>[vector<16xi32>, vector<16xi32>], vector<16xf32>,
        tpu.vector_store_idx %arg12[%get3A_41, %and3A_66], %gather3A_67 {add = true} : memref<640x64xf32, #tpu.memory_space<vmem>>[vector<16xi32>, vector<16xi32>], vector<16xf32>,
        %add3A_68 = arith.constant 4 : i32
        %add3A_69 = vector.broadcast %add3A_68 : i32 to vector<16xi32>
        %add3A_70 = arith.addi %iota3A, %add3A_69 : vector<16xi32>
        %and3A_71 = arith.constant 63 : i32
        %and3A_72 = vector.broadcast %and3A_71 : i32 to vector<16xi32>
        %and3A_73 = arith.andi %add3A_70, %and3A_72 : vector<16xi32>
        %gather3A_74 = tpu.vector_load_idx %arg10[%add3A_37, %and3A_73] : memref<128x128xf32, #tpu.memory_space<vmem>>[vector<16xi32>, vector<16xi32>], vector<16xf32>,
        tpu.vector_store_idx %arg12[%get3A_41, %and3A_73], %gather3A_74 {add = true} : memref<640x64xf32, #tpu.memory_space<vmem>>[vector<16xi32>, vector<16xi32>], vector<16xf32>,
        %add3A_75 = arith.constant 5 : i32
        %add3A_76 = vector.broadcast %add3A_75 : i32 to vector<16xi32>
        %add3A_77 = arith.addi %iota3A, %add3A_76 : vector<16xi32>
        %and3A_78 = arith.constant 63 : i32
        %and3A_79 = vector.broadcast %and3A_78 : i32 to vector<16xi32>
        %and3A_80 = arith.andi %add3A_77, %and3A_79 : vector<16xi32>
        %gather3A_81 = tpu.vector_load_idx %arg10[%add3A_37, %and3A_80] : memref<128x128xf32, #tpu.memory_space<vmem>>[vector<16xi32>, vector<16xi32>], vector<16xf32>,
        tpu.vector_store_idx %arg12[%get3A_41, %and3A_80], %gather3A_81 {add = true} : memref<640x64xf32, #tpu.memory_space<vmem>>[vector<16xi32>, vector<16xi32>], vector<16xf32>,
        %add3A_82 = arith.constant 6 : i32
        %add3A_83 = vector.broadcast %add3A_82 : i32 to vector<16xi32>
        %add3A_84 = arith.addi %iota3A, %add3A_83 : vector<16xi32>
        %and3A_85 = arith.constant 63 : i32
        %and3A_86 = vector.broadcast %and3A_85 : i32 to vector<16xi32>
        %and3A_87 = arith.andi %add3A_84, %and3A_86 : vector<16xi32>
        %gather3A_88 = tpu.vector_load_idx %arg10[%add3A_37, %and3A_87] : memref<128x128xf32, #tpu.memory_space<vmem>>[vector<16xi32>, vector<16xi32>], vector<16xf32>,
        tpu.vector_store_idx %arg12[%get3A_41, %and3A_87], %gather3A_88 {add = true} : memref<640x64xf32, #tpu.memory_space<vmem>>[vector<16xi32>, vector<16xi32>], vector<16xf32>,
        %add3A_89 = arith.constant 7 : i32
        %add3A_90 = vector.broadcast %add3A_89 : i32 to vector<16xi32>
        %add3A_91 = arith.addi %iota3A, %add3A_90 : vector<16xi32>
        %and3A_92 = arith.constant 63 : i32
        %and3A_93 = vector.broadcast %and3A_92 : i32 to vector<16xi32>
        %and3A_94 = arith.andi %add3A_91, %and3A_93 : vector<16xi32>
        %gather3A_95 = tpu.vector_load_idx %arg10[%add3A_37, %and3A_94] : memref<128x128xf32, #tpu.memory_space<vmem>>[vector<16xi32>, vector<16xi32>], vector<16xf32>,
        tpu.vector_store_idx %arg12[%get3A_41, %and3A_94], %gather3A_95 {add = true} : memref<640x64xf32, #tpu.memory_space<vmem>>[vector<16xi32>, vector<16xi32>], vector<16xf32>,
        %add3A_96 = arith.constant 8 : i32
        %add3A_97 = vector.broadcast %add3A_96 : i32 to vector<16xi32>
        %add3A_98 = arith.addi %iota3A, %add3A_97 : vector<16xi32>
        %and3A_99 = arith.constant 63 : i32
        %and3A_100 = vector.broadcast %and3A_99 : i32 to vector<16xi32>
        %and3A_101 = arith.andi %add3A_98, %and3A_100 : vector<16xi32>
        %gather3A_102 = tpu.vector_load_idx %arg10[%add3A_37, %and3A_101] : memref<128x128xf32, #tpu.memory_space<vmem>>[vector<16xi32>, vector<16xi32>], vector<16xf32>,
        tpu.vector_store_idx %arg12[%get3A_41, %and3A_101], %gather3A_102 {add = true} : memref<640x64xf32, #tpu.memory_space<vmem>>[vector<16xi32>, vector<16xi32>], vector<16xf32>,
        %add3A_103 = arith.constant 9 : i32
        %add3A_104 = vector.broadcast %add3A_103 : i32 to vector<16xi32>
        %add3A_105 = arith.addi %iota3A, %add3A_104 : vector<16xi32>
        %and3A_106 = arith.constant 63 : i32
        %and3A_107 = vector.broadcast %and3A_106 : i32 to vector<16xi32>
        %and3A_108 = arith.andi %add3A_105, %and3A_107 : vector<16xi32>
        %gather3A_109 = tpu.vector_load_idx %arg10[%add3A_37, %and3A_108] : memref<128x128xf32, #tpu.memory_space<vmem>>[vector<16xi32>, vector<16xi32>], vector<16xf32>,
        tpu.vector_store_idx %arg12[%get3A_41, %and3A_108], %gather3A_109 {add = true} : memref<640x64xf32, #tpu.memory_space<vmem>>[vector<16xi32>, vector<16xi32>], vector<16xf32>,
        %add3A_110 = arith.constant 10 : i32
        %add3A_111 = vector.broadcast %add3A_110 : i32 to vector<16xi32>
        %add3A_112 = arith.addi %iota3A, %add3A_111 : vector<16xi32>
        %and3A_113 = arith.constant 63 : i32
        %and3A_114 = vector.broadcast %and3A_113 : i32 to vector<16xi32>
        %and3A_115 = arith.andi %add3A_112, %and3A_114 : vector<16xi32>
        %gather3A_116 = tpu.vector_load_idx %arg10[%add3A_37, %and3A_115] : memref<128x128xf32, #tpu.memory_space<vmem>>[vector<16xi32>, vector<16xi32>], vector<16xf32>,
        tpu.vector_store_idx %arg12[%get3A_41, %and3A_115], %gather3A_116 {add = true} : memref<640x64xf32, #tpu.memory_space<vmem>>[vector<16xi32>, vector<16xi32>], vector<16xf32>,
        %add3A_117 = arith.constant 11 : i32
        %add3A_118 = vector.broadcast %add3A_117 : i32 to vector<16xi32>
        %add3A_119 = arith.addi %iota3A, %add3A_118 : vector<16xi32>
        %and3A_120 = arith.constant 63 : i32
        %and3A_121 = vector.broadcast %and3A_120 : i32 to vector<16xi32>
        %and3A_122 = arith.andi %add3A_119, %and3A_121 : vector<16xi32>
        %gather3A_123 = tpu.vector_load_idx %arg10[%add3A_37, %and3A_122] : memref<128x128xf32, #tpu.memory_space<vmem>>[vector<16xi32>, vector<16xi32>], vector<16xf32>,
        tpu.vector_store_idx %arg12[%get3A_41, %and3A_122], %gather3A_123 {add = true} : memref<640x64xf32, #tpu.memory_space<vmem>>[vector<16xi32>, vector<16xi32>], vector<16xf32>,
        %add3A_124 = arith.constant 12 : i32
        %add3A_125 = vector.broadcast %add3A_124 : i32 to vector<16xi32>
        %add3A_126 = arith.addi %iota3A, %add3A_125 : vector<16xi32>
        %and3A_127 = arith.constant 63 : i32
        %and3A_128 = vector.broadcast %and3A_127 : i32 to vector<16xi32>
        %and3A_129 = arith.andi %add3A_126, %and3A_128 : vector<16xi32>
        %gather3A_130 = tpu.vector_load_idx %arg10[%add3A_37, %and3A_129] : memref<128x128xf32, #tpu.memory_space<vmem>>[vector<16xi32>, vector<16xi32>], vector<16xf32>,
        tpu.vector_store_idx %arg12[%get3A_41, %and3A_129], %gather3A_130 {add = true} : memref<640x64xf32, #tpu.memory_space<vmem>>[vector<16xi32>, vector<16xi32>], vector<16xf32>,
        %add3A_131 = arith.constant 13 : i32
        %add3A_132 = vector.broadcast %add3A_131 : i32 to vector<16xi32>
        %add3A_133 = arith.addi %iota3A, %add3A_132 : vector<16xi32>
        %and3A_134 = arith.constant 63 : i32
        %and3A_135 = vector.broadcast %and3A_134 : i32 to vector<16xi32>
        %and3A_136 = arith.andi %add3A_133, %and3A_135 : vector<16xi32>
        %gather3A_137 = tpu.vector_load_idx %arg10[%add3A_37, %and3A_136] : memref<128x128xf32, #tpu.memory_space<vmem>>[vector<16xi32>, vector<16xi32>], vector<16xf32>,
        tpu.vector_store_idx %arg12[%get3A_41, %and3A_136], %gather3A_137 {add = true} : memref<640x64xf32, #tpu.memory_space<vmem>>[vector<16xi32>, vector<16xi32>], vector<16xf32>,
        %add3A_138 = arith.constant 14 : i32
        %add3A_139 = vector.broadcast %add3A_138 : i32 to vector<16xi32>
        %add3A_140 = arith.addi %iota3A, %add3A_139 : vector<16xi32>
        %and3A_141 = arith.constant 63 : i32
        %and3A_142 = vector.broadcast %and3A_141 : i32 to vector<16xi32>
        %and3A_143 = arith.andi %add3A_140, %and3A_142 : vector<16xi32>
        %gather3A_144 = tpu.vector_load_idx %arg10[%add3A_37, %and3A_143] : memref<128x128xf32, #tpu.memory_space<vmem>>[vector<16xi32>, vector<16xi32>], vector<16xf32>,
        tpu.vector_store_idx %arg12[%get3A_41, %and3A_143], %gather3A_144 {add = true} : memref<640x64xf32, #tpu.memory_space<vmem>>[vector<16xi32>, vector<16xi32>], vector<16xf32>,
        %add3A_145 = arith.constant 15 : i32
        %add3A_146 = vector.broadcast %add3A_145 : i32 to vector<16xi32>
        %add3A_147 = arith.addi %iota3A, %add3A_146 : vector<16xi32>
        %and3A_148 = arith.constant 63 : i32
        %and3A_149 = vector.broadcast %and3A_148 : i32 to vector<16xi32>
        %and3A_150 = arith.andi %add3A_147, %and3A_149 : vector<16xi32>
        %gather3A_151 = tpu.vector_load_idx %arg10[%add3A_37, %and3A_150] : memref<128x128xf32, #tpu.memory_space<vmem>>[vector<16xi32>, vector<16xi32>], vector<16xf32>,
        tpu.vector_store_idx %arg12[%get3A_41, %and3A_150], %gather3A_151 {add = true} : memref<640x64xf32, #tpu.memory_space<vmem>>[vector<16xi32>, vector<16xi32>], vector<16xf32>,
        %add3A_152 = arith.constant 16 : i32
        %add3A_153 = vector.broadcast %add3A_152 : i32 to vector<16xi32>
        %add3A_154 = arith.addi %iota3A, %add3A_153 : vector<16xi32>
        %and3A_155 = arith.constant 63 : i32
        %and3A_156 = vector.broadcast %and3A_155 : i32 to vector<16xi32>
        %and3A_157 = arith.andi %add3A_154, %and3A_156 : vector<16xi32>
        %gather3A_158 = tpu.vector_load_idx %arg10[%add3A_37, %and3A_157] : memref<128x128xf32, #tpu.memory_space<vmem>>[vector<16xi32>, vector<16xi32>], vector<16xf32>,
        tpu.vector_store_idx %arg12[%get3A_41, %and3A_157], %gather3A_158 {add = true} : memref<640x64xf32, #tpu.memory_space<vmem>>[vector<16xi32>, vector<16xi32>], vector<16xf32>,
        %add3A_159 = arith.constant 17 : i32
        %add3A_160 = vector.broadcast %add3A_159 : i32 to vector<16xi32>
        %add3A_161 = arith.addi %iota3A, %add3A_160 : vector<16xi32>
        %and3A_162 = arith.constant 63 : i32
        %and3A_163 = vector.broadcast %and3A_162 : i32 to vector<16xi32>
        %and3A_164 = arith.andi %add3A_161, %and3A_163 : vector<16xi32>
        %gather3A_165 = tpu.vector_load_idx %arg10[%add3A_37, %and3A_164] : memref<128x128xf32, #tpu.memory_space<vmem>>[vector<16xi32>, vector<16xi32>], vector<16xf32>,
        tpu.vector_store_idx %arg12[%get3A_41, %and3A_164], %gather3A_165 {add = true} : memref<640x64xf32, #tpu.memory_space<vmem>>[vector<16xi32>, vector<16xi32>], vector<16xf32>,
        %add3A_166 = arith.constant 18 : i32
        %add3A_167 = vector.broadcast %add3A_166 : i32 to vector<16xi32>
        %add3A_168 = arith.addi %iota3A, %add3A_167 : vector<16xi32>
        %and3A_169 = arith.constant 63 : i32
        %and3A_170 = vector.broadcast %and3A_169 : i32 to vector<16xi32>
        %and3A_171 = arith.andi %add3A_168, %and3A_170 : vector<16xi32>
        %gather3A_172 = tpu.vector_load_idx %arg10[%add3A_37, %and3A_171] : memref<128x128xf32, #tpu.memory_space<vmem>>[vector<16xi32>, vector<16xi32>], vector<16xf32>,
        tpu.vector_store_idx %arg12[%get3A_41, %and3A_171], %gather3A_172 {add = true} : memref<640x64xf32, #tpu.memory_space<vmem>>[vector<16xi32>, vector<16xi32>], vector<16xf32>,
        %add3A_173 = arith.constant 19 : i32
        %add3A_174 = vector.broadcast %add3A_173 : i32 to vector<16xi32>
        %add3A_175 = arith.addi %iota3A, %add3A_174 : vector<16xi32>
        %and3A_176 = arith.constant 63 : i32
        %and3A_177 = vector.broadcast %and3A_176 : i32 to vector<16xi32>
        %and3A_178 = arith.andi %add3A_175, %and3A_177 : vector<16xi32>
        %gather3A_179 = tpu.vector_load_idx %arg10[%add3A_37, %and3A_178] : memref<128x128xf32, #tpu.memory_space<vmem>>[vector<16xi32>, vector<16xi32>], vector<16xf32>,
        tpu.vector_store_idx %arg12[%get3A_41, %and3A_178], %gather3A_179 {add = true} : memref<640x64xf32, #tpu.memory_space<vmem>>[vector<16xi32>, vector<16xi32>], vector<16xf32>,
        %add3A_180 = arith.constant 20 : i32
        %add3A_181 = vector.broadcast %add3A_180 : i32 to vector<16xi32>
        %add3A_182 = arith.addi %iota3A, %add3A_181 : vector<16xi32>
        %and3A_183 = arith.constant 63 : i32
        %and3A_184 = vector.broadcast %and3A_183 : i32 to vector<16xi32>
        %and3A_185 = arith.andi %add3A_182, %and3A_184 : vector<16xi32>
        %gather3A_186 = tpu.vector_load_idx %arg10[%add3A_37, %and3A_185] : memref<128x128xf32, #tpu.memory_space<vmem>>[vector<16xi32>, vector<16xi32>], vector<16xf32>,
        tpu.vector_store_idx %arg12[%get3A_41, %and3A_185], %gather3A_186 {add = true} : memref<640x64xf32, #tpu.memory_space<vmem>>[vector<16xi32>, vector<16xi32>], vector<16xf32>,
        %add3A_187 = arith.constant 21 : i32
        %add3A_188 = vector.broadcast %add3A_187 : i32 to vector<16xi32>
        %add3A_189 = arith.addi %iota3A, %add3A_188 : vector<16xi32>
        %and3A_190 = arith.constant 63 : i32
        %and3A_191 = vector.broadcast %and3A_190 : i32 to vector<16xi32>
        %and3A_192 = arith.andi %add3A_189, %and3A_191 : vector<16xi32>
        %gather3A_193 = tpu.vector_load_idx %arg10[%add3A_37, %and3A_192] : memref<128x128xf32, #tpu.memory_space<vmem>>[vector<16xi32>, vector<16xi32>], vector<16xf32>,
        tpu.vector_store_idx %arg12[%get3A_41, %and3A_192], %gather3A_193 {add = true} : memref<640x64xf32, #tpu.memory_space<vmem>>[vector<16xi32>, vector<16xi32>], vector<16xf32>,
        %add3A_194 = arith.constant 22 : i32
        %add3A_195 = vector.broadcast %add3A_194 : i32 to vector<16xi32>
        %add3A_196 = arith.addi %iota3A, %add3A_195 : vector<16xi32>
        %and3A_197 = arith.constant 63 : i32
        %and3A_198 = vector.broadcast %and3A_197 : i32 to vector<16xi32>
        %and3A_199 = arith.andi %add3A_196, %and3A_198 : vector<16xi32>
        %gather3A_200 = tpu.vector_load_idx %arg10[%add3A_37, %and3A_199] : memref<128x128xf32, #tpu.memory_space<vmem>>[vector<16xi32>, vector<16xi32>], vector<16xf32>,
        tpu.vector_store_idx %arg12[%get3A_41, %and3A_199], %gather3A_200 {add = true} : memref<640x64xf32, #tpu.memory_space<vmem>>[vector<16xi32>, vector<16xi32>], vector<16xf32>,
        %add3A_201 = arith.constant 23 : i32
        %add3A_202 = vector.broadcast %add3A_201 : i32 to vector<16xi32>
        %add3A_203 = arith.addi %iota3A, %add3A_202 : vector<16xi32>
        %and3A_204 = arith.constant 63 : i32
        %and3A_205 = vector.broadcast %and3A_204 : i32 to vector<16xi32>
        %and3A_206 = arith.andi %add3A_203, %and3A_205 : vector<16xi32>
        %gather3A_207 = tpu.vector_load_idx %arg10[%add3A_37, %and3A_206] : memref<128x128xf32, #tpu.memory_space<vmem>>[vector<16xi32>, vector<16xi32>], vector<16xf32>,
        tpu.vector_store_idx %arg12[%get3A_41, %and3A_206], %gather3A_207 {add = true} : memref<640x64xf32, #tpu.memory_space<vmem>>[vector<16xi32>, vector<16xi32>], vector<16xf32>,
        %add3A_208 = arith.constant 24 : i32
        %add3A_209 = vector.broadcast %add3A_208 : i32 to vector<16xi32>
        %add3A_210 = arith.addi %iota3A, %add3A_209 : vector<16xi32>
        %and3A_211 = arith.constant 63 : i32
        %and3A_212 = vector.broadcast %and3A_211 : i32 to vector<16xi32>
        %and3A_213 = arith.andi %add3A_210, %and3A_212 : vector<16xi32>
        %gather3A_214 = tpu.vector_load_idx %arg10[%add3A_37, %and3A_213] : memref<128x128xf32, #tpu.memory_space<vmem>>[vector<16xi32>, vector<16xi32>], vector<16xf32>,
        tpu.vector_store_idx %arg12[%get3A_41, %and3A_213], %gather3A_214 {add = true} : memref<640x64xf32, #tpu.memory_space<vmem>>[vector<16xi32>, vector<16xi32>], vector<16xf32>,
        %add3A_215 = arith.constant 25 : i32
        %add3A_216 = vector.broadcast %add3A_215 : i32 to vector<16xi32>
        %add3A_217 = arith.addi %iota3A, %add3A_216 : vector<16xi32>
        %and3A_218 = arith.constant 63 : i32
        %and3A_219 = vector.broadcast %and3A_218 : i32 to vector<16xi32>
        %and3A_220 = arith.andi %add3A_217, %and3A_219 : vector<16xi32>
        %gather3A_221 = tpu.vector_load_idx %arg10[%add3A_37, %and3A_220] : memref<128x128xf32, #tpu.memory_space<vmem>>[vector<16xi32>, vector<16xi32>], vector<16xf32>,
        tpu.vector_store_idx %arg12[%get3A_41, %and3A_220], %gather3A_221 {add = true} : memref<640x64xf32, #tpu.memory_space<vmem>>[vector<16xi32>, vector<16xi32>], vector<16xf32>,
        %add3A_222 = arith.constant 26 : i32
        %add3A_223 = vector.broadcast %add3A_222 : i32 to vector<16xi32>
        %add3A_224 = arith.addi %iota3A, %add3A_223 : vector<16xi32>
        %and3A_225 = arith.constant 63 : i32
        %and3A_226 = vector.broadcast %and3A_225 : i32 to vector<16xi32>
        %and3A_227 = arith.andi %add3A_224, %and3A_226 : vector<16xi32>
        %gather3A_228 = tpu.vector_load_idx %arg10[%add3A_37, %and3A_227] : memref<128x128xf32, #tpu.memory_space<vmem>>[vector<16xi32>, vector<16xi32>], vector<16xf32>,
        tpu.vector_store_idx %arg12[%get3A_41, %and3A_227], %gather3A_228 {add = true} : memref<640x64xf32, #tpu.memory_space<vmem>>[vector<16xi32>, vector<16xi32>], vector<16xf32>,
        %add3A_229 = arith.constant 27 : i32
        %add3A_230 = vector.broadcast %add3A_229 : i32 to vector<16xi32>
        %add3A_231 = arith.addi %iota3A, %add3A_230 : vector<16xi32>
        %and3A_232 = arith.constant 63 : i32
        %and3A_233 = vector.broadcast %and3A_232 : i32 to vector<16xi32>
        %and3A_234 = arith.andi %add3A_231, %and3A_233 : vector<16xi32>
        %gather3A_235 = tpu.vector_load_idx %arg10[%add3A_37, %and3A_234] : memref<128x128xf32, #tpu.memory_space<vmem>>[vector<16xi32>, vector<16xi32>], vector<16xf32>,
        tpu.vector_store_idx %arg12[%get3A_41, %and3A_234], %gather3A_235 {add = true} : memref<640x64xf32, #tpu.memory_space<vmem>>[vector<16xi32>, vector<16xi32>], vector<16xf32>,
        %add3A_236 = arith.constant 28 : i32
        %add3A_237 = vector.broadcast %add3A_236 : i32 to vector<16xi32>
        %add3A_238 = arith.addi %iota3A, %add3A_237 : vector<16xi32>
        %and3A_239 = arith.constant 63 : i32
        %and3A_240 = vector.broadcast %and3A_239 : i32 to vector<16xi32>
        %and3A_241 = arith.andi %add3A_238, %and3A_240 : vector<16xi32>
        %gather3A_242 = tpu.vector_load_idx %arg10[%add3A_37, %and3A_241] : memref<128x128xf32, #tpu.memory_space<vmem>>[vector<16xi32>, vector<16xi32>], vector<16xf32>,
        tpu.vector_store_idx %arg12[%get3A_41, %and3A_241], %gather3A_242 {add = true} : memref<640x64xf32, #tpu.memory_space<vmem>>[vector<16xi32>, vector<16xi32>], vector<16xf32>,
        %add3A_243 = arith.constant 29 : i32
        %add3A_244 = vector.broadcast %add3A_243 : i32 to vector<16xi32>
        %add3A_245 = arith.addi %iota3A, %add3A_244 : vector<16xi32>
        %and3A_246 = arith.constant 63 : i32
        %and3A_247 = vector.broadcast %and3A_246 : i32 to vector<16xi32>
        %and3A_248 = arith.andi %add3A_245, %and3A_247 : vector<16xi32>
        %gather3A_249 = tpu.vector_load_idx %arg10[%add3A_37, %and3A_248] : memref<128x128xf32, #tpu.memory_space<vmem>>[vector<16xi32>, vector<16xi32>], vector<16xf32>,
        tpu.vector_store_idx %arg12[%get3A_41, %and3A_248], %gather3A_249 {add = true} : memref<640x64xf32, #tpu.memory_space<vmem>>[vector<16xi32>, vector<16xi32>], vector<16xf32>,
        %add3A_250 = arith.constant 30 : i32
        %add3A_251 = vector.broadcast %add3A_250 : i32 to vector<16xi32>
        %add3A_252 = arith.addi %iota3A, %add3A_251 : vector<16xi32>
        %and3A_253 = arith.constant 63 : i32
        %and3A_254 = vector.broadcast %and3A_253 : i32 to vector<16xi32>
        %and3A_255 = arith.andi %add3A_252, %and3A_254 : vector<16xi32>
        %gather3A_256 = tpu.vector_load_idx %arg10[%add3A_37, %and3A_255] : memref<128x128xf32, #tpu.memory_space<vmem>>[vector<16xi32>, vector<16xi32>], vector<16xf32>,
        tpu.vector_store_idx %arg12[%get3A_41, %and3A_255], %gather3A_256 {add = true} : memref<640x64xf32, #tpu.memory_space<vmem>>[vector<16xi32>, vector<16xi32>], vector<16xf32>,
        %add3A_257 = arith.constant 31 : i32
        %add3A_258 = vector.broadcast %add3A_257 : i32 to vector<16xi32>
        %add3A_259 = arith.addi %iota3A, %add3A_258 : vector<16xi32>
        %and3A_260 = arith.constant 63 : i32
        %and3A_261 = vector.broadcast %and3A_260 : i32 to vector<16xi32>
        %and3A_262 = arith.andi %add3A_259, %and3A_261 : vector<16xi32>
        %gather3A_263 = tpu.vector_load_idx %arg10[%add3A_37, %and3A_262] : memref<128x128xf32, #tpu.memory_space<vmem>>[vector<16xi32>, vector<16xi32>], vector<16xf32>,
        tpu.vector_store_idx %arg12[%get3A_41, %and3A_262], %gather3A_263 {add = true} : memref<640x64xf32, #tpu.memory_space<vmem>>[vector<16xi32>, vector<16xi32>], vector<16xf32>,
        %add3A_264 = arith.constant 32 : i32
        %add3A_265 = vector.broadcast %add3A_264 : i32 to vector<16xi32>
        %add3A_266 = arith.addi %iota3A, %add3A_265 : vector<16xi32>
        %and3A_267 = arith.constant 63 : i32
        %and3A_268 = vector.broadcast %and3A_267 : i32 to vector<16xi32>
        %and3A_269 = arith.andi %add3A_266, %and3A_268 : vector<16xi32>
        %gather3A_270 = tpu.vector_load_idx %arg10[%add3A_37, %and3A_269] : memref<128x128xf32, #tpu.memory_space<vmem>>[vector<16xi32>, vector<16xi32>], vector<16xf32>,
        tpu.vector_store_idx %arg12[%get3A_41, %and3A_269], %gather3A_270 {add = true} : memref<640x64xf32, #tpu.memory_space<vmem>>[vector<16xi32>, vector<16xi32>], vector<16xf32>,
        %add3A_271 = arith.constant 33 : i32
        %add3A_272 = vector.broadcast %add3A_271 : i32 to vector<16xi32>
        %add3A_273 = arith.addi %iota3A, %add3A_272 : vector<16xi32>
        %and3A_274 = arith.constant 63 : i32
        %and3A_275 = vector.broadcast %and3A_274 : i32 to vector<16xi32>
        %and3A_276 = arith.andi %add3A_273, %and3A_275 : vector<16xi32>
        %gather3A_277 = tpu.vector_load_idx %arg10[%add3A_37, %and3A_276] : memref<128x128xf32, #tpu.memory_space<vmem>>[vector<16xi32>, vector<16xi32>], vector<16xf32>,
        tpu.vector_store_idx %arg12[%get3A_41, %and3A_276], %gather3A_277 {add = true} : memref<640x64xf32, #tpu.memory_space<vmem>>[vector<16xi32>, vector<16xi32>], vector<16xf32>,
        %add3A_278 = arith.constant 34 : i32
        %add3A_279 = vector.broadcast %add3A_278 : i32 to vector<16xi32>
        %add3A_280 = arith.addi %iota3A, %add3A_279 : vector<16xi32>
        %and3A_281 = arith.constant 63 : i32
        %and3A_282 = vector.broadcast %and3A_281 : i32 to vector<16xi32>
        %and3A_283 = arith.andi %add3A_280, %and3A_282 : vector<16xi32>
        %gather3A_284 = tpu.vector_load_idx %arg10[%add3A_37, %and3A_283] : memref<128x128xf32, #tpu.memory_space<vmem>>[vector<16xi32>, vector<16xi32>], vector<16xf32>,
        tpu.vector_store_idx %arg12[%get3A_41, %and3A_283], %gather3A_284 {add = true} : memref<640x64xf32, #tpu.memory_space<vmem>>[vector<16xi32>, vector<16xi32>], vector<16xf32>,
        %add3A_285 = arith.constant 35 : i32
        %add3A_286 = vector.broadcast %add3A_285 : i32 to vector<16xi32>
        %add3A_287 = arith.addi %iota3A, %add3A_286 : vector<16xi32>
        %and3A_288 = arith.constant 63 : i32
        %and3A_289 = vector.broadcast %and3A_288 : i32 to vector<16xi32>
        %and3A_290 = arith.andi %add3A_287, %and3A_289 : vector<16xi32>
        %gather3A_291 = tpu.vector_load_idx %arg10[%add3A_37, %and3A_290] : memref<128x128xf32, #tpu.memory_space<vmem>>[vector<16xi32>, vector<16xi32>], vector<16xf32>,
        tpu.vector_store_idx %arg12[%get3A_41, %and3A_290], %gather3A_291 {add = true} : memref<640x64xf32, #tpu.memory_space<vmem>>[vector<16xi32>, vector<16xi32>], vector<16xf32>,
        %add3A_292 = arith.constant 36 : i32
        %add3A_293 = vector.broadcast %add3A_292 : i32 to vector<16xi32>
        %add3A_294 = arith.addi %iota3A, %add3A_293 : vector<16xi32>
        %and3A_295 = arith.constant 63 : i32
        %and3A_296 = vector.broadcast %and3A_295 : i32 to vector<16xi32>
        %and3A_297 = arith.andi %add3A_294, %and3A_296 : vector<16xi32>
        %gather3A_298 = tpu.vector_load_idx %arg10[%add3A_37, %and3A_297] : memref<128x128xf32, #tpu.memory_space<vmem>>[vector<16xi32>, vector<16xi32>], vector<16xf32>,
        tpu.vector_store_idx %arg12[%get3A_41, %and3A_297], %gather3A_298 {add = true} : memref<640x64xf32, #tpu.memory_space<vmem>>[vector<16xi32>, vector<16xi32>], vector<16xf32>,
        %add3A_299 = arith.constant 37 : i32
        %add3A_300 = vector.broadcast %add3A_299 : i32 to vector<16xi32>
        %add3A_301 = arith.addi %iota3A, %add3A_300 : vector<16xi32>
        %and3A_302 = arith.constant 63 : i32
        %and3A_303 = vector.broadcast %and3A_302 : i32 to vector<16xi32>
        %and3A_304 = arith.andi %add3A_301, %and3A_303 : vector<16xi32>
        %gather3A_305 = tpu.vector_load_idx %arg10[%add3A_37, %and3A_304] : memref<128x128xf32, #tpu.memory_space<vmem>>[vector<16xi32>, vector<16xi32>], vector<16xf32>,
        tpu.vector_store_idx %arg12[%get3A_41, %and3A_304], %gather3A_305 {add = true} : memref<640x64xf32, #tpu.memory_space<vmem>>[vector<16xi32>, vector<16xi32>], vector<16xf32>,
        %add3A_306 = arith.constant 38 : i32
        %add3A_307 = vector.broadcast %add3A_306 : i32 to vector<16xi32>
        %add3A_308 = arith.addi %iota3A, %add3A_307 : vector<16xi32>
        %and3A_309 = arith.constant 63 : i32
        %and3A_310 = vector.broadcast %and3A_309 : i32 to vector<16xi32>
        %and3A_311 = arith.andi %add3A_308, %and3A_310 : vector<16xi32>
        %gather3A_312 = tpu.vector_load_idx %arg10[%add3A_37, %and3A_311] : memref<128x128xf32, #tpu.memory_space<vmem>>[vector<16xi32>, vector<16xi32>], vector<16xf32>,
        tpu.vector_store_idx %arg12[%get3A_41, %and3A_311], %gather3A_312 {add = true} : memref<640x64xf32, #tpu.memory_space<vmem>>[vector<16xi32>, vector<16xi32>], vector<16xf32>,
        %add3A_313 = arith.constant 39 : i32
        %add3A_314 = vector.broadcast %add3A_313 : i32 to vector<16xi32>
        %add3A_315 = arith.addi %iota3A, %add3A_314 : vector<16xi32>
        %and3A_316 = arith.constant 63 : i32
        %and3A_317 = vector.broadcast %and3A_316 : i32 to vector<16xi32>
        %and3A_318 = arith.andi %add3A_315, %and3A_317 : vector<16xi32>
        %gather3A_319 = tpu.vector_load_idx %arg10[%add3A_37, %and3A_318] : memref<128x128xf32, #tpu.memory_space<vmem>>[vector<16xi32>, vector<16xi32>], vector<16xf32>,
        tpu.vector_store_idx %arg12[%get3A_41, %and3A_318], %gather3A_319 {add = true} : memref<640x64xf32, #tpu.memory_space<vmem>>[vector<16xi32>, vector<16xi32>], vector<16xf32>,
        %add3A_320 = arith.constant 40 : i32
        %add3A_321 = vector.broadcast %add3A_320 : i32 to vector<16xi32>
        %add3A_322 = arith.addi %iota3A, %add3A_321 : vector<16xi32>
        %and3A_323 = arith.constant 63 : i32
        %and3A_324 = vector.broadcast %and3A_323 : i32 to vector<16xi32>
        %and3A_325 = arith.andi %add3A_322, %and3A_324 : vector<16xi32>
        %gather3A_326 = tpu.vector_load_idx %arg10[%add3A_37, %and3A_325] : memref<128x128xf32, #tpu.memory_space<vmem>>[vector<16xi32>, vector<16xi32>], vector<16xf32>,
        tpu.vector_store_idx %arg12[%get3A_41, %and3A_325], %gather3A_326 {add = true} : memref<640x64xf32, #tpu.memory_space<vmem>>[vector<16xi32>, vector<16xi32>], vector<16xf32>,
        %add3A_327 = arith.constant 41 : i32
        %add3A_328 = vector.broadcast %add3A_327 : i32 to vector<16xi32>
        %add3A_329 = arith.addi %iota3A, %add3A_328 : vector<16xi32>
        %and3A_330 = arith.constant 63 : i32
        %and3A_331 = vector.broadcast %and3A_330 : i32 to vector<16xi32>
        %and3A_332 = arith.andi %add3A_329, %and3A_331 : vector<16xi32>
        %gather3A_333 = tpu.vector_load_idx %arg10[%add3A_37, %and3A_332] : memref<128x128xf32, #tpu.memory_space<vmem>>[vector<16xi32>, vector<16xi32>], vector<16xf32>,
        tpu.vector_store_idx %arg12[%get3A_41, %and3A_332], %gather3A_333 {add = true} : memref<640x64xf32, #tpu.memory_space<vmem>>[vector<16xi32>, vector<16xi32>], vector<16xf32>,
        %add3A_334 = arith.constant 42 : i32
        %add3A_335 = vector.broadcast %add3A_334 : i32 to vector<16xi32>
        %add3A_336 = arith.addi %iota3A, %add3A_335 : vector<16xi32>
        %and3A_337 = arith.constant 63 : i32
        %and3A_338 = vector.broadcast %and3A_337 : i32 to vector<16xi32>
        %and3A_339 = arith.andi %add3A_336, %and3A_338 : vector<16xi32>
        %gather3A_340 = tpu.vector_load_idx %arg10[%add3A_37, %and3A_339] : memref<128x128xf32, #tpu.memory_space<vmem>>[vector<16xi32>, vector<16xi32>], vector<16xf32>,
        tpu.vector_store_idx %arg12[%get3A_41, %and3A_339], %gather3A_340 {add = true} : memref<640x64xf32, #tpu.memory_space<vmem>>[vector<16xi32>, vector<16xi32>], vector<16xf32>,
        %add3A_341 = arith.constant 43 : i32
        %add3A_342 = vector.broadcast %add3A_341 : i32 to vector<16xi32>
        %add3A_343 = arith.addi %iota3A, %add3A_342 : vector<16xi32>
        %and3A_344 = arith.constant 63 : i32
        %and3A_345 = vector.broadcast %and3A_344 : i32 to vector<16xi32>
        %and3A_346 = arith.andi %add3A_343, %and3A_345 : vector<16xi32>
        %gather3A_347 = tpu.vector_load_idx %arg10[%add3A_37, %and3A_346] : memref<128x128xf32, #tpu.memory_space<vmem>>[vector<16xi32>, vector<16xi32>], vector<16xf32>,
        tpu.vector_store_idx %arg12[%get3A_41, %and3A_346], %gather3A_347 {add = true} : memref<640x64xf32, #tpu.memory_space<vmem>>[vector<16xi32>, vector<16xi32>], vector<16xf32>,
        %add3A_348 = arith.constant 44 : i32
        %add3A_349 = vector.broadcast %add3A_348 : i32 to vector<16xi32>
        %add3A_350 = arith.addi %iota3A, %add3A_349 : vector<16xi32>
        %and3A_351 = arith.constant 63 : i32
        %and3A_352 = vector.broadcast %and3A_351 : i32 to vector<16xi32>
        %and3A_353 = arith.andi %add3A_350, %and3A_352 : vector<16xi32>
        %gather3A_354 = tpu.vector_load_idx %arg10[%add3A_37, %and3A_353] : memref<128x128xf32, #tpu.memory_space<vmem>>[vector<16xi32>, vector<16xi32>], vector<16xf32>,
        tpu.vector_store_idx %arg12[%get3A_41, %and3A_353], %gather3A_354 {add = true} : memref<640x64xf32, #tpu.memory_space<vmem>>[vector<16xi32>, vector<16xi32>], vector<16xf32>,
        %add3A_355 = arith.constant 45 : i32
        %add3A_356 = vector.broadcast %add3A_355 : i32 to vector<16xi32>
        %add3A_357 = arith.addi %iota3A, %add3A_356 : vector<16xi32>
        %and3A_358 = arith.constant 63 : i32
        %and3A_359 = vector.broadcast %and3A_358 : i32 to vector<16xi32>
        %and3A_360 = arith.andi %add3A_357, %and3A_359 : vector<16xi32>
        %gather3A_361 = tpu.vector_load_idx %arg10[%add3A_37, %and3A_360] : memref<128x128xf32, #tpu.memory_space<vmem>>[vector<16xi32>, vector<16xi32>], vector<16xf32>,
        tpu.vector_store_idx %arg12[%get3A_41, %and3A_360], %gather3A_361 {add = true} : memref<640x64xf32, #tpu.memory_space<vmem>>[vector<16xi32>, vector<16xi32>], vector<16xf32>,
        %add3A_362 = arith.constant 46 : i32
        %add3A_363 = vector.broadcast %add3A_362 : i32 to vector<16xi32>
        %add3A_364 = arith.addi %iota3A, %add3A_363 : vector<16xi32>
        %and3A_365 = arith.constant 63 : i32
        %and3A_366 = vector.broadcast %and3A_365 : i32 to vector<16xi32>
        %and3A_367 = arith.andi %add3A_364, %and3A_366 : vector<16xi32>
        %gather3A_368 = tpu.vector_load_idx %arg10[%add3A_37, %and3A_367] : memref<128x128xf32, #tpu.memory_space<vmem>>[vector<16xi32>, vector<16xi32>], vector<16xf32>,
        tpu.vector_store_idx %arg12[%get3A_41, %and3A_367], %gather3A_368 {add = true} : memref<640x64xf32, #tpu.memory_space<vmem>>[vector<16xi32>, vector<16xi32>], vector<16xf32>,
        %add3A_369 = arith.constant 47 : i32
        %add3A_370 = vector.broadcast %add3A_369 : i32 to vector<16xi32>
        %add3A_371 = arith.addi %iota3A, %add3A_370 : vector<16xi32>
        %and3A_372 = arith.constant 63 : i32
        %and3A_373 = vector.broadcast %and3A_372 : i32 to vector<16xi32>
        %and3A_374 = arith.andi %add3A_371, %and3A_373 : vector<16xi32>
        %gather3A_375 = tpu.vector_load_idx %arg10[%add3A_37, %and3A_374] : memref<128x128xf32, #tpu.memory_space<vmem>>[vector<16xi32>, vector<16xi32>], vector<16xf32>,
        tpu.vector_store_idx %arg12[%get3A_41, %and3A_374], %gather3A_375 {add = true} : memref<640x64xf32, #tpu.memory_space<vmem>>[vector<16xi32>, vector<16xi32>], vector<16xf32>,
        %add3A_376 = arith.constant 48 : i32
        %add3A_377 = vector.broadcast %add3A_376 : i32 to vector<16xi32>
        %add3A_378 = arith.addi %iota3A, %add3A_377 : vector<16xi32>
        %and3A_379 = arith.constant 63 : i32
        %and3A_380 = vector.broadcast %and3A_379 : i32 to vector<16xi32>
        %and3A_381 = arith.andi %add3A_378, %and3A_380 : vector<16xi32>
        %gather3A_382 = tpu.vector_load_idx %arg10[%add3A_37, %and3A_381] : memref<128x128xf32, #tpu.memory_space<vmem>>[vector<16xi32>, vector<16xi32>], vector<16xf32>,
        tpu.vector_store_idx %arg12[%get3A_41, %and3A_381], %gather3A_382 {add = true} : memref<640x64xf32, #tpu.memory_space<vmem>>[vector<16xi32>, vector<16xi32>], vector<16xf32>,
        %add3A_383 = arith.constant 49 : i32
        %add3A_384 = vector.broadcast %add3A_383 : i32 to vector<16xi32>
        %add3A_385 = arith.addi %iota3A, %add3A_384 : vector<16xi32>
        %and3A_386 = arith.constant 63 : i32
        %and3A_387 = vector.broadcast %and3A_386 : i32 to vector<16xi32>
        %and3A_388 = arith.andi %add3A_385, %and3A_387 : vector<16xi32>
        %gather3A_389 = tpu.vector_load_idx %arg10[%add3A_37, %and3A_388] : memref<128x128xf32, #tpu.memory_space<vmem>>[vector<16xi32>, vector<16xi32>], vector<16xf32>,
        tpu.vector_store_idx %arg12[%get3A_41, %and3A_388], %gather3A_389 {add = true} : memref<640x64xf32, #tpu.memory_space<vmem>>[vector<16xi32>, vector<16xi32>], vector<16xf32>,
        %add3A_390 = arith.constant 50 : i32
        %add3A_391 = vector.broadcast %add3A_390 : i32 to vector<16xi32>
        %add3A_392 = arith.addi %iota3A, %add3A_391 : vector<16xi32>
        %and3A_393 = arith.constant 63 : i32
        %and3A_394 = vector.broadcast %and3A_393 : i32 to vector<16xi32>
        %and3A_395 = arith.andi %add3A_392, %and3A_394 : vector<16xi32>
        %gather3A_396 = tpu.vector_load_idx %arg10[%add3A_37, %and3A_395] : memref<128x128xf32, #tpu.memory_space<vmem>>[vector<16xi32>, vector<16xi32>], vector<16xf32>,
        tpu.vector_store_idx %arg12[%get3A_41, %and3A_395], %gather3A_396 {add = true} : memref<640x64xf32, #tpu.memory_space<vmem>>[vector<16xi32>, vector<16xi32>], vector<16xf32>,
        %add3A_397 = arith.constant 51 : i32
        %add3A_398 = vector.broadcast %add3A_397 : i32 to vector<16xi32>
        %add3A_399 = arith.addi %iota3A, %add3A_398 : vector<16xi32>
        %and3A_400 = arith.constant 63 : i32
        %and3A_401 = vector.broadcast %and3A_400 : i32 to vector<16xi32>
        %and3A_402 = arith.andi %add3A_399, %and3A_401 : vector<16xi32>
        %gather3A_403 = tpu.vector_load_idx %arg10[%add3A_37, %and3A_402] : memref<128x128xf32, #tpu.memory_space<vmem>>[vector<16xi32>, vector<16xi32>], vector<16xf32>,
        tpu.vector_store_idx %arg12[%get3A_41, %and3A_402], %gather3A_403 {add = true} : memref<640x64xf32, #tpu.memory_space<vmem>>[vector<16xi32>, vector<16xi32>], vector<16xf32>,
        %add3A_404 = arith.constant 52 : i32
        %add3A_405 = vector.broadcast %add3A_404 : i32 to vector<16xi32>
        %add3A_406 = arith.addi %iota3A, %add3A_405 : vector<16xi32>
        %and3A_407 = arith.constant 63 : i32
        %and3A_408 = vector.broadcast %and3A_407 : i32 to vector<16xi32>
        %and3A_409 = arith.andi %add3A_406, %and3A_408 : vector<16xi32>
        %gather3A_410 = tpu.vector_load_idx %arg10[%add3A_37, %and3A_409] : memref<128x128xf32, #tpu.memory_space<vmem>>[vector<16xi32>, vector<16xi32>], vector<16xf32>,
        tpu.vector_store_idx %arg12[%get3A_41, %and3A_409], %gather3A_410 {add = true} : memref<640x64xf32, #tpu.memory_space<vmem>>[vector<16xi32>, vector<16xi32>], vector<16xf32>,
        %add3A_411 = arith.constant 53 : i32
        %add3A_412 = vector.broadcast %add3A_411 : i32 to vector<16xi32>
        %add3A_413 = arith.addi %iota3A, %add3A_412 : vector<16xi32>
        %and3A_414 = arith.constant 63 : i32
        %and3A_415 = vector.broadcast %and3A_414 : i32 to vector<16xi32>
        %and3A_416 = arith.andi %add3A_413, %and3A_415 : vector<16xi32>
        %gather3A_417 = tpu.vector_load_idx %arg10[%add3A_37, %and3A_416] : memref<128x128xf32, #tpu.memory_space<vmem>>[vector<16xi32>, vector<16xi32>], vector<16xf32>,
        tpu.vector_store_idx %arg12[%get3A_41, %and3A_416], %gather3A_417 {add = true} : memref<640x64xf32, #tpu.memory_space<vmem>>[vector<16xi32>, vector<16xi32>], vector<16xf32>,
        %add3A_418 = arith.constant 54 : i32
        %add3A_419 = vector.broadcast %add3A_418 : i32 to vector<16xi32>
        %add3A_420 = arith.addi %iota3A, %add3A_419 : vector<16xi32>
        %and3A_421 = arith.constant 63 : i32
        %and3A_422 = vector.broadcast %and3A_421 : i32 to vector<16xi32>
        %and3A_423 = arith.andi %add3A_420, %and3A_422 : vector<16xi32>
        %gather3A_424 = tpu.vector_load_idx %arg10[%add3A_37, %and3A_423] : memref<128x128xf32, #tpu.memory_space<vmem>>[vector<16xi32>, vector<16xi32>], vector<16xf32>,
        tpu.vector_store_idx %arg12[%get3A_41, %and3A_423], %gather3A_424 {add = true} : memref<640x64xf32, #tpu.memory_space<vmem>>[vector<16xi32>, vector<16xi32>], vector<16xf32>,
        %add3A_425 = arith.constant 55 : i32
        %add3A_426 = vector.broadcast %add3A_425 : i32 to vector<16xi32>
        %add3A_427 = arith.addi %iota3A, %add3A_426 : vector<16xi32>
        %and3A_428 = arith.constant 63 : i32
        %and3A_429 = vector.broadcast %and3A_428 : i32 to vector<16xi32>
        %and3A_430 = arith.andi %add3A_427, %and3A_429 : vector<16xi32>
        %gather3A_431 = tpu.vector_load_idx %arg10[%add3A_37, %and3A_430] : memref<128x128xf32, #tpu.memory_space<vmem>>[vector<16xi32>, vector<16xi32>], vector<16xf32>,
        tpu.vector_store_idx %arg12[%get3A_41, %and3A_430], %gather3A_431 {add = true} : memref<640x64xf32, #tpu.memory_space<vmem>>[vector<16xi32>, vector<16xi32>], vector<16xf32>,
        %add3A_432 = arith.constant 56 : i32
        %add3A_433 = vector.broadcast %add3A_432 : i32 to vector<16xi32>
        %add3A_434 = arith.addi %iota3A, %add3A_433 : vector<16xi32>
        %and3A_435 = arith.constant 63 : i32
        %and3A_436 = vector.broadcast %and3A_435 : i32 to vector<16xi32>
        %and3A_437 = arith.andi %add3A_434, %and3A_436 : vector<16xi32>
        %gather3A_438 = tpu.vector_load_idx %arg10[%add3A_37, %and3A_437] : memref<128x128xf32, #tpu.memory_space<vmem>>[vector<16xi32>, vector<16xi32>], vector<16xf32>,
        tpu.vector_store_idx %arg12[%get3A_41, %and3A_437], %gather3A_438 {add = true} : memref<640x64xf32, #tpu.memory_space<vmem>>[vector<16xi32>, vector<16xi32>], vector<16xf32>,
        %add3A_439 = arith.constant 57 : i32
        %add3A_440 = vector.broadcast %add3A_439 : i32 to vector<16xi32>
        %add3A_441 = arith.addi %iota3A, %add3A_440 : vector<16xi32>
        %and3A_442 = arith.constant 63 : i32
        %and3A_443 = vector.broadcast %and3A_442 : i32 to vector<16xi32>
        %and3A_444 = arith.andi %add3A_441, %and3A_443 : vector<16xi32>
        %gather3A_445 = tpu.vector_load_idx %arg10[%add3A_37, %and3A_444] : memref<128x128xf32, #tpu.memory_space<vmem>>[vector<16xi32>, vector<16xi32>], vector<16xf32>,
        tpu.vector_store_idx %arg12[%get3A_41, %and3A_444], %gather3A_445 {add = true} : memref<640x64xf32, #tpu.memory_space<vmem>>[vector<16xi32>, vector<16xi32>], vector<16xf32>,
        %add3A_446 = arith.constant 58 : i32
        %add3A_447 = vector.broadcast %add3A_446 : i32 to vector<16xi32>
        %add3A_448 = arith.addi %iota3A, %add3A_447 : vector<16xi32>
        %and3A_449 = arith.constant 63 : i32
        %and3A_450 = vector.broadcast %and3A_449 : i32 to vector<16xi32>
        %and3A_451 = arith.andi %add3A_448, %and3A_450 : vector<16xi32>
        %gather3A_452 = tpu.vector_load_idx %arg10[%add3A_37, %and3A_451] : memref<128x128xf32, #tpu.memory_space<vmem>>[vector<16xi32>, vector<16xi32>], vector<16xf32>,
        tpu.vector_store_idx %arg12[%get3A_41, %and3A_451], %gather3A_452 {add = true} : memref<640x64xf32, #tpu.memory_space<vmem>>[vector<16xi32>, vector<16xi32>], vector<16xf32>,
        %add3A_453 = arith.constant 59 : i32
        %add3A_454 = vector.broadcast %add3A_453 : i32 to vector<16xi32>
        %add3A_455 = arith.addi %iota3A, %add3A_454 : vector<16xi32>
        %and3A_456 = arith.constant 63 : i32
        %and3A_457 = vector.broadcast %and3A_456 : i32 to vector<16xi32>
        %and3A_458 = arith.andi %add3A_455, %and3A_457 : vector<16xi32>
        %gather3A_459 = tpu.vector_load_idx %arg10[%add3A_37, %and3A_458] : memref<128x128xf32, #tpu.memory_space<vmem>>[vector<16xi32>, vector<16xi32>], vector<16xf32>,
        tpu.vector_store_idx %arg12[%get3A_41, %and3A_458], %gather3A_459 {add = true} : memref<640x64xf32, #tpu.memory_space<vmem>>[vector<16xi32>, vector<16xi32>], vector<16xf32>,
        %add3A_460 = arith.constant 60 : i32
        %add3A_461 = vector.broadcast %add3A_460 : i32 to vector<16xi32>
        %add3A_462 = arith.addi %iota3A, %add3A_461 : vector<16xi32>
        %and3A_463 = arith.constant 63 : i32
        %and3A_464 = vector.broadcast %and3A_463 : i32 to vector<16xi32>
        %and3A_465 = arith.andi %add3A_462, %and3A_464 : vector<16xi32>
        %gather3A_466 = tpu.vector_load_idx %arg10[%add3A_37, %and3A_465] : memref<128x128xf32, #tpu.memory_space<vmem>>[vector<16xi32>, vector<16xi32>], vector<16xf32>,
        tpu.vector_store_idx %arg12[%get3A_41, %and3A_465], %gather3A_466 {add = true} : memref<640x64xf32, #tpu.memory_space<vmem>>[vector<16xi32>, vector<16xi32>], vector<16xf32>,
        %add3A_467 = arith.constant 61 : i32
        %add3A_468 = vector.broadcast %add3A_467 : i32 to vector<16xi32>
        %add3A_469 = arith.addi %iota3A, %add3A_468 : vector<16xi32>
        %and3A_470 = arith.constant 63 : i32
        %and3A_471 = vector.broadcast %and3A_470 : i32 to vector<16xi32>
        %and3A_472 = arith.andi %add3A_469, %and3A_471 : vector<16xi32>
        %gather3A_473 = tpu.vector_load_idx %arg10[%add3A_37, %and3A_472] : memref<128x128xf32, #tpu.memory_space<vmem>>[vector<16xi32>, vector<16xi32>], vector<16xf32>,
        tpu.vector_store_idx %arg12[%get3A_41, %and3A_472], %gather3A_473 {add = true} : memref<640x64xf32, #tpu.memory_space<vmem>>[vector<16xi32>, vector<16xi32>], vector<16xf32>,
        %add3A_474 = arith.constant 62 : i32
        %add3A_475 = vector.broadcast %add3A_474 : i32 to vector<16xi32>
        %add3A_476 = arith.addi %iota3A, %add3A_475 : vector<16xi32>
        %and3A_477 = arith.constant 63 : i32
        %and3A_478 = vector.broadcast %and3A_477 : i32 to vector<16xi32>
        %and3A_479 = arith.andi %add3A_476, %and3A_478 : vector<16xi32>
        %gather3A_480 = tpu.vector_load_idx %arg10[%add3A_37, %and3A_479] : memref<128x128xf32, #tpu.memory_space<vmem>>[vector<16xi32>, vector<16xi32>], vector<16xf32>,
        tpu.vector_store_idx %arg12[%get3A_41, %and3A_479], %gather3A_480 {add = true} : memref<640x64xf32, #tpu.memory_space<vmem>>[vector<16xi32>, vector<16xi32>], vector<16xf32>,
        %add3A_481 = arith.constant 63 : i32
        %add3A_482 = vector.broadcast %add3A_481 : i32 to vector<16xi32>
        %add3A_483 = arith.addi %iota3A, %add3A_482 : vector<16xi32>
        %and3A_484 = arith.constant 63 : i32
        %and3A_485 = vector.broadcast %and3A_484 : i32 to vector<16xi32>
        %and3A_486 = arith.andi %add3A_483, %and3A_485 : vector<16xi32>
        %gather3A_487 = tpu.vector_load_idx %arg10[%add3A_37, %and3A_486] : memref<128x128xf32, #tpu.memory_space<vmem>>[vector<16xi32>, vector<16xi32>], vector<16xf32>,
        tpu.vector_store_idx %arg12[%get3A_41, %and3A_486], %gather3A_487 {add = true} : memref<640x64xf32, #tpu.memory_space<vmem>>[vector<16xi32>, vector<16xi32>], vector<16xf32>,
      }
      %scan3A_32 = arith.constant 8 : i32
    }
    %mul3A_15 = arith.constant 10112 : i32
    %mul3A_16 = arith.muli %arg0, %mul3A_15 : i32
    %mul3A_17 = arith.constant 632 : i32
    %mul3A_18 = arith.muli %arg1, %mul3A_17 : i32
    %add3A_19 = arith.addi %mul3A_16, %mul3A_18 : i32
    "tpu.region"() ({
      %run_scoped3A = tpu.sem_alloc : memref<!tpu.dma_semaphore, #tpu.memory_space<semaphore_mem>>
      %dma_start3A = arith.constant 0 : i32
      %dma_start3A_20 = arith.constant 0 : i32
      %dma_start3A_21 = tpu.memref_slice %arg12[%dma_start3A, %dma_start3A_20] : memref<640x64xf32, #tpu.memory_space<vmem>> -> memref<632x64xf32, #tpu.memory_space<vmem>>
      %dma_start3A_22 = arith.constant 0 : i32
      %dma_start3A_23 = tpu.memref_slice %arg7[%add3A_19, %dma_start3A_22] : memref<20224x64xf32, #tpu.memory_space<hbm>> -> memref<632x64xf32, #tpu.memory_space<hbm>>
      %dma_start3A_24 = arith.constant 0 : i32
      %dma_start3A_25 = tpu.memref_slice %arg7[%add3A_19, %dma_start3A_24] : memref<20224x64xf32, #tpu.memory_space<hbm>> -> memref<632x64xf32, #tpu.memory_space<hbm>>
      %dma_start3A_26 = arith.constant 0 : i32
      %dma_start3A_27 = arith.constant 0 : i32
      %dma_start3A_28 = tpu.memref_slice %arg12[%dma_start3A_26, %dma_start3A_27] : memref<640x64xf32, #tpu.memory_space<vmem>> -> memref<632x64xf32, #tpu.memory_space<vmem>>
      tpu.enqueue_dma source(%dma_start3A_28 : memref<632x64xf32, #tpu.memory_space<vmem>>) target(%dma_start3A_25 : memref<632x64xf32, #tpu.memory_space<hbm>>) target_semaphore(%run_scoped3A : memref<!tpu.dma_semaphore, #tpu.memory_space<semaphore_mem>>)
      %dma_wait3A = arith.constant 0 : i32
      %dma_wait3A_29 = arith.constant 0 : i32
      %dma_wait3A_30 = tpu.memref_slice %arg12[%dma_wait3A, %dma_wait3A_29] : memref<640x64xf32, #tpu.memory_space<vmem>> -> memref<632x64xf32, #tpu.memory_space<vmem>>
      %dma_wait3A_31 = arith.constant 0 : i32
      %dma_wait3A_32 = tpu.memref_slice %arg7[%add3A_19, %dma_wait3A_31] : memref<20224x64xf32, #tpu.memory_space<hbm>> -> memref<632x64xf32, #tpu.memory_space<hbm>>
      %dma_wait3A_33 = arith.constant 0 : i32
      %dma_wait3A_34 = tpu.memref_slice %arg7[%add3A_19, %dma_wait3A_33] : memref<20224x64xf32, #tpu.memory_space<hbm>> -> memref<632x64xf32, #tpu.memory_space<hbm>>
      %dma_wait3A_35 = arith.constant 0 : i32
      %dma_wait3A_36 = arith.constant 0 : i32
      %dma_wait3A_37 = tpu.memref_slice %arg12[%dma_wait3A_35, %dma_wait3A_36] : memref<640x64xf32, #tpu.memory_space<vmem>> -> memref<632x64xf32, #tpu.memory_space<vmem>>
      tpu.wait_dma2 semaphore(%run_scoped3A : memref<!tpu.dma_semaphore, #tpu.memory_space<semaphore_mem>>) src(%dma_wait3A_37 : memref<632x64xf32, #tpu.memory_space<vmem>>) dst(%dma_wait3A_34 : memref<632x64xf32, #tpu.memory_space<hbm>>)
      tpu.yield
    }) : () -> ()
    return
  }
}

module attributes {stable_mosaic.version = 14 : i64} {
  func.func @body(%arg0: i32, %arg1: memref<2528x128xf32, #tpu.memory_space<vmem>>, %arg2: memref<128x64xf32, #tpu.memory_space<vmem>>, %arg3: memref<2528x1xf32, #tpu.memory_space<vmem>>, %arg4: memref<2528x1xf32, #tpu.memory_space<vmem>>, %arg5: memref<2528x64xf32, #tpu.memory_space<vmem>>, %arg6: memref<2528x128xf32, #tpu.memory_space<vmem>>, %arg7: memref<2528x1xf32, #tpu.memory_space<vmem>>) attributes {dimension_semantics = [#tpu.dimension_semantics<arbitrary>], iteration_bounds = array<i64: 4>, scalar_prefetch = 0 : i64, scratch_operands = 0 : i64, tpu.core_type = #tpu.core_type<tc>, window_params = [{transform_indices = @transform_0, window_bounds = array<i64: 2528, 128>}, {pipeline_mode = #tpu.pipeline_mode<synchronous>, transform_indices = @transform_1, window_bounds = array<i64: 128, 64>}, {transform_indices = @transform_2, window_bounds = array<i64: 2528, 1>}, {transform_indices = @transform_3, window_bounds = array<i64: 2528, 1>}, {transform_indices = @transform_4, window_bounds = array<i64: 2528, 64>}, {transform_indices = @transform_5, window_bounds = array<i64: 2528, 128>}, {transform_indices = @transform_6, window_bounds = array<i64: 2528, 1>}]} {
    %get3A = arith.constant 0 : index
    %get3A_0 = arith.constant 0 : index
    %get3A_1 = vector.load %arg3[%get3A, %get3A_0] : memref<2528x1xf32, #tpu.memory_space<vmem>>, vector<2528x1xf32>
    %get3A_2 = arith.constant 0 : index
    %get3A_3 = arith.constant 0 : index
    %get3A_4 = vector.load %arg4[%get3A_2, %get3A_3] : memref<2528x1xf32, #tpu.memory_space<vmem>>, vector<2528x1xf32>
    %add3A = arith.addf %get3A_1, %get3A_4 : vector<2528x1xf32>
    %add3A_5 = arith.constant 1.000000e+00 : f32
    %add3A_6 = vector.broadcast %add3A_5 : f32 to vector<2528x1xf32>
    %add3A_7 = arith.addf %add3A, %add3A_6 : vector<2528x1xf32>
    %rsqrt3A = math.rsqrt %add3A_7 : vector<2528x1xf32>
    %get3A_8 = arith.constant 0 : index
    %get3A_9 = arith.constant 0 : index
    %get3A_10 = vector.load %arg1[%get3A_8, %get3A_9] : memref<2528x128xf32, #tpu.memory_space<vmem>>, vector<2528x128xf32>
    %get3A_11 = arith.constant 0 : index
    %get3A_12 = arith.constant 0 : index
    %get3A_13 = vector.load %arg2[%get3A_11, %get3A_12] : memref<128x64xf32, #tpu.memory_space<vmem>>, vector<128x64xf32>
    %dot_general3A = arith.constant dense<0.000000e+00> : vector<2528x64xf32>
    %dot_general3A_14 = tpu.matmul %get3A_10, %get3A_13, %dot_general3A {dimension_numbers = #tpu.dot_dimension_numbers<[1], [0], [0], [1], [0, 0, 1, 1], [], []>, transpose_lhs_hint = false} : vector<2528x128xf32>, vector<128x64xf32>, vector<2528x64xf32> -> vector<2528x64xf32>
    %swap3A = arith.constant 0 : index
    %swap3A_15 = arith.constant 0 : index
    %swap3A_16 = vector.load %arg5[%swap3A, %swap3A_15] : memref<2528x64xf32, #tpu.memory_space<vmem>>, vector<2528x64xf32>
    tpu.vector_store %arg5[%swap3A, %swap3A_15], %dot_general3A_14 {strides = array<i32>} : memref<2528x64xf32, #tpu.memory_space<vmem>>, vector<2528x64xf32>,
    %mul3A = vector.broadcast %rsqrt3A : vector<2528x1xf32> to vector<2528x64xf32>
    %mul3A_17 = arith.mulf %dot_general3A_14, %mul3A : vector<2528x64xf32>
    %swap3A_18 = arith.constant 0 : index
    %swap3A_19 = arith.constant 0 : index
    %swap3A_20 = vector.load %arg6[%swap3A_18, %swap3A_19] : memref<2528x128xf32, #tpu.memory_space<vmem>>, vector<2528x64xf32>
    tpu.vector_store %arg6[%swap3A_18, %swap3A_19], %mul3A_17 {strides = array<i32>} : memref<2528x128xf32, #tpu.memory_space<vmem>>, vector<2528x64xf32>,
    %broadcast_in_dim3A = arith.constant 0.000000e+00 : f32
    %broadcast_in_dim3A_21 = vector.broadcast %broadcast_in_dim3A : f32 to vector<2528x64xf32>
    %swap3A_22 = arith.constant 0 : index
    %swap3A_23 = arith.constant 64 : index
    %swap3A_24 = vector.load %arg6[%swap3A_22, %swap3A_23] : memref<2528x128xf32, #tpu.memory_space<vmem>>, vector<2528x64xf32>
    tpu.vector_store %arg6[%swap3A_22, %swap3A_23], %broadcast_in_dim3A_21 {strides = array<i32>} : memref<2528x128xf32, #tpu.memory_space<vmem>>, vector<2528x64xf32>,
    %swap3A_25 = arith.constant 0 : index
    %swap3A_26 = arith.constant 0 : index
    %swap3A_27 = vector.load %arg7[%swap3A_25, %swap3A_26] : memref<2528x1xf32, #tpu.memory_space<vmem>>, vector<2528x1xf32>
    tpu.vector_store %arg7[%swap3A_25, %swap3A_26], %rsqrt3A {strides = array<i32>} : memref<2528x1xf32, #tpu.memory_space<vmem>>, vector<2528x1xf32>,
    return
  }
  func.func @transform_0(%arg0: i32) -> (i32, i32) {
    %c0_i32 = arith.constant 0 : i32
    %c0_i32_0 = arith.constant 0 : i32
    return %arg0, %c0_i32 : i32, i32
  }
  func.func @transform_1(%arg0: i32) -> (i32, i32) {
    %c0_i32 = arith.constant 0 : i32
    %c0_i32_0 = arith.constant 0 : i32
    %c0_i32_1 = arith.constant 0 : i32
    return %c0_i32, %c0_i32_0 : i32, i32
  }
  func.func @transform_2(%arg0: i32) -> (i32, i32) {
    %c0_i32 = arith.constant 0 : i32
    %c0_i32_0 = arith.constant 0 : i32
    return %arg0, %c0_i32 : i32, i32
  }
  func.func @transform_3(%arg0: i32) -> (i32, i32) {
    %c0_i32 = arith.constant 0 : i32
    %c0_i32_0 = arith.constant 0 : i32
    return %arg0, %c0_i32 : i32, i32
  }
  func.func @transform_4(%arg0: i32) -> (i32, i32) {
    %c0_i32 = arith.constant 0 : i32
    %c0_i32_0 = arith.constant 0 : i32
    return %arg0, %c0_i32 : i32, i32
  }
  func.func @transform_5(%arg0: i32) -> (i32, i32) {
    %c0_i32 = arith.constant 0 : i32
    %c0_i32_0 = arith.constant 0 : i32
    return %arg0, %c0_i32 : i32, i32
  }
  func.func @transform_6(%arg0: i32) -> (i32, i32) {
    %c0_i32 = arith.constant 0 : i32
    %c0_i32_0 = arith.constant 0 : i32
    return %arg0, %c0_i32 : i32, i32
  }
}

module attributes {stable_mosaic.version = 14 : i64} {
  func.func @body(%arg0: i32, %arg1: memref<2528x64xf32, #tpu.memory_space<vmem>>, %arg2: memref<2528x64xf32, #tpu.memory_space<vmem>>, %arg3: memref<2528x64xf32, #tpu.memory_space<vmem>>, %arg4: memref<2528x1xf32, #tpu.memory_space<vmem>>, %arg5: memref<1x64xf32, #tpu.memory_space<vmem>>, %arg6: memref<64x64xf32, #tpu.memory_space<vmem>>, %arg7: memref<2528x64xf32, #tpu.memory_space<vmem>>, %arg8: memref<2528x128xf32, #tpu.memory_space<vmem>>) attributes {dimension_semantics = [#tpu.dimension_semantics<arbitrary>], iteration_bounds = array<i64: 4>, scalar_prefetch = 0 : i64, scratch_operands = 0 : i64, tpu.core_type = #tpu.core_type<tc>, window_params = [{transform_indices = @transform_0, window_bounds = array<i64: 2528, 64>}, {transform_indices = @transform_1, window_bounds = array<i64: 2528, 64>}, {transform_indices = @transform_2, window_bounds = array<i64: 2528, 64>}, {transform_indices = @transform_3, window_bounds = array<i64: 2528, 1>}, {pipeline_mode = #tpu.pipeline_mode<synchronous>, transform_indices = @transform_4, window_bounds = array<i64: 1, 64>}, {pipeline_mode = #tpu.pipeline_mode<synchronous>, transform_indices = @transform_5, window_bounds = array<i64: 64, 64>}, {transform_indices = @transform_6, window_bounds = array<i64: 2528, 64>}, {transform_indices = @transform_7, window_bounds = array<i64: 2528, 128>}]} {
    %get3A = arith.constant 0 : index
    %get3A_0 = arith.constant 0 : index
    %get3A_1 = vector.load %arg4[%get3A, %get3A_0] : memref<2528x1xf32, #tpu.memory_space<vmem>>, vector<2528x1xf32>
    %get3A_2 = arith.constant 0 : index
    %get3A_3 = arith.constant 0 : index
    %get3A_4 = vector.load %arg1[%get3A_2, %get3A_3] : memref<2528x64xf32, #tpu.memory_space<vmem>>, vector<2528x64xf32>
    %get3A_5 = arith.constant 0 : index
    %get3A_6 = arith.constant 0 : index
    %get3A_7 = vector.load %arg2[%get3A_5, %get3A_6] : memref<2528x64xf32, #tpu.memory_space<vmem>>, vector<2528x64xf32>
    %add3A = arith.addf %get3A_4, %get3A_7 : vector<2528x64xf32>
    %mul3A = vector.broadcast %get3A_1 : vector<2528x1xf32> to vector<2528x64xf32>
    %mul3A_8 = arith.mulf %mul3A, %add3A : vector<2528x64xf32>
    %mul3A_9 = arith.mulf %get3A_1, %get3A_1 : vector<2528x1xf32>
    %get3A_10 = arith.constant 0 : index
    %get3A_11 = arith.constant 0 : index
    %get3A_12 = vector.load %arg3[%get3A_10, %get3A_11] : memref<2528x64xf32, #tpu.memory_space<vmem>>, vector<2528x64xf32>
    %mul3A_13 = vector.broadcast %mul3A_9 : vector<2528x1xf32> to vector<2528x64xf32>
    %mul3A_14 = arith.mulf %mul3A_13, %get3A_12 : vector<2528x64xf32>
    %add3A_15 = arith.addf %mul3A_8, %mul3A_14 : vector<2528x64xf32>
    %get3A_16 = arith.constant 0 : index
    %get3A_17 = arith.constant 0 : index
    %get3A_18 = vector.load %arg5[%get3A_16, %get3A_17] : memref<1x64xf32, #tpu.memory_space<vmem>>, vector<1x64xf32>
    %add3A_19 = vector.broadcast %get3A_18 : vector<1x64xf32> to vector<2528x64xf32>
    %add3A_20 = arith.addf %add3A_15, %add3A_19 : vector<2528x64xf32>
    %max3A = arith.constant 0.000000e+00 : f32
    %max3A_21 = vector.broadcast %max3A : f32 to vector<2528x64xf32>
    %max3A_22 = arith.maximumf %add3A_20, %max3A_21 : vector<2528x64xf32>
    %get3A_23 = arith.constant 0 : index
    %get3A_24 = arith.constant 0 : index
    %get3A_25 = vector.load %arg6[%get3A_23, %get3A_24] : memref<64x64xf32, #tpu.memory_space<vmem>>, vector<64x64xf32>
    %dot_general3A = arith.constant dense<0.000000e+00> : vector<2528x64xf32>
    %dot_general3A_26 = tpu.matmul %max3A_22, %get3A_25, %dot_general3A {dimension_numbers = #tpu.dot_dimension_numbers<[1], [0], [0], [1], [0, 0, 1, 1], [], []>, transpose_lhs_hint = false} : vector<2528x64xf32>, vector<64x64xf32>, vector<2528x64xf32> -> vector<2528x64xf32>
    %swap3A = arith.constant 0 : index
    %swap3A_27 = arith.constant 0 : index
    %swap3A_28 = vector.load %arg7[%swap3A, %swap3A_27] : memref<2528x64xf32, #tpu.memory_space<vmem>>, vector<2528x64xf32>
    tpu.vector_store %arg7[%swap3A, %swap3A_27], %dot_general3A_26 {strides = array<i32>} : memref<2528x64xf32, #tpu.memory_space<vmem>>, vector<2528x64xf32>,
    %mul3A_29 = vector.broadcast %get3A_1 : vector<2528x1xf32> to vector<2528x64xf32>
    %mul3A_30 = arith.mulf %dot_general3A_26, %mul3A_29 : vector<2528x64xf32>
    %swap3A_31 = arith.constant 0 : index
    %swap3A_32 = arith.constant 0 : index
    %swap3A_33 = vector.load %arg8[%swap3A_31, %swap3A_32] : memref<2528x128xf32, #tpu.memory_space<vmem>>, vector<2528x64xf32>
    tpu.vector_store %arg8[%swap3A_31, %swap3A_32], %mul3A_30 {strides = array<i32>} : memref<2528x128xf32, #tpu.memory_space<vmem>>, vector<2528x64xf32>,
    %broadcast_in_dim3A = arith.constant 0.000000e+00 : f32
    %broadcast_in_dim3A_34 = vector.broadcast %broadcast_in_dim3A : f32 to vector<2528x64xf32>
    %swap3A_35 = arith.constant 0 : index
    %swap3A_36 = arith.constant 64 : index
    %swap3A_37 = vector.load %arg8[%swap3A_35, %swap3A_36] : memref<2528x128xf32, #tpu.memory_space<vmem>>, vector<2528x64xf32>
    tpu.vector_store %arg8[%swap3A_35, %swap3A_36], %broadcast_in_dim3A_34 {strides = array<i32>} : memref<2528x128xf32, #tpu.memory_space<vmem>>, vector<2528x64xf32>,
    return
  }
  func.func @transform_0(%arg0: i32) -> (i32, i32) {
    %c0_i32 = arith.constant 0 : i32
    %c0_i32_0 = arith.constant 0 : i32
    return %arg0, %c0_i32 : i32, i32
  }
  func.func @transform_1(%arg0: i32) -> (i32, i32) {
    %c0_i32 = arith.constant 0 : i32
    %c0_i32_0 = arith.constant 0 : i32
    return %arg0, %c0_i32 : i32, i32
  }
  func.func @transform_2(%arg0: i32) -> (i32, i32) {
    %c0_i32 = arith.constant 0 : i32
    %c0_i32_0 = arith.constant 0 : i32
    return %arg0, %c0_i32 : i32, i32
  }
  func.func @transform_3(%arg0: i32) -> (i32, i32) {
    %c0_i32 = arith.constant 0 : i32
    %c0_i32_0 = arith.constant 0 : i32
    return %arg0, %c0_i32 : i32, i32
  }
  func.func @transform_4(%arg0: i32) -> (i32, i32) {
    %c0_i32 = arith.constant 0 : i32
    %c0_i32_0 = arith.constant 0 : i32
    %c0_i32_1 = arith.constant 0 : i32
    return %c0_i32, %c0_i32_0 : i32, i32
  }
  func.func @transform_5(%arg0: i32) -> (i32, i32) {
    %c0_i32 = arith.constant 0 : i32
    %c0_i32_0 = arith.constant 0 : i32
    %c0_i32_1 = arith.constant 0 : i32
    return %c0_i32, %c0_i32_0 : i32, i32
  }
  func.func @transform_6(%arg0: i32) -> (i32, i32) {
    %c0_i32 = arith.constant 0 : i32
    %c0_i32_0 = arith.constant 0 : i32
    return %arg0, %c0_i32 : i32, i32
  }
  func.func @transform_7(%arg0: i32) -> (i32, i32) {
    %c0_i32 = arith.constant 0 : i32
    %c0_i32_0 = arith.constant 0 : i32
    return %arg0, %c0_i32 : i32, i32
  }
}

module attributes {stable_mosaic.version = 14 : i64} {
  func.func @body(%arg0: memref<10112x64xf32, #tpu.memory_space<vmem>>, %arg1: memref<10112x64xf32, #tpu.memory_space<vmem>>, %arg2: memref<10112x64xf32, #tpu.memory_space<vmem>>, %arg3: memref<10112x1xf32, #tpu.memory_space<vmem>>, %arg4: memref<1x64xf32, #tpu.memory_space<vmem>>, %arg5: memref<1x10112xi32, #tpu.memory_space<vmem>>, %arg6: memref<64x2xf32, #tpu.memory_space<vmem>>, %arg7: memref<1x2xf32, #tpu.memory_space<vmem>>, %arg8: memref<64x2xf32, #tpu.memory_space<vmem>>) attributes {dimension_semantics = [], scalar_prefetch = 0 : i64, scratch_operands = 0 : i64, tpu.core_type = #tpu.core_type<tc>} {
    %get3A = arith.constant 0 : index
    %get3A_0 = arith.constant 0 : index
    %get3A_1 = vector.load %arg3[%get3A, %get3A_0] : memref<10112x1xf32, #tpu.memory_space<vmem>>, vector<10112x1xf32>
    %get3A_2 = arith.constant 0 : index
    %get3A_3 = arith.constant 0 : index
    %get3A_4 = vector.load %arg0[%get3A_2, %get3A_3] : memref<10112x64xf32, #tpu.memory_space<vmem>>, vector<10112x64xf32>
    %get3A_5 = arith.constant 0 : index
    %get3A_6 = arith.constant 0 : index
    %get3A_7 = vector.load %arg1[%get3A_5, %get3A_6] : memref<10112x64xf32, #tpu.memory_space<vmem>>, vector<10112x64xf32>
    %add3A = arith.addf %get3A_4, %get3A_7 : vector<10112x64xf32>
    %mul3A = vector.broadcast %get3A_1 : vector<10112x1xf32> to vector<10112x64xf32>
    %mul3A_8 = arith.mulf %mul3A, %add3A : vector<10112x64xf32>
    %mul3A_9 = arith.mulf %get3A_1, %get3A_1 : vector<10112x1xf32>
    %get3A_10 = arith.constant 0 : index
    %get3A_11 = arith.constant 0 : index
    %get3A_12 = vector.load %arg2[%get3A_10, %get3A_11] : memref<10112x64xf32, #tpu.memory_space<vmem>>, vector<10112x64xf32>
    %mul3A_13 = vector.broadcast %mul3A_9 : vector<10112x1xf32> to vector<10112x64xf32>
    %mul3A_14 = arith.mulf %mul3A_13, %get3A_12 : vector<10112x64xf32>
    %add3A_15 = arith.addf %mul3A_8, %mul3A_14 : vector<10112x64xf32>
    %get3A_16 = arith.constant 0 : index
    %get3A_17 = arith.constant 0 : index
    %get3A_18 = vector.load %arg4[%get3A_16, %get3A_17] : memref<1x64xf32, #tpu.memory_space<vmem>>, vector<1x64xf32>
    %add3A_19 = vector.broadcast %get3A_18 : vector<1x64xf32> to vector<10112x64xf32>
    %add3A_20 = arith.addf %add3A_15, %add3A_19 : vector<10112x64xf32>
    %max3A = arith.constant 0.000000e+00 : f32
    %max3A_21 = vector.broadcast %max3A : f32 to vector<10112x64xf32>
    %max3A_22 = arith.maximumf %add3A_20, %max3A_21 : vector<10112x64xf32>
    %iota3A = tpu.iota {dimensions = array<i32: 0>} : vector<64x10112xi32>
    %get3A_23 = arith.constant 0 : index
    %get3A_24 = arith.constant 0 : index
    %get3A_25 = vector.load %arg5[%get3A_23, %get3A_24] : memref<1x10112xi32, #tpu.memory_space<vmem>>, vector<1x10112xi32>
    %eq3A = vector.broadcast %get3A_25 : vector<1x10112xi32> to vector<64x10112xi32>
    %eq3A_26 = arith.cmpi eq, %eq3A, %iota3A : vector<64x10112xi32>
    %convert_element_type3A = arith.extui %eq3A_26 : vector<64x10112xi1> to vector<64x10112xi32>
    %convert_element_type3A_27 = arith.sitofp %convert_element_type3A : vector<64x10112xi32> to vector<64x10112xf32>
    %dot_general3A = arith.constant dense<0.000000e+00> : vector<64x64xf32>
    %dot_general3A_28 = tpu.matmul %convert_element_type3A_27, %max3A_22, %dot_general3A {dimension_numbers = #tpu.dot_dimension_numbers<[1], [0], [0], [1], [0, 0, 1, 1], [], []>, transpose_lhs_hint = false} : vector<64x10112xf32>, vector<10112x64xf32>, vector<64x64xf32> -> vector<64x64xf32>
    %broadcast_in_dim3A = arith.constant 1.000000e+00 : f32
    %broadcast_in_dim3A_29 = vector.broadcast %broadcast_in_dim3A : f32 to vector<10112x1xf32>
    %dot_general3A_30 = arith.constant dense<0.000000e+00> : vector<64x1xf32>
    %dot_general3A_31 = tpu.matmul %convert_element_type3A_27, %broadcast_in_dim3A_29, %dot_general3A_30 {dimension_numbers = #tpu.dot_dimension_numbers<[1], [0], [0], [1], [0, 0, 1, 1], [], []>, transpose_lhs_hint = false} : vector<64x10112xf32>, vector<10112x1xf32>, vector<64x1xf32> -> vector<64x1xf32>
    %max3A_32 = arith.constant 1.000000e+00 : f32
    %max3A_33 = vector.broadcast %max3A_32 : f32 to vector<64x1xf32>
    %max3A_34 = arith.maximumf %dot_general3A_31, %max3A_33 : vector<64x1xf32>
    %div3A = vector.broadcast %max3A_34 : vector<64x1xf32> to vector<64x64xf32>
    %div3A_35 = arith.divf %dot_general3A_28, %div3A : vector<64x64xf32>
    %get3A_36 = arith.constant 0 : index
    %get3A_37 = arith.constant 0 : index
    %get3A_38 = vector.load %arg6[%get3A_36, %get3A_37] : memref<64x2xf32, #tpu.memory_space<vmem>>, vector<64x2xf32>
    %dot_general3A_39 = arith.constant dense<0.000000e+00> : vector<64x2xf32>
    %dot_general3A_40 = tpu.matmul %div3A_35, %get3A_38, %dot_general3A_39 {dimension_numbers = #tpu.dot_dimension_numbers<[1], [0], [0], [1], [0, 0, 1, 1], [], []>, transpose_lhs_hint = false} : vector<64x64xf32>, vector<64x2xf32>, vector<64x2xf32> -> vector<64x2xf32>
    %get3A_41 = arith.constant 0 : index
    %get3A_42 = arith.constant 0 : index
    %get3A_43 = vector.load %arg7[%get3A_41, %get3A_42] : memref<1x2xf32, #tpu.memory_space<vmem>>, vector<1x2xf32>
    %add3A_44 = vector.broadcast %get3A_43 : vector<1x2xf32> to vector<64x2xf32>
    %add3A_45 = arith.addf %dot_general3A_40, %add3A_44 : vector<64x2xf32>
    %swap3A = arith.constant 0 : index
    %swap3A_46 = arith.constant 0 : index
    %swap3A_47 = vector.load %arg8[%swap3A, %swap3A_46] : memref<64x2xf32, #tpu.memory_space<vmem>>, vector<64x2xf32>
    tpu.vector_store %arg8[%swap3A, %swap3A_46], %add3A_45 {strides = array<i32>} : memref<64x2xf32, #tpu.memory_space<vmem>>, vector<64x2xf32>,
    return
  }
}

</mosaic_0001>

<sc_bundles>
// kernel: kernel.11.cloned.1.call-start
scs
__scs_entry_jumppad:
0x0: {  	(pc) =	sbr.rel $0x88, $3  }
0x1: {  	(tag) =	ssettag $0x0;
	lr =	simm.s32 $0x1  }
0x2: {  	[smem:$0x3F98] =	sst lr;
	_ =	strace $0xD0000000  }
0x3: {  	_ = 	snop  }
0x4: {  	_ = 	snop  }
0x5: {  	_ = 	snop  }
0x6: {  	_ = 	snop  }
0x7: {  	_ = 	snop  }
__scs_overlays_trampoline_lowered:
0x8: {  	[smem:$0x3FA7] =	sst s0  }
0x9: {  	[smem:$0x3FA8] =	sst s1  }
0xa: {  	[smem:$0x3FA9] =	sst s2  }
0xb: {  	[smem:$0x3FAA] =	sst s3  }
0xc: {  	[smem:$0x3FAB] =	sst s4  }
0xd: {  	[smem:$0x3FAC] =	sst s5  }
0xe: {  	[smem:$0x3FAD] =	sst s6  }
0xf: {  	[smem:$0x3FAE] =	sst s7  }
0x10: {  	[smem:$0x3FAF] =	sst s8  }
0x11: {  	[smem:$0x3FB0] =	sst s9;
	s0 =	simm.s32 @!p0 $0x0  }
0x12: {  	s1 =	sld [smem:$0x3F96];
	s0 =	simm.s32 @p0 $0x1  }
0x13: {  	[smem:$0x3FB1] =	sst s0;
	s0 =	simm.s32 @!p1 $0x0  }
0x14: {  	s2 =	sld [smem:$0x3F95];
	s0 =	simm.s32 @p1 $0x1  }
0x15: {  	[smem:$0x3FB2] =	sst s0;
	s0 =	simm.s32 @!p2 $0x0  }
0x16: {  	s3 =	sld [smem:$0x3FDB];
	s0 =	simm.s32 @p2 $0x1  }
0x17: {  	s4 =	simm.s32 $0x1BF5;
	[smem:$0x3FB4] =	sst s0  }
0x18: {  	s0 =	sld [smem:$0x3F97];
	_ =	swait.ge [sflag:s4], $0x0  }
0x19: {  	s7 =	sld [smem:$0x3F98]  }
0x1a: {  	s8 =	sadd.s32 $0xFFFFE003, lr  }
0x1b: {  	s9 =	sadd.s32 $0xFFFFFEF7, lr;
	s5 =	simm.s32 $0xFFFFFFFF;
	p2 =	slt.u32 s8, $0xFFFFF086  }
0x1c: {  	p1 =	slt.u32 s9, $0xF7A;
	s5 =	simm.s32 @!p2 $0x0  }
0x1d: {  	s5 =	simm.s32 @p1 $0x1;
	p0 =	seq.s32 s7, s2  }
0x1e: {  	s7 =	smul.u32 @!p0 $0xF7A, s2;
	p2 =	seq.s32 @!p0 s5, $0x0  }
0x1f: {  	s9 =	smul.u32 $0xF7A, s1;
	s8 =	simm.s32 @!p0 $0x1BF5;
	p2 =	por !p2, p0  }
0x20: {  	[sflag:s8] =	ssyncset.s32 @!p0 $0xFFFFF086;
	s6 =	sadd.s32 @!p0 s3, s7;
	s7 =	simm.s32 @!p0 $0x108  }
0x21: {  	s3 =	sadd.s32 s3, s9;
	s6 =	sadd.s32 @!p0 $0x88, s6;
	s7 =	simm.s32 @p2 $0x1082  }
0x22: {  	[simem:s7], [sflag:s8] =	dma.local @!p0 [hbm:s6], $0xF7A  }
0x23: {  	s9 =	sor.u32 $0xD0000000, s2;
	s6 =	simm.s32 $0x108;
	_ =	swait.ge @!p0 [sflag:s8], $0x0  }
0x24: {  	s3 =	sadd.s32 $0x88, s3;
	s6 =	simm.s32 @!p1 $0x1082;
	[sflag:s4] =	ssyncset.s32 $0xFFFFF086  }
0x25: {  	[simem:s6], [sflag:s4] =	dma.local [hbm:s3], $0xF7A  }
0x26: {  	[smem:$0x3F98] =	sst s1;
	(tag) =	ssettag s2;
	_ =	strace s9  }
0x27: {  	s1 =	sld [smem:$0x3FA8]  }
0x28: {  	s2 =	sld [smem:$0x3FA9]  }
0x29: {  	s4 =	sld [smem:$0x3FAB]  }
0x2a: {  	p0 =	seq.s32 s5, $0x0;
	s5 =	sld [smem:$0x3FAC]  }
0x2b: {  	s6 =	sld [smem:$0x3FAD]  }
0x2c: {  	s7 =	sld [smem:$0x3FAE]  }
0x2d: {  	s3 =	simm.s32 $0x108;
	s8 =	sld [smem:$0x3FAF]  }
0x2e: {  	s3 =	simm.s32 @!p0 $0x1082;
	s9 =	sld [smem:$0x3FB0]  }
0x2f: {  	lr =	sadd.s32 s0, s3;
	s0 =	sld [smem:$0x3FA7]  }
0x30: {  	s3 =	sld [smem:$0x3FAA]  }
0x31: {  	[smem:$0x3FB3] =	sst s10  }
0x32: {  	s10 =	sld [smem:$0x3FB1];
	_ =	sdelay $0x3  }
0x33: {  	p0 =	seq.s32 s10, $0x1;
	s10 =	sld [smem:$0x3FB3];
	_ =	sdelay $0x3  }
0x34: {  	[smem:$0x3FB3] =	sst s10  }
0x35: {  	s10 =	sld [smem:$0x3FB2];
	_ =	sdelay $0x3  }
0x36: {  	p1 =	seq.s32 s10, $0x1;
	s10 =	sld [smem:$0x3FB3];
	_ =	sdelay $0x3  }
0x37: {  	[smem:$0x3FB3] =	sst s10  }
0x38: {  	s10 =	sld [smem:$0x3FB4]  }
0x39: {  	_ = 	snop;
	(pc) =	sbr.ind lr, $3  }
0x3a: {  	_ = 	snop  }
0x3b: {  	_ = 	snop  }
0x3c: {  	p2 =	seq.s32 s10, $0x1;
	s10 =	sld [smem:$0x3FB3]  }
0x3d: {  	_ =	shalt  }
0x3e: {  	_ =	shalt  }
0x3f: {  	_ =	shalt  }
0x40: {  	_ =	shalt  }
0x41: {  	_ =	shalt  }
0x42: {  	_ =	shalt  }
0x43: {  	_ =	shalt  }
0x44: {  	_ =	shalt  }
0x45: {  	_ =	shalt  }
0x46: {  	_ =	shalt  }
0x47: {  	_ =	shalt  }
0x48: {  	_ =	shalt  }
0x49: {  	_ =	shalt  }
0x4a: {  	_ =	shalt  }
0x4b: {  	_ =	shalt  }
0x4c: {  	_ =	shalt  }
0x4d: {  	_ =	shalt  }
0x4e: {  	_ =	shalt  }
0x4f: {  	_ =	shalt  }
0x50: {  	_ =	shalt  }
0x51: {  	_ =	shalt  }
0x52: {  	_ =	shalt  }
0x53: {  	_ =	shalt  }
0x54: {  	_ =	shalt  }
0x55: {  	_ =	shalt  }
0x56: {  	_ =	shalt  }
0x57: {  	_ =	shalt  }
0x58: {  	_ =	shalt  }
0x59: {  	_ =	shalt  }
0x5a: {  	_ =	shalt  }
0x5b: {  	_ =	shalt  }
0x5c: {  	_ =	shalt  }
0x5d: {  	_ =	shalt  }
0x5e: {  	_ =	shalt  }
0x5f: {  	_ =	shalt  }
0x60: {  	_ =	shalt  }
0x61: {  	_ =	shalt  }
0x62: {  	_ =	shalt  }
0x63: {  	_ =	shalt  }
0x64: {  	_ =	shalt  }
0x65: {  	_ =	shalt  }
0x66: {  	_ =	shalt  }
0x67: {  	_ =	shalt  }
0x68: {  	_ =	shalt  }
0x69: {  	_ =	shalt  }
0x6a: {  	_ =	shalt  }
0x6b: {  	_ =	shalt  }
0x6c: {  	_ =	shalt  }
0x6d: {  	_ =	shalt  }
0x6e: {  	_ =	shalt  }
0x6f: {  	_ =	shalt  }
0x70: {  	_ =	shalt  }
0x71: {  	_ =	shalt  }
0x72: {  	_ =	shalt  }
0x73: {  	_ =	shalt  }
0x74: {  	_ =	shalt  }
0x75: {  	_ =	shalt  }
0x76: {  	_ =	shalt  }
0x77: {  	_ =	shalt  }
0x78: {  	_ =	shalt  }
0x79: {  	_ =	shalt  }
0x7a: {  	_ =	shalt  }
0x7b: {  	_ =	shalt  }
0x7c: {  	_ =	shalt  }
0x7d: {  	_ =	shalt  }
0x7e: {  	_ =	shalt  }
0x7f: {  	_ =	shalt  }
0x80: {  	_ =	shalt  }
0x81: {  	_ =	shalt  }
0x82: {  	_ =	shalt  }
0x83: {  	_ =	shalt  }
0x84: {  	_ =	shalt  }
0x85: {  	_ =	shalt  }
0x86: {  	_ =	shalt  }
0x87: {  	_ =	shalt  }
.Lfunc_end0:
.L_simem_size_0:
called_computation.1_lowered:
.L_overlay_start_0:
0x88: {  	s2 =	sld [smem:$0x3FD9]  }
0x89: {  	s3 =	sld [smem:$0x3FFE];
	_ =	sdelay $0x1  }
0x8a: {  	s1 =	srdreg.scid  }
0x8b: {  	s0 =	sand.u32 $0x1, s1  }
0x8c: {  	s16 =	sshll.u32 s0, $0xA;
	s2 =	sadd.s32 s3, s2  }
0x8d: {  	s2 =	sadd.s32 s2, s16  }
0x8e: {  	[smem:$0x3FBF] =	sst s2  }
0x8f: {  	_ = 	snop  }
0x90: {  	(tm) =	ssettm $0x1  }
0x91: {  	s17 =	sld [smem:$0x3FFB];
	_ =	sdelay $0x3  }
0x92: {  	_ =	strace s17  }
0x93: {  	s2 =	sld [smem:$0x3FFC];
	_ =	sdelay $0x3  }
0x94: {  	_ =	strace s2  }
0x95: {  	s2 =	sld [smem:$0x3FFD];
	_ =	sdelay $0x3  }
0x96: {  	_ =	strace s2  }
0x97: {  	_ =	strace $0x8FFFFFFF  }
0x98: {  	s18 =	sld [smem:$0x3FDB];
	_ =	sdelay $0x1  }
0x99: {  	s19 =	simm.s32 $_scs_section_size  }
0x9a: {  	s4 =	simm.s32 $_size__tile_overlayer_lowered;
	s5 =	simm.s32 $_tile_overlayer_lowered  }
0x9b: {  	s22 =	simm.s32 $0x1BFF;
	s21 =	sshll.u32 s5, $0x1;
	s2 =	sadd.s32 s19, s18  }
0x9c: {  	s6 =	simm.s32 $0x0;
	s20 =	sshll.u32 s4, $0x1;
	s4 =	sadd.s32 s21, s2  }
0x9d: {  	[timem:s6], [sflag:s22] =	dma.local [hbm:s4], s20  }
0x9e: {  	_ =	swait.ge [sflag:s22], s20  }
0x9f: {  	s3 =	ssub.s32 $0x0, s20;
	[sflag:s22] =	ssyncset.done $0x0  }
0xa0: {  	[sflag:s22] =	ssyncadd.s32 s3;
	_ =	sdelay $0x1  }
0xa1: {  	s23 =	simm.s32 $0x1B8B  }
0xa2: {  	_ =	swait.ge [sflag:s23], $0x1  }
0xa3: {  	[sflag:s23] =	ssyncset.done $0x0  }
0xa4: {  	s25 =	simm.s32 $0x1B8E;
	s24 =	sld [smem:$0x3FFE];
	[sflag:s23] =	ssyncadd.s32 $0xFFFFFFFF  }
0xa5: {  	s26 =	simm.s32 $execute0_lowered;
	[smem:$0x3FD2] =	sst s25  }
0xa6: {  	s4 =	sshll.u32 s26, $0x1;
	_ =	strace $0x80000049;
	[dreg:$0x1] =	wrdreg $0xFFFFFFFF  }
0xa7: {  	s28 =	simm.s32 $_size_execute0_lowered;
	s2 =	sadd.s32 s2, s4;
	[dreg:$0x0] =	wrdreg $0x0  }
0xa8: {  	s4 =	sshll.u32 s28, $0x1;
	[dreg:$0x2] =	wrdreg s2  }
0xa9: {  	[dreg:$0x3] =	wrdreg s4  }
0xaa: {  	[dreg:$0x4] =	wrdreg $0xC0  }
0xab: {  	_ =	task [dreg:s6], $0x5FFFF  }
0xac: {  	[dreg:$0x1] =	wrdreg $0xFFFFFFFF  }
0xad: {  	[dreg:$0x0] =	wrdreg $0x60  }
0xae: {  	[dreg:$0x2] =	wrdreg s24  }
0xaf: {  	[dreg:$0x3] =	wrdreg $0x9  }
0xb0: {  	_ =	task.clear_ibuf [dreg:s6], $0x4FFFF;
	_ =	strace $0x90000049  }
0xb1: {  	s29 =	simm.s32 $0x9;
	_ =	strace $0x8000004B  }
0xb2: {  	_ =	swait.ge [sflag:s29], $0x1  }
0xb3: {  	[sflag:s29] =	ssyncadd.s32 $0xFFFFFFFF  }
0xb4: {  	_ =	strace $0x9000004B  }
0xb5: {  	_ =	sfence  }
0xb6: {  	s30 =	sld [smem:$0x0];
	_ =	sdelay $0x2  }
0xb7: {  	s31 =	sshll.u32 s1, $0xD;
	s1 =	sshrl.u32 s1, $0x2  }
0xb8: {  	s3 =	sand.u32 $0x4000, s31;
	s1 =	sadd.s32 s1, s30  }
0xb9: {  	s0 =	sor.u32 s3, s0;
	s1 =	sshll.u32 s1, $0x11  }
0xba: {  	s0 =	sor.u32 s1, s0  }
0xbb: {  	s0 =	sadd.s32 $0x8F2B, s0  }
0xbc: {  	[sflag:s0] =	ssyncadd.remote.s32 $0x1  }
0xbd: {  	_ =	sfence.sel $0xFFFF  }
0xbe: {  	[dreg:$0x0] =	wrdreg $0xFFFFFFFF;
	(pc) =	sbr.abs _section_cstart, $3  }
0xbf: {  	[dreg:$0x1] =	wrdreg $0xFFFFFFFF  }
0xc0: {  	_ =	task.clear_ibuf [dreg:s6], $0x2FFFF;
	_ =	strace $0x9FFFFFFF  }
0xc1: {  	(tm) =	ssettm $0x7FFFFFFF  }
tec
execute0_lowered:
.L_overlay_start_1:
0x0: {  	(tag) =	ssettag $0x1  }
0x1: {  	v2 =	vlaneseq.u32;
	v0 =	vimm.s32 $0x34333231;
	v1 =	vimm.s32 $0x38373635  }
0x2: {  	v37 =	vimm.s32 $0x3C3B3A39;
	v15 =	vimm.s32 $0x3F3E3D;
	vm0 =	vcmask $0x1F10  }
0x3: {  	v57 =	vimm.s32 $0x35343332;
	v58 =	vimm.s32 $0x39383736;
	v59 =	vimm.s32 $0x3D3C3B3A  }
0x4: {  	v42 =	vimm.s32 $0x1003F3E;
	v60 =	vimm.s32 $0x36353433;
	v61 =	vimm.s32 $0x3020100  }
0x5: {  	v46 =	vimm.s32 $0x3A393837;
	v47 =	vimm.s32 $0x201003F;
	v48 =	vimm.s32 $0x3F3E3D3C  }
0x6: {  	v49 =	vimm.s32 $0x37363534;
	v50 =	vimm.s32 $0x3B3A3938;
	v55 =	vimm.s32 $0x43218765  }
0x7: {  	vm1 =	vcmask $0x2F10;
	vm2 =	vcmask $0x3F30;
	v3 =	vmul.u32 $0x80, v2  }
0x8: {  	v4 =	vadd.s32 $0x1, v2;
	v5 =	vadd.s32 $0x2, v2;
	v6 =	vadd.s32 $0x3, v2  }
0x9: {  	v7 =	vadd.s32 $0x4, v2;
	v8 =	vadd.s32 $0x5, v2;
	v9 =	vadd.s32 $0x6, v2  }
0xa: {  	v10 =	vadd.s32 $0x7, v2;
	v11 =	vadd.s32 $0x8, v2;
	v12 =	vadd.s32 $0x9, v2  }
0xb: {  	v13 =	vadd.s32 $0xA, v2;
	v14 =	vadd.s32 $0xB, v2;
	v38 =	vadd.s32 $0xC, v2  }
0xc: {  	v16 =	vadd.s32 $0xD, v2;
	v17 =	vadd.s32 $0xE, v2;
	v18 =	vadd.s32 $0xF, v2  }
0xd: {  	v19 =	vor.u32 $0x10, v2;
	v20 =	vadd.s32 $0x11, v2;
	v21 =	vadd.s32 $0x12, v2  }
0xe: {  	v22 =	vadd.s32 $0x13, v2;
	v23 =	vadd.s32 $0x14, v2;
	v24 =	vadd.s32 $0x15, v2  }
0xf: {  	v25 =	vadd.s32 $0x16, v2;
	v26 =	vadd.s32 $0x17, v2;
	v27 =	vadd.s32 $0x18, v2  }
0x10: {  	v28 =	vadd.s32 $0x19, v2;
	v29 =	vadd.s32 $0x1A, v2;
	v30 =	vadd.s32 $0x1B, v2  }
0x11: {  	v31 =	vadd.s32 $0x1C, v2;
	v32 =	vadd.s32 $0x1D, v2;
	v33 =	vadd.s32 $0x1E, v2  }
0x12: {  	v34 =	vadd.s32 $0x1F, v2;
	v35 =	vor.u32 $0x20, v2;
	v36 =	vadd.s32 $0x21, v2  }
0x13: {  	v39 =	vadd.s32 $0x22, v2;
	v63 =	vadd.s32 $0x23, v2;
	v0 =	vunpack.c.0.s8.s32 v0  }
0x14: {  	v40 =	vunpack.c.0.s8.s32 v1;
	v41 =	vunpack.c.0.s8.s32 v37;
	v1 =	vunpack.c.0.s8.s32 v15  }
0x15: {  	v43 =	vadd.s32 $0x24, v2;
	v37 =	vunpack.c.0.s8.s32 v57;
	v44 =	vunpack.c.0.s8.s32 v58  }
0x16: {  	v45 =	vadd.s32 $0x26, v2;
	v51 =	vunpack.c.0.s8.s32 v48;
	v62 =	vunpack.c.0.s8.s32 v49  }
0x17: {  	v56 =	vunpack.c.0.s8.s32 v50;
	v50 =	vunpack.c.0.s8.s32 v46;
	v57 =	vimm.s32 $0x87654321  }
0x18: {  	v52 =	vunpack.c.0.s8.s32 v47;
	v46 =	vunpack.c.l.s4.s8 v57;
	[tilespmem:$0x1FEE0] =	vst v40;
	v0 =	vsel vm0, v40, v0  }
0x19: {  	[tilespmem:$0x1FEF0] =	vst v41;
	v15 =	vsel vm0, v1, v41;
	v41 =	vunpack.c.0.s8.s32 v59;
	v40 =	vunpack.c.0.s8.s32 v42  }
0x1a: {  	v42 =	vadd.s32 $0x25, v2;
	v58 =	vsel vm0, v56, v62;
	v0 =	vcombine.low v0, v15  }
0x1b: {  	v59 =	vimm.s32 $0x4030201;
	v62 =	vimm.s32 $0x98765432;
	v46 =	vunpack.c.0.s8.s32 v46  }
0x1c: {  	v49 =	vunpack.c.l.s4.s8 v62;
	[tilespmem:$0x1FF00] =	vst v0;
	v0 =	vsel vm0, v44, v37;
	v37 =	vsel vm0, v40, v41  }
0x1d: {  	[tilespmem:$0x1FF20] =	vst v41;
	v41 =	vunpack.c.0.s8.s32 v61;
	v61 =	vimm.s32 $0x5040302;
	v46 =	vand.u32 $0xF, v46  }
0x1e: {  	[tilespmem:$0x1FF10] =	vst v44;
	v44 =	vcombine.low v0, v37;
	v0 =	vunpack.c.0.s8.s32 v60;
	v60 =	vimm.s32 $0x32107654  }
0x1f: {  	v48 =	vunpack.c.0.s8.s32 v61;
	v57 =	vcombine.low v15, v46;
	v15 =	vunpack.c.0.s8.s32 v49  }
0x20: {  	v46 =	vunpack.c.l.s4.s8 v55;
	v49 =	vimm.s32 $0xC0B0A09;
	v41 =	vsel vm0, v41, v51  }
0x21: {  	v47 =	vunpack.c.l.s4.s8 v60;
	v41 =	vcombine.low v58, v41;
	v53 =	vsel vm0, v48, v40  }
0x22: {  	v58 =	vimm.s32 $0xB0A0908;
	v15 =	vand.u32 $0xF, v15;
	v46 =	vunpack.c.0.s8.s32 v46  }
0x23: {  	v47 =	vunpack.c.0.s8.s32 v47;
	[tilespmem:$0x1FF50] =	vst v53;
	v62 =	vcombine.low v37, v15;
	v53 =	vimm.s32 $0x6050403  }
0x24: {  	[tilespmem:$0x1FF40] =	vst v41;
	v41 =	vunpack.c.0.s8.s32 v59;
	v59 =	vimm.s32 $0x54329876;
	v15 =	vand.u32 $0xF, v46  }
0x25: {  	v54 =	vand.u32 $0xF, v47;
	v47 =	vunpack.c.0.s8.s32 v58;
	v48 =	vunpack.c.l.s4.s8 v59  }
0x26: {  	[tilespmem:$0x1FF30] =	vst v56;
	v61 =	vunpack.c.0.s8.s32 v53;
	v56 =	vsel vm0, v41, v1;
	v41 =	vsel vm1, v54, v51  }
0x27: {  	v54 =	vsel vm2, v47, v41;
	v41 =	vunpack.c.0.s8.s32 v49;
	v37 =	vunpack.c.0.s8.s32 v48  }
0x28: {  	s7 =	rddreg [dreg:$0x0];
	[tilespmem:$0x1FF60] =	vst v51;
	v58 =	vimm.s32 $0xD0C0B0A;
	v51 =	vimm.s32 $0x6543A987;
	v1 =	vsel vm1, v15, v1  }
0x29: {  	s0 =	rddreg [dreg:$0x1];
	s1 =	simm.s32 $0x0;
	s2 =	srdreg.scid;
	v46 =	vunpack.c.l.s4.s8 v51;
	v60 =	vsel vm2, v41, v1;
	v1 =	vand.u32 $0xF, v37  }
0x2a: {  	s13 =	simm.s32 $0x4100;
	s14 =	simm.s32 $0x100;
	[smem:$0x7FF] =	sst s1;
	v15 =	vimm.s32 $0xA9876543;
	v1 =	vsel vm1, v1, v40;
	v40 =	vunpack.c.0.s8.s32 v58  }
0x2b: {  	s15 =	simm.s32 $0x1;
	s16 =	simm.s32 $0x0;
	v59 =	vimm.s32 $0xE0D0C0B;
	_ =	strace $0x8000004A;
	[tilespmem:$0x1FF70] =	vst v50;
	v51 =	vunpack.c.l.s4.s8 v15;
	v55 =	vunpack.c.0.s8.s32 v46  }
0x2c: {  	s6 =	sand.u32 $0x1, s2;
	s2 =	stileid.u32;
	s3 =	sadd.s32 $0x152600, s7;
	[tilespmem:$0x1FFF0] =	vst v62;
	v15 =	vsel vm2, v40, v1;
	v40 =	vsel vm0, v50, v0;
	v0 =	vsel vm0, v61, v52  }
0x2d: {  	s5 =	sadd.s32 $0xB5000, s7;
	s4 =	sshll.u32 s6, $0x4;
	s9 =	smul.u32 $0x27800, s6;
	v41 =	vunpack.c.0.s8.s32 v59;
	v37 =	vand.u32 $0xF, v55;
	v61 =	vor.u32 $0x30, v2;
	[tilespmem:$0x1FF80] =	vst v0  }
0x2e: {  	s11 =	smul.u32 $0x2780, s2;
	s12 =	ssub.s32 $0x2, s6;
	s8 =	sor.u32 s2, s4;
	v55 =	vunpack.c.0.s8.s32 v51;
	v37 =	vsel vm1, v37, v52;
	v1 =	vimm.s32 $0x76543210;
	[tilespmem:$0x1FFA0] =	vst v61  }
.Ltmp0:
0x2f: {  	s6 =	sadd.s32 $0x3400, s7;
	s10 =	sshll.u32 s8, $0x1;
	v53 =	vimm.s32 $0x3E3D3C3B;
	v59 =	vsel vm2, v41, v37;
	v1 =	vunpack.c.l.s4.s8 v1;
	[tilespmem:$0x1FFC0] =	vst v15;
	(pc) =	sbr.rel .LBB2_1-.Ltmp0, $4  }
0x30: {  	s4 =	sadd.s32 $0x17C00, s7;
	s9 =	sadd.s32 s11, s9;
	s10 =	sadd.s32 s10, s7;
	v47 =	vadd.s32 $0x2A, v2;
	v48 =	vadd.s32 $0x2B, v2;
	v55 =	vand.u32 $0xF, v55;
	[tilespmem:$0x1FFB0] =	vst v59  }
0x31: {  	s31 =	sshrl.u32 s12, $0x1;
	s9 =	sadd.s32 s9, s7;
	s7 =	sadd.s32 $0x152400, s10;
	v49 =	vadd.s32 $0x2C, v2;
	v37 =	vadd.s32 $0x2E, v2;
	[tilespmem:$0x1FFD0] =	vst v55;
	v0 =	vunpack.c.0.s8.s32 v1  }
0x32: {  	s11 =	ssub.s32 s12, s31;
	s8 =	smul.u32 $0x4EA, s8;
	s9 =	sadd.s32 $0x1C8E00, s9;
	v46 =	vadd.s32 $0x29, v2;
	v58 =	vunpack.c.0.s8.s32 v53;
	v53 =	vadd.s32 $0x2F, v2;
	[tilespmem:$0x1FFE0] =	vst v37  }
0x33: {  	s12 =	simm.s32 $0x2;
	s10 =	smax.u32 s11, $0x1;
	s11 =	simm.s32 $0x4180;
	v50 =	vmovc v52;
	v41 =	vadd.s32 $0x28, v2;
	v1 =	vadd.s32 $0x27, v2;
	[tilespmem:$0x1FF90] =	vst v0;
	v0 =	vadd.s32 $0x2D, v2  }
.LBB2_5:
0x34: {  	s16 =	sadd.s32 $0x1, s16  }
0x35: {  	p0 =	sne.s32 s16, s10  }
.Ltmp1:
0x36: {  	_ = 	snop;
	(pc) =	sbr.rel @!p0 .LBB2_6-.Ltmp1, $4  }
0x37: {  	[hbm4b:s9+s1] =	stream.linear.scatter [tilespmem:s11], [sflag:$0x2], $0x13C00, $0x38;
	[tilespmem:$0x18180] =	vst v63  }
0x38: {  	_ =	swait.ge [sflag:s12], $0x13C00  }
0x39: {  	[sflag:s12] =	ssyncset.done $0x0  }
0x3a: {  	[sflag:s12] =	ssyncadd.s32 $0xFFFEC400  }
.LBB2_1:
0x3b: {  	[tilespmem:s11], [sflag:$0x2] =	stream.linear.gather [hbm4b:s6+s1], $0x14000, $0x38;
	[tilespmem:$0x18180] =	vst v63  }
0x3c: {  	_ =	swait.ge [sflag:s12], $0x14000  }
0x3d: {  	[sflag:s12] =	ssyncset.done $0x0  }
0x3e: {  	[sflag:s12] =	ssyncadd.s32 $0xFFFEC000  }
0x3f: {  	[tilespmem:s13], [sflag:$0x2] =	stream.linear.gather [hbm4b:s7+s1], $0x10, $0x38;
	[tilespmem:$0x18180] =	vst v63  }
0x40: {  	_ =	swait.ge [sflag:s12], $0x10  }
0x41: {  	[sflag:s12] =	ssyncset.done $0x0  }
0x42: {  	[sflag:s12] =	ssyncadd.s32 $0xFFFFFFF0  }
0x43: {  	v51 =	vld [tilespmem:$0x4100];
	_ =	sdelay $0x4  }
0x44: {  	(v2sf) =	vpush v51, $0x0;
	_ =	sdelay $0xe  }
0x45: {  	s17 =	spop (v2sf)  }
0x46: {  	p0 =	slt.s32 s17, $0x1  }
.Ltmp2:
0x47: {  	_ = 	snop;
	(pc) =	sbr.rel @p0 .LBB2_5-.Ltmp2, $2  }
0x48: {  	_ =	sdelay $0x2  }
0x49: {  	s18 =	simm.s32 $0x0  }
.LBB2_2:
0x4a: {  	s19 =	sadd.s32 s8, s18  }
0x4b: {  	s19 =	sshll.u32 s19, $0x4  }
0x4c: {  	s20 =	sand.u32 $0x1FFFFFF0, s19  }
0x4d: {  	s19 =	simm.s32 $0x0;
	s21 =	sadd.s32 s4, s20  }
0x4e: {  	[tilespmem:s19], [sflag:$0x2] =	stream.linear.gather [hbm4b:s21+s19], $0x80, $0x38;
	[tilespmem:$0x18180] =	vst v63  }
0x4f: {  	_ =	swait.ge [sflag:s12], $0x80  }
0x50: {  	[sflag:s12] =	ssyncset.done $0x0  }
0x51: {  	s31 =	sadd.s32 s5, s20;
	s20 =	simm.s32 $0x80;
	[sflag:s12] =	ssyncadd.s32 $0xFFFFFF80  }
0x52: {  	[tilespmem:s20], [sflag:$0x2] =	stream.linear.gather [hbm4b:s31+s19], $0x80, $0x38;
	[tilespmem:$0x18180] =	vst v63  }
0x53: {  	_ =	swait.ge [sflag:s12], $0x80  }
0x54: {  	[sflag:s12] =	ssyncset.done $0x0  }
0x55: {  	[sflag:s12] =	ssyncadd.s32 $0xFFFFFF80  }
0x56: {  	[tilespmem:s14], [sflag:$0x1] =	stream.indirect.gather [hbm4b:s3+s20], $0x80, s19, s20, $0xb8;
	[tilespmem:$0x18180] =	vst v63  }
0x57: {  	_ =	swait.ge [sflag:s15], $0x4000  }
0x58: {  	[sflag:s15] =	ssyncset.done $0x0  }
0x59: {  	[sflag:s15] =	ssyncadd.s32 $0xFFFFC000  }
.LBB2_3:
0x5a: {  	v51 =	vmov s19  }
0x5b: {  	v51 =	vshll.u32 v51, $0x7  }
0x5c: {  	v59 =	vld [tilespmem:s20+$0x0];
	v52 =	vor.u32 v3, v51  }
0x5d: {  	v61 =	vor.u32 v2, v52;
	_ =	sdelay $0x3  }
0x5e: {  	v51 =	vshll.u32 v59, $0x7  }
0x5f: {  	v55 =	vor.u32 v2, v51;
	v59 =	vld.idx.msk [tilespmem:v61+s14+$0x0], $0xffff  }
0x60: {  	v62 =	vor.u32 v4, v52;
	_ =	sdelay $0x3  }
0x61: {  	[tilespmem:v55+s11+$0x0] =	vst.idx.add.f32.msk $0xffff, v59  }
0x62: {  	v61 =	vor.u32 v4, v51;
	v59 =	vld.idx.msk [tilespmem:v62+s14+$0x0], $0xffff  }
0x63: {  	v55 =	vor.u32 v5, v52;
	_ =	sdelay $0x3  }
0x64: {  	[tilespmem:v61+s11+$0x0] =	vst.idx.add.f32.msk $0xffff, v59  }
0x65: {  	v61 =	vor.u32 v5, v51;
	v59 =	vld.idx.msk [tilespmem:v55+s14+$0x0], $0xffff  }
0x66: {  	v55 =	vor.u32 v6, v52;
	_ =	sdelay $0x3  }
0x67: {  	[tilespmem:v61+s11+$0x0] =	vst.idx.add.f32.msk $0xffff, v59  }
0x68: {  	v61 =	vor.u32 v6, v51;
	v59 =	vld.idx.msk [tilespmem:v55+s14+$0x0], $0xffff  }
0x69: {  	v55 =	vor.u32 v7, v52;
	_ =	sdelay $0x3  }
0x6a: {  	[tilespmem:v61+s11+$0x0] =	vst.idx.add.f32.msk $0xffff, v59  }
0x6b: {  	v61 =	vor.u32 v7, v51;
	v59 =	vld.idx.msk [tilespmem:v55+s14+$0x0], $0xffff  }
0x6c: {  	v55 =	vor.u32 v8, v52;
	_ =	sdelay $0x3  }
0x6d: {  	[tilespmem:v61+s11+$0x0] =	vst.idx.add.f32.msk $0xffff, v59  }
0x6e: {  	v61 =	vor.u32 v8, v51;
	v59 =	vld.idx.msk [tilespmem:v55+s14+$0x0], $0xffff  }
0x6f: {  	v55 =	vor.u32 v9, v52;
	_ =	sdelay $0x3  }
0x70: {  	[tilespmem:v61+s11+$0x0] =	vst.idx.add.f32.msk $0xffff, v59  }
0x71: {  	v61 =	vor.u32 v9, v51;
	v59 =	vld.idx.msk [tilespmem:v55+s14+$0x0], $0xffff  }
0x72: {  	v55 =	vor.u32 v10, v52;
	_ =	sdelay $0x3  }
0x73: {  	[tilespmem:v61+s11+$0x0] =	vst.idx.add.f32.msk $0xffff, v59  }
0x74: {  	v61 =	vor.u32 v10, v51;
	v59 =	vld.idx.msk [tilespmem:v55+s14+$0x0], $0xffff  }
0x75: {  	v55 =	vor.u32 v11, v52;
	_ =	sdelay $0x3  }
0x76: {  	[tilespmem:v61+s11+$0x0] =	vst.idx.add.f32.msk $0xffff, v59  }
0x77: {  	v61 =	vor.u32 v11, v51;
	v59 =	vld.idx.msk [tilespmem:v55+s14+$0x0], $0xffff  }
0x78: {  	v55 =	vor.u32 v12, v52;
	_ =	sdelay $0x3  }
0x79: {  	[tilespmem:v61+s11+$0x0] =	vst.idx.add.f32.msk $0xffff, v59  }
0x7a: {  	v61 =	vor.u32 v12, v51;
	v59 =	vld.idx.msk [tilespmem:v55+s14+$0x0], $0xffff  }
0x7b: {  	v55 =	vor.u32 v13, v52;
	_ =	sdelay $0x3  }
0x7c: {  	[tilespmem:v61+s11+$0x0] =	vst.idx.add.f32.msk $0xffff, v59  }
0x7d: {  	v61 =	vor.u32 v13, v51;
	v59 =	vld.idx.msk [tilespmem:v55+s14+$0x0], $0xffff  }
0x7e: {  	v55 =	vor.u32 v14, v52;
	_ =	sdelay $0x3  }
0x7f: {  	[tilespmem:v61+s11+$0x0] =	vst.idx.add.f32.msk $0xffff, v59  }
0x80: {  	v61 =	vor.u32 v14, v51;
	v59 =	vld.idx.msk [tilespmem:v55+s14+$0x0], $0xffff  }
0x81: {  	v55 =	vor.u32 v38, v52;
	_ =	sdelay $0x3  }
0x82: {  	[tilespmem:v61+s11+$0x0] =	vst.idx.add.f32.msk $0xffff, v59  }
0x83: {  	v61 =	vor.u32 v38, v51;
	v59 =	vld.idx.msk [tilespmem:v55+s14+$0x0], $0xffff  }
0x84: {  	v55 =	vor.u32 v16, v52;
	_ =	sdelay $0x3  }
0x85: {  	[tilespmem:v61+s11+$0x0] =	vst.idx.add.f32.msk $0xffff, v59  }
0x86: {  	v61 =	vor.u32 v16, v51;
	v59 =	vld.idx.msk [tilespmem:v55+s14+$0x0], $0xffff  }
0x87: {  	v55 =	vor.u32 v17, v52;
	_ =	sdelay $0x3  }
0x88: {  	[tilespmem:v61+s11+$0x0] =	vst.idx.add.f32.msk $0xffff, v59  }
0x89: {  	v61 =	vor.u32 v17, v51;
	v59 =	vld.idx.msk [tilespmem:v55+s14+$0x0], $0xffff  }
0x8a: {  	v55 =	vor.u32 v18, v52;
	_ =	sdelay $0x3  }
0x8b: {  	[tilespmem:v61+s11+$0x0] =	vst.idx.add.f32.msk $0xffff, v59  }
0x8c: {  	v61 =	vor.u32 v18, v51;
	v59 =	vld.idx.msk [tilespmem:v55+s14+$0x0], $0xffff  }
0x8d: {  	v55 =	vor.u32 v19, v52;
	_ =	sdelay $0x3  }
0x8e: {  	[tilespmem:v61+s11+$0x0] =	vst.idx.add.f32.msk $0xffff, v59  }
0x8f: {  	v61 =	vor.u32 v19, v51;
	v59 =	vld.idx.msk [tilespmem:v55+s14+$0x0], $0xffff  }
0x90: {  	v55 =	vor.u32 v20, v52;
	_ =	sdelay $0x3  }
0x91: {  	[tilespmem:v61+s11+$0x0] =	vst.idx.add.f32.msk $0xffff, v59  }
0x92: {  	v61 =	vor.u32 v20, v51;
	v59 =	vld.idx.msk [tilespmem:v55+s14+$0x0], $0xffff  }
0x93: {  	v55 =	vor.u32 v21, v52;
	_ =	sdelay $0x3  }
0x94: {  	[tilespmem:v61+s11+$0x0] =	vst.idx.add.f32.msk $0xffff, v59  }
0x95: {  	v61 =	vor.u32 v21, v51;
	v59 =	vld.idx.msk [tilespmem:v55+s14+$0x0], $0xffff  }
0x96: {  	v55 =	vor.u32 v22, v52;
	_ =	sdelay $0x3  }
0x97: {  	[tilespmem:v61+s11+$0x0] =	vst.idx.add.f32.msk $0xffff, v59  }
0x98: {  	v61 =	vor.u32 v22, v51;
	v59 =	vld.idx.msk [tilespmem:v55+s14+$0x0], $0xffff  }
0x99: {  	v55 =	vor.u32 v23, v52;
	_ =	sdelay $0x3  }
0x9a: {  	[tilespmem:v61+s11+$0x0] =	vst.idx.add.f32.msk $0xffff, v59  }
0x9b: {  	v61 =	vor.u32 v23, v51;
	v59 =	vld.idx.msk [tilespmem:v55+s14+$0x0], $0xffff  }
0x9c: {  	v55 =	vor.u32 v24, v52;
	_ =	sdelay $0x3  }
0x9d: {  	[tilespmem:v61+s11+$0x0] =	vst.idx.add.f32.msk $0xffff, v59  }
0x9e: {  	v61 =	vor.u32 v24, v51;
	v59 =	vld.idx.msk [tilespmem:v55+s14+$0x0], $0xffff  }
0x9f: {  	v55 =	vor.u32 v25, v52;
	_ =	sdelay $0x3  }
0xa0: {  	[tilespmem:v61+s11+$0x0] =	vst.idx.add.f32.msk $0xffff, v59  }
0xa1: {  	v61 =	vor.u32 v25, v51;
	v59 =	vld.idx.msk [tilespmem:v55+s14+$0x0], $0xffff  }
0xa2: {  	v55 =	vor.u32 v26, v52;
	_ =	sdelay $0x3  }
0xa3: {  	[tilespmem:v61+s11+$0x0] =	vst.idx.add.f32.msk $0xffff, v59  }
0xa4: {  	v61 =	vor.u32 v26, v51;
	v59 =	vld.idx.msk [tilespmem:v55+s14+$0x0], $0xffff  }
0xa5: {  	v55 =	vor.u32 v27, v52;
	_ =	sdelay $0x3  }
0xa6: {  	[tilespmem:v61+s11+$0x0] =	vst.idx.add.f32.msk $0xffff, v59  }
0xa7: {  	v61 =	vor.u32 v27, v51;
	v59 =	vld.idx.msk [tilespmem:v55+s14+$0x0], $0xffff  }
0xa8: {  	v55 =	vor.u32 v28, v52;
	_ =	sdelay $0x3  }
0xa9: {  	[tilespmem:v61+s11+$0x0] =	vst.idx.add.f32.msk $0xffff, v59  }
0xaa: {  	v61 =	vor.u32 v28, v51;
	v59 =	vld.idx.msk [tilespmem:v55+s14+$0x0], $0xffff  }
0xab: {  	v55 =	vor.u32 v29, v52;
	_ =	sdelay $0x3  }
0xac: {  	[tilespmem:v61+s11+$0x0] =	vst.idx.add.f32.msk $0xffff, v59  }
0xad: {  	v61 =	vor.u32 v29, v51;
	v59 =	vld.idx.msk [tilespmem:v55+s14+$0x0], $0xffff  }
0xae: {  	v55 =	vor.u32 v30, v52;
	_ =	sdelay $0x3  }
0xaf: {  	[tilespmem:v61+s11+$0x0] =	vst.idx.add.f32.msk $0xffff, v59  }
0xb0: {  	v61 =	vor.u32 v30, v51;
	v59 =	vld.idx.msk [tilespmem:v55+s14+$0x0], $0xffff  }
0xb1: {  	v55 =	vor.u32 v31, v52;
	_ =	sdelay $0x3  }
0xb2: {  	[tilespmem:v61+s11+$0x0] =	vst.idx.add.f32.msk $0xffff, v59  }
0xb3: {  	v61 =	vor.u32 v31, v51;
	v59 =	vld.idx.msk [tilespmem:v55+s14+$0x0], $0xffff  }
0xb4: {  	v55 =	vor.u32 v32, v52;
	_ =	sdelay $0x3  }
0xb5: {  	[tilespmem:v61+s11+$0x0] =	vst.idx.add.f32.msk $0xffff, v59  }
0xb6: {  	v61 =	vor.u32 v32, v51;
	v59 =	vld.idx.msk [tilespmem:v55+s14+$0x0], $0xffff  }
0xb7: {  	v55 =	vor.u32 v33, v52;
	_ =	sdelay $0x3  }
0xb8: {  	[tilespmem:v61+s11+$0x0] =	vst.idx.add.f32.msk $0xffff, v59  }
0xb9: {  	v61 =	vor.u32 v33, v51;
	v59 =	vld.idx.msk [tilespmem:v55+s14+$0x0], $0xffff  }
0xba: {  	v55 =	vor.u32 v34, v52;
	_ =	sdelay $0x3  }
0xbb: {  	[tilespmem:v61+s11+$0x0] =	vst.idx.add.f32.msk $0xffff, v59  }
0xbc: {  	v61 =	vor.u32 v34, v51;
	v59 =	vld.idx.msk [tilespmem:v55+s14+$0x0], $0xffff  }
0xbd: {  	v55 =	vor.u32 v35, v52;
	_ =	sdelay $0x3  }
0xbe: {  	[tilespmem:v61+s11+$0x0] =	vst.idx.add.f32.msk $0xffff, v59  }
0xbf: {  	v61 =	vor.u32 v35, v51;
	v59 =	vld.idx.msk [tilespmem:v55+s14+$0x0], $0xffff  }
0xc0: {  	v55 =	vor.u32 v36, v52;
	_ =	sdelay $0x3  }
0xc1: {  	[tilespmem:v61+s11+$0x0] =	vst.idx.add.f32.msk $0xffff, v59  }
0xc2: {  	v61 =	vor.u32 v36, v51;
	v59 =	vld.idx.msk [tilespmem:v55+s14+$0x0], $0xffff  }
0xc3: {  	v55 =	vor.u32 v39, v52;
	_ =	sdelay $0x3  }
0xc4: {  	[tilespmem:v61+s11+$0x0] =	vst.idx.add.f32.msk $0xffff, v59  }
0xc5: {  	v61 =	vor.u32 v39, v51;
	v59 =	vld.idx.msk [tilespmem:v55+s14+$0x0], $0xffff  }
0xc6: {  	v55 =	vor.u32 v63, v52;
	_ =	sdelay $0x3  }
0xc7: {  	[tilespmem:v61+s11+$0x0] =	vst.idx.add.f32.msk $0xffff, v59  }
0xc8: {  	v61 =	vor.u32 v63, v51;
	v59 =	vld.idx.msk [tilespmem:v55+s14+$0x0], $0xffff  }
0xc9: {  	v55 =	vor.u32 v43, v52;
	_ =	sdelay $0x3  }
0xca: {  	[tilespmem:v61+s11+$0x0] =	vst.idx.add.f32.msk $0xffff, v59  }
0xcb: {  	v61 =	vor.u32 v43, v51;
	v59 =	vld.idx.msk [tilespmem:v55+s14+$0x0], $0xffff  }
0xcc: {  	v55 =	vor.u32 v42, v52;
	_ =	sdelay $0x3  }
0xcd: {  	[tilespmem:v61+s11+$0x0] =	vst.idx.add.f32.msk $0xffff, v59  }
0xce: {  	v61 =	vor.u32 v42, v51;
	v59 =	vld.idx.msk [tilespmem:v55+s14+$0x0], $0xffff  }
0xcf: {  	v55 =	vor.u32 v45, v52;
	_ =	sdelay $0x3  }
0xd0: {  	[tilespmem:v61+s11+$0x0] =	vst.idx.add.f32.msk $0xffff, v59  }
0xd1: {  	v61 =	vor.u32 v45, v51;
	v59 =	vld.idx.msk [tilespmem:v55+s14+$0x0], $0xffff  }
0xd2: {  	v55 =	vor.u32 v1, v52;
	_ =	sdelay $0x3  }
0xd3: {  	[tilespmem:v61+s11+$0x0] =	vst.idx.add.f32.msk $0xffff, v59  }
0xd4: {  	v61 =	vor.u32 v1, v51;
	v59 =	vld.idx.msk [tilespmem:v55+s14+$0x0], $0xffff  }
0xd5: {  	v55 =	vor.u32 v41, v52;
	_ =	sdelay $0x3  }
0xd6: {  	[tilespmem:v61+s11+$0x0] =	vst.idx.add.f32.msk $0xffff, v59  }
0xd7: {  	v61 =	vor.u32 v41, v51;
	v59 =	vld.idx.msk [tilespmem:v55+s14+$0x0], $0xffff  }
0xd8: {  	v55 =	vor.u32 v46, v52;
	_ =	sdelay $0x3  }
0xd9: {  	[tilespmem:v61+s11+$0x0] =	vst.idx.add.f32.msk $0xffff, v59  }
0xda: {  	v61 =	vor.u32 v46, v51;
	v59 =	vld.idx.msk [tilespmem:v55+s14+$0x0], $0xffff  }
0xdb: {  	v55 =	vor.u32 v47, v52;
	_ =	sdelay $0x3  }
0xdc: {  	[tilespmem:v61+s11+$0x0] =	vst.idx.add.f32.msk $0xffff, v59  }
0xdd: {  	v61 =	vor.u32 v47, v51;
	v59 =	vld.idx.msk [tilespmem:v55+s14+$0x0], $0xffff  }
0xde: {  	v55 =	vor.u32 v48, v52;
	_ =	sdelay $0x3  }
0xdf: {  	[tilespmem:v61+s11+$0x0] =	vst.idx.add.f32.msk $0xffff, v59  }
0xe0: {  	v61 =	vor.u32 v48, v51;
	v59 =	vld.idx.msk [tilespmem:v55+s14+$0x0], $0xffff  }
0xe1: {  	v55 =	vor.u32 v49, v52;
	_ =	sdelay $0x3  }
0xe2: {  	[tilespmem:v61+s11+$0x0] =	vst.idx.add.f32.msk $0xffff, v59  }
0xe3: {  	v61 =	vor.u32 v49, v51;
	v59 =	vld.idx.msk [tilespmem:v55+s14+$0x0], $0xffff  }
0xe4: {  	v55 =	vor.u32 v0, v52;
	_ =	sdelay $0x3  }
0xe5: {  	[tilespmem:v61+s11+$0x0] =	vst.idx.add.f32.msk $0xffff, v59  }
0xe6: {  	v61 =	vor.u32 v0, v51;
	v59 =	vld.idx.msk [tilespmem:v55+s14+$0x0], $0xffff  }
0xe7: {  	v55 =	vor.u32 v37, v52;
	_ =	sdelay $0x3  }
0xe8: {  	[tilespmem:v61+s11+$0x0] =	vst.idx.add.f32.msk $0xffff, v59  }
0xe9: {  	v37 =	vor.u32 v37, v51;
	v59 =	vld.idx.msk [tilespmem:v55+s14+$0x0], $0xffff  }
0xea: {  	v55 =	vor.u32 v53, v52;
	_ =	sdelay $0x2  }
0xeb: {  	v2 =	vld [tilespmem:$0x1FFA0]  }
0xec: {  	[tilespmem:v37+s11+$0x0] =	vst.idx.add.f32.msk $0xffff, v59  }
0xed: {  	v37 =	vor.u32 v53, v51;
	v59 =	vld.idx.msk [tilespmem:v55+s14+$0x0], $0xffff;
	_ =	sdelay $0x4  }
0xee: {  	v55 =	vor.u32 v2, v52;
	[tilespmem:v37+s11+$0x0] =	vst.idx.add.f32.msk $0xffff, v59  }
0xef: {  	v37 =	vor.u32 v2, v51;
	v2 =	vld [tilespmem:$0x1FF00];
	_ =	sdelay $0x3  }
0xf0: {  	v59 =	vld.idx.msk [tilespmem:v55+s14+$0x0], $0xffff  }
0xf1: {  	v55 =	vor.u32 v2, v52;
	_ =	sdelay $0x3  }
0xf2: {  	[tilespmem:v37+s11+$0x0] =	vst.idx.add.f32.msk $0xffff, v59  }
0xf3: {  	v37 =	vor.u32 v2, v51;
	v59 =	vld.idx.msk [tilespmem:v55+s14+$0x0], $0xffff  }
0xf4: {  	v62 =	vor.u32 v44, v52;
	_ =	sdelay $0x1  }
0xf5: {  	v15 =	vmov v0  }
0xf6: {  	v0 =	vmovc v49;
	v49 =	vmovc v47;
	v47 =	vmov v41;
	v41 =	vmov v1;
	v1 =	vmov v60  }
0xf7: {  	v60 =	vmovc v54;
	v54 =	vmov v43;
	v43 =	vmov v63;
	v63 =	vsel vm0, v50, v58;
	[tilespmem:v37+s11+$0x0] =	vst.idx.add.f32.msk $0xffff, v59  }
0xf8: {  	v55 =	vor.u32 v44, v51;
	v37 =	vcombine.low v40, v63;
	v61 =	vld.idx.msk [tilespmem:v62+s14+$0x0], $0xffff;
	_ =	sdelay $0x1  }
0xf9: {  	v2 =	vor.u32 v37, v52  }
0xfa: {  	v59 =	vor.u32 v37, v51;
	v37 =	vld [tilespmem:$0x1FF40]  }
0xfb: {  	v62 =	vld [tilespmem:$0x1FEE0]  }
0xfc: {  	[tilespmem:v55+s11+$0x0] =	vst.idx.add.f32.msk $0xffff, v61  }
0xfd: {  	v55 =	vld [tilespmem:$0x1FEF0]  }
0xfe: {  	v2 =	vld.idx.msk [tilespmem:v2+s14+$0x0], $0xffff  }
0xff: {  	v61 =	vor.u32 v37, v52;
	_ =	sdelay $0x2  }
0x100: {  	v62 =	vsel vm0, v55, v62  }
0x101: {  	[tilespmem:v59+s11+$0x0] =	vst.idx.add.f32.msk $0xffff, v2;
	v2 =	vcombine.low v62, v56  }
0x102: {  	v59 =	vld.idx.msk [tilespmem:v61+s14+$0x0], $0xffff;
	v61 =	vor.u32 v37, v51;
	v37 =	vmovc v53;
	v53 =	vmov v48;
	v48 =	vmov v46  }
0x103: {  	v46 =	vmovc v40;
	v40 =	vmovc v56;
	v56 =	vmov v50;
	v50 =	vmov v45;
	v45 =	vmov v42  }
0x104: {  	v42 =	vmovc v39;
	v39 =	vmovc v36;
	v36 =	vmov v35;
	v35 =	vmov v34;
	v34 =	vmov v33  }
0x105: {  	v33 =	vmovc v32;
	v32 =	vmovc v31;
	v31 =	vmov v30;
	v30 =	vmov v29;
	v29 =	vmov v28  }
0x106: {  	v28 =	vmovc v27;
	v27 =	vmovc v26;
	v26 =	vmov v25;
	v25 =	vmov v24;
	v24 =	vmov v23  }
0x107: {  	v23 =	vmovc v22;
	v22 =	vmovc v21;
	v21 =	vmov v20;
	v20 =	vmov v19;
	v19 =	vmov v18  }
0x108: {  	v18 =	vmovc v17;
	v17 =	vmovc v16;
	v16 =	vmov v38;
	v38 =	vmov v14;
	v14 =	vmov v13  }
0x109: {  	v55 =	vld [tilespmem:$0x1FF20];
	v13 =	vmovc v12;
	v12 =	vmovc v11;
	v11 =	vmov v10;
	v10 =	vmov v9;
	v9 =	vmov v8  }
0x10a: {  	v8 =	vmovc v7;
	v7 =	vmovc v6;
	v6 =	vmov v5;
	v5 =	vmov v4;
	v4 =	vmov v3;
	v3 =	vld [tilespmem:$0x1FF10]  }
0x10b: {  	[tilespmem:v61+s11+$0x0] =	vst.idx.add.f32.msk $0xffff, v59  }
0x10c: {  	v62 =	vor.u32 v2, v52;
	v61 =	vld [tilespmem:$0x1FF50];
	_ =	sdelay $0x3  }
0x10d: {  	v3 =	vsel vm0, v55, v3  }
0x10e: {  	v2 =	vor.u32 v2, v51;
	v59 =	vld.idx.msk [tilespmem:v62+s14+$0x0], $0xffff;
	v3 =	vcombine.low v3, v61;
	_ =	sdelay $0x1  }
0x10f: {  	v61 =	vor.u32 v3, v52;
	_ =	sdelay $0x1  }
0x110: {  	v62 =	vld [tilespmem:$0x1FF70]  }
0x111: {  	[tilespmem:v2+s11+$0x0] =	vst.idx.add.f32.msk $0xffff, v59  }
0x112: {  	v2 =	vld [tilespmem:$0x1FF80]  }
0x113: {  	v3 =	vor.u32 v3, v51;
	v59 =	vld.idx.msk [tilespmem:v61+s14+$0x0], $0xffff;
	_ =	sdelay $0x2  }
0x114: {  	v55 =	vsel vm0, v58, v62;
	v62 =	vld [tilespmem:$0x1FF30]  }
0x115: {  	v2 =	vcombine.low v55, v2;
	v55 =	vld [tilespmem:$0x1FF60]  }
0x116: {  	[tilespmem:v3+s11+$0x0] =	vst.idx.add.f32.msk $0xffff, v59  }
0x117: {  	v3 =	vld [tilespmem:$0x1FF90]  }
0x118: {  	v61 =	vor.u32 v2, v52;
	_ =	sdelay $0x2  }
0x119: {  	v62 =	vsel vm0, v55, v62  }
0x11a: {  	v3 =	vcombine.low v62, v3  }
0x11b: {  	v2 =	vor.u32 v2, v51;
	v59 =	vld.idx.msk [tilespmem:v61+s14+$0x0], $0xffff  }
0x11c: {  	v61 =	vor.u32 v3, v52;
	_ =	sdelay $0x3  }
0x11d: {  	[tilespmem:v2+s11+$0x0] =	vst.idx.add.f32.msk $0xffff, v59  }
0x11e: {  	v3 =	vor.u32 v3, v51;
	v2 =	vld.idx.msk [tilespmem:v61+s14+$0x0], $0xffff  }
0x11f: {  	v61 =	vor.u32 v57, v52  }
0x120: {  	v62 =	vld [tilespmem:$0x1FFF0];
	_ =	sdelay $0x1  }
0x121: {  	v55 =	vld [tilespmem:$0x1FFD0]  }
0x122: {  	[tilespmem:v3+s11+$0x0] =	vst.idx.add.f32.msk $0xffff, v2  }
0x123: {  	v3 =	vor.u32 v57, v51;
	v2 =	vld.idx.msk [tilespmem:v61+s14+$0x0], $0xffff  }
0x124: {  	v59 =	vor.u32 v62, v52;
	_ =	sdelay $0x3  }
0x125: {  	[tilespmem:v3+s11+$0x0] =	vst.idx.add.f32.msk $0xffff, v2;
	v2 =	vcombine.low v63, v55  }
0x126: {  	v3 =	vld.idx.msk [tilespmem:v59+s14+$0x0], $0xffff;
	v59 =	vor.u32 v62, v51  }
0x127: {  	v55 =	vor.u32 v2, v52;
	_ =	sdelay $0x3  }
0x128: {  	[tilespmem:v59+s11+$0x0] =	vst.idx.add.f32.msk $0xffff, v3  }
0x129: {  	v63 =	vmovc v43;
	v43 =	vmov v54;
	v54 =	vmov v60;
	v2 =	vor.u32 v2, v51;
	v3 =	vld.idx.msk [tilespmem:v55+s14+$0x0], $0xffff  }
0x12a: {  	v62 =	vor.u32 v54, v52;
	_ =	sdelay $0x3  }
0x12b: {  	[tilespmem:v2+s11+$0x0] =	vst.idx.add.f32.msk $0xffff, v3  }
0x12c: {  	v60 =	vmov v1;
	v3 =	vor.u32 v54, v51;
	v2 =	vld.idx.msk [tilespmem:v62+s14+$0x0], $0xffff  }
0x12d: {  	v55 =	vor.u32 v60, v52  }
0x12e: {  	v1 =	vmovc v41;
	v41 =	vmovc v47;
	v47 =	vmov v49;
	v49 =	vmov v0;
	v0 =	vmov v15;
	v15 =	vld [tilespmem:$0x1FFC0];
	_ =	sdelay $0x2  }
0x12f: {  	[tilespmem:v3+s11+$0x0] =	vst.idx.add.f32.msk $0xffff, v2  }
0x130: {  	v3 =	vor.u32 v60, v51;
	v2 =	vld.idx.msk [tilespmem:v55+s14+$0x0], $0xffff  }
0x131: {  	v61 =	vor.u32 v15, v52  }
0x132: {  	v62 =	vld [tilespmem:$0x1FFB0];
	_ =	sdelay $0x2  }
0x133: {  	[tilespmem:v3+s11+$0x0] =	vst.idx.add.f32.msk $0xffff, v2  }
0x134: {  	v3 =	vor.u32 v15, v51;
	v2 =	vld.idx.msk [tilespmem:v61+s14+$0x0], $0xffff  }
0x135: {  	v52 =	vor.u32 v62, v52;
	_ =	sdelay $0x3  }
0x136: {  	[tilespmem:v3+s11+$0x0] =	vst.idx.add.f32.msk $0xffff, v2  }
0x137: {  	v3 =	vor.u32 v62, v51;
	v2 =	vld.idx.msk [tilespmem:v52+s14+$0x0], $0xffff;
	_ =	sdelay $0x4  }
0x138: {  	[tilespmem:v3+s11+$0x0] =	vst.idx.add.f32.msk $0xffff, v2;
	v3 =	vmovc v4;
	v4 =	vmov v5;
	v5 =	vmov v6;
	v6 =	vmov v7  }
0x139: {  	v7 =	vmovc v8;
	v8 =	vmovc v9;
	v9 =	vmov v10;
	v10 =	vmov v11;
	v11 =	vmov v12  }
0x13a: {  	v12 =	vmovc v13;
	v13 =	vmovc v14;
	v14 =	vmov v38;
	v38 =	vmov v16;
	v16 =	vmov v17  }
0x13b: {  	p0 =	sne.s32 s19, $0x70;
	v17 =	vmovc v18;
	v18 =	vmovc v19;
	v19 =	vmov v20;
	v20 =	vmov v21;
	v21 =	vmov v22  }
.Ltmp3:
0x13c: {  	v22 =	vmovc v23;
	v23 =	vmovc v24;
	v24 =	vmov v25;
	v25 =	vmov v26;
	v26 =	vmov v27;
	(pc) =	sbr.rel @p0 .LBB2_3-.Ltmp3, $4  }
0x13d: {  	v27 =	vmovc v28;
	v28 =	vmovc v29;
	v29 =	vmov v30;
	v30 =	vmov v31;
	v31 =	vmov v32  }
0x13e: {  	v32 =	vmovc v33;
	v33 =	vmovc v34;
	v34 =	vmov v35;
	v35 =	vmov v36;
	v36 =	vmov v39  }
0x13f: {  	v39 =	vmovc v42;
	v42 =	vmovc v45;
	v45 =	vmov v50;
	v50 =	vmov v56;
	v56 =	vmov v40  }
0x140: {  	s20 =	sadd.s32 $0x10, s20;
	s19 =	sadd.s32 $0x10, s19;
	v40 =	vmovc v46;
	v46 =	vmovc v48;
	v48 =	vmov v53;
	v53 =	vmov v37;
	v37 =	vld [tilespmem:$0x1FFE0];
	v2 =	vlaneseq.u32  }
0x141: {  	s18 =	sadd.s32 $0x1, s18  }
0x142: {  	p0 =	sne.s32 s18, s17  }
.Ltmp4:
0x143: {  	_ = 	snop;
	(pc) =	sbr.rel @p0 .LBB2_2-.Ltmp4, $4  }
.Ltmp5:
0x144: {  	_ = 	snop;
	(pc) =	sbr.rel @!p0 .LBB2_5-.Ltmp5, $4  }
0x145: {  	_ = 	snop  }
0x146: {  	_ = 	snop  }
0x147: {  	_ = 	snop  }
0x148: {  	_ = 	snop  }
.LBB2_6:
0x149: {  	_ =	sfence.sel $0x180000  }
0x14a: {  	[bflag:$0x0] =	sbarrier.arrive $0xFFFF  }
0x14b: {  	p0 =	sne.s32 s2, $0x0;
	_ =	strace $0x9000004A  }
0x14c: {  	s0 =	sadd.s32 @!p0 $0x100000, s0;
	[bflag:$0x2] =	sbarrier.arrive $0xFFFF  }
0x14d: {  	[sflag:s0] =	ssyncadd.tile.s32 @!p0 $0x1;
	_ =	shalt  }
.Lfunc_end2:
_tile_overlayer_lowered:
.L_overlay_start_2:
0x14e: {  	(tag) =	ssettag $0x2  }
0x14f: {  	s0 =	rddreg [dreg:$0x0];
	s2 =	stileid.u32  }
0x150: {  	s1 =	rddreg [dreg:$0x1];
	p0 =	sne.s32 s2, $0x0  }
0x151: {  	s3 =	rddreg [dreg:$0x2];
	[bflag:$0x3] =	sbarrier.arrive $0xFFFF;
	s2 =	simm.s32 @!p0 $0x1C02  }
0x152: {  	[timem:s3], [sflag:s2] =	dma.local @!p0 [hbm:s0], s1  }
0x153: {  	s0 =	simm.s32 @!p0 $0x2  }
0x154: {  	_ =	swait.ge @!p0 [sflag:s0], s1  }
0x155: {  	s1 =	ssub.s32 @!p0 $0x0, s1;
	[sflag:s0] =	ssyncset.done @!p0 $0x0  }
0x156: {  	[sflag:s0] =	ssyncadd.s32 @!p0 s1  }
0x157: {  	[bflag:$0x3] =	sbarrier.arrive $0xFFFF  }
0x158: {  	_ =	shalt  }

// kernel: kernel.14.cloned.1.call-start
scs
__scs_entry_jumppad:
0x0: {  	(pc) =	sbr.rel $0x88, $3  }
0x1: {  	(tag) =	ssettag $0x0;
	lr =	simm.s32 $0x1  }
0x2: {  	[smem:$0x3F98] =	sst lr;
	_ =	strace $0xD0000000  }
0x3: {  	_ = 	snop  }
0x4: {  	_ = 	snop  }
0x5: {  	_ = 	snop  }
0x6: {  	_ = 	snop  }
0x7: {  	_ = 	snop  }
__scs_overlays_trampoline_lowered:
0x8: {  	[smem:$0x3FA7] =	sst s0  }
0x9: {  	[smem:$0x3FA8] =	sst s1  }
0xa: {  	[smem:$0x3FA9] =	sst s2  }
0xb: {  	[smem:$0x3FAA] =	sst s3  }
0xc: {  	[smem:$0x3FAB] =	sst s4  }
0xd: {  	[smem:$0x3FAC] =	sst s5  }
0xe: {  	[smem:$0x3FAD] =	sst s6  }
0xf: {  	[smem:$0x3FAE] =	sst s7  }
0x10: {  	[smem:$0x3FAF] =	sst s8  }
0x11: {  	[smem:$0x3FB0] =	sst s9;
	s0 =	simm.s32 @!p0 $0x0  }
0x12: {  	s1 =	sld [smem:$0x3F96];
	s0 =	simm.s32 @p0 $0x1  }
0x13: {  	[smem:$0x3FB1] =	sst s0;
	s0 =	simm.s32 @!p1 $0x0  }
0x14: {  	s2 =	sld [smem:$0x3F95];
	s0 =	simm.s32 @p1 $0x1  }
0x15: {  	[smem:$0x3FB2] =	sst s0;
	s0 =	simm.s32 @!p2 $0x0  }
0x16: {  	s3 =	sld [smem:$0x3FDB];
	s0 =	simm.s32 @p2 $0x1  }
0x17: {  	s4 =	simm.s32 $0x1BF5;
	[smem:$0x3FB4] =	sst s0  }
0x18: {  	s0 =	sld [smem:$0x3F97];
	_ =	swait.ge [sflag:s4], $0x0  }
0x19: {  	s7 =	sld [smem:$0x3F98]  }
0x1a: {  	s8 =	sadd.s32 $0xFFFFE003, lr  }
0x1b: {  	s9 =	sadd.s32 $0xFFFFFEF7, lr;
	s5 =	simm.s32 $0xFFFFFFFF;
	p2 =	slt.u32 s8, $0xFFFFF086  }
0x1c: {  	p1 =	slt.u32 s9, $0xF7A;
	s5 =	simm.s32 @!p2 $0x0  }
0x1d: {  	s5 =	simm.s32 @p1 $0x1;
	p0 =	seq.s32 s7, s2  }
0x1e: {  	s7 =	smul.u32 @!p0 $0xF7A, s2;
	p2 =	seq.s32 @!p0 s5, $0x0  }
0x1f: {  	s9 =	smul.u32 $0xF7A, s1;
	s8 =	simm.s32 @!p0 $0x1BF5;
	p2 =	por !p2, p0  }
0x20: {  	[sflag:s8] =	ssyncset.s32 @!p0 $0xFFFFF086;
	s6 =	sadd.s32 @!p0 s3, s7;
	s7 =	simm.s32 @!p0 $0x108  }
0x21: {  	s3 =	sadd.s32 s3, s9;
	s6 =	sadd.s32 @!p0 $0x88, s6;
	s7 =	simm.s32 @p2 $0x1082  }
0x22: {  	[simem:s7], [sflag:s8] =	dma.local @!p0 [hbm:s6], $0xF7A  }
0x23: {  	s9 =	sor.u32 $0xD0000000, s2;
	s6 =	simm.s32 $0x108;
	_ =	swait.ge @!p0 [sflag:s8], $0x0  }
0x24: {  	s3 =	sadd.s32 $0x88, s3;
	s6 =	simm.s32 @!p1 $0x1082;
	[sflag:s4] =	ssyncset.s32 $0xFFFFF086  }
0x25: {  	[simem:s6], [sflag:s4] =	dma.local [hbm:s3], $0xF7A  }
0x26: {  	[smem:$0x3F98] =	sst s1;
	(tag) =	ssettag s2;
	_ =	strace s9  }
0x27: {  	s1 =	sld [smem:$0x3FA8]  }
0x28: {  	s2 =	sld [smem:$0x3FA9]  }
0x29: {  	s4 =	sld [smem:$0x3FAB]  }
0x2a: {  	p0 =	seq.s32 s5, $0x0;
	s5 =	sld [smem:$0x3FAC]  }
0x2b: {  	s6 =	sld [smem:$0x3FAD]  }
0x2c: {  	s7 =	sld [smem:$0x3FAE]  }
0x2d: {  	s3 =	simm.s32 $0x108;
	s8 =	sld [smem:$0x3FAF]  }
0x2e: {  	s3 =	simm.s32 @!p0 $0x1082;
	s9 =	sld [smem:$0x3FB0]  }
0x2f: {  	lr =	sadd.s32 s0, s3;
	s0 =	sld [smem:$0x3FA7]  }
0x30: {  	s3 =	sld [smem:$0x3FAA]  }
0x31: {  	[smem:$0x3FB3] =	sst s10  }
0x32: {  	s10 =	sld [smem:$0x3FB1];
	_ =	sdelay $0x3  }
0x33: {  	p0 =	seq.s32 s10, $0x1;
	s10 =	sld [smem:$0x3FB3];
	_ =	sdelay $0x3  }
0x34: {  	[smem:$0x3FB3] =	sst s10  }
0x35: {  	s10 =	sld [smem:$0x3FB2];
	_ =	sdelay $0x3  }
0x36: {  	p1 =	seq.s32 s10, $0x1;
	s10 =	sld [smem:$0x3FB3];
	_ =	sdelay $0x3  }
0x37: {  	[smem:$0x3FB3] =	sst s10  }
0x38: {  	s10 =	sld [smem:$0x3FB4]  }
0x39: {  	_ = 	snop;
	(pc) =	sbr.ind lr, $3  }
0x3a: {  	_ = 	snop  }
0x3b: {  	_ = 	snop  }
0x3c: {  	p2 =	seq.s32 s10, $0x1;
	s10 =	sld [smem:$0x3FB3]  }
0x3d: {  	_ =	shalt  }
0x3e: {  	_ =	shalt  }
0x3f: {  	_ =	shalt  }
0x40: {  	_ =	shalt  }
0x41: {  	_ =	shalt  }
0x42: {  	_ =	shalt  }
0x43: {  	_ =	shalt  }
0x44: {  	_ =	shalt  }
0x45: {  	_ =	shalt  }
0x46: {  	_ =	shalt  }
0x47: {  	_ =	shalt  }
0x48: {  	_ =	shalt  }
0x49: {  	_ =	shalt  }
0x4a: {  	_ =	shalt  }
0x4b: {  	_ =	shalt  }
0x4c: {  	_ =	shalt  }
0x4d: {  	_ =	shalt  }
0x4e: {  	_ =	shalt  }
0x4f: {  	_ =	shalt  }
0x50: {  	_ =	shalt  }
0x51: {  	_ =	shalt  }
0x52: {  	_ =	shalt  }
0x53: {  	_ =	shalt  }
0x54: {  	_ =	shalt  }
0x55: {  	_ =	shalt  }
0x56: {  	_ =	shalt  }
0x57: {  	_ =	shalt  }
0x58: {  	_ =	shalt  }
0x59: {  	_ =	shalt  }
0x5a: {  	_ =	shalt  }
0x5b: {  	_ =	shalt  }
0x5c: {  	_ =	shalt  }
0x5d: {  	_ =	shalt  }
0x5e: {  	_ =	shalt  }
0x5f: {  	_ =	shalt  }
0x60: {  	_ =	shalt  }
0x61: {  	_ =	shalt  }
0x62: {  	_ =	shalt  }
0x63: {  	_ =	shalt  }
0x64: {  	_ =	shalt  }
0x65: {  	_ =	shalt  }
0x66: {  	_ =	shalt  }
0x67: {  	_ =	shalt  }
0x68: {  	_ =	shalt  }
0x69: {  	_ =	shalt  }
0x6a: {  	_ =	shalt  }
0x6b: {  	_ =	shalt  }
0x6c: {  	_ =	shalt  }
0x6d: {  	_ =	shalt  }
0x6e: {  	_ =	shalt  }
0x6f: {  	_ =	shalt  }
0x70: {  	_ =	shalt  }
0x71: {  	_ =	shalt  }
0x72: {  	_ =	shalt  }
0x73: {  	_ =	shalt  }
0x74: {  	_ =	shalt  }
0x75: {  	_ =	shalt  }
0x76: {  	_ =	shalt  }
0x77: {  	_ =	shalt  }
0x78: {  	_ =	shalt  }
0x79: {  	_ =	shalt  }
0x7a: {  	_ =	shalt  }
0x7b: {  	_ =	shalt  }
0x7c: {  	_ =	shalt  }
0x7d: {  	_ =	shalt  }
0x7e: {  	_ =	shalt  }
0x7f: {  	_ =	shalt  }
0x80: {  	_ =	shalt  }
0x81: {  	_ =	shalt  }
0x82: {  	_ =	shalt  }
0x83: {  	_ =	shalt  }
0x84: {  	_ =	shalt  }
0x85: {  	_ =	shalt  }
0x86: {  	_ =	shalt  }
0x87: {  	_ =	shalt  }
.Lfunc_end0:
.L_simem_size_0:
called_computation.2_lowered:
.L_overlay_start_0:
0x88: {  	s2 =	sld [smem:$0x3FD9]  }
0x89: {  	s3 =	sld [smem:$0x3FFE];
	_ =	sdelay $0x1  }
0x8a: {  	s1 =	srdreg.scid  }
0x8b: {  	s0 =	sand.u32 $0x1, s1  }
0x8c: {  	s16 =	sshll.u32 s0, $0xA;
	s2 =	sadd.s32 s3, s2  }
0x8d: {  	s2 =	sadd.s32 s2, s16  }
0x8e: {  	[smem:$0x3FBF] =	sst s2  }
0x8f: {  	_ = 	snop  }
0x90: {  	(tm) =	ssettm $0x1  }
0x91: {  	s17 =	sld [smem:$0x3FFB];
	_ =	sdelay $0x3  }
0x92: {  	_ =	strace s17  }
0x93: {  	s2 =	sld [smem:$0x3FFC];
	_ =	sdelay $0x3  }
0x94: {  	_ =	strace s2  }
0x95: {  	s2 =	sld [smem:$0x3FFD];
	_ =	sdelay $0x3  }
0x96: {  	_ =	strace s2  }
0x97: {  	_ =	strace $0x8FFFFFFF  }
0x98: {  	s18 =	sld [smem:$0x3FDB];
	_ =	sdelay $0x1  }
0x99: {  	s19 =	simm.s32 $_scs_section_size  }
0x9a: {  	s4 =	simm.s32 $_size__tile_overlayer_lowered;
	s5 =	simm.s32 $_tile_overlayer_lowered  }
0x9b: {  	s22 =	simm.s32 $0x1BFF;
	s21 =	sshll.u32 s5, $0x1;
	s2 =	sadd.s32 s19, s18  }
0x9c: {  	s6 =	simm.s32 $0x0;
	s20 =	sshll.u32 s4, $0x1;
	s4 =	sadd.s32 s21, s2  }
0x9d: {  	[timem:s6], [sflag:s22] =	dma.local [hbm:s4], s20  }
0x9e: {  	_ =	swait.ge [sflag:s22], s20  }
0x9f: {  	s3 =	ssub.s32 $0x0, s20;
	[sflag:s22] =	ssyncset.done $0x0  }
0xa0: {  	[sflag:s22] =	ssyncadd.s32 s3;
	_ =	sdelay $0x1  }
0xa1: {  	s23 =	simm.s32 $0x1B8B  }
0xa2: {  	_ =	swait.ge [sflag:s23], $0x1  }
0xa3: {  	[sflag:s23] =	ssyncset.done $0x0  }
0xa4: {  	s25 =	simm.s32 $0x1B8E;
	s24 =	sld [smem:$0x3FFE];
	[sflag:s23] =	ssyncadd.s32 $0xFFFFFFFF  }
0xa5: {  	s26 =	simm.s32 $execute0_lowered;
	[smem:$0x3FD2] =	sst s25  }
0xa6: {  	s4 =	sshll.u32 s26, $0x1;
	_ =	strace $0x8000004C;
	[dreg:$0x1] =	wrdreg $0xFFFFFFFF  }
0xa7: {  	s28 =	simm.s32 $_size_execute0_lowered;
	s2 =	sadd.s32 s2, s4;
	[dreg:$0x0] =	wrdreg $0x0  }
0xa8: {  	s4 =	sshll.u32 s28, $0x1;
	[dreg:$0x2] =	wrdreg s2  }
0xa9: {  	[dreg:$0x3] =	wrdreg s4  }
0xaa: {  	[dreg:$0x4] =	wrdreg $0xC0  }
0xab: {  	_ =	task [dreg:s6], $0x5FFFF  }
0xac: {  	[dreg:$0x1] =	wrdreg $0xFFFFFFFF  }
0xad: {  	[dreg:$0x0] =	wrdreg $0x60  }
0xae: {  	[dreg:$0x2] =	wrdreg s24  }
0xaf: {  	[dreg:$0x3] =	wrdreg $0x9  }
0xb0: {  	_ =	task.clear_ibuf [dreg:s6], $0x4FFFF;
	_ =	strace $0x9000004C  }
0xb1: {  	s29 =	simm.s32 $0x9;
	_ =	strace $0x8000004E  }
0xb2: {  	_ =	swait.ge [sflag:s29], $0x1  }
0xb3: {  	[sflag:s29] =	ssyncadd.s32 $0xFFFFFFFF  }
0xb4: {  	_ =	strace $0x9000004E  }
0xb5: {  	_ =	sfence  }
0xb6: {  	s30 =	sld [smem:$0x0];
	_ =	sdelay $0x2  }
0xb7: {  	s31 =	sshll.u32 s1, $0xD;
	s1 =	sshrl.u32 s1, $0x2  }
0xb8: {  	s3 =	sand.u32 $0x4000, s31;
	s1 =	sadd.s32 s1, s30  }
0xb9: {  	s0 =	sor.u32 s3, s0;
	s1 =	sshll.u32 s1, $0x11  }
0xba: {  	s0 =	sor.u32 s1, s0  }
0xbb: {  	s0 =	sadd.s32 $0x8F2B, s0  }
0xbc: {  	[sflag:s0] =	ssyncadd.remote.s32 $0x1  }
0xbd: {  	_ =	sfence.sel $0xFFFF  }
0xbe: {  	[dreg:$0x0] =	wrdreg $0xFFFFFFFF;
	(pc) =	sbr.abs _section_cstart, $3  }
0xbf: {  	[dreg:$0x1] =	wrdreg $0xFFFFFFFF  }
0xc0: {  	_ =	task.clear_ibuf [dreg:s6], $0x2FFFF;
	_ =	strace $0x9FFFFFFF  }
0xc1: {  	(tm) =	ssettm $0x7FFFFFFF  }
tec
execute0_lowered:
.L_overlay_start_1:
0x0: {  	(tag) =	ssettag $0x1  }
0x1: {  	v2 =	vlaneseq.u32;
	v0 =	vimm.s32 $0x34333231;
	v1 =	vimm.s32 $0x38373635  }
0x2: {  	v37 =	vimm.s32 $0x3C3B3A39;
	v15 =	vimm.s32 $0x3F3E3D;
	vm0 =	vcmask $0x1F10  }
0x3: {  	v57 =	vimm.s32 $0x35343332;
	v58 =	vimm.s32 $0x39383736;
	v59 =	vimm.s32 $0x3D3C3B3A  }
0x4: {  	v42 =	vimm.s32 $0x1003F3E;
	v60 =	vimm.s32 $0x36353433;
	v61 =	vimm.s32 $0x3020100  }
0x5: {  	v46 =	vimm.s32 $0x3A393837;
	v47 =	vimm.s32 $0x201003F;
	v48 =	vimm.s32 $0x3F3E3D3C  }
0x6: {  	v49 =	vimm.s32 $0x37363534;
	v50 =	vimm.s32 $0x3B3A3938;
	v55 =	vimm.s32 $0x43218765  }
0x7: {  	vm1 =	vcmask $0x2F10;
	vm2 =	vcmask $0x3F30;
	v3 =	vmul.u32 $0x80, v2  }
0x8: {  	v4 =	vadd.s32 $0x1, v2;
	v5 =	vadd.s32 $0x2, v2;
	v6 =	vadd.s32 $0x3, v2  }
0x9: {  	v7 =	vadd.s32 $0x4, v2;
	v8 =	vadd.s32 $0x5, v2;
	v9 =	vadd.s32 $0x6, v2  }
0xa: {  	v10 =	vadd.s32 $0x7, v2;
	v11 =	vadd.s32 $0x8, v2;
	v12 =	vadd.s32 $0x9, v2  }
0xb: {  	v13 =	vadd.s32 $0xA, v2;
	v14 =	vadd.s32 $0xB, v2;
	v38 =	vadd.s32 $0xC, v2  }
0xc: {  	v16 =	vadd.s32 $0xD, v2;
	v17 =	vadd.s32 $0xE, v2;
	v18 =	vadd.s32 $0xF, v2  }
0xd: {  	v19 =	vor.u32 $0x10, v2;
	v20 =	vadd.s32 $0x11, v2;
	v21 =	vadd.s32 $0x12, v2  }
0xe: {  	v22 =	vadd.s32 $0x13, v2;
	v23 =	vadd.s32 $0x14, v2;
	v24 =	vadd.s32 $0x15, v2  }
0xf: {  	v25 =	vadd.s32 $0x16, v2;
	v26 =	vadd.s32 $0x17, v2;
	v27 =	vadd.s32 $0x18, v2  }
0x10: {  	v28 =	vadd.s32 $0x19, v2;
	v29 =	vadd.s32 $0x1A, v2;
	v30 =	vadd.s32 $0x1B, v2  }
0x11: {  	v31 =	vadd.s32 $0x1C, v2;
	v32 =	vadd.s32 $0x1D, v2;
	v33 =	vadd.s32 $0x1E, v2  }
0x12: {  	v34 =	vadd.s32 $0x1F, v2;
	v35 =	vor.u32 $0x20, v2;
	v36 =	vadd.s32 $0x21, v2  }
0x13: {  	v39 =	vadd.s32 $0x22, v2;
	v63 =	vadd.s32 $0x23, v2;
	v0 =	vunpack.c.0.s8.s32 v0  }
0x14: {  	v40 =	vunpack.c.0.s8.s32 v1;
	v41 =	vunpack.c.0.s8.s32 v37;
	v1 =	vunpack.c.0.s8.s32 v15  }
0x15: {  	v43 =	vadd.s32 $0x24, v2;
	v37 =	vunpack.c.0.s8.s32 v57;
	v44 =	vunpack.c.0.s8.s32 v58  }
0x16: {  	v45 =	vadd.s32 $0x26, v2;
	v51 =	vunpack.c.0.s8.s32 v48;
	v62 =	vunpack.c.0.s8.s32 v49  }
0x17: {  	v56 =	vunpack.c.0.s8.s32 v50;
	v50 =	vunpack.c.0.s8.s32 v46;
	v57 =	vimm.s32 $0x87654321  }
0x18: {  	v52 =	vunpack.c.0.s8.s32 v47;
	v46 =	vunpack.c.l.s4.s8 v57;
	[tilespmem:$0x1FEE0] =	vst v40;
	v0 =	vsel vm0, v40, v0  }
0x19: {  	[tilespmem:$0x1FEF0] =	vst v41;
	v15 =	vsel vm0, v1, v41;
	v41 =	vunpack.c.0.s8.s32 v59;
	v40 =	vunpack.c.0.s8.s32 v42  }
0x1a: {  	v42 =	vadd.s32 $0x25, v2;
	v58 =	vsel vm0, v56, v62;
	v0 =	vcombine.low v0, v15  }
0x1b: {  	v59 =	vimm.s32 $0x4030201;
	v62 =	vimm.s32 $0x98765432;
	v46 =	vunpack.c.0.s8.s32 v46  }
0x1c: {  	v49 =	vunpack.c.l.s4.s8 v62;
	[tilespmem:$0x1FF00] =	vst v0;
	v0 =	vsel vm0, v44, v37;
	v37 =	vsel vm0, v40, v41  }
0x1d: {  	[tilespmem:$0x1FF20] =	vst v41;
	v41 =	vunpack.c.0.s8.s32 v61;
	v61 =	vimm.s32 $0x5040302;
	v46 =	vand.u32 $0xF, v46  }
0x1e: {  	[tilespmem:$0x1FF10] =	vst v44;
	v44 =	vcombine.low v0, v37;
	v0 =	vunpack.c.0.s8.s32 v60;
	v60 =	vimm.s32 $0x32107654  }
0x1f: {  	v48 =	vunpack.c.0.s8.s32 v61;
	v57 =	vcombine.low v15, v46;
	v15 =	vunpack.c.0.s8.s32 v49  }
0x20: {  	v46 =	vunpack.c.l.s4.s8 v55;
	v49 =	vimm.s32 $0xC0B0A09;
	v41 =	vsel vm0, v41, v51  }
0x21: {  	v47 =	vunpack.c.l.s4.s8 v60;
	v41 =	vcombine.low v58, v41;
	v53 =	vsel vm0, v48, v40  }
0x22: {  	v58 =	vimm.s32 $0xB0A0908;
	v15 =	vand.u32 $0xF, v15;
	v46 =	vunpack.c.0.s8.s32 v46  }
0x23: {  	v47 =	vunpack.c.0.s8.s32 v47;
	[tilespmem:$0x1FF50] =	vst v53;
	v62 =	vcombine.low v37, v15;
	v53 =	vimm.s32 $0x6050403  }
0x24: {  	[tilespmem:$0x1FF40] =	vst v41;
	v41 =	vunpack.c.0.s8.s32 v59;
	v59 =	vimm.s32 $0x54329876;
	v15 =	vand.u32 $0xF, v46  }
0x25: {  	v54 =	vand.u32 $0xF, v47;
	v47 =	vunpack.c.0.s8.s32 v58;
	v48 =	vunpack.c.l.s4.s8 v59  }
0x26: {  	[tilespmem:$0x1FF30] =	vst v56;
	v61 =	vunpack.c.0.s8.s32 v53;
	v56 =	vsel vm0, v41, v1;
	v41 =	vsel vm1, v54, v51  }
0x27: {  	v54 =	vsel vm2, v47, v41;
	v41 =	vunpack.c.0.s8.s32 v49;
	v37 =	vunpack.c.0.s8.s32 v48  }
0x28: {  	s7 =	rddreg [dreg:$0x0];
	[tilespmem:$0x1FF60] =	vst v51;
	v58 =	vimm.s32 $0xD0C0B0A;
	v51 =	vimm.s32 $0x6543A987;
	v1 =	vsel vm1, v15, v1  }
0x29: {  	s0 =	rddreg [dreg:$0x1];
	s1 =	simm.s32 $0x0;
	s2 =	srdreg.scid;
	v46 =	vunpack.c.l.s4.s8 v51;
	v60 =	vsel vm2, v41, v1;
	v1 =	vand.u32 $0xF, v37  }
0x2a: {  	s13 =	simm.s32 $0x4100;
	s14 =	simm.s32 $0x100;
	[smem:$0x7FF] =	sst s1;
	v15 =	vimm.s32 $0xA9876543;
	v1 =	vsel vm1, v1, v40;
	v40 =	vunpack.c.0.s8.s32 v58  }
0x2b: {  	s15 =	simm.s32 $0x1;
	s16 =	simm.s32 $0x0;
	v59 =	vimm.s32 $0xE0D0C0B;
	_ =	strace $0x8000004D;
	[tilespmem:$0x1FF70] =	vst v50;
	v51 =	vunpack.c.l.s4.s8 v15;
	v55 =	vunpack.c.0.s8.s32 v46  }
0x2c: {  	s6 =	sand.u32 $0x1, s2;
	s2 =	stileid.u32;
	s3 =	sadd.s32 $0x152600, s7;
	[tilespmem:$0x1FFF0] =	vst v62;
	v15 =	vsel vm2, v40, v1;
	v40 =	vsel vm0, v50, v0;
	v0 =	vsel vm0, v61, v52  }
0x2d: {  	s5 =	sadd.s32 $0xB5000, s7;
	s4 =	sshll.u32 s6, $0x4;
	s9 =	smul.u32 $0x27800, s6;
	v41 =	vunpack.c.0.s8.s32 v59;
	v37 =	vand.u32 $0xF, v55;
	v61 =	vor.u32 $0x30, v2;
	[tilespmem:$0x1FF80] =	vst v0  }
0x2e: {  	s11 =	smul.u32 $0x2780, s2;
	s12 =	ssub.s32 $0x2, s6;
	s8 =	sor.u32 s2, s4;
	v55 =	vunpack.c.0.s8.s32 v51;
	v37 =	vsel vm1, v37, v52;
	v1 =	vimm.s32 $0x76543210;
	[tilespmem:$0x1FFA0] =	vst v61  }
.Ltmp0:
0x2f: {  	s6 =	sadd.s32 $0x3400, s7;
	s10 =	sshll.u32 s8, $0x1;
	v53 =	vimm.s32 $0x3E3D3C3B;
	v59 =	vsel vm2, v41, v37;
	v1 =	vunpack.c.l.s4.s8 v1;
	[tilespmem:$0x1FFC0] =	vst v15;
	(pc) =	sbr.rel .LBB2_1-.Ltmp0, $4  }
0x30: {  	s4 =	sadd.s32 $0x17C00, s7;
	s9 =	sadd.s32 s11, s9;
	s10 =	sadd.s32 s10, s7;
	v47 =	vadd.s32 $0x2A, v2;
	v48 =	vadd.s32 $0x2B, v2;
	v55 =	vand.u32 $0xF, v55;
	[tilespmem:$0x1FFB0] =	vst v59  }
0x31: {  	s31 =	sshrl.u32 s12, $0x1;
	s9 =	sadd.s32 s9, s7;
	s7 =	sadd.s32 $0x152400, s10;
	v49 =	vadd.s32 $0x2C, v2;
	v37 =	vadd.s32 $0x2E, v2;
	[tilespmem:$0x1FFD0] =	vst v55;
	v0 =	vunpack.c.0.s8.s32 v1  }
0x32: {  	s11 =	ssub.s32 s12, s31;
	s8 =	smul.u32 $0x4EA, s8;
	s9 =	sadd.s32 $0x1A1600, s9;
	v46 =	vadd.s32 $0x29, v2;
	v58 =	vunpack.c.0.s8.s32 v53;
	v53 =	vadd.s32 $0x2F, v2;
	[tilespmem:$0x1FFE0] =	vst v37  }
0x33: {  	s12 =	simm.s32 $0x2;
	s10 =	smax.u32 s11, $0x1;
	s11 =	simm.s32 $0x4180;
	v50 =	vmovc v52;
	v41 =	vadd.s32 $0x28, v2;
	v1 =	vadd.s32 $0x27, v2;
	[tilespmem:$0x1FF90] =	vst v0;
	v0 =	vadd.s32 $0x2D, v2  }
.LBB2_5:
0x34: {  	s16 =	sadd.s32 $0x1, s16  }
0x35: {  	p0 =	sne.s32 s16, s10  }
.Ltmp1:
0x36: {  	_ = 	snop;
	(pc) =	sbr.rel @!p0 .LBB2_6-.Ltmp1, $4  }
0x37: {  	[hbm4b:s9+s1] =	stream.linear.scatter [tilespmem:s11], [sflag:$0x2], $0x13C00, $0x38;
	[tilespmem:$0x18180] =	vst v63  }
0x38: {  	_ =	swait.ge [sflag:s12], $0x13C00  }
0x39: {  	[sflag:s12] =	ssyncset.done $0x0  }
0x3a: {  	[sflag:s12] =	ssyncadd.s32 $0xFFFEC400  }
.LBB2_1:
0x3b: {  	[tilespmem:s11], [sflag:$0x2] =	stream.linear.gather [hbm4b:s6+s1], $0x14000, $0x38;
	[tilespmem:$0x18180] =	vst v63  }
0x3c: {  	_ =	swait.ge [sflag:s12], $0x14000  }
0x3d: {  	[sflag:s12] =	ssyncset.done $0x0  }
0x3e: {  	[sflag:s12] =	ssyncadd.s32 $0xFFFEC000  }
0x3f: {  	[tilespmem:s13], [sflag:$0x2] =	stream.linear.gather [hbm4b:s7+s1], $0x10, $0x38;
	[tilespmem:$0x18180] =	vst v63  }
0x40: {  	_ =	swait.ge [sflag:s12], $0x10  }
0x41: {  	[sflag:s12] =	ssyncset.done $0x0  }
0x42: {  	[sflag:s12] =	ssyncadd.s32 $0xFFFFFFF0  }
0x43: {  	v51 =	vld [tilespmem:$0x4100];
	_ =	sdelay $0x4  }
0x44: {  	(v2sf) =	vpush v51, $0x0;
	_ =	sdelay $0xe  }
0x45: {  	s17 =	spop (v2sf)  }
0x46: {  	p0 =	slt.s32 s17, $0x1  }
.Ltmp2:
0x47: {  	_ = 	snop;
	(pc) =	sbr.rel @p0 .LBB2_5-.Ltmp2, $2  }
0x48: {  	_ =	sdelay $0x2  }
0x49: {  	s18 =	simm.s32 $0x0  }
.LBB2_2:
0x4a: {  	s19 =	sadd.s32 s8, s18  }
0x4b: {  	s19 =	sshll.u32 s19, $0x4  }
0x4c: {  	s20 =	sand.u32 $0x1FFFFFF0, s19  }
0x4d: {  	s19 =	simm.s32 $0x0;
	s21 =	sadd.s32 s4, s20  }
0x4e: {  	[tilespmem:s19], [sflag:$0x2] =	stream.linear.gather [hbm4b:s21+s19], $0x80, $0x38;
	[tilespmem:$0x18180] =	vst v63  }
0x4f: {  	_ =	swait.ge [sflag:s12], $0x80  }
0x50: {  	[sflag:s12] =	ssyncset.done $0x0  }
0x51: {  	s31 =	sadd.s32 s5, s20;
	s20 =	simm.s32 $0x80;
	[sflag:s12] =	ssyncadd.s32 $0xFFFFFF80  }
0x52: {  	[tilespmem:s20], [sflag:$0x2] =	stream.linear.gather [hbm4b:s31+s19], $0x80, $0x38;
	[tilespmem:$0x18180] =	vst v63  }
0x53: {  	_ =	swait.ge [sflag:s12], $0x80  }
0x54: {  	[sflag:s12] =	ssyncset.done $0x0  }
0x55: {  	[sflag:s12] =	ssyncadd.s32 $0xFFFFFF80  }
0x56: {  	[tilespmem:s14], [sflag:$0x1] =	stream.indirect.gather [hbm4b:s3+s20], $0x80, s19, s20, $0xb8;
	[tilespmem:$0x18180] =	vst v63  }
0x57: {  	_ =	swait.ge [sflag:s15], $0x4000  }
0x58: {  	[sflag:s15] =	ssyncset.done $0x0  }
0x59: {  	[sflag:s15] =	ssyncadd.s32 $0xFFFFC000  }
.LBB2_3:
0x5a: {  	v51 =	vmov s19  }
0x5b: {  	v51 =	vshll.u32 v51, $0x7  }
0x5c: {  	v59 =	vld [tilespmem:s20+$0x0];
	v52 =	vor.u32 v3, v51  }
0x5d: {  	v61 =	vor.u32 v2, v52;
	_ =	sdelay $0x3  }
0x5e: {  	v51 =	vshll.u32 v59, $0x7  }
0x5f: {  	v55 =	vor.u32 v2, v51;
	v59 =	vld.idx.msk [tilespmem:v61+s14+$0x0], $0xffff  }
0x60: {  	v62 =	vor.u32 v4, v52;
	_ =	sdelay $0x3  }
0x61: {  	[tilespmem:v55+s11+$0x0] =	vst.idx.add.f32.msk $0xffff, v59  }
0x62: {  	v61 =	vor.u32 v4, v51;
	v59 =	vld.idx.msk [tilespmem:v62+s14+$0x0], $0xffff  }
0x63: {  	v55 =	vor.u32 v5, v52;
	_ =	sdelay $0x3  }
0x64: {  	[tilespmem:v61+s11+$0x0] =	vst.idx.add.f32.msk $0xffff, v59  }
0x65: {  	v61 =	vor.u32 v5, v51;
	v59 =	vld.idx.msk [tilespmem:v55+s14+$0x0], $0xffff  }
0x66: {  	v55 =	vor.u32 v6, v52;
	_ =	sdelay $0x3  }
0x67: {  	[tilespmem:v61+s11+$0x0] =	vst.idx.add.f32.msk $0xffff, v59  }
0x68: {  	v61 =	vor.u32 v6, v51;
	v59 =	vld.idx.msk [tilespmem:v55+s14+$0x0], $0xffff  }
0x69: {  	v55 =	vor.u32 v7, v52;
	_ =	sdelay $0x3  }
0x6a: {  	[tilespmem:v61+s11+$0x0] =	vst.idx.add.f32.msk $0xffff, v59  }
0x6b: {  	v61 =	vor.u32 v7, v51;
	v59 =	vld.idx.msk [tilespmem:v55+s14+$0x0], $0xffff  }
0x6c: {  	v55 =	vor.u32 v8, v52;
	_ =	sdelay $0x3  }
0x6d: {  	[tilespmem:v61+s11+$0x0] =	vst.idx.add.f32.msk $0xffff, v59  }
0x6e: {  	v61 =	vor.u32 v8, v51;
	v59 =	vld.idx.msk [tilespmem:v55+s14+$0x0], $0xffff  }
0x6f: {  	v55 =	vor.u32 v9, v52;
	_ =	sdelay $0x3  }
0x70: {  	[tilespmem:v61+s11+$0x0] =	vst.idx.add.f32.msk $0xffff, v59  }
0x71: {  	v61 =	vor.u32 v9, v51;
	v59 =	vld.idx.msk [tilespmem:v55+s14+$0x0], $0xffff  }
0x72: {  	v55 =	vor.u32 v10, v52;
	_ =	sdelay $0x3  }
0x73: {  	[tilespmem:v61+s11+$0x0] =	vst.idx.add.f32.msk $0xffff, v59  }
0x74: {  	v61 =	vor.u32 v10, v51;
	v59 =	vld.idx.msk [tilespmem:v55+s14+$0x0], $0xffff  }
0x75: {  	v55 =	vor.u32 v11, v52;
	_ =	sdelay $0x3  }
0x76: {  	[tilespmem:v61+s11+$0x0] =	vst.idx.add.f32.msk $0xffff, v59  }
0x77: {  	v61 =	vor.u32 v11, v51;
	v59 =	vld.idx.msk [tilespmem:v55+s14+$0x0], $0xffff  }
0x78: {  	v55 =	vor.u32 v12, v52;
	_ =	sdelay $0x3  }
0x79: {  	[tilespmem:v61+s11+$0x0] =	vst.idx.add.f32.msk $0xffff, v59  }
0x7a: {  	v61 =	vor.u32 v12, v51;
	v59 =	vld.idx.msk [tilespmem:v55+s14+$0x0], $0xffff  }
0x7b: {  	v55 =	vor.u32 v13, v52;
	_ =	sdelay $0x3  }
0x7c: {  	[tilespmem:v61+s11+$0x0] =	vst.idx.add.f32.msk $0xffff, v59  }
0x7d: {  	v61 =	vor.u32 v13, v51;
	v59 =	vld.idx.msk [tilespmem:v55+s14+$0x0], $0xffff  }
0x7e: {  	v55 =	vor.u32 v14, v52;
	_ =	sdelay $0x3  }
0x7f: {  	[tilespmem:v61+s11+$0x0] =	vst.idx.add.f32.msk $0xffff, v59  }
0x80: {  	v61 =	vor.u32 v14, v51;
	v59 =	vld.idx.msk [tilespmem:v55+s14+$0x0], $0xffff  }
0x81: {  	v55 =	vor.u32 v38, v52;
	_ =	sdelay $0x3  }
0x82: {  	[tilespmem:v61+s11+$0x0] =	vst.idx.add.f32.msk $0xffff, v59  }
0x83: {  	v61 =	vor.u32 v38, v51;
	v59 =	vld.idx.msk [tilespmem:v55+s14+$0x0], $0xffff  }
0x84: {  	v55 =	vor.u32 v16, v52;
	_ =	sdelay $0x3  }
0x85: {  	[tilespmem:v61+s11+$0x0] =	vst.idx.add.f32.msk $0xffff, v59  }
0x86: {  	v61 =	vor.u32 v16, v51;
	v59 =	vld.idx.msk [tilespmem:v55+s14+$0x0], $0xffff  }
0x87: {  	v55 =	vor.u32 v17, v52;
	_ =	sdelay $0x3  }
0x88: {  	[tilespmem:v61+s11+$0x0] =	vst.idx.add.f32.msk $0xffff, v59  }
0x89: {  	v61 =	vor.u32 v17, v51;
	v59 =	vld.idx.msk [tilespmem:v55+s14+$0x0], $0xffff  }
0x8a: {  	v55 =	vor.u32 v18, v52;
	_ =	sdelay $0x3  }
0x8b: {  	[tilespmem:v61+s11+$0x0] =	vst.idx.add.f32.msk $0xffff, v59  }
0x8c: {  	v61 =	vor.u32 v18, v51;
	v59 =	vld.idx.msk [tilespmem:v55+s14+$0x0], $0xffff  }
0x8d: {  	v55 =	vor.u32 v19, v52;
	_ =	sdelay $0x3  }
0x8e: {  	[tilespmem:v61+s11+$0x0] =	vst.idx.add.f32.msk $0xffff, v59  }
0x8f: {  	v61 =	vor.u32 v19, v51;
	v59 =	vld.idx.msk [tilespmem:v55+s14+$0x0], $0xffff  }
0x90: {  	v55 =	vor.u32 v20, v52;
	_ =	sdelay $0x3  }
0x91: {  	[tilespmem:v61+s11+$0x0] =	vst.idx.add.f32.msk $0xffff, v59  }
0x92: {  	v61 =	vor.u32 v20, v51;
	v59 =	vld.idx.msk [tilespmem:v55+s14+$0x0], $0xffff  }
0x93: {  	v55 =	vor.u32 v21, v52;
	_ =	sdelay $0x3  }
0x94: {  	[tilespmem:v61+s11+$0x0] =	vst.idx.add.f32.msk $0xffff, v59  }
0x95: {  	v61 =	vor.u32 v21, v51;
	v59 =	vld.idx.msk [tilespmem:v55+s14+$0x0], $0xffff  }
0x96: {  	v55 =	vor.u32 v22, v52;
	_ =	sdelay $0x3  }
0x97: {  	[tilespmem:v61+s11+$0x0] =	vst.idx.add.f32.msk $0xffff, v59  }
0x98: {  	v61 =	vor.u32 v22, v51;
	v59 =	vld.idx.msk [tilespmem:v55+s14+$0x0], $0xffff  }
0x99: {  	v55 =	vor.u32 v23, v52;
	_ =	sdelay $0x3  }
0x9a: {  	[tilespmem:v61+s11+$0x0] =	vst.idx.add.f32.msk $0xffff, v59  }
0x9b: {  	v61 =	vor.u32 v23, v51;
	v59 =	vld.idx.msk [tilespmem:v55+s14+$0x0], $0xffff  }
0x9c: {  	v55 =	vor.u32 v24, v52;
	_ =	sdelay $0x3  }
0x9d: {  	[tilespmem:v61+s11+$0x0] =	vst.idx.add.f32.msk $0xffff, v59  }
0x9e: {  	v61 =	vor.u32 v24, v51;
	v59 =	vld.idx.msk [tilespmem:v55+s14+$0x0], $0xffff  }
0x9f: {  	v55 =	vor.u32 v25, v52;
	_ =	sdelay $0x3  }
0xa0: {  	[tilespmem:v61+s11+$0x0] =	vst.idx.add.f32.msk $0xffff, v59  }
0xa1: {  	v61 =	vor.u32 v25, v51;
	v59 =	vld.idx.msk [tilespmem:v55+s14+$0x0], $0xffff  }
0xa2: {  	v55 =	vor.u32 v26, v52;
	_ =	sdelay $0x3  }
0xa3: {  	[tilespmem:v61+s11+$0x0] =	vst.idx.add.f32.msk $0xffff, v59  }
0xa4: {  	v61 =	vor.u32 v26, v51;
	v59 =	vld.idx.msk [tilespmem:v55+s14+$0x0], $0xffff  }
0xa5: {  	v55 =	vor.u32 v27, v52;
	_ =	sdelay $0x3  }
0xa6: {  	[tilespmem:v61+s11+$0x0] =	vst.idx.add.f32.msk $0xffff, v59  }
0xa7: {  	v61 =	vor.u32 v27, v51;
	v59 =	vld.idx.msk [tilespmem:v55+s14+$0x0], $0xffff  }
0xa8: {  	v55 =	vor.u32 v28, v52;
	_ =	sdelay $0x3  }
0xa9: {  	[tilespmem:v61+s11+$0x0] =	vst.idx.add.f32.msk $0xffff, v59  }
0xaa: {  	v61 =	vor.u32 v28, v51;
	v59 =	vld.idx.msk [tilespmem:v55+s14+$0x0], $0xffff  }
0xab: {  	v55 =	vor.u32 v29, v52;
	_ =	sdelay $0x3  }
0xac: {  	[tilespmem:v61+s11+$0x0] =	vst.idx.add.f32.msk $0xffff, v59  }
0xad: {  	v61 =	vor.u32 v29, v51;
	v59 =	vld.idx.msk [tilespmem:v55+s14+$0x0], $0xffff  }
0xae: {  	v55 =	vor.u32 v30, v52;
	_ =	sdelay $0x3  }
0xaf: {  	[tilespmem:v61+s11+$0x0] =	vst.idx.add.f32.msk $0xffff, v59  }
0xb0: {  	v61 =	vor.u32 v30, v51;
	v59 =	vld.idx.msk [tilespmem:v55+s14+$0x0], $0xffff  }
0xb1: {  	v55 =	vor.u32 v31, v52;
	_ =	sdelay $0x3  }
0xb2: {  	[tilespmem:v61+s11+$0x0] =	vst.idx.add.f32.msk $0xffff, v59  }
0xb3: {  	v61 =	vor.u32 v31, v51;
	v59 =	vld.idx.msk [tilespmem:v55+s14+$0x0], $0xffff  }
0xb4: {  	v55 =	vor.u32 v32, v52;
	_ =	sdelay $0x3  }
0xb5: {  	[tilespmem:v61+s11+$0x0] =	vst.idx.add.f32.msk $0xffff, v59  }
0xb6: {  	v61 =	vor.u32 v32, v51;
	v59 =	vld.idx.msk [tilespmem:v55+s14+$0x0], $0xffff  }
0xb7: {  	v55 =	vor.u32 v33, v52;
	_ =	sdelay $0x3  }
0xb8: {  	[tilespmem:v61+s11+$0x0] =	vst.idx.add.f32.msk $0xffff, v59  }
0xb9: {  	v61 =	vor.u32 v33, v51;
	v59 =	vld.idx.msk [tilespmem:v55+s14+$0x0], $0xffff  }
0xba: {  	v55 =	vor.u32 v34, v52;
	_ =	sdelay $0x3  }
0xbb: {  	[tilespmem:v61+s11+$0x0] =	vst.idx.add.f32.msk $0xffff, v59  }
0xbc: {  	v61 =	vor.u32 v34, v51;
	v59 =	vld.idx.msk [tilespmem:v55+s14+$0x0], $0xffff  }
0xbd: {  	v55 =	vor.u32 v35, v52;
	_ =	sdelay $0x3  }
0xbe: {  	[tilespmem:v61+s11+$0x0] =	vst.idx.add.f32.msk $0xffff, v59  }
0xbf: {  	v61 =	vor.u32 v35, v51;
	v59 =	vld.idx.msk [tilespmem:v55+s14+$0x0], $0xffff  }
0xc0: {  	v55 =	vor.u32 v36, v52;
	_ =	sdelay $0x3  }
0xc1: {  	[tilespmem:v61+s11+$0x0] =	vst.idx.add.f32.msk $0xffff, v59  }
0xc2: {  	v61 =	vor.u32 v36, v51;
	v59 =	vld.idx.msk [tilespmem:v55+s14+$0x0], $0xffff  }
0xc3: {  	v55 =	vor.u32 v39, v52;
	_ =	sdelay $0x3  }
0xc4: {  	[tilespmem:v61+s11+$0x0] =	vst.idx.add.f32.msk $0xffff, v59  }
0xc5: {  	v61 =	vor.u32 v39, v51;
	v59 =	vld.idx.msk [tilespmem:v55+s14+$0x0], $0xffff  }
0xc6: {  	v55 =	vor.u32 v63, v52;
	_ =	sdelay $0x3  }
0xc7: {  	[tilespmem:v61+s11+$0x0] =	vst.idx.add.f32.msk $0xffff, v59  }
0xc8: {  	v61 =	vor.u32 v63, v51;
	v59 =	vld.idx.msk [tilespmem:v55+s14+$0x0], $0xffff  }
0xc9: {  	v55 =	vor.u32 v43, v52;
	_ =	sdelay $0x3  }
0xca: {  	[tilespmem:v61+s11+$0x0] =	vst.idx.add.f32.msk $0xffff, v59  }
0xcb: {  	v61 =	vor.u32 v43, v51;
	v59 =	vld.idx.msk [tilespmem:v55+s14+$0x0], $0xffff  }
0xcc: {  	v55 =	vor.u32 v42, v52;
	_ =	sdelay $0x3  }
0xcd: {  	[tilespmem:v61+s11+$0x0] =	vst.idx.add.f32.msk $0xffff, v59  }
0xce: {  	v61 =	vor.u32 v42, v51;
	v59 =	vld.idx.msk [tilespmem:v55+s14+$0x0], $0xffff  }
0xcf: {  	v55 =	vor.u32 v45, v52;
	_ =	sdelay $0x3  }
0xd0: {  	[tilespmem:v61+s11+$0x0] =	vst.idx.add.f32.msk $0xffff, v59  }
0xd1: {  	v61 =	vor.u32 v45, v51;
	v59 =	vld.idx.msk [tilespmem:v55+s14+$0x0], $0xffff  }
0xd2: {  	v55 =	vor.u32 v1, v52;
	_ =	sdelay $0x3  }
0xd3: {  	[tilespmem:v61+s11+$0x0] =	vst.idx.add.f32.msk $0xffff, v59  }
0xd4: {  	v61 =	vor.u32 v1, v51;
	v59 =	vld.idx.msk [tilespmem:v55+s14+$0x0], $0xffff  }
0xd5: {  	v55 =	vor.u32 v41, v52;
	_ =	sdelay $0x3  }
0xd6: {  	[tilespmem:v61+s11+$0x0] =	vst.idx.add.f32.msk $0xffff, v59  }
0xd7: {  	v61 =	vor.u32 v41, v51;
	v59 =	vld.idx.msk [tilespmem:v55+s14+$0x0], $0xffff  }
0xd8: {  	v55 =	vor.u32 v46, v52;
	_ =	sdelay $0x3  }
0xd9: {  	[tilespmem:v61+s11+$0x0] =	vst.idx.add.f32.msk $0xffff, v59  }
0xda: {  	v61 =	vor.u32 v46, v51;
	v59 =	vld.idx.msk [tilespmem:v55+s14+$0x0], $0xffff  }
0xdb: {  	v55 =	vor.u32 v47, v52;
	_ =	sdelay $0x3  }
0xdc: {  	[tilespmem:v61+s11+$0x0] =	vst.idx.add.f32.msk $0xffff, v59  }
0xdd: {  	v61 =	vor.u32 v47, v51;
	v59 =	vld.idx.msk [tilespmem:v55+s14+$0x0], $0xffff  }
0xde: {  	v55 =	vor.u32 v48, v52;
	_ =	sdelay $0x3  }
0xdf: {  	[tilespmem:v61+s11+$0x0] =	vst.idx.add.f32.msk $0xffff, v59  }
0xe0: {  	v61 =	vor.u32 v48, v51;
	v59 =	vld.idx.msk [tilespmem:v55+s14+$0x0], $0xffff  }
0xe1: {  	v55 =	vor.u32 v49, v52;
	_ =	sdelay $0x3  }
0xe2: {  	[tilespmem:v61+s11+$0x0] =	vst.idx.add.f32.msk $0xffff, v59  }
0xe3: {  	v61 =	vor.u32 v49, v51;
	v59 =	vld.idx.msk [tilespmem:v55+s14+$0x0], $0xffff  }
0xe4: {  	v55 =	vor.u32 v0, v52;
	_ =	sdelay $0x3  }
0xe5: {  	[tilespmem:v61+s11+$0x0] =	vst.idx.add.f32.msk $0xffff, v59  }
0xe6: {  	v61 =	vor.u32 v0, v51;
	v59 =	vld.idx.msk [tilespmem:v55+s14+$0x0], $0xffff  }
0xe7: {  	v55 =	vor.u32 v37, v52;
	_ =	sdelay $0x3  }
0xe8: {  	[tilespmem:v61+s11+$0x0] =	vst.idx.add.f32.msk $0xffff, v59  }
0xe9: {  	v37 =	vor.u32 v37, v51;
	v59 =	vld.idx.msk [tilespmem:v55+s14+$0x0], $0xffff  }
0xea: {  	v55 =	vor.u32 v53, v52;
	_ =	sdelay $0x2  }
0xeb: {  	v2 =	vld [tilespmem:$0x1FFA0]  }
0xec: {  	[tilespmem:v37+s11+$0x0] =	vst.idx.add.f32.msk $0xffff, v59  }
0xed: {  	v37 =	vor.u32 v53, v51;
	v59 =	vld.idx.msk [tilespmem:v55+s14+$0x0], $0xffff;
	_ =	sdelay $0x4  }
0xee: {  	v55 =	vor.u32 v2, v52;
	[tilespmem:v37+s11+$0x0] =	vst.idx.add.f32.msk $0xffff, v59  }
0xef: {  	v37 =	vor.u32 v2, v51;
	v2 =	vld [tilespmem:$0x1FF00];
	_ =	sdelay $0x3  }
0xf0: {  	v59 =	vld.idx.msk [tilespmem:v55+s14+$0x0], $0xffff  }
0xf1: {  	v55 =	vor.u32 v2, v52;
	_ =	sdelay $0x3  }
0xf2: {  	[tilespmem:v37+s11+$0x0] =	vst.idx.add.f32.msk $0xffff, v59  }
0xf3: {  	v37 =	vor.u32 v2, v51;
	v59 =	vld.idx.msk [tilespmem:v55+s14+$0x0], $0xffff  }
0xf4: {  	v62 =	vor.u32 v44, v52;
	_ =	sdelay $0x1  }
0xf5: {  	v15 =	vmov v0  }
0xf6: {  	v0 =	vmovc v49;
	v49 =	vmovc v47;
	v47 =	vmov v41;
	v41 =	vmov v1;
	v1 =	vmov v60  }
0xf7: {  	v60 =	vmovc v54;
	v54 =	vmov v43;
	v43 =	vmov v63;
	v63 =	vsel vm0, v50, v58;
	[tilespmem:v37+s11+$0x0] =	vst.idx.add.f32.msk $0xffff, v59  }
0xf8: {  	v55 =	vor.u32 v44, v51;
	v37 =	vcombine.low v40, v63;
	v61 =	vld.idx.msk [tilespmem:v62+s14+$0x0], $0xffff;
	_ =	sdelay $0x1  }
0xf9: {  	v2 =	vor.u32 v37, v52  }
0xfa: {  	v59 =	vor.u32 v37, v51;
	v37 =	vld [tilespmem:$0x1FF40]  }
0xfb: {  	v62 =	vld [tilespmem:$0x1FEE0]  }
0xfc: {  	[tilespmem:v55+s11+$0x0] =	vst.idx.add.f32.msk $0xffff, v61  }
0xfd: {  	v55 =	vld [tilespmem:$0x1FEF0]  }
0xfe: {  	v2 =	vld.idx.msk [tilespmem:v2+s14+$0x0], $0xffff  }
0xff: {  	v61 =	vor.u32 v37, v52;
	_ =	sdelay $0x2  }
0x100: {  	v62 =	vsel vm0, v55, v62  }
0x101: {  	[tilespmem:v59+s11+$0x0] =	vst.idx.add.f32.msk $0xffff, v2;
	v2 =	vcombine.low v62, v56  }
0x102: {  	v59 =	vld.idx.msk [tilespmem:v61+s14+$0x0], $0xffff;
	v61 =	vor.u32 v37, v51;
	v37 =	vmovc v53;
	v53 =	vmov v48;
	v48 =	vmov v46  }
0x103: {  	v46 =	vmovc v40;
	v40 =	vmovc v56;
	v56 =	vmov v50;
	v50 =	vmov v45;
	v45 =	vmov v42  }
0x104: {  	v42 =	vmovc v39;
	v39 =	vmovc v36;
	v36 =	vmov v35;
	v35 =	vmov v34;
	v34 =	vmov v33  }
0x105: {  	v33 =	vmovc v32;
	v32 =	vmovc v31;
	v31 =	vmov v30;
	v30 =	vmov v29;
	v29 =	vmov v28  }
0x106: {  	v28 =	vmovc v27;
	v27 =	vmovc v26;
	v26 =	vmov v25;
	v25 =	vmov v24;
	v24 =	vmov v23  }
0x107: {  	v23 =	vmovc v22;
	v22 =	vmovc v21;
	v21 =	vmov v20;
	v20 =	vmov v19;
	v19 =	vmov v18  }
0x108: {  	v18 =	vmovc v17;
	v17 =	vmovc v16;
	v16 =	vmov v38;
	v38 =	vmov v14;
	v14 =	vmov v13  }
0x109: {  	v55 =	vld [tilespmem:$0x1FF20];
	v13 =	vmovc v12;
	v12 =	vmovc v11;
	v11 =	vmov v10;
	v10 =	vmov v9;
	v9 =	vmov v8  }
0x10a: {  	v8 =	vmovc v7;
	v7 =	vmovc v6;
	v6 =	vmov v5;
	v5 =	vmov v4;
	v4 =	vmov v3;
	v3 =	vld [tilespmem:$0x1FF10]  }
0x10b: {  	[tilespmem:v61+s11+$0x0] =	vst.idx.add.f32.msk $0xffff, v59  }
0x10c: {  	v62 =	vor.u32 v2, v52;
	v61 =	vld [tilespmem:$0x1FF50];
	_ =	sdelay $0x3  }
0x10d: {  	v3 =	vsel vm0, v55, v3  }
0x10e: {  	v2 =	vor.u32 v2, v51;
	v59 =	vld.idx.msk [tilespmem:v62+s14+$0x0], $0xffff;
	v3 =	vcombine.low v3, v61;
	_ =	sdelay $0x1  }
0x10f: {  	v61 =	vor.u32 v3, v52;
	_ =	sdelay $0x1  }
0x110: {  	v62 =	vld [tilespmem:$0x1FF70]  }
0x111: {  	[tilespmem:v2+s11+$0x0] =	vst.idx.add.f32.msk $0xffff, v59  }
0x112: {  	v2 =	vld [tilespmem:$0x1FF80]  }
0x113: {  	v3 =	vor.u32 v3, v51;
	v59 =	vld.idx.msk [tilespmem:v61+s14+$0x0], $0xffff;
	_ =	sdelay $0x2  }
0x114: {  	v55 =	vsel vm0, v58, v62;
	v62 =	vld [tilespmem:$0x1FF30]  }
0x115: {  	v2 =	vcombine.low v55, v2;
	v55 =	vld [tilespmem:$0x1FF60]  }
0x116: {  	[tilespmem:v3+s11+$0x0] =	vst.idx.add.f32.msk $0xffff, v59  }
0x117: {  	v3 =	vld [tilespmem:$0x1FF90]  }
0x118: {  	v61 =	vor.u32 v2, v52;
	_ =	sdelay $0x2  }
0x119: {  	v62 =	vsel vm0, v55, v62  }
0x11a: {  	v3 =	vcombine.low v62, v3  }
0x11b: {  	v2 =	vor.u32 v2, v51;
	v59 =	vld.idx.msk [tilespmem:v61+s14+$0x0], $0xffff  }
0x11c: {  	v61 =	vor.u32 v3, v52;
	_ =	sdelay $0x3  }
0x11d: {  	[tilespmem:v2+s11+$0x0] =	vst.idx.add.f32.msk $0xffff, v59  }
0x11e: {  	v3 =	vor.u32 v3, v51;
	v2 =	vld.idx.msk [tilespmem:v61+s14+$0x0], $0xffff  }
0x11f: {  	v61 =	vor.u32 v57, v52  }
0x120: {  	v62 =	vld [tilespmem:$0x1FFF0];
	_ =	sdelay $0x1  }
0x121: {  	v55 =	vld [tilespmem:$0x1FFD0]  }
0x122: {  	[tilespmem:v3+s11+$0x0] =	vst.idx.add.f32.msk $0xffff, v2  }
0x123: {  	v3 =	vor.u32 v57, v51;
	v2 =	vld.idx.msk [tilespmem:v61+s14+$0x0], $0xffff  }
0x124: {  	v59 =	vor.u32 v62, v52;
	_ =	sdelay $0x3  }
0x125: {  	[tilespmem:v3+s11+$0x0] =	vst.idx.add.f32.msk $0xffff, v2;
	v2 =	vcombine.low v63, v55  }
0x126: {  	v3 =	vld.idx.msk [tilespmem:v59+s14+$0x0], $0xffff;
	v59 =	vor.u32 v62, v51  }
0x127: {  	v55 =	vor.u32 v2, v52;
	_ =	sdelay $0x3  }
0x128: {  	[tilespmem:v59+s11+$0x0] =	vst.idx.add.f32.msk $0xffff, v3  }
0x129: {  	v63 =	vmovc v43;
	v43 =	vmov v54;
	v54 =	vmov v60;
	v2 =	vor.u32 v2, v51;
	v3 =	vld.idx.msk [tilespmem:v55+s14+$0x0], $0xffff  }
0x12a: {  	v62 =	vor.u32 v54, v52;
	_ =	sdelay $0x3  }
0x12b: {  	[tilespmem:v2+s11+$0x0] =	vst.idx.add.f32.msk $0xffff, v3  }
0x12c: {  	v60 =	vmov v1;
	v3 =	vor.u32 v54, v51;
	v2 =	vld.idx.msk [tilespmem:v62+s14+$0x0], $0xffff  }
0x12d: {  	v55 =	vor.u32 v60, v52  }
0x12e: {  	v1 =	vmovc v41;
	v41 =	vmovc v47;
	v47 =	vmov v49;
	v49 =	vmov v0;
	v0 =	vmov v15;
	v15 =	vld [tilespmem:$0x1FFC0];
	_ =	sdelay $0x2  }
0x12f: {  	[tilespmem:v3+s11+$0x0] =	vst.idx.add.f32.msk $0xffff, v2  }
0x130: {  	v3 =	vor.u32 v60, v51;
	v2 =	vld.idx.msk [tilespmem:v55+s14+$0x0], $0xffff  }
0x131: {  	v61 =	vor.u32 v15, v52  }
0x132: {  	v62 =	vld [tilespmem:$0x1FFB0];
	_ =	sdelay $0x2  }
0x133: {  	[tilespmem:v3+s11+$0x0] =	vst.idx.add.f32.msk $0xffff, v2  }
0x134: {  	v3 =	vor.u32 v15, v51;
	v2 =	vld.idx.msk [tilespmem:v61+s14+$0x0], $0xffff  }
0x135: {  	v52 =	vor.u32 v62, v52;
	_ =	sdelay $0x3  }
0x136: {  	[tilespmem:v3+s11+$0x0] =	vst.idx.add.f32.msk $0xffff, v2  }
0x137: {  	v3 =	vor.u32 v62, v51;
	v2 =	vld.idx.msk [tilespmem:v52+s14+$0x0], $0xffff;
	_ =	sdelay $0x4  }
0x138: {  	[tilespmem:v3+s11+$0x0] =	vst.idx.add.f32.msk $0xffff, v2;
	v3 =	vmovc v4;
	v4 =	vmov v5;
	v5 =	vmov v6;
	v6 =	vmov v7  }
0x139: {  	v7 =	vmovc v8;
	v8 =	vmovc v9;
	v9 =	vmov v10;
	v10 =	vmov v11;
	v11 =	vmov v12  }
0x13a: {  	v12 =	vmovc v13;
	v13 =	vmovc v14;
	v14 =	vmov v38;
	v38 =	vmov v16;
	v16 =	vmov v17  }
0x13b: {  	p0 =	sne.s32 s19, $0x70;
	v17 =	vmovc v18;
	v18 =	vmovc v19;
	v19 =	vmov v20;
	v20 =	vmov v21;
	v21 =	vmov v22  }
.Ltmp3:
0x13c: {  	v22 =	vmovc v23;
	v23 =	vmovc v24;
	v24 =	vmov v25;
	v25 =	vmov v26;
	v26 =	vmov v27;
	(pc) =	sbr.rel @p0 .LBB2_3-.Ltmp3, $4  }
0x13d: {  	v27 =	vmovc v28;
	v28 =	vmovc v29;
	v29 =	vmov v30;
	v30 =	vmov v31;
	v31 =	vmov v32  }
0x13e: {  	v32 =	vmovc v33;
	v33 =	vmovc v34;
	v34 =	vmov v35;
	v35 =	vmov v36;
	v36 =	vmov v39  }
0x13f: {  	v39 =	vmovc v42;
	v42 =	vmovc v45;
	v45 =	vmov v50;
	v50 =	vmov v56;
	v56 =	vmov v40  }
0x140: {  	s20 =	sadd.s32 $0x10, s20;
	s19 =	sadd.s32 $0x10, s19;
	v40 =	vmovc v46;
	v46 =	vmovc v48;
	v48 =	vmov v53;
	v53 =	vmov v37;
	v37 =	vld [tilespmem:$0x1FFE0];
	v2 =	vlaneseq.u32  }
0x141: {  	s18 =	sadd.s32 $0x1, s18  }
0x142: {  	p0 =	sne.s32 s18, s17  }
.Ltmp4:
0x143: {  	_ = 	snop;
	(pc) =	sbr.rel @p0 .LBB2_2-.Ltmp4, $4  }
.Ltmp5:
0x144: {  	_ = 	snop;
	(pc) =	sbr.rel @!p0 .LBB2_5-.Ltmp5, $4  }
0x145: {  	_ = 	snop  }
0x146: {  	_ = 	snop  }
0x147: {  	_ = 	snop  }
0x148: {  	_ = 	snop  }
.LBB2_6:
0x149: {  	_ =	sfence.sel $0x180000  }
0x14a: {  	[bflag:$0x0] =	sbarrier.arrive $0xFFFF  }
0x14b: {  	p0 =	sne.s32 s2, $0x0;
	_ =	strace $0x9000004D  }
0x14c: {  	s0 =	sadd.s32 @!p0 $0x100000, s0;
	[bflag:$0x2] =	sbarrier.arrive $0xFFFF  }
0x14d: {  	[sflag:s0] =	ssyncadd.tile.s32 @!p0 $0x1;
	_ =	shalt  }
.Lfunc_end2:
_tile_overlayer_lowered:
.L_overlay_start_2:
0x14e: {  	(tag) =	ssettag $0x2  }
0x14f: {  	s0 =	rddreg [dreg:$0x0];
	s2 =	stileid.u32  }
0x150: {  	s1 =	rddreg [dreg:$0x1];
	p0 =	sne.s32 s2, $0x0  }
0x151: {  	s3 =	rddreg [dreg:$0x2];
	[bflag:$0x3] =	sbarrier.arrive $0xFFFF;
	s2 =	simm.s32 @!p0 $0x1C02  }
0x152: {  	[timem:s3], [sflag:s2] =	dma.local @!p0 [hbm:s0], s1  }
0x153: {  	s0 =	simm.s32 @!p0 $0x2  }
0x154: {  	_ =	swait.ge @!p0 [sflag:s0], s1  }
0x155: {  	s1 =	ssub.s32 @!p0 $0x0, s1;
	[sflag:s0] =	ssyncset.done @!p0 $0x0  }
0x156: {  	[sflag:s0] =	ssyncadd.s32 @!p0 s1  }
0x157: {  	[bflag:$0x3] =	sbarrier.arrive $0xFFFF  }
0x158: {  	_ =	shalt  }

// kernel: kernel.8.cloned.1.call-start
scs
__scs_entry_jumppad:
0x0: {  	(pc) =	sbr.rel $0x88, $3  }
0x1: {  	(tag) =	ssettag $0x0;
	lr =	simm.s32 $0x1  }
0x2: {  	[smem:$0x3F98] =	sst lr;
	_ =	strace $0xD0000000  }
0x3: {  	_ = 	snop  }
0x4: {  	_ = 	snop  }
0x5: {  	_ = 	snop  }
0x6: {  	_ = 	snop  }
0x7: {  	_ = 	snop  }
__scs_overlays_trampoline_lowered:
0x8: {  	[smem:$0x3FA7] =	sst s0  }
0x9: {  	[smem:$0x3FA8] =	sst s1  }
0xa: {  	[smem:$0x3FA9] =	sst s2  }
0xb: {  	[smem:$0x3FAA] =	sst s3  }
0xc: {  	[smem:$0x3FAB] =	sst s4  }
0xd: {  	[smem:$0x3FAC] =	sst s5  }
0xe: {  	[smem:$0x3FAD] =	sst s6  }
0xf: {  	[smem:$0x3FAE] =	sst s7  }
0x10: {  	[smem:$0x3FAF] =	sst s8  }
0x11: {  	[smem:$0x3FB0] =	sst s9;
	s0 =	simm.s32 @!p0 $0x0  }
0x12: {  	s1 =	sld [smem:$0x3F96];
	s0 =	simm.s32 @p0 $0x1  }
0x13: {  	[smem:$0x3FB1] =	sst s0;
	s0 =	simm.s32 @!p1 $0x0  }
0x14: {  	s2 =	sld [smem:$0x3F95];
	s0 =	simm.s32 @p1 $0x1  }
0x15: {  	[smem:$0x3FB2] =	sst s0;
	s0 =	simm.s32 @!p2 $0x0  }
0x16: {  	s3 =	sld [smem:$0x3FDB];
	s0 =	simm.s32 @p2 $0x1  }
0x17: {  	s4 =	simm.s32 $0x1BF5;
	[smem:$0x3FB4] =	sst s0  }
0x18: {  	s0 =	sld [smem:$0x3F97];
	_ =	swait.ge [sflag:s4], $0x0  }
0x19: {  	s7 =	sld [smem:$0x3F98]  }
0x1a: {  	s8 =	sadd.s32 $0xFFFFE003, lr  }
0x1b: {  	s9 =	sadd.s32 $0xFFFFFEF7, lr;
	s5 =	simm.s32 $0xFFFFFFFF;
	p2 =	slt.u32 s8, $0xFFFFF086  }
0x1c: {  	p1 =	slt.u32 s9, $0xF7A;
	s5 =	simm.s32 @!p2 $0x0  }
0x1d: {  	s5 =	simm.s32 @p1 $0x1;
	p0 =	seq.s32 s7, s2  }
0x1e: {  	s7 =	smul.u32 @!p0 $0xF7A, s2;
	p2 =	seq.s32 @!p0 s5, $0x0  }
0x1f: {  	s9 =	smul.u32 $0xF7A, s1;
	s8 =	simm.s32 @!p0 $0x1BF5;
	p2 =	por !p2, p0  }
0x20: {  	[sflag:s8] =	ssyncset.s32 @!p0 $0xFFFFF086;
	s6 =	sadd.s32 @!p0 s3, s7;
	s7 =	simm.s32 @!p0 $0x108  }
0x21: {  	s3 =	sadd.s32 s3, s9;
	s6 =	sadd.s32 @!p0 $0x88, s6;
	s7 =	simm.s32 @p2 $0x1082  }
0x22: {  	[simem:s7], [sflag:s8] =	dma.local @!p0 [hbm:s6], $0xF7A  }
0x23: {  	s9 =	sor.u32 $0xD0000000, s2;
	s6 =	simm.s32 $0x108;
	_ =	swait.ge @!p0 [sflag:s8], $0x0  }
0x24: {  	s3 =	sadd.s32 $0x88, s3;
	s6 =	simm.s32 @!p1 $0x1082;
	[sflag:s4] =	ssyncset.s32 $0xFFFFF086  }
0x25: {  	[simem:s6], [sflag:s4] =	dma.local [hbm:s3], $0xF7A  }
0x26: {  	[smem:$0x3F98] =	sst s1;
	(tag) =	ssettag s2;
	_ =	strace s9  }
0x27: {  	s1 =	sld [smem:$0x3FA8]  }
0x28: {  	s2 =	sld [smem:$0x3FA9]  }
0x29: {  	s4 =	sld [smem:$0x3FAB]  }
0x2a: {  	p0 =	seq.s32 s5, $0x0;
	s5 =	sld [smem:$0x3FAC]  }
0x2b: {  	s6 =	sld [smem:$0x3FAD]  }
0x2c: {  	s7 =	sld [smem:$0x3FAE]  }
0x2d: {  	s3 =	simm.s32 $0x108;
	s8 =	sld [smem:$0x3FAF]  }
0x2e: {  	s3 =	simm.s32 @!p0 $0x1082;
	s9 =	sld [smem:$0x3FB0]  }
0x2f: {  	lr =	sadd.s32 s0, s3;
	s0 =	sld [smem:$0x3FA7]  }
0x30: {  	s3 =	sld [smem:$0x3FAA]  }
0x31: {  	[smem:$0x3FB3] =	sst s10  }
0x32: {  	s10 =	sld [smem:$0x3FB1];
	_ =	sdelay $0x3  }
0x33: {  	p0 =	seq.s32 s10, $0x1;
	s10 =	sld [smem:$0x3FB3];
	_ =	sdelay $0x3  }
0x34: {  	[smem:$0x3FB3] =	sst s10  }
0x35: {  	s10 =	sld [smem:$0x3FB2];
	_ =	sdelay $0x3  }
0x36: {  	p1 =	seq.s32 s10, $0x1;
	s10 =	sld [smem:$0x3FB3];
	_ =	sdelay $0x3  }
0x37: {  	[smem:$0x3FB3] =	sst s10  }
0x38: {  	s10 =	sld [smem:$0x3FB4]  }
0x39: {  	_ = 	snop;
	(pc) =	sbr.ind lr, $3  }
0x3a: {  	_ = 	snop  }
0x3b: {  	_ = 	snop  }
0x3c: {  	p2 =	seq.s32 s10, $0x1;
	s10 =	sld [smem:$0x3FB3]  }
0x3d: {  	_ =	shalt  }
0x3e: {  	_ =	shalt  }
0x3f: {  	_ =	shalt  }
0x40: {  	_ =	shalt  }
0x41: {  	_ =	shalt  }
0x42: {  	_ =	shalt  }
0x43: {  	_ =	shalt  }
0x44: {  	_ =	shalt  }
0x45: {  	_ =	shalt  }
0x46: {  	_ =	shalt  }
0x47: {  	_ =	shalt  }
0x48: {  	_ =	shalt  }
0x49: {  	_ =	shalt  }
0x4a: {  	_ =	shalt  }
0x4b: {  	_ =	shalt  }
0x4c: {  	_ =	shalt  }
0x4d: {  	_ =	shalt  }
0x4e: {  	_ =	shalt  }
0x4f: {  	_ =	shalt  }
0x50: {  	_ =	shalt  }
0x51: {  	_ =	shalt  }
0x52: {  	_ =	shalt  }
0x53: {  	_ =	shalt  }
0x54: {  	_ =	shalt  }
0x55: {  	_ =	shalt  }
0x56: {  	_ =	shalt  }
0x57: {  	_ =	shalt  }
0x58: {  	_ =	shalt  }
0x59: {  	_ =	shalt  }
0x5a: {  	_ =	shalt  }
0x5b: {  	_ =	shalt  }
0x5c: {  	_ =	shalt  }
0x5d: {  	_ =	shalt  }
0x5e: {  	_ =	shalt  }
0x5f: {  	_ =	shalt  }
0x60: {  	_ =	shalt  }
0x61: {  	_ =	shalt  }
0x62: {  	_ =	shalt  }
0x63: {  	_ =	shalt  }
0x64: {  	_ =	shalt  }
0x65: {  	_ =	shalt  }
0x66: {  	_ =	shalt  }
0x67: {  	_ =	shalt  }
0x68: {  	_ =	shalt  }
0x69: {  	_ =	shalt  }
0x6a: {  	_ =	shalt  }
0x6b: {  	_ =	shalt  }
0x6c: {  	_ =	shalt  }
0x6d: {  	_ =	shalt  }
0x6e: {  	_ =	shalt  }
0x6f: {  	_ =	shalt  }
0x70: {  	_ =	shalt  }
0x71: {  	_ =	shalt  }
0x72: {  	_ =	shalt  }
0x73: {  	_ =	shalt  }
0x74: {  	_ =	shalt  }
0x75: {  	_ =	shalt  }
0x76: {  	_ =	shalt  }
0x77: {  	_ =	shalt  }
0x78: {  	_ =	shalt  }
0x79: {  	_ =	shalt  }
0x7a: {  	_ =	shalt  }
0x7b: {  	_ =	shalt  }
0x7c: {  	_ =	shalt  }
0x7d: {  	_ =	shalt  }
0x7e: {  	_ =	shalt  }
0x7f: {  	_ =	shalt  }
0x80: {  	_ =	shalt  }
0x81: {  	_ =	shalt  }
0x82: {  	_ =	shalt  }
0x83: {  	_ =	shalt  }
0x84: {  	_ =	shalt  }
0x85: {  	_ =	shalt  }
0x86: {  	_ =	shalt  }
0x87: {  	_ =	shalt  }
.Lfunc_end0:
.L_simem_size_0:
called_computation_lowered:
.L_overlay_start_0:
0x88: {  	s2 =	sld [smem:$0x3FD9]  }
0x89: {  	s3 =	sld [smem:$0x3FFE];
	_ =	sdelay $0x1  }
0x8a: {  	s1 =	srdreg.scid  }
0x8b: {  	s0 =	sand.u32 $0x1, s1  }
0x8c: {  	s16 =	sshll.u32 s0, $0xA;
	s2 =	sadd.s32 s3, s2  }
0x8d: {  	s2 =	sadd.s32 s2, s16  }
0x8e: {  	[smem:$0x3FBF] =	sst s2  }
0x8f: {  	_ = 	snop  }
0x90: {  	(tm) =	ssettm $0x1  }
0x91: {  	s17 =	sld [smem:$0x3FFB];
	_ =	sdelay $0x3  }
0x92: {  	_ =	strace s17  }
0x93: {  	s2 =	sld [smem:$0x3FFC];
	_ =	sdelay $0x3  }
0x94: {  	_ =	strace s2  }
0x95: {  	s2 =	sld [smem:$0x3FFD];
	_ =	sdelay $0x3  }
0x96: {  	_ =	strace s2  }
0x97: {  	_ =	strace $0x8FFFFFFF  }
0x98: {  	s18 =	sld [smem:$0x3FDB];
	_ =	sdelay $0x1  }
0x99: {  	s19 =	simm.s32 $_scs_section_size  }
0x9a: {  	s4 =	simm.s32 $_size__tile_overlayer_lowered;
	s5 =	simm.s32 $_tile_overlayer_lowered  }
0x9b: {  	s22 =	simm.s32 $0x1BFF;
	s21 =	sshll.u32 s5, $0x1;
	s2 =	sadd.s32 s19, s18  }
0x9c: {  	s6 =	simm.s32 $0x0;
	s20 =	sshll.u32 s4, $0x1;
	s4 =	sadd.s32 s21, s2  }
0x9d: {  	[timem:s6], [sflag:s22] =	dma.local [hbm:s4], s20  }
0x9e: {  	_ =	swait.ge [sflag:s22], s20  }
0x9f: {  	s3 =	ssub.s32 $0x0, s20;
	[sflag:s22] =	ssyncset.done $0x0  }
0xa0: {  	[sflag:s22] =	ssyncadd.s32 s3;
	_ =	sdelay $0x1  }
0xa1: {  	s23 =	simm.s32 $0x1B8B  }
0xa2: {  	_ =	swait.ge [sflag:s23], $0x1  }
0xa3: {  	[sflag:s23] =	ssyncset.done $0x0  }
0xa4: {  	s25 =	simm.s32 $0x1B8E;
	s24 =	sld [smem:$0x3FFE];
	[sflag:s23] =	ssyncadd.s32 $0xFFFFFFFF  }
0xa5: {  	s26 =	simm.s32 $execute0_lowered;
	[smem:$0x3FD2] =	sst s25  }
0xa6: {  	s4 =	sshll.u32 s26, $0x1;
	_ =	strace $0x80000046;
	[dreg:$0x1] =	wrdreg $0xFFFFFFFF  }
0xa7: {  	s28 =	simm.s32 $_size_execute0_lowered;
	s2 =	sadd.s32 s2, s4;
	[dreg:$0x0] =	wrdreg $0x0  }
0xa8: {  	s4 =	sshll.u32 s28, $0x1;
	[dreg:$0x2] =	wrdreg s2  }
0xa9: {  	[dreg:$0x3] =	wrdreg s4  }
0xaa: {  	[dreg:$0x4] =	wrdreg $0xC0  }
0xab: {  	_ =	task [dreg:s6], $0x5FFFF  }
0xac: {  	[dreg:$0x1] =	wrdreg $0xFFFFFFFF  }
0xad: {  	[dreg:$0x0] =	wrdreg $0x60  }
0xae: {  	[dreg:$0x2] =	wrdreg s24  }
0xaf: {  	[dreg:$0x3] =	wrdreg $0x9  }
0xb0: {  	_ =	task.clear_ibuf [dreg:s6], $0x4FFFF;
	_ =	strace $0x90000046  }
0xb1: {  	s29 =	simm.s32 $0x9;
	_ =	strace $0x80000048  }
0xb2: {  	_ =	swait.ge [sflag:s29], $0x1  }
0xb3: {  	[sflag:s29] =	ssyncadd.s32 $0xFFFFFFFF  }
0xb4: {  	_ =	strace $0x90000048  }
0xb5: {  	_ =	sfence  }
0xb6: {  	s30 =	sld [smem:$0x0];
	_ =	sdelay $0x2  }
0xb7: {  	s31 =	sshll.u32 s1, $0xD;
	s1 =	sshrl.u32 s1, $0x2  }
0xb8: {  	s3 =	sand.u32 $0x4000, s31;
	s1 =	sadd.s32 s1, s30  }
0xb9: {  	s0 =	sor.u32 s3, s0;
	s1 =	sshll.u32 s1, $0x11  }
0xba: {  	s0 =	sor.u32 s1, s0  }
0xbb: {  	s0 =	sadd.s32 $0x8F2B, s0  }
0xbc: {  	[sflag:s0] =	ssyncadd.remote.s32 $0x1  }
0xbd: {  	_ =	sfence.sel $0xFFFF  }
0xbe: {  	[dreg:$0x0] =	wrdreg $0xFFFFFFFF;
	(pc) =	sbr.abs _section_cstart, $3  }
0xbf: {  	[dreg:$0x1] =	wrdreg $0xFFFFFFFF  }
0xc0: {  	_ =	task.clear_ibuf [dreg:s6], $0x2FFFF;
	_ =	strace $0x9FFFFFFF  }
0xc1: {  	(tm) =	ssettm $0x7FFFFFFF  }
tec
execute0_lowered:
.L_overlay_start_1:
0x0: {  	(tag) =	ssettag $0x1  }
0x1: {  	s9 =	rddreg [dreg:$0x0]  }
0x2: {  	s0 =	rddreg [dreg:$0x1];
	s1 =	simm.s32 $0x0  }
0x3: {  	s4 =	srdreg.scid;
	s2 =	stileid.u32;
	s16 =	simm.s32 $0x400  }
0x4: {  	s17 =	simm.s32 $0x800;
	s18 =	simm.s32 $0x900;
	s19 =	simm.s32 $0x0  }
0x5: {  	[smem:$0x7FF] =	sst s1;
	s3 =	sadd.s32 $0x3400, s9;
	s10 =	sand.u32 $0x1, s4  }
0x6: {  	s4 =	sadd.s32 $0xD200, s9;
	s11 =	smul.u32 $0x278, s2;
	s5 =	sadd.s32 $0x17000, s9  }
0x7: {  	v0 =	vlaneseq.u32;
	s14 =	smul.u32 $0x25, s2;
	s7 =	sadd.s32 $0xB5000, s9;
	_ =	strace $0x80000047  }
0x8: {  	v1 =	vmul.u32 $0x241, v0;
	s6 =	sshll.u32 s10, $0x4;
	s12 =	smul.u32 $0x2780, s10;
	s15 =	ssub.s32 $0x2, s10  }
0x9: {  	s8 =	sor.u32 s2, s6;
	s6 =	sadd.s32 $0x17C00, s9;
	s30 =	sshrl.u32 s15, $0x1  }
0xa: {  	v11 =	vimm.f32 $1.000000000e+00;
	v1 =	vadd.s32 s14, v1;
	s31 =	sadd.s32 $0x278, s11;
	s14 =	simm.s32 $0xA00;
	s12 =	sadd.s32 s11, s12  }
0xb: {  	v12 =	vimm.s32 $0x0;
	v13 =	vimm.s32 $0x27F;
	s13 =	sshll.u32 s8, $0x1;
	s8 =	smul.u32 $0x27500, s8;
	v1 =	vand.u32 $0x1FFF, v1;
	s12 =	sshrl.u32 s12, $0x3  }
0xc: {  	v2 =	vmov s11;
	s15 =	ssub.s32 s15, s30;
	v3 =	vmov s31;
	s13 =	sadd.s32 s13, s9;
	v4 =	vadd.s32 $0x3, v1;
	s12 =	sadd.s32 s12, s9  }
0xd: {  	v5 =	vadd.s32 $0x6, v1;
	v6 =	vadd.s32 $0x9, v1;
	v7 =	vadd.s32 $0xC, v1;
	s9 =	smul.u32 $0x27400, s10;
	s10 =	sor.u32 $0x80, s8;
	s11 =	sadd.s32 $0x152400, s13  }
0xe: {  	v8 =	vadd.s32 $0xF, v1;
	v9 =	vadd.s32 $0x12, v1;
	v10 =	vadd.s32 $0x15, v1;
	s13 =	smax.u32 s15, $0x1;
	s15 =	simm.s32 $0x1;
	s12 =	sadd.s32 $0x17200, s12  }
.LBB2_1:
0xf: {  	[tilespmem:s14], [sflag:$0x1] =	stream.linear.gather [hbm4b:s5+s1], $0x280, $0x38;
	[tilespmem:$0xC80] =	vst v63  }
0x10: {  	_ =	swait.ge [sflag:s15], $0x280  }
0x11: {  	s20 =	simm.s32 $0x0;
	[sflag:s15] =	ssyncset.done $0x0  }
0x12: {  	s21 =	simm.s32 $0x0;
	s22 =	simm.s32 $0x0;
	[sflag:s15] =	ssyncadd.s32 $0xFFFFFD80  }
.LBB2_2:
0x13: {  	s23 =	sshll.u32 s22, $0xA  }
0x14: {  	s23 =	sadd.s32 s9, s23  }
0x15: {  	s23 =	sshrl.u32 s23, $0x3  }
0x16: {  	s25 =	simm.s32 $0x0;
	s24 =	sadd.s32 s3, s23  }
0x17: {  	[tilespmem:s25], [sflag:$0x1] =	stream.linear.gather [hbm4b:s24+s25], $0x400, $0x38;
	[tilespmem:$0xC80] =	vst v63  }
0x18: {  	_ =	swait.ge [sflag:s15], $0x400  }
0x19: {  	[sflag:s15] =	ssyncset.done $0x0  }
0x1a: {  	s23 =	sadd.s32 s4, s23;
	[sflag:s15] =	ssyncadd.s32 $0xFFFFFC00  }
0x1b: {  	[tilespmem:s16], [sflag:$0x1] =	stream.linear.gather [hbm4b:s23+s25], $0x400, $0x38;
	[tilespmem:$0xC80] =	vst v63  }
0x1c: {  	_ =	swait.ge [sflag:s15], $0x400  }
0x1d: {  	[sflag:s15] =	ssyncset.done $0x0  }
0x1e: {  	s30 =	simm.s32 $0x0;
	[sflag:s15] =	ssyncadd.s32 $0xFFFFFC00  }
0x1f: {  	v14 =	vld [tilespmem:s30+$0x400];
	_ =	sdelay $0x4  }
0x20: {  	vm0 =	vge.s32 v14, v2;
	vm1 =	vlt.s32 v14, v3  }
0x21: {  	vm0 =	vmand vm0, vm1  }
0x22: {  	v15 =	vsel vm0, $0x1, v12  }
0x23: {  	(xrf0) =	vadd.scan.msk.s32 $0xffff, v15;
	_ =	sdelay $0x5  }
0x24: {  	v15, _, _ =	vpop (xrf0)  }
0x25: {  	(v2sf) =	vpush v15, $0xF;
	_ =	sdelay $0x7  }
0x26: {  	v14 =	vsub.s32 v14, v2  }
0x27: {  	v15 =	vnsel vm0, $0x278, v14  }
0x28: {  	v16 =	vld [tilespmem:s30+$0x0];
	_ =	sdelay $0x3  }
0x29: {  	[tilespmem:v15+s14+$0x0] =	vst.idx.add.f32.msk vm0, v11  }
0x2a: {  	[tilespmem:s21+$0x800] =	vst.msk vm0, v16;
	s31 =	spop (v2sf)  }
0x2b: {  	[tilespmem:s21+$0x900] =	vst.msk vm0, v14;
	s21 =	sadd.s32 s21, s31  }
0x2c: {  	p1 =	slt.s32 s21, $0x80  }
0x2d: {  	s23 =	sshll.u32 @!p1 s20, $0x7  }
0x2e: {  	s23 =	sadd.s32 @!p1 s8, s23  }
0x2f: {  	s24 =	simm.s32 @!p1 $0x1;
	s23 =	sshrl.u32 @!p1 s23, $0x3  }
0x30: {  	s26 =	simm.s32 @!p1 $0x0;
	s28 =	simm.s32 @!p1 $0x800;
	s25 =	sadd.s32 @!p1 s6, s23  }
0x31: {  	[hbm4b:s25+s26] =	stream.linear.scatter @!p1 [tilespmem:s28], [sflag:$0x1], $0x80, $0x38;
	[tilespmem:$0xC80] =	vst v63  }
0x32: {  	_ =	swait.ge @!p1 [sflag:s24], $0x80  }
0x33: {  	[sflag:s24] =	ssyncset.done @!p1 $0x0  }
0x34: {  	s23 =	sadd.s32 @!p1 s7, s23;
	s25 =	simm.s32 @!p1 $0x900;
	[sflag:s24] =	ssyncadd.s32 @!p1 $0xFFFFFF80  }
0x35: {  	[hbm4b:s23+s26] =	stream.linear.scatter @!p1 [tilespmem:s25], [sflag:$0x1], $0x80, $0x38;
	[tilespmem:$0xC80] =	vst v63  }
0x36: {  	_ =	swait.ge @!p1 [sflag:s24], $0x80  }
0x37: {  	[sflag:s24] =	ssyncset.done @!p1 $0x0  }
0x38: {  	p0 =	sgt.s32 s21, $0x7F;
	s25 =	simm.s32 $0x1;
	[sflag:s24] =	ssyncadd.s32 @!p1 $0xFFFFFF80  }
0x39: {  	s25 =	simm.s32 @!p0 $0x0;
	s24 =	sadd.s32 $0xFFFFFF80, s21;
	v15 =	vld @!p1 [tilespmem:$0x880]  }
0x3a: {  	s23 =	simm.s32 $0x40;
	s20 =	sadd.s32 s25, s20;
	s21 =	smov.u32 @p0 s24;
	v14 =	vld @!p1 [tilespmem:$0x980]  }
.LBB2_3:
0x3b: {  	_ =	sdelay $0x2  }
0x3c: {  	s24 =	smov.u32 s23;
	s23 =	sadd.s32 $0x40, s23;
	[tilespmem:$0x800] =	vst @!p1 v15  }
0x3d: {  	s24 =	sshra.s32 s24, $0x2;
	p0 =	sne.s32 s23, $0x1000;
	[tilespmem:$0x900] =	vst @!p1 v14  }
0x3e: {  	v14 =	vld [tilespmem:s24+$0x400];
	_ =	sdelay $0x4  }
0x3f: {  	vm0 =	vge.s32 v14, v2;
	vm1 =	vlt.s32 v14, v3  }
0x40: {  	v14 =	vsub.s32 v14, v2;
	vm0 =	vmand vm0, vm1  }
0x41: {  	v15 =	vnsel vm0, $0x278, v14;
	v16 =	vsel vm0, $0x1, v12  }
0x42: {  	(xrf0) =	vadd.scan.msk.s32 $0xffff, v16;
	_ =	sdelay $0x2  }
0x43: {  	v16 =	vld [tilespmem:s24+$0x0]  }
0x44: {  	[tilespmem:v15+s14+$0x0] =	vst.idx.add.f32.msk vm0, v11;
	_ =	sdelay $0x1  }
0x45: {  	v15, _, _ =	vpop (xrf0)  }
0x46: {  	(v2sf) =	vpush v15, $0xF  }
0x47: {  	[tilespmem:s21+$0x800] =	vst.msk vm0, v16  }
0x48: {  	[tilespmem:s21+$0x900] =	vst.msk vm0, v14;
	_ =	sdelay $0xc  }
0x49: {  	s24 =	spop (v2sf)  }
0x4a: {  	s21 =	sadd.s32 s21, s24  }
0x4b: {  	p2 =	sgt.s32 s21, $0x7F;
	s24 =	sadd.s32 $0xFFFFFF80, s21  }
0x4c: {  	p1 =	slt.s32 s21, $0x80;
	s21 =	smov.u32 @p2 s24;
	s24 =	simm.s32 $0x1  }
0x4d: {  	s25 =	sshll.u32 @!p1 s20, $0x7;
	s24 =	simm.s32 @!p2 $0x0  }
0x4e: {  	s25 =	sadd.s32 @!p1 s8, s25;
	s20 =	sadd.s32 s24, s20  }
0x4f: {  	s24 =	sshrl.u32 @!p1 s25, $0x3;
	s25 =	simm.s32 @!p1 $0x1  }
0x50: {  	s28 =	simm.s32 @!p1 $0x0;
	s29 =	simm.s32 @!p1 $0x800;
	s26 =	sadd.s32 @!p1 s6, s24  }
0x51: {  	[hbm4b:s26+s28] =	stream.linear.scatter @!p1 [tilespmem:s29], [sflag:$0x1], $0x80, $0x38;
	[tilespmem:$0xC80] =	vst v63  }
0x52: {  	s24 =	sadd.s32 @!p1 s7, s24;
	_ =	swait.ge @!p1 [sflag:s25], $0x80  }
0x53: {  	[sflag:s25] =	ssyncset.done @!p1 $0x0  }
0x54: {  	s26 =	simm.s32 @!p1 $0x900;
	[sflag:s25] =	ssyncadd.s32 @!p1 $0xFFFFFF80  }
0x55: {  	[hbm4b:s24+s28] =	stream.linear.scatter @!p1 [tilespmem:s26], [sflag:$0x1], $0x80, $0x38;
	[tilespmem:$0xC80] =	vst v63  }
.Ltmp0:
0x56: {  	_ =	swait.ge @!p1 [sflag:s25], $0x80;
	(pc) =	sbr.rel @p0 .LBB2_3-.Ltmp0, $4  }
0x57: {  	[sflag:s25] =	ssyncset.done @!p1 $0x0  }
0x58: {  	[sflag:s25] =	ssyncadd.s32 @!p1 $0xFFFFFF80  }
0x59: {  	v15 =	vld @!p1 [tilespmem:$0x880]  }
0x5a: {  	v14 =	vld @!p1 [tilespmem:$0x980]  }
0x5b: {  	s22 =	sadd.s32 $0x1, s22  }
0x5c: {  	p0 =	sne.s32 s22, $0x9D  }
.Ltmp1:
0x5d: {  	_ = 	snop;
	(pc) =	sbr.rel @p0 .LBB2_2-.Ltmp1, $3  }
0x5e: {  	_ =	sdelay $0x1  }
0x5f: {  	[tilespmem:$0x800] =	vst @!p1 v15  }
0x60: {  	[tilespmem:$0x900] =	vst @!p1 v14  }
0x61: {  	s22 =	simm.s32 $0x800  }
0x62: {  	v15 =	vld [tilespmem:s22+$0x0];
	_ =	sdelay $0x1  }
0x63: {  	s23 =	simm.s32 $0x0  }
0x64: {  	v14 =	vmov s21;
	v16 =	vor.u32 s23, v0  }
0x65: {  	vm0 =	vlt.s32 v16, v14;
	v16 =	vadd.s32 s23, v1  }
0x66: {  	v15 =	vsel vm0, v15, v16  }
0x67: {  	s24 =	simm.s32 $0x900;
	[tilespmem:s22+$0x0] =	vst v15  }
0x68: {  	v15 =	vld [tilespmem:s24+$0x0];
	_ =	sdelay $0x4  }
0x69: {  	s25 =	simm.s32 $0x1;
	v15 =	vnsel vm0, $0x27F, v15  }
.LBB2_6:
0x6a: {  	[tilespmem:s24+$0x0] =	vst v15;
	s22 =	sadd.s32 $0x10, s22;
	s24 =	sadd.s32 $0x10, s24;
	s23 =	sadd.s32 $0x10, s23  }
0x6b: {  	p0 =	sne.s32 s25, $0x7;
	s26 =	smov.u32 s25;
	s25 =	sadd.s32 $0x1, s25;
	v15 =	vld [tilespmem:s22+$0x0]  }
0x6c: {  	_ =	sdelay $0x1  }
0x6d: {  	v16 =	vor.u32 s23, v0  }
0x6e: {  	vm0 =	vlt.s32 v16, v14;
	v16 =	vadd.s32 s26, v1  }
0x6f: {  	v15 =	vsel vm0, v15, v16  }
0x70: {  	[tilespmem:s22+$0x0] =	vst v15  }
0x71: {  	v15 =	vld [tilespmem:s24+$0x0]  }
.Ltmp2:
0x72: {  	(pc) =	sbr.rel @p0 .LBB2_6-.Ltmp2, $2  }
0x73: {  	_ =	sdelay $0x2  }
0x74: {  	v15 =	vnsel vm0, $0x27F, v15  }
0x75: {  	s22 =	sshll.u32 s20, $0x7  }
0x76: {  	s23 =	sadd.s32 s8, s22  }
0x77: {  	s23 =	sshrl.u32 s23, $0x3  }
0x78: {  	[tilespmem:s24+$0x0] =	vst v15;
	s29 =	sadd.s32 s6, s23  }
0x79: {  	[hbm4b:s29+s1] =	stream.linear.scatter [tilespmem:s17], [sflag:$0x1], $0x80, $0x38;
	[tilespmem:$0xC80] =	vst v63  }
0x7a: {  	_ =	swait.ge [sflag:s15], $0x80  }
0x7b: {  	[sflag:s15] =	ssyncset.done $0x0  }
0x7c: {  	s23 =	sadd.s32 s7, s23;
	[sflag:s15] =	ssyncadd.s32 $0xFFFFFF80  }
0x7d: {  	[hbm4b:s23+s1] =	stream.linear.scatter [tilespmem:s18], [sflag:$0x1], $0x80, $0x38;
	[tilespmem:$0xC80] =	vst v63  }
0x7e: {  	_ =	swait.ge [sflag:s15], $0x80  }
0x7f: {  	[sflag:s15] =	ssyncset.done $0x0  }
0x80: {  	[sflag:s15] =	ssyncadd.s32 $0xFFFFFF80  }
0x81: {  	[tilespmem:$0x800] =	vst v1  }
0x82: {  	[tilespmem:$0x900] =	vst v13  }
0x83: {  	[tilespmem:$0x810] =	vst v4  }
0x84: {  	[tilespmem:$0x910] =	vst v13  }
0x85: {  	[tilespmem:$0x820] =	vst v5  }
0x86: {  	[tilespmem:$0x920] =	vst v13  }
0x87: {  	[tilespmem:$0x830] =	vst v6  }
0x88: {  	[tilespmem:$0x930] =	vst v13  }
0x89: {  	[tilespmem:$0x840] =	vst v7  }
0x8a: {  	[tilespmem:$0x940] =	vst v13  }
0x8b: {  	[tilespmem:$0x850] =	vst v8  }
0x8c: {  	[tilespmem:$0x950] =	vst v13  }
0x8d: {  	[tilespmem:$0x860] =	vst v9  }
0x8e: {  	s22 =	sadd.s32 s22, s10;
	[tilespmem:$0x960] =	vst v13  }
0x8f: {  	s22 =	sshrl.u32 s22, $0x3;
	[tilespmem:$0x870] =	vst v10  }
0x90: {  	s30 =	sadd.s32 s6, s22;
	[tilespmem:$0x970] =	vst v13  }
0x91: {  	[hbm4b:s30+s1] =	stream.linear.scatter [tilespmem:s17], [sflag:$0x1], $0x80, $0x38;
	[tilespmem:$0xC80] =	vst v63  }
0x92: {  	p0 =	sgt.s32 s21, $0x0;
	s21 =	simm.s32 $0x1;
	_ =	swait.ge [sflag:s15], $0x80  }
0x93: {  	s21 =	simm.s32 @!p0 $0x0;
	[sflag:s15] =	ssyncset.done $0x0  }
0x94: {  	s31 =	sadd.s32 s21, s20;
	s22 =	sadd.s32 s7, s22;
	[sflag:s15] =	ssyncadd.s32 $0xFFFFFF80  }
0x95: {  	[hbm4b:s22+s1] =	stream.linear.scatter [tilespmem:s18], [sflag:$0x1], $0x80, $0x38;
	[tilespmem:$0xC80] =	vst v63  }
0x96: {  	s21 =	sand.u32 $0x1, s31;
	_ =	swait.ge [sflag:s15], $0x80  }
0x97: {  	s20 =	sadd.s32 s31, s21;
	[sflag:s15] =	ssyncset.done $0x0  }
0x98: {  	v14 =	vmov s20;
	[sflag:s15] =	ssyncadd.s32 $0xFFFFFF80  }
0x99: {  	[tilespmem:$0x800] =	vst v14  }
0x9a: {  	[hbm4b:s11+s1] =	stream.linear.scatter [tilespmem:s17], [sflag:$0x1], $0x10, $0x38;
	[tilespmem:$0xC80] =	vst v63  }
0x9b: {  	s19 =	sadd.s32 $0x1, s19;
	_ =	swait.ge [sflag:s15], $0x10  }
0x9c: {  	p0 =	sne.s32 s19, s13;
	[sflag:s15] =	ssyncset.done $0x0  }
.Ltmp3:
0x9d: {  	[sflag:s15] =	ssyncadd.s32 $0xFFFFFFF0;
	(pc) =	sbr.rel @p0 .LBB2_1-.Ltmp3, $4  }
0x9e: {  	[hbm4b:s12+s1] =	stream.linear.scatter [tilespmem:s14], [sflag:$0x1], $0x278, $0x38;
	[tilespmem:$0xC80] =	vst v63  }
0x9f: {  	_ =	swait.ge [sflag:s15], $0x278  }
0xa0: {  	[sflag:s15] =	ssyncset.done $0x0  }
0xa1: {  	[sflag:s15] =	ssyncadd.s32 $0xFFFFFD88  }
0xa2: {  	_ =	sfence.sel $0x180000  }
0xa3: {  	[bflag:$0x0] =	sbarrier.arrive $0xFFFF  }
0xa4: {  	p0 =	sne.s32 s2, $0x0;
	_ =	strace $0x90000047  }
0xa5: {  	s0 =	sadd.s32 @!p0 $0x100000, s0;
	[bflag:$0x2] =	sbarrier.arrive $0xFFFF  }
0xa6: {  	[sflag:s0] =	ssyncadd.tile.s32 @!p0 $0x1;
	_ =	shalt  }
.Lfunc_end2:
_tile_overlayer_lowered:
.L_overlay_start_2:
0xa7: {  	(tag) =	ssettag $0x2  }
0xa8: {  	s0 =	rddreg [dreg:$0x0];
	s2 =	stileid.u32  }
0xa9: {  	s1 =	rddreg [dreg:$0x1];
	p0 =	sne.s32 s2, $0x0  }
0xaa: {  	s3 =	rddreg [dreg:$0x2];
	[bflag:$0x3] =	sbarrier.arrive $0xFFFF;
	s2 =	simm.s32 @!p0 $0x1C01  }
0xab: {  	[timem:s3], [sflag:s2] =	dma.local @!p0 [hbm:s0], s1  }
0xac: {  	s0 =	simm.s32 @!p0 $0x1  }
0xad: {  	_ =	swait.ge @!p0 [sflag:s0], s1  }
0xae: {  	s1 =	ssub.s32 @!p0 $0x0, s1;
	[sflag:s0] =	ssyncset.done @!p0 $0x0  }
0xaf: {  	[sflag:s0] =	ssyncadd.s32 @!p0 s1  }
0xb0: {  	[bflag:$0x3] =	sbarrier.arrive $0xFFFF  }
0xb1: {  	_ =	shalt  }

</sc_bundles>
